<compile_context>
chip_gen: v7x
topology: tpu7x:2x2x1
jax: 0.10.2.dev20260603
libtpu: 0.0.44.dev20260713+nightly
codegen_flags: <defaults>
</compile_context>

<pallas_src>
import functools

import jax
import jax.numpy as jnp
from jax import lax
from jax.experimental import pallas as pl
from jax.experimental.pallas import tpu as pltpu
from jax.experimental.pallas import tpu_sc as plsc

_B = 16384
_D = 64


def _sc_gather(idx, t_mlp, t_mf):
    info = plsc.get_sparse_core_info()
    nc, ns = info.num_cores, info.num_subcores
    nw = nc * ns
    bpw = _B // nw

    mesh = plsc.VectorSubcoreMesh(core_axis_name="c", subcore_axis_name="s")

    @functools.partial(
        pl.kernel,
        out_type=(
            jax.ShapeDtypeStruct((_B, _D), jnp.float32),
            jax.ShapeDtypeStruct((_B, _D), jnp.float32),
        ),
        mesh=mesh,
        scratch_types=[
            pltpu.VMEM((bpw,), jnp.int32),
            pltpu.VMEM((16, _D), jnp.float32),
            pltpu.VMEM((16, _D), jnp.float32),
            pltpu.VMEM((16, _D), jnp.float32),
            pltpu.VMEM((16, _D), jnp.float32),
            pltpu.SemaphoreType.DMA,
            pltpu.SemaphoreType.DMA,
            pltpu.SemaphoreType.DMA,
            pltpu.SemaphoreType.DMA,
        ],
    )
    def k(idx_hbm, t1_hbm, t2_hbm, o1_hbm, o2_hbm, ia_v,
          a1_v, a2_v, b1_v, b2_v, sa0, sa1, sb0, sb1):
        wid = lax.axis_index("s") * nc + lax.axis_index("c")
        base = wid * bpw
        pltpu.sync_copy(idx_hbm.at[pl.ds(base, bpw)], ia_v)
        for g in range(bpw // 16):
            sl = pl.ds(g * 16, 16)
            ia_v[sl] = ia_v[sl] - 1

        def fire(g, bufs):
            g1_v, g2_v, s0, s1 = bufs
            v = ia_v[pl.ds(g * 16, 16)]
            for j in range(16):
                pltpu.async_copy(
                    t1_hbm.at[pl.ds(v[j], 1), :],
                    g1_v.at[pl.ds(j, 1), :], s0)
                pltpu.async_copy(
                    t2_hbm.at[pl.ds(v[j], 1), :],
                    g2_v.at[pl.ds(j, 1), :], s1)

        def drain_out(g, bufs):
            g1_v, g2_v, s0, s1 = bufs
            pltpu.make_async_copy(
                t1_hbm.at[pl.ds(0, 16), :], g1_v, s0).wait()
            pltpu.sync_copy(g1_v, o1_hbm.at[pl.ds(base + g * 16, 16), :])
            pltpu.make_async_copy(
                t2_hbm.at[pl.ds(0, 16), :], g2_v, s1).wait()
            pltpu.sync_copy(g2_v, o2_hbm.at[pl.ds(base + g * 16, 16), :])

        ba = (a1_v, a2_v, sa0, sa1)
        bb = (b1_v, b2_v, sb0, sb1)
        fire(0, ba)

        def step(h, _):
            g = 2 * h
            fire(g + 1, bb)
            drain_out(g, ba)
            fire(g + 2, ba)
            drain_out(g + 1, bb)
            return _

        lax.fori_loop(0, bpw // 32 - 1, step, 0)
        g_last = bpw // 16 - 2
        fire(g_last + 1, bb)
        drain_out(g_last, ba)
        drain_out(g_last + 1, bb)

    return k(idx, t_mlp, t_mf)


def _tc_body(g1_ref, g2_ref, um_ref, uf_ref, w1_ref, b1_ref, w2_ref,
             b2_ref, w3_ref, b3_ref, wa_ref, ba_ref, o_ref):
    w1 = w1_ref[...]
    h1 = jnp.dot(g1_ref[...], w1[_D:, :],
                 preferred_element_type=jnp.float32)
    h1 = h1 + jnp.dot(um_ref[...], w1[:_D, :],
                      preferred_element_type=jnp.float32)
    h1 = jnp.maximum(h1 + b1_ref[...], 0.0)
    h2 = jnp.maximum(
        jnp.dot(h1, w2_ref[...], preferred_element_type=jnp.float32)
        + b2_ref[...], 0.0)
    h3 = jnp.maximum(
        jnp.dot(h2, w3_ref[...], preferred_element_type=jnp.float32)
        + b3_ref[...], 0.0)
    wa = wa_ref[...]
    s = jnp.dot(h3, wa[:16, :], preferred_element_type=jnp.float32)
    s = s + jnp.dot(g2_ref[...] * uf_ref[...], wa[16:, :],
                    preferred_element_type=jnp.float32)
    o_ref[...] = jax.nn.sigmoid(s + ba_ref[...])[:, 0]


def _tc_mlp(g1, g2, u_mlp, u_mf, w1t, b1, w2t, b2, w3t, b3, wat, ba):
    blk = 2048
    grid = _B // blk
    fixed = lambda shape: pl.BlockSpec(shape, lambda i: (0,) * len(shape))
    return pl.pallas_call(
        _tc_body,
        grid=(grid,),
        in_specs=[
            pl.BlockSpec((blk, _D), lambda i: (i, 0)),
            pl.BlockSpec((blk, _D), lambda i: (i, 0)),
            fixed((1, _D)),
            fixed((1, _D)),
            fixed((2 * _D, _D)),
            fixed((1, _D)),
            fixed((_D, 32)),
            fixed((1, 32)),
            fixed((32, 16)),
            fixed((1, 16)),
            fixed((16 + _D, 1)),
            fixed((1, 1)),
        ],
        out_specs=pl.BlockSpec((blk,), lambda i: (i,)),
        out_shape=jax.ShapeDtypeStruct((_B,), jnp.float32),
    )(g1, g2, u_mlp, u_mf, w1t, b1, w2t, b2, w3t, b3, wat, ba)


def kernel(item_indices, emb_user_mlp, emb_item_mlp, emb_user_mf,
           emb_item_mf, W1, b1, W2, b2, W3, b3, Wa, ba):
    g1, g2 = _sc_gather(item_indices, emb_item_mlp, emb_item_mf)
    return _tc_mlp(
        g1, g2, emb_user_mlp, emb_user_mf,
        W1.T, b1.reshape(1, -1), W2.T, b2.reshape(1, -1),
        W3.T, b3.reshape(1, -1), Wa.T, ba.reshape(1, 1))

# --- scband reference (transcript-rebuilt; emitter-appended) ---
"""Pipeline reference for scband-neu-mf-38732015075470 (READ-ONLY COPY).

The authoritative reference and input builder live on the scoring server;
editing this copy changes nothing except your own understanding.
"""

import jax, jax.numpy as jnp
import numpy as np

NUM_ITEMS = 1000000
D_MF = 64
LAYERS = [128, 64, 32, 16]
D_MLP = LAYERS[0] // 2
BATCH = 16384


def _xavier(key, shape):
    fan_out, fan_in = shape
    limit = np.sqrt(6.0 / (fan_in + fan_out))
    return jax.random.uniform(key, shape, jnp.float32, -limit, limit)


def setup_inputs(seed: int = 0) -> dict:
    key = jax.random.key(seed)
    ks = jax.random.split(key, 16)
    inp = {}
    # item indices are 1-indexed in the original module (forward does item_indices -= 1)
    inp["item_indices"] = jax.random.randint(ks[0], (BATCH,), 1, NUM_ITEMS, dtype=jnp.int32)
    inp["emb_user_mlp"] = 0.01 * jax.random.normal(ks[1], (1, D_MLP), jnp.float32)
    inp["emb_item_mlp"] = 0.01 * jax.random.normal(ks[2], (NUM_ITEMS, D_MLP), jnp.float32)
    inp["emb_user_mf"] = 0.01 * jax.random.normal(ks[3], (1, D_MF), jnp.float32)
    inp["emb_item_mf"] = 0.01 * jax.random.normal(ks[4], (NUM_ITEMS, D_MF), jnp.float32)
    inp["W1"] = _xavier(ks[5], (LAYERS[1], LAYERS[0]))
    inp["b1"] = jnp.zeros((LAYERS[1],), jnp.float32)
    inp["W2"] = _xavier(ks[6], (LAYERS[2], LAYERS[1]))
    inp["b2"] = jnp.zeros((LAYERS[2],), jnp.float32)
    inp["W3"] = _xavier(ks[7], (LAYERS[3], LAYERS[2]))
    inp["b3"] = jnp.zeros((LAYERS[3],), jnp.float32)
    inp["Wa"] = _xavier(ks[8], (1, LAYERS[3] + D_MF))
    inp["ba"] = jnp.zeros((1,), jnp.float32)
    return inp


def reference(item_indices, emb_user_mlp, emb_item_mlp, emb_user_mf, emb_item_mf, W1, b1, W2, b2, W3, b3, Wa, ba):
    idx = item_indices - 1
    user_idx = jnp.zeros((item_indices.shape[0],), dtype=jnp.int32)
    item_embedding_mlp = jnp.take(emb_item_mlp, idx, axis=0)
    item_embedding_mf = jnp.take(emb_item_mf, idx, axis=0)
    user_embedding_mlp = jnp.take(emb_user_mlp, user_idx, axis=0)
    user_embedding_mf = jnp.take(emb_user_mf, user_idx, axis=0)
    mlp_vector = jnp.concatenate([user_embedding_mlp, item_embedding_mlp], axis=-1)
    mf_vector = user_embedding_mf * item_embedding_mf
    mlp_vector = jax.nn.relu(mlp_vector @ W1.T + b1)
    mlp_vector = jax.nn.relu(mlp_vector @ W2.T + b2)
    mlp_vector = jax.nn.relu(mlp_vector @ W3.T + b3)
    vector = jnp.concatenate([mlp_vector, mf_vector], axis=-1)
    logits = vector @ Wa.T + ba
    rating = jax.nn.sigmoid(logits)
    return jnp.squeeze(rating, axis=-1)

if __name__ == "__main__":
    import jax
    _d = setup_inputs()
    print(jax.jit(kernel)(*tuple(_d.values())))

</pallas_src>

<mosaic_0001>
#map = affine_map<(d0, d1) -> (0)>
#map1 = affine_map<(d0, d1) -> (0, 0)>
module attributes {stable_mosaic.version = 14 : i64} {
  func.func @k(%arg0: i32, %arg1: i32, %arg2: memref<16384xi32, #tpu.memory_space<hbm>>, %arg3: memref<1000000x64xf32, #tpu.memory_space<hbm>>, %arg4: memref<1000000x64xf32, #tpu.memory_space<hbm>>, %arg5: memref<16384x64xf32, #tpu.memory_space<hbm>>, %arg6: memref<16384x64xf32, #tpu.memory_space<hbm>>, %arg7: memref<512xi32, #tpu.memory_space<vmem>>, %arg8: memref<16x64xf32, #tpu.memory_space<vmem>>, %arg9: memref<16x64xf32, #tpu.memory_space<vmem>>, %arg10: memref<16x64xf32, #tpu.memory_space<vmem>>, %arg11: memref<16x64xf32, #tpu.memory_space<vmem>>, %arg12: memref<!tpu.dma_semaphore, #tpu.memory_space<semaphore_mem>>, %arg13: memref<!tpu.dma_semaphore, #tpu.memory_space<semaphore_mem>>, %arg14: memref<!tpu.dma_semaphore, #tpu.memory_space<semaphore_mem>>, %arg15: memref<!tpu.dma_semaphore, #tpu.memory_space<semaphore_mem>>) attributes {dimension_semantics = [#tpu.dimension_semantics<core_parallel>, #tpu.dimension_semantics<subcore_parallel>], iteration_bounds = array<i64: 2, 16>, scalar_prefetch = 0 : i64, scratch_operands = 9 : i64, tpu.core_type = #tpu.core_type<sc_vector_subcore>, window_params = [{transform_indices = #map}, {transform_indices = #map1}, {transform_indices = #map1}, {transform_indices = #map1}, {transform_indices = #map1}]} {
    %mul3A = arith.constant 2 : i32
    %mul3A_0 = arith.muli %arg1, %mul3A : i32
    %add3A = arith.addi %mul3A_0, %arg0 : i32
    %mul3A_1 = arith.constant 512 : i32
    %mul3A_2 = arith.muli %add3A, %mul3A_1 : i32
    "tpu.region"() ({
      %run_scoped3A = tpu.sem_alloc : memref<!tpu.dma_semaphore, #tpu.memory_space<semaphore_mem>>
      %dma_start3A_1127 = tpu.memref_slice %arg2[%mul3A_2] : memref<16384xi32, #tpu.memory_space<hbm>> -> memref<512xi32, #tpu.memory_space<hbm>>
      %dma_start3A_1128 = tpu.memref_slice %arg2[%mul3A_2] : memref<16384xi32, #tpu.memory_space<hbm>> -> memref<512xi32, #tpu.memory_space<hbm>>
      tpu.enqueue_dma source(%dma_start3A_1128 : memref<512xi32, #tpu.memory_space<hbm>>) target(%arg7 : memref<512xi32, #tpu.memory_space<vmem>>) target_semaphore(%run_scoped3A : memref<!tpu.dma_semaphore, #tpu.memory_space<semaphore_mem>>)
      %dma_wait3A_1129 = tpu.memref_slice %arg2[%mul3A_2] : memref<16384xi32, #tpu.memory_space<hbm>> -> memref<512xi32, #tpu.memory_space<hbm>>
      %dma_wait3A_1130 = tpu.memref_slice %arg2[%mul3A_2] : memref<16384xi32, #tpu.memory_space<hbm>> -> memref<512xi32, #tpu.memory_space<hbm>>
      tpu.wait_dma2 semaphore(%run_scoped3A : memref<!tpu.dma_semaphore, #tpu.memory_space<semaphore_mem>>) src(%dma_wait3A_1130 : memref<512xi32, #tpu.memory_space<hbm>>) dst(%arg7 : memref<512xi32, #tpu.memory_space<vmem>>)
      tpu.yield
    }) : () -> ()
    %get3A = arith.constant 0 : index
    %get3A_3 = tpu.vector_load %arg7[%get3A] {strides = array<i32>} : memref<512xi32, #tpu.memory_space<vmem>>, vector<16xi32>,
    %get3A_4 = vector.shape_cast %get3A_3 : vector<16xi32> to vector<16xi32>
    %sub3A = arith.constant 1 : i32
    %sub3A_5 = vector.broadcast %sub3A : i32 to vector<16xi32>
    %sub3A_6 = arith.subi %get3A_4, %sub3A_5 : vector<16xi32>
    %swap3A = arith.constant 0 : index
    %swap3A_7 = tpu.vector_load %arg7[%swap3A] {strides = array<i32>} : memref<512xi32, #tpu.memory_space<vmem>>, vector<16xi32>,
    %swap3A_8 = vector.shape_cast %swap3A_7 : vector<16xi32> to vector<16xi32>
    %swap3A_9 = vector.shape_cast %sub3A_6 : vector<16xi32> to vector<16xi32>
    tpu.vector_store %arg7[%swap3A], %swap3A_9 {strides = array<i32>} : memref<512xi32, #tpu.memory_space<vmem>>, vector<16xi32>,
    %get3A_10 = arith.constant 16 : index
    %get3A_11 = tpu.vector_load %arg7[%get3A_10] {strides = array<i32>} : memref<512xi32, #tpu.memory_space<vmem>>, vector<16xi32>,
    %get3A_12 = vector.shape_cast %get3A_11 : vector<16xi32> to vector<16xi32>
    %sub3A_13 = arith.constant 1 : i32
    %sub3A_14 = vector.broadcast %sub3A_13 : i32 to vector<16xi32>
    %sub3A_15 = arith.subi %get3A_12, %sub3A_14 : vector<16xi32>
    %swap3A_16 = arith.constant 16 : index
    %swap3A_17 = tpu.vector_load %arg7[%swap3A_16] {strides = array<i32>} : memref<512xi32, #tpu.memory_space<vmem>>, vector<16xi32>,
    %swap3A_18 = vector.shape_cast %swap3A_17 : vector<16xi32> to vector<16xi32>
    %swap3A_19 = vector.shape_cast %sub3A_15 : vector<16xi32> to vector<16xi32>
    tpu.vector_store %arg7[%swap3A_16], %swap3A_19 {strides = array<i32>} : memref<512xi32, #tpu.memory_space<vmem>>, vector<16xi32>,
    %get3A_20 = arith.constant 32 : index
    %get3A_21 = tpu.vector_load %arg7[%get3A_20] {strides = array<i32>} : memref<512xi32, #tpu.memory_space<vmem>>, vector<16xi32>,
    %get3A_22 = vector.shape_cast %get3A_21 : vector<16xi32> to vector<16xi32>
    %sub3A_23 = arith.constant 1 : i32
    %sub3A_24 = vector.broadcast %sub3A_23 : i32 to vector<16xi32>
    %sub3A_25 = arith.subi %get3A_22, %sub3A_24 : vector<16xi32>
    %swap3A_26 = arith.constant 32 : index
    %swap3A_27 = tpu.vector_load %arg7[%swap3A_26] {strides = array<i32>} : memref<512xi32, #tpu.memory_space<vmem>>, vector<16xi32>,
    %swap3A_28 = vector.shape_cast %swap3A_27 : vector<16xi32> to vector<16xi32>
    %swap3A_29 = vector.shape_cast %sub3A_25 : vector<16xi32> to vector<16xi32>
    tpu.vector_store %arg7[%swap3A_26], %swap3A_29 {strides = array<i32>} : memref<512xi32, #tpu.memory_space<vmem>>, vector<16xi32>,
    %get3A_30 = arith.constant 48 : index
    %get3A_31 = tpu.vector_load %arg7[%get3A_30] {strides = array<i32>} : memref<512xi32, #tpu.memory_space<vmem>>, vector<16xi32>,
    %get3A_32 = vector.shape_cast %get3A_31 : vector<16xi32> to vector<16xi32>
    %sub3A_33 = arith.constant 1 : i32
    %sub3A_34 = vector.broadcast %sub3A_33 : i32 to vector<16xi32>
    %sub3A_35 = arith.subi %get3A_32, %sub3A_34 : vector<16xi32>
    %swap3A_36 = arith.constant 48 : index
    %swap3A_37 = tpu.vector_load %arg7[%swap3A_36] {strides = array<i32>} : memref<512xi32, #tpu.memory_space<vmem>>, vector<16xi32>,
    %swap3A_38 = vector.shape_cast %swap3A_37 : vector<16xi32> to vector<16xi32>
    %swap3A_39 = vector.shape_cast %sub3A_35 : vector<16xi32> to vector<16xi32>
    tpu.vector_store %arg7[%swap3A_36], %swap3A_39 {strides = array<i32>} : memref<512xi32, #tpu.memory_space<vmem>>, vector<16xi32>,
    %get3A_40 = arith.constant 64 : index
    %get3A_41 = tpu.vector_load %arg7[%get3A_40] {strides = array<i32>} : memref<512xi32, #tpu.memory_space<vmem>>, vector<16xi32>,
    %get3A_42 = vector.shape_cast %get3A_41 : vector<16xi32> to vector<16xi32>
    %sub3A_43 = arith.constant 1 : i32
    %sub3A_44 = vector.broadcast %sub3A_43 : i32 to vector<16xi32>
    %sub3A_45 = arith.subi %get3A_42, %sub3A_44 : vector<16xi32>
    %swap3A_46 = arith.constant 64 : index
    %swap3A_47 = tpu.vector_load %arg7[%swap3A_46] {strides = array<i32>} : memref<512xi32, #tpu.memory_space<vmem>>, vector<16xi32>,
    %swap3A_48 = vector.shape_cast %swap3A_47 : vector<16xi32> to vector<16xi32>
    %swap3A_49 = vector.shape_cast %sub3A_45 : vector<16xi32> to vector<16xi32>
    tpu.vector_store %arg7[%swap3A_46], %swap3A_49 {strides = array<i32>} : memref<512xi32, #tpu.memory_space<vmem>>, vector<16xi32>,
    %get3A_50 = arith.constant 80 : index
    %get3A_51 = tpu.vector_load %arg7[%get3A_50] {strides = array<i32>} : memref<512xi32, #tpu.memory_space<vmem>>, vector<16xi32>,
    %get3A_52 = vector.shape_cast %get3A_51 : vector<16xi32> to vector<16xi32>
    %sub3A_53 = arith.constant 1 : i32
    %sub3A_54 = vector.broadcast %sub3A_53 : i32 to vector<16xi32>
    %sub3A_55 = arith.subi %get3A_52, %sub3A_54 : vector<16xi32>
    %swap3A_56 = arith.constant 80 : index
    %swap3A_57 = tpu.vector_load %arg7[%swap3A_56] {strides = array<i32>} : memref<512xi32, #tpu.memory_space<vmem>>, vector<16xi32>,
    %swap3A_58 = vector.shape_cast %swap3A_57 : vector<16xi32> to vector<16xi32>
    %swap3A_59 = vector.shape_cast %sub3A_55 : vector<16xi32> to vector<16xi32>
    tpu.vector_store %arg7[%swap3A_56], %swap3A_59 {strides = array<i32>} : memref<512xi32, #tpu.memory_space<vmem>>, vector<16xi32>,
    %get3A_60 = arith.constant 96 : index
    %get3A_61 = tpu.vector_load %arg7[%get3A_60] {strides = array<i32>} : memref<512xi32, #tpu.memory_space<vmem>>, vector<16xi32>,
    %get3A_62 = vector.shape_cast %get3A_61 : vector<16xi32> to vector<16xi32>
    %sub3A_63 = arith.constant 1 : i32
    %sub3A_64 = vector.broadcast %sub3A_63 : i32 to vector<16xi32>
    %sub3A_65 = arith.subi %get3A_62, %sub3A_64 : vector<16xi32>
    %swap3A_66 = arith.constant 96 : index
    %swap3A_67 = tpu.vector_load %arg7[%swap3A_66] {strides = array<i32>} : memref<512xi32, #tpu.memory_space<vmem>>, vector<16xi32>,
    %swap3A_68 = vector.shape_cast %swap3A_67 : vector<16xi32> to vector<16xi32>
    %swap3A_69 = vector.shape_cast %sub3A_65 : vector<16xi32> to vector<16xi32>
    tpu.vector_store %arg7[%swap3A_66], %swap3A_69 {strides = array<i32>} : memref<512xi32, #tpu.memory_space<vmem>>, vector<16xi32>,
    %get3A_70 = arith.constant 112 : index
    %get3A_71 = tpu.vector_load %arg7[%get3A_70] {strides = array<i32>} : memref<512xi32, #tpu.memory_space<vmem>>, vector<16xi32>,
    %get3A_72 = vector.shape_cast %get3A_71 : vector<16xi32> to vector<16xi32>
    %sub3A_73 = arith.constant 1 : i32
    %sub3A_74 = vector.broadcast %sub3A_73 : i32 to vector<16xi32>
    %sub3A_75 = arith.subi %get3A_72, %sub3A_74 : vector<16xi32>
    %swap3A_76 = arith.constant 112 : index
    %swap3A_77 = tpu.vector_load %arg7[%swap3A_76] {strides = array<i32>} : memref<512xi32, #tpu.memory_space<vmem>>, vector<16xi32>,
    %swap3A_78 = vector.shape_cast %swap3A_77 : vector<16xi32> to vector<16xi32>
    %swap3A_79 = vector.shape_cast %sub3A_75 : vector<16xi32> to vector<16xi32>
    tpu.vector_store %arg7[%swap3A_76], %swap3A_79 {strides = array<i32>} : memref<512xi32, #tpu.memory_space<vmem>>, vector<16xi32>,
    %get3A_80 = arith.constant 128 : index
    %get3A_81 = tpu.vector_load %arg7[%get3A_80] {strides = array<i32>} : memref<512xi32, #tpu.memory_space<vmem>>, vector<16xi32>,
    %get3A_82 = vector.shape_cast %get3A_81 : vector<16xi32> to vector<16xi32>
    %sub3A_83 = arith.constant 1 : i32
    %sub3A_84 = vector.broadcast %sub3A_83 : i32 to vector<16xi32>
    %sub3A_85 = arith.subi %get3A_82, %sub3A_84 : vector<16xi32>
    %swap3A_86 = arith.constant 128 : index
    %swap3A_87 = tpu.vector_load %arg7[%swap3A_86] {strides = array<i32>} : memref<512xi32, #tpu.memory_space<vmem>>, vector<16xi32>,
    %swap3A_88 = vector.shape_cast %swap3A_87 : vector<16xi32> to vector<16xi32>
    %swap3A_89 = vector.shape_cast %sub3A_85 : vector<16xi32> to vector<16xi32>
    tpu.vector_store %arg7[%swap3A_86], %swap3A_89 {strides = array<i32>} : memref<512xi32, #tpu.memory_space<vmem>>, vector<16xi32>,
    %get3A_90 = arith.constant 144 : index
    %get3A_91 = tpu.vector_load %arg7[%get3A_90] {strides = array<i32>} : memref<512xi32, #tpu.memory_space<vmem>>, vector<16xi32>,
    %get3A_92 = vector.shape_cast %get3A_91 : vector<16xi32> to vector<16xi32>
    %sub3A_93 = arith.constant 1 : i32
    %sub3A_94 = vector.broadcast %sub3A_93 : i32 to vector<16xi32>
    %sub3A_95 = arith.subi %get3A_92, %sub3A_94 : vector<16xi32>
    %swap3A_96 = arith.constant 144 : index
    %swap3A_97 = tpu.vector_load %arg7[%swap3A_96] {strides = array<i32>} : memref<512xi32, #tpu.memory_space<vmem>>, vector<16xi32>,
    %swap3A_98 = vector.shape_cast %swap3A_97 : vector<16xi32> to vector<16xi32>
    %swap3A_99 = vector.shape_cast %sub3A_95 : vector<16xi32> to vector<16xi32>
    tpu.vector_store %arg7[%swap3A_96], %swap3A_99 {strides = array<i32>} : memref<512xi32, #tpu.memory_space<vmem>>, vector<16xi32>,
    %get3A_100 = arith.constant 160 : index
    %get3A_101 = tpu.vector_load %arg7[%get3A_100] {strides = array<i32>} : memref<512xi32, #tpu.memory_space<vmem>>, vector<16xi32>,
    %get3A_102 = vector.shape_cast %get3A_101 : vector<16xi32> to vector<16xi32>
    %sub3A_103 = arith.constant 1 : i32
    %sub3A_104 = vector.broadcast %sub3A_103 : i32 to vector<16xi32>
    %sub3A_105 = arith.subi %get3A_102, %sub3A_104 : vector<16xi32>
    %swap3A_106 = arith.constant 160 : index
    %swap3A_107 = tpu.vector_load %arg7[%swap3A_106] {strides = array<i32>} : memref<512xi32, #tpu.memory_space<vmem>>, vector<16xi32>,
    %swap3A_108 = vector.shape_cast %swap3A_107 : vector<16xi32> to vector<16xi32>
    %swap3A_109 = vector.shape_cast %sub3A_105 : vector<16xi32> to vector<16xi32>
    tpu.vector_store %arg7[%swap3A_106], %swap3A_109 {strides = array<i32>} : memref<512xi32, #tpu.memory_space<vmem>>, vector<16xi32>,
    %get3A_110 = arith.constant 176 : index
    %get3A_111 = tpu.vector_load %arg7[%get3A_110] {strides = array<i32>} : memref<512xi32, #tpu.memory_space<vmem>>, vector<16xi32>,
    %get3A_112 = vector.shape_cast %get3A_111 : vector<16xi32> to vector<16xi32>
    %sub3A_113 = arith.constant 1 : i32
    %sub3A_114 = vector.broadcast %sub3A_113 : i32 to vector<16xi32>
    %sub3A_115 = arith.subi %get3A_112, %sub3A_114 : vector<16xi32>
    %swap3A_116 = arith.constant 176 : index
    %swap3A_117 = tpu.vector_load %arg7[%swap3A_116] {strides = array<i32>} : memref<512xi32, #tpu.memory_space<vmem>>, vector<16xi32>,
    %swap3A_118 = vector.shape_cast %swap3A_117 : vector<16xi32> to vector<16xi32>
    %swap3A_119 = vector.shape_cast %sub3A_115 : vector<16xi32> to vector<16xi32>
    tpu.vector_store %arg7[%swap3A_116], %swap3A_119 {strides = array<i32>} : memref<512xi32, #tpu.memory_space<vmem>>, vector<16xi32>,
    %get3A_120 = arith.constant 192 : index
    %get3A_121 = tpu.vector_load %arg7[%get3A_120] {strides = array<i32>} : memref<512xi32, #tpu.memory_space<vmem>>, vector<16xi32>,
    %get3A_122 = vector.shape_cast %get3A_121 : vector<16xi32> to vector<16xi32>
    %sub3A_123 = arith.constant 1 : i32
    %sub3A_124 = vector.broadcast %sub3A_123 : i32 to vector<16xi32>
    %sub3A_125 = arith.subi %get3A_122, %sub3A_124 : vector<16xi32>
    %swap3A_126 = arith.constant 192 : index
    %swap3A_127 = tpu.vector_load %arg7[%swap3A_126] {strides = array<i32>} : memref<512xi32, #tpu.memory_space<vmem>>, vector<16xi32>,
    %swap3A_128 = vector.shape_cast %swap3A_127 : vector<16xi32> to vector<16xi32>
    %swap3A_129 = vector.shape_cast %sub3A_125 : vector<16xi32> to vector<16xi32>
    tpu.vector_store %arg7[%swap3A_126], %swap3A_129 {strides = array<i32>} : memref<512xi32, #tpu.memory_space<vmem>>, vector<16xi32>,
    %get3A_130 = arith.constant 208 : index
    %get3A_131 = tpu.vector_load %arg7[%get3A_130] {strides = array<i32>} : memref<512xi32, #tpu.memory_space<vmem>>, vector<16xi32>,
    %get3A_132 = vector.shape_cast %get3A_131 : vector<16xi32> to vector<16xi32>
    %sub3A_133 = arith.constant 1 : i32
    %sub3A_134 = vector.broadcast %sub3A_133 : i32 to vector<16xi32>
    %sub3A_135 = arith.subi %get3A_132, %sub3A_134 : vector<16xi32>
    %swap3A_136 = arith.constant 208 : index
    %swap3A_137 = tpu.vector_load %arg7[%swap3A_136] {strides = array<i32>} : memref<512xi32, #tpu.memory_space<vmem>>, vector<16xi32>,
    %swap3A_138 = vector.shape_cast %swap3A_137 : vector<16xi32> to vector<16xi32>
    %swap3A_139 = vector.shape_cast %sub3A_135 : vector<16xi32> to vector<16xi32>
    tpu.vector_store %arg7[%swap3A_136], %swap3A_139 {strides = array<i32>} : memref<512xi32, #tpu.memory_space<vmem>>, vector<16xi32>,
    %get3A_140 = arith.constant 224 : index
    %get3A_141 = tpu.vector_load %arg7[%get3A_140] {strides = array<i32>} : memref<512xi32, #tpu.memory_space<vmem>>, vector<16xi32>,
    %get3A_142 = vector.shape_cast %get3A_141 : vector<16xi32> to vector<16xi32>
    %sub3A_143 = arith.constant 1 : i32
    %sub3A_144 = vector.broadcast %sub3A_143 : i32 to vector<16xi32>
    %sub3A_145 = arith.subi %get3A_142, %sub3A_144 : vector<16xi32>
    %swap3A_146 = arith.constant 224 : index
    %swap3A_147 = tpu.vector_load %arg7[%swap3A_146] {strides = array<i32>} : memref<512xi32, #tpu.memory_space<vmem>>, vector<16xi32>,
    %swap3A_148 = vector.shape_cast %swap3A_147 : vector<16xi32> to vector<16xi32>
    %swap3A_149 = vector.shape_cast %sub3A_145 : vector<16xi32> to vector<16xi32>
    tpu.vector_store %arg7[%swap3A_146], %swap3A_149 {strides = array<i32>} : memref<512xi32, #tpu.memory_space<vmem>>, vector<16xi32>,
    %get3A_150 = arith.constant 240 : index
    %get3A_151 = tpu.vector_load %arg7[%get3A_150] {strides = array<i32>} : memref<512xi32, #tpu.memory_space<vmem>>, vector<16xi32>,
    %get3A_152 = vector.shape_cast %get3A_151 : vector<16xi32> to vector<16xi32>
    %sub3A_153 = arith.constant 1 : i32
    %sub3A_154 = vector.broadcast %sub3A_153 : i32 to vector<16xi32>
    %sub3A_155 = arith.subi %get3A_152, %sub3A_154 : vector<16xi32>
    %swap3A_156 = arith.constant 240 : index
    %swap3A_157 = tpu.vector_load %arg7[%swap3A_156] {strides = array<i32>} : memref<512xi32, #tpu.memory_space<vmem>>, vector<16xi32>,
    %swap3A_158 = vector.shape_cast %swap3A_157 : vector<16xi32> to vector<16xi32>
    %swap3A_159 = vector.shape_cast %sub3A_155 : vector<16xi32> to vector<16xi32>
    tpu.vector_store %arg7[%swap3A_156], %swap3A_159 {strides = array<i32>} : memref<512xi32, #tpu.memory_space<vmem>>, vector<16xi32>,
    %get3A_160 = arith.constant 256 : index
    %get3A_161 = tpu.vector_load %arg7[%get3A_160] {strides = array<i32>} : memref<512xi32, #tpu.memory_space<vmem>>, vector<16xi32>,
    %get3A_162 = vector.shape_cast %get3A_161 : vector<16xi32> to vector<16xi32>
    %sub3A_163 = arith.constant 1 : i32
    %sub3A_164 = vector.broadcast %sub3A_163 : i32 to vector<16xi32>
    %sub3A_165 = arith.subi %get3A_162, %sub3A_164 : vector<16xi32>
    %swap3A_166 = arith.constant 256 : index
    %swap3A_167 = tpu.vector_load %arg7[%swap3A_166] {strides = array<i32>} : memref<512xi32, #tpu.memory_space<vmem>>, vector<16xi32>,
    %swap3A_168 = vector.shape_cast %swap3A_167 : vector<16xi32> to vector<16xi32>
    %swap3A_169 = vector.shape_cast %sub3A_165 : vector<16xi32> to vector<16xi32>
    tpu.vector_store %arg7[%swap3A_166], %swap3A_169 {strides = array<i32>} : memref<512xi32, #tpu.memory_space<vmem>>, vector<16xi32>,
    %get3A_170 = arith.constant 272 : index
    %get3A_171 = tpu.vector_load %arg7[%get3A_170] {strides = array<i32>} : memref<512xi32, #tpu.memory_space<vmem>>, vector<16xi32>,
    %get3A_172 = vector.shape_cast %get3A_171 : vector<16xi32> to vector<16xi32>
    %sub3A_173 = arith.constant 1 : i32
    %sub3A_174 = vector.broadcast %sub3A_173 : i32 to vector<16xi32>
    %sub3A_175 = arith.subi %get3A_172, %sub3A_174 : vector<16xi32>
    %swap3A_176 = arith.constant 272 : index
    %swap3A_177 = tpu.vector_load %arg7[%swap3A_176] {strides = array<i32>} : memref<512xi32, #tpu.memory_space<vmem>>, vector<16xi32>,
    %swap3A_178 = vector.shape_cast %swap3A_177 : vector<16xi32> to vector<16xi32>
    %swap3A_179 = vector.shape_cast %sub3A_175 : vector<16xi32> to vector<16xi32>
    tpu.vector_store %arg7[%swap3A_176], %swap3A_179 {strides = array<i32>} : memref<512xi32, #tpu.memory_space<vmem>>, vector<16xi32>,
    %get3A_180 = arith.constant 288 : index
    %get3A_181 = tpu.vector_load %arg7[%get3A_180] {strides = array<i32>} : memref<512xi32, #tpu.memory_space<vmem>>, vector<16xi32>,
    %get3A_182 = vector.shape_cast %get3A_181 : vector<16xi32> to vector<16xi32>
    %sub3A_183 = arith.constant 1 : i32
    %sub3A_184 = vector.broadcast %sub3A_183 : i32 to vector<16xi32>
    %sub3A_185 = arith.subi %get3A_182, %sub3A_184 : vector<16xi32>
    %swap3A_186 = arith.constant 288 : index
    %swap3A_187 = tpu.vector_load %arg7[%swap3A_186] {strides = array<i32>} : memref<512xi32, #tpu.memory_space<vmem>>, vector<16xi32>,
    %swap3A_188 = vector.shape_cast %swap3A_187 : vector<16xi32> to vector<16xi32>
    %swap3A_189 = vector.shape_cast %sub3A_185 : vector<16xi32> to vector<16xi32>
    tpu.vector_store %arg7[%swap3A_186], %swap3A_189 {strides = array<i32>} : memref<512xi32, #tpu.memory_space<vmem>>, vector<16xi32>,
    %get3A_190 = arith.constant 304 : index
    %get3A_191 = tpu.vector_load %arg7[%get3A_190] {strides = array<i32>} : memref<512xi32, #tpu.memory_space<vmem>>, vector<16xi32>,
    %get3A_192 = vector.shape_cast %get3A_191 : vector<16xi32> to vector<16xi32>
    %sub3A_193 = arith.constant 1 : i32
    %sub3A_194 = vector.broadcast %sub3A_193 : i32 to vector<16xi32>
    %sub3A_195 = arith.subi %get3A_192, %sub3A_194 : vector<16xi32>
    %swap3A_196 = arith.constant 304 : index
    %swap3A_197 = tpu.vector_load %arg7[%swap3A_196] {strides = array<i32>} : memref<512xi32, #tpu.memory_space<vmem>>, vector<16xi32>,
    %swap3A_198 = vector.shape_cast %swap3A_197 : vector<16xi32> to vector<16xi32>
    %swap3A_199 = vector.shape_cast %sub3A_195 : vector<16xi32> to vector<16xi32>
    tpu.vector_store %arg7[%swap3A_196], %swap3A_199 {strides = array<i32>} : memref<512xi32, #tpu.memory_space<vmem>>, vector<16xi32>,
    %get3A_200 = arith.constant 320 : index
    %get3A_201 = tpu.vector_load %arg7[%get3A_200] {strides = array<i32>} : memref<512xi32, #tpu.memory_space<vmem>>, vector<16xi32>,
    %get3A_202 = vector.shape_cast %get3A_201 : vector<16xi32> to vector<16xi32>
    %sub3A_203 = arith.constant 1 : i32
    %sub3A_204 = vector.broadcast %sub3A_203 : i32 to vector<16xi32>
    %sub3A_205 = arith.subi %get3A_202, %sub3A_204 : vector<16xi32>
    %swap3A_206 = arith.constant 320 : index
    %swap3A_207 = tpu.vector_load %arg7[%swap3A_206] {strides = array<i32>} : memref<512xi32, #tpu.memory_space<vmem>>, vector<16xi32>,
    %swap3A_208 = vector.shape_cast %swap3A_207 : vector<16xi32> to vector<16xi32>
    %swap3A_209 = vector.shape_cast %sub3A_205 : vector<16xi32> to vector<16xi32>
    tpu.vector_store %arg7[%swap3A_206], %swap3A_209 {strides = array<i32>} : memref<512xi32, #tpu.memory_space<vmem>>, vector<16xi32>,
    %get3A_210 = arith.constant 336 : index
    %get3A_211 = tpu.vector_load %arg7[%get3A_210] {strides = array<i32>} : memref<512xi32, #tpu.memory_space<vmem>>, vector<16xi32>,
    %get3A_212 = vector.shape_cast %get3A_211 : vector<16xi32> to vector<16xi32>
    %sub3A_213 = arith.constant 1 : i32
    %sub3A_214 = vector.broadcast %sub3A_213 : i32 to vector<16xi32>
    %sub3A_215 = arith.subi %get3A_212, %sub3A_214 : vector<16xi32>
    %swap3A_216 = arith.constant 336 : index
    %swap3A_217 = tpu.vector_load %arg7[%swap3A_216] {strides = array<i32>} : memref<512xi32, #tpu.memory_space<vmem>>, vector<16xi32>,
    %swap3A_218 = vector.shape_cast %swap3A_217 : vector<16xi32> to vector<16xi32>
    %swap3A_219 = vector.shape_cast %sub3A_215 : vector<16xi32> to vector<16xi32>
    tpu.vector_store %arg7[%swap3A_216], %swap3A_219 {strides = array<i32>} : memref<512xi32, #tpu.memory_space<vmem>>, vector<16xi32>,
    %get3A_220 = arith.constant 352 : index
    %get3A_221 = tpu.vector_load %arg7[%get3A_220] {strides = array<i32>} : memref<512xi32, #tpu.memory_space<vmem>>, vector<16xi32>,
    %get3A_222 = vector.shape_cast %get3A_221 : vector<16xi32> to vector<16xi32>
    %sub3A_223 = arith.constant 1 : i32
    %sub3A_224 = vector.broadcast %sub3A_223 : i32 to vector<16xi32>
    %sub3A_225 = arith.subi %get3A_222, %sub3A_224 : vector<16xi32>
    %swap3A_226 = arith.constant 352 : index
    %swap3A_227 = tpu.vector_load %arg7[%swap3A_226] {strides = array<i32>} : memref<512xi32, #tpu.memory_space<vmem>>, vector<16xi32>,
    %swap3A_228 = vector.shape_cast %swap3A_227 : vector<16xi32> to vector<16xi32>
    %swap3A_229 = vector.shape_cast %sub3A_225 : vector<16xi32> to vector<16xi32>
    tpu.vector_store %arg7[%swap3A_226], %swap3A_229 {strides = array<i32>} : memref<512xi32, #tpu.memory_space<vmem>>, vector<16xi32>,
    %get3A_230 = arith.constant 368 : index
    %get3A_231 = tpu.vector_load %arg7[%get3A_230] {strides = array<i32>} : memref<512xi32, #tpu.memory_space<vmem>>, vector<16xi32>,
    %get3A_232 = vector.shape_cast %get3A_231 : vector<16xi32> to vector<16xi32>
    %sub3A_233 = arith.constant 1 : i32
    %sub3A_234 = vector.broadcast %sub3A_233 : i32 to vector<16xi32>
    %sub3A_235 = arith.subi %get3A_232, %sub3A_234 : vector<16xi32>
    %swap3A_236 = arith.constant 368 : index
    %swap3A_237 = tpu.vector_load %arg7[%swap3A_236] {strides = array<i32>} : memref<512xi32, #tpu.memory_space<vmem>>, vector<16xi32>,
    %swap3A_238 = vector.shape_cast %swap3A_237 : vector<16xi32> to vector<16xi32>
    %swap3A_239 = vector.shape_cast %sub3A_235 : vector<16xi32> to vector<16xi32>
    tpu.vector_store %arg7[%swap3A_236], %swap3A_239 {strides = array<i32>} : memref<512xi32, #tpu.memory_space<vmem>>, vector<16xi32>,
    %get3A_240 = arith.constant 384 : index
    %get3A_241 = tpu.vector_load %arg7[%get3A_240] {strides = array<i32>} : memref<512xi32, #tpu.memory_space<vmem>>, vector<16xi32>,
    %get3A_242 = vector.shape_cast %get3A_241 : vector<16xi32> to vector<16xi32>
    %sub3A_243 = arith.constant 1 : i32
    %sub3A_244 = vector.broadcast %sub3A_243 : i32 to vector<16xi32>
    %sub3A_245 = arith.subi %get3A_242, %sub3A_244 : vector<16xi32>
    %swap3A_246 = arith.constant 384 : index
    %swap3A_247 = tpu.vector_load %arg7[%swap3A_246] {strides = array<i32>} : memref<512xi32, #tpu.memory_space<vmem>>, vector<16xi32>,
    %swap3A_248 = vector.shape_cast %swap3A_247 : vector<16xi32> to vector<16xi32>
    %swap3A_249 = vector.shape_cast %sub3A_245 : vector<16xi32> to vector<16xi32>
    tpu.vector_store %arg7[%swap3A_246], %swap3A_249 {strides = array<i32>} : memref<512xi32, #tpu.memory_space<vmem>>, vector<16xi32>,
    %get3A_250 = arith.constant 400 : index
    %get3A_251 = tpu.vector_load %arg7[%get3A_250] {strides = array<i32>} : memref<512xi32, #tpu.memory_space<vmem>>, vector<16xi32>,
    %get3A_252 = vector.shape_cast %get3A_251 : vector<16xi32> to vector<16xi32>
    %sub3A_253 = arith.constant 1 : i32
    %sub3A_254 = vector.broadcast %sub3A_253 : i32 to vector<16xi32>
    %sub3A_255 = arith.subi %get3A_252, %sub3A_254 : vector<16xi32>
    %swap3A_256 = arith.constant 400 : index
    %swap3A_257 = tpu.vector_load %arg7[%swap3A_256] {strides = array<i32>} : memref<512xi32, #tpu.memory_space<vmem>>, vector<16xi32>,
    %swap3A_258 = vector.shape_cast %swap3A_257 : vector<16xi32> to vector<16xi32>
    %swap3A_259 = vector.shape_cast %sub3A_255 : vector<16xi32> to vector<16xi32>
    tpu.vector_store %arg7[%swap3A_256], %swap3A_259 {strides = array<i32>} : memref<512xi32, #tpu.memory_space<vmem>>, vector<16xi32>,
    %get3A_260 = arith.constant 416 : index
    %get3A_261 = tpu.vector_load %arg7[%get3A_260] {strides = array<i32>} : memref<512xi32, #tpu.memory_space<vmem>>, vector<16xi32>,
    %get3A_262 = vector.shape_cast %get3A_261 : vector<16xi32> to vector<16xi32>
    %sub3A_263 = arith.constant 1 : i32
    %sub3A_264 = vector.broadcast %sub3A_263 : i32 to vector<16xi32>
    %sub3A_265 = arith.subi %get3A_262, %sub3A_264 : vector<16xi32>
    %swap3A_266 = arith.constant 416 : index
    %swap3A_267 = tpu.vector_load %arg7[%swap3A_266] {strides = array<i32>} : memref<512xi32, #tpu.memory_space<vmem>>, vector<16xi32>,
    %swap3A_268 = vector.shape_cast %swap3A_267 : vector<16xi32> to vector<16xi32>
    %swap3A_269 = vector.shape_cast %sub3A_265 : vector<16xi32> to vector<16xi32>
    tpu.vector_store %arg7[%swap3A_266], %swap3A_269 {strides = array<i32>} : memref<512xi32, #tpu.memory_space<vmem>>, vector<16xi32>,
    %get3A_270 = arith.constant 432 : index
    %get3A_271 = tpu.vector_load %arg7[%get3A_270] {strides = array<i32>} : memref<512xi32, #tpu.memory_space<vmem>>, vector<16xi32>,
    %get3A_272 = vector.shape_cast %get3A_271 : vector<16xi32> to vector<16xi32>
    %sub3A_273 = arith.constant 1 : i32
    %sub3A_274 = vector.broadcast %sub3A_273 : i32 to vector<16xi32>
    %sub3A_275 = arith.subi %get3A_272, %sub3A_274 : vector<16xi32>
    %swap3A_276 = arith.constant 432 : index
    %swap3A_277 = tpu.vector_load %arg7[%swap3A_276] {strides = array<i32>} : memref<512xi32, #tpu.memory_space<vmem>>, vector<16xi32>,
    %swap3A_278 = vector.shape_cast %swap3A_277 : vector<16xi32> to vector<16xi32>
    %swap3A_279 = vector.shape_cast %sub3A_275 : vector<16xi32> to vector<16xi32>
    tpu.vector_store %arg7[%swap3A_276], %swap3A_279 {strides = array<i32>} : memref<512xi32, #tpu.memory_space<vmem>>, vector<16xi32>,
    %get3A_280 = arith.constant 448 : index
    %get3A_281 = tpu.vector_load %arg7[%get3A_280] {strides = array<i32>} : memref<512xi32, #tpu.memory_space<vmem>>, vector<16xi32>,
    %get3A_282 = vector.shape_cast %get3A_281 : vector<16xi32> to vector<16xi32>
    %sub3A_283 = arith.constant 1 : i32
    %sub3A_284 = vector.broadcast %sub3A_283 : i32 to vector<16xi32>
    %sub3A_285 = arith.subi %get3A_282, %sub3A_284 : vector<16xi32>
    %swap3A_286 = arith.constant 448 : index
    %swap3A_287 = tpu.vector_load %arg7[%swap3A_286] {strides = array<i32>} : memref<512xi32, #tpu.memory_space<vmem>>, vector<16xi32>,
    %swap3A_288 = vector.shape_cast %swap3A_287 : vector<16xi32> to vector<16xi32>
    %swap3A_289 = vector.shape_cast %sub3A_285 : vector<16xi32> to vector<16xi32>
    tpu.vector_store %arg7[%swap3A_286], %swap3A_289 {strides = array<i32>} : memref<512xi32, #tpu.memory_space<vmem>>, vector<16xi32>,
    %get3A_290 = arith.constant 464 : index
    %get3A_291 = tpu.vector_load %arg7[%get3A_290] {strides = array<i32>} : memref<512xi32, #tpu.memory_space<vmem>>, vector<16xi32>,
    %get3A_292 = vector.shape_cast %get3A_291 : vector<16xi32> to vector<16xi32>
    %sub3A_293 = arith.constant 1 : i32
    %sub3A_294 = vector.broadcast %sub3A_293 : i32 to vector<16xi32>
    %sub3A_295 = arith.subi %get3A_292, %sub3A_294 : vector<16xi32>
    %swap3A_296 = arith.constant 464 : index
    %swap3A_297 = tpu.vector_load %arg7[%swap3A_296] {strides = array<i32>} : memref<512xi32, #tpu.memory_space<vmem>>, vector<16xi32>,
    %swap3A_298 = vector.shape_cast %swap3A_297 : vector<16xi32> to vector<16xi32>
    %swap3A_299 = vector.shape_cast %sub3A_295 : vector<16xi32> to vector<16xi32>
    tpu.vector_store %arg7[%swap3A_296], %swap3A_299 {strides = array<i32>} : memref<512xi32, #tpu.memory_space<vmem>>, vector<16xi32>,
    %get3A_300 = arith.constant 480 : index
    %get3A_301 = tpu.vector_load %arg7[%get3A_300] {strides = array<i32>} : memref<512xi32, #tpu.memory_space<vmem>>, vector<16xi32>,
    %get3A_302 = vector.shape_cast %get3A_301 : vector<16xi32> to vector<16xi32>
    %sub3A_303 = arith.constant 1 : i32
    %sub3A_304 = vector.broadcast %sub3A_303 : i32 to vector<16xi32>
    %sub3A_305 = arith.subi %get3A_302, %sub3A_304 : vector<16xi32>
    %swap3A_306 = arith.constant 480 : index
    %swap3A_307 = tpu.vector_load %arg7[%swap3A_306] {strides = array<i32>} : memref<512xi32, #tpu.memory_space<vmem>>, vector<16xi32>,
    %swap3A_308 = vector.shape_cast %swap3A_307 : vector<16xi32> to vector<16xi32>
    %swap3A_309 = vector.shape_cast %sub3A_305 : vector<16xi32> to vector<16xi32>
    tpu.vector_store %arg7[%swap3A_306], %swap3A_309 {strides = array<i32>} : memref<512xi32, #tpu.memory_space<vmem>>, vector<16xi32>,
    %get3A_310 = arith.constant 496 : index
    %get3A_311 = tpu.vector_load %arg7[%get3A_310] {strides = array<i32>} : memref<512xi32, #tpu.memory_space<vmem>>, vector<16xi32>,
    %get3A_312 = vector.shape_cast %get3A_311 : vector<16xi32> to vector<16xi32>
    %sub3A_313 = arith.constant 1 : i32
    %sub3A_314 = vector.broadcast %sub3A_313 : i32 to vector<16xi32>
    %sub3A_315 = arith.subi %get3A_312, %sub3A_314 : vector<16xi32>
    %swap3A_316 = arith.constant 496 : index
    %swap3A_317 = tpu.vector_load %arg7[%swap3A_316] {strides = array<i32>} : memref<512xi32, #tpu.memory_space<vmem>>, vector<16xi32>,
    %swap3A_318 = vector.shape_cast %swap3A_317 : vector<16xi32> to vector<16xi32>
    %swap3A_319 = vector.shape_cast %sub3A_315 : vector<16xi32> to vector<16xi32>
    tpu.vector_store %arg7[%swap3A_316], %swap3A_319 {strides = array<i32>} : memref<512xi32, #tpu.memory_space<vmem>>, vector<16xi32>,
    %get3A_320 = arith.constant 0 : index
    %get3A_321 = tpu.vector_load %arg7[%get3A_320] {strides = array<i32>} : memref<512xi32, #tpu.memory_space<vmem>>, vector<16xi32>,
    %get3A_322 = vector.shape_cast %get3A_321 : vector<16xi32> to vector<16xi32>
    %slice3A = vector.extract_strided_slice %get3A_322 {offsets = [0], sizes = [1], strides = [1]} : vector<16xi32> to vector<1xi32>
    %squeeze3A = vector.extract %slice3A[0] : i32 from vector<1xi32>
    %dma_start3A = arith.constant 0 : i32
    %dma_start3A_323 = arith.constant 0 : i32
    %dma_start3A_324 = tpu.memref_slice %arg8[%dma_start3A, %dma_start3A_323] : memref<16x64xf32, #tpu.memory_space<vmem>> -> memref<1x64xf32, #tpu.memory_space<vmem>>
    %dma_start3A_325 = arith.constant 0 : i32
    %dma_start3A_326 = tpu.memref_slice %arg3[%squeeze3A, %dma_start3A_325] : memref<1000000x64xf32, #tpu.memory_space<hbm>> -> memref<1x64xf32, #tpu.memory_space<hbm>>
    %dma_start3A_327 = arith.constant 0 : i32
    %dma_start3A_328 = arith.constant 0 : i32
    %dma_start3A_329 = tpu.memref_slice %arg8[%dma_start3A_327, %dma_start3A_328] : memref<16x64xf32, #tpu.memory_space<vmem>> -> memref<1x64xf32, #tpu.memory_space<vmem>>
    %dma_start3A_330 = arith.constant 0 : i32
    %dma_start3A_331 = tpu.memref_slice %arg3[%squeeze3A, %dma_start3A_330] : memref<1000000x64xf32, #tpu.memory_space<hbm>> -> memref<1x64xf32, #tpu.memory_space<hbm>>
    tpu.enqueue_dma source(%dma_start3A_331 : memref<1x64xf32, #tpu.memory_space<hbm>>) target(%dma_start3A_329 : memref<1x64xf32, #tpu.memory_space<vmem>>) target_semaphore(%arg12 : memref<!tpu.dma_semaphore, #tpu.memory_space<semaphore_mem>>)
    %slice3A_332 = vector.extract_strided_slice %get3A_322 {offsets = [0], sizes = [1], strides = [1]} : vector<16xi32> to vector<1xi32>
    %squeeze3A_333 = vector.extract %slice3A_332[0] : i32 from vector<1xi32>
    %dma_start3A_334 = arith.constant 0 : i32
    %dma_start3A_335 = arith.constant 0 : i32
    %dma_start3A_336 = tpu.memref_slice %arg9[%dma_start3A_334, %dma_start3A_335] : memref<16x64xf32, #tpu.memory_space<vmem>> -> memref<1x64xf32, #tpu.memory_space<vmem>>
    %dma_start3A_337 = arith.constant 0 : i32
    %dma_start3A_338 = tpu.memref_slice %arg4[%squeeze3A_333, %dma_start3A_337] : memref<1000000x64xf32, #tpu.memory_space<hbm>> -> memref<1x64xf32, #tpu.memory_space<hbm>>
    %dma_start3A_339 = arith.constant 0 : i32
    %dma_start3A_340 = arith.constant 0 : i32
    %dma_start3A_341 = tpu.memref_slice %arg9[%dma_start3A_339, %dma_start3A_340] : memref<16x64xf32, #tpu.memory_space<vmem>> -> memref<1x64xf32, #tpu.memory_space<vmem>>
    %dma_start3A_342 = arith.constant 0 : i32
    %dma_start3A_343 = tpu.memref_slice %arg4[%squeeze3A_333, %dma_start3A_342] : memref<1000000x64xf32, #tpu.memory_space<hbm>> -> memref<1x64xf32, #tpu.memory_space<hbm>>
    tpu.enqueue_dma source(%dma_start3A_343 : memref<1x64xf32, #tpu.memory_space<hbm>>) target(%dma_start3A_341 : memref<1x64xf32, #tpu.memory_space<vmem>>) target_semaphore(%arg13 : memref<!tpu.dma_semaphore, #tpu.memory_space<semaphore_mem>>)
    %slice3A_344 = vector.extract_strided_slice %get3A_322 {offsets = [1], sizes = [1], strides = [1]} : vector<16xi32> to vector<1xi32>
    %squeeze3A_345 = vector.extract %slice3A_344[0] : i32 from vector<1xi32>
    %dma_start3A_346 = arith.constant 1 : i32
    %dma_start3A_347 = arith.constant 0 : i32
    %dma_start3A_348 = tpu.memref_slice %arg8[%dma_start3A_346, %dma_start3A_347] : memref<16x64xf32, #tpu.memory_space<vmem>> -> memref<1x64xf32, #tpu.memory_space<vmem>>
    %dma_start3A_349 = arith.constant 0 : i32
    %dma_start3A_350 = tpu.memref_slice %arg3[%squeeze3A_345, %dma_start3A_349] : memref<1000000x64xf32, #tpu.memory_space<hbm>> -> memref<1x64xf32, #tpu.memory_space<hbm>>
    %dma_start3A_351 = arith.constant 1 : i32
    %dma_start3A_352 = arith.constant 0 : i32
    %dma_start3A_353 = tpu.memref_slice %arg8[%dma_start3A_351, %dma_start3A_352] : memref<16x64xf32, #tpu.memory_space<vmem>> -> memref<1x64xf32, #tpu.memory_space<vmem>>
    %dma_start3A_354 = arith.constant 0 : i32
    %dma_start3A_355 = tpu.memref_slice %arg3[%squeeze3A_345, %dma_start3A_354] : memref<1000000x64xf32, #tpu.memory_space<hbm>> -> memref<1x64xf32, #tpu.memory_space<hbm>>
    tpu.enqueue_dma source(%dma_start3A_355 : memref<1x64xf32, #tpu.memory_space<hbm>>) target(%dma_start3A_353 : memref<1x64xf32, #tpu.memory_space<vmem>>) target_semaphore(%arg12 : memref<!tpu.dma_semaphore, #tpu.memory_space<semaphore_mem>>)
    %slice3A_356 = vector.extract_strided_slice %get3A_322 {offsets = [1], sizes = [1], strides = [1]} : vector<16xi32> to vector<1xi32>
    %squeeze3A_357 = vector.extract %slice3A_356[0] : i32 from vector<1xi32>
    %dma_start3A_358 = arith.constant 1 : i32
    %dma_start3A_359 = arith.constant 0 : i32
    %dma_start3A_360 = tpu.memref_slice %arg9[%dma_start3A_358, %dma_start3A_359] : memref<16x64xf32, #tpu.memory_space<vmem>> -> memref<1x64xf32, #tpu.memory_space<vmem>>
    %dma_start3A_361 = arith.constant 0 : i32
    %dma_start3A_362 = tpu.memref_slice %arg4[%squeeze3A_357, %dma_start3A_361] : memref<1000000x64xf32, #tpu.memory_space<hbm>> -> memref<1x64xf32, #tpu.memory_space<hbm>>
    %dma_start3A_363 = arith.constant 1 : i32
    %dma_start3A_364 = arith.constant 0 : i32
    %dma_start3A_365 = tpu.memref_slice %arg9[%dma_start3A_363, %dma_start3A_364] : memref<16x64xf32, #tpu.memory_space<vmem>> -> memref<1x64xf32, #tpu.memory_space<vmem>>
    %dma_start3A_366 = arith.constant 0 : i32
    %dma_start3A_367 = tpu.memref_slice %arg4[%squeeze3A_357, %dma_start3A_366] : memref<1000000x64xf32, #tpu.memory_space<hbm>> -> memref<1x64xf32, #tpu.memory_space<hbm>>
    tpu.enqueue_dma source(%dma_start3A_367 : memref<1x64xf32, #tpu.memory_space<hbm>>) target(%dma_start3A_365 : memref<1x64xf32, #tpu.memory_space<vmem>>) target_semaphore(%arg13 : memref<!tpu.dma_semaphore, #tpu.memory_space<semaphore_mem>>)
    %slice3A_368 = vector.extract_strided_slice %get3A_322 {offsets = [2], sizes = [1], strides = [1]} : vector<16xi32> to vector<1xi32>
    %squeeze3A_369 = vector.extract %slice3A_368[0] : i32 from vector<1xi32>
    %dma_start3A_370 = arith.constant 2 : i32
    %dma_start3A_371 = arith.constant 0 : i32
    %dma_start3A_372 = tpu.memref_slice %arg8[%dma_start3A_370, %dma_start3A_371] : memref<16x64xf32, #tpu.memory_space<vmem>> -> memref<1x64xf32, #tpu.memory_space<vmem>>
    %dma_start3A_373 = arith.constant 0 : i32
    %dma_start3A_374 = tpu.memref_slice %arg3[%squeeze3A_369, %dma_start3A_373] : memref<1000000x64xf32, #tpu.memory_space<hbm>> -> memref<1x64xf32, #tpu.memory_space<hbm>>
    %dma_start3A_375 = arith.constant 2 : i32
    %dma_start3A_376 = arith.constant 0 : i32
    %dma_start3A_377 = tpu.memref_slice %arg8[%dma_start3A_375, %dma_start3A_376] : memref<16x64xf32, #tpu.memory_space<vmem>> -> memref<1x64xf32, #tpu.memory_space<vmem>>
    %dma_start3A_378 = arith.constant 0 : i32
    %dma_start3A_379 = tpu.memref_slice %arg3[%squeeze3A_369, %dma_start3A_378] : memref<1000000x64xf32, #tpu.memory_space<hbm>> -> memref<1x64xf32, #tpu.memory_space<hbm>>
    tpu.enqueue_dma source(%dma_start3A_379 : memref<1x64xf32, #tpu.memory_space<hbm>>) target(%dma_start3A_377 : memref<1x64xf32, #tpu.memory_space<vmem>>) target_semaphore(%arg12 : memref<!tpu.dma_semaphore, #tpu.memory_space<semaphore_mem>>)
    %slice3A_380 = vector.extract_strided_slice %get3A_322 {offsets = [2], sizes = [1], strides = [1]} : vector<16xi32> to vector<1xi32>
    %squeeze3A_381 = vector.extract %slice3A_380[0] : i32 from vector<1xi32>
    %dma_start3A_382 = arith.constant 2 : i32
    %dma_start3A_383 = arith.constant 0 : i32
    %dma_start3A_384 = tpu.memref_slice %arg9[%dma_start3A_382, %dma_start3A_383] : memref<16x64xf32, #tpu.memory_space<vmem>> -> memref<1x64xf32, #tpu.memory_space<vmem>>
    %dma_start3A_385 = arith.constant 0 : i32
    %dma_start3A_386 = tpu.memref_slice %arg4[%squeeze3A_381, %dma_start3A_385] : memref<1000000x64xf32, #tpu.memory_space<hbm>> -> memref<1x64xf32, #tpu.memory_space<hbm>>
    %dma_start3A_387 = arith.constant 2 : i32
    %dma_start3A_388 = arith.constant 0 : i32
    %dma_start3A_389 = tpu.memref_slice %arg9[%dma_start3A_387, %dma_start3A_388] : memref<16x64xf32, #tpu.memory_space<vmem>> -> memref<1x64xf32, #tpu.memory_space<vmem>>
    %dma_start3A_390 = arith.constant 0 : i32
    %dma_start3A_391 = tpu.memref_slice %arg4[%squeeze3A_381, %dma_start3A_390] : memref<1000000x64xf32, #tpu.memory_space<hbm>> -> memref<1x64xf32, #tpu.memory_space<hbm>>
    tpu.enqueue_dma source(%dma_start3A_391 : memref<1x64xf32, #tpu.memory_space<hbm>>) target(%dma_start3A_389 : memref<1x64xf32, #tpu.memory_space<vmem>>) target_semaphore(%arg13 : memref<!tpu.dma_semaphore, #tpu.memory_space<semaphore_mem>>)
    %slice3A_392 = vector.extract_strided_slice %get3A_322 {offsets = [3], sizes = [1], strides = [1]} : vector<16xi32> to vector<1xi32>
    %squeeze3A_393 = vector.extract %slice3A_392[0] : i32 from vector<1xi32>
    %dma_start3A_394 = arith.constant 3 : i32
    %dma_start3A_395 = arith.constant 0 : i32
    %dma_start3A_396 = tpu.memref_slice %arg8[%dma_start3A_394, %dma_start3A_395] : memref<16x64xf32, #tpu.memory_space<vmem>> -> memref<1x64xf32, #tpu.memory_space<vmem>>
    %dma_start3A_397 = arith.constant 0 : i32
    %dma_start3A_398 = tpu.memref_slice %arg3[%squeeze3A_393, %dma_start3A_397] : memref<1000000x64xf32, #tpu.memory_space<hbm>> -> memref<1x64xf32, #tpu.memory_space<hbm>>
    %dma_start3A_399 = arith.constant 3 : i32
    %dma_start3A_400 = arith.constant 0 : i32
    %dma_start3A_401 = tpu.memref_slice %arg8[%dma_start3A_399, %dma_start3A_400] : memref<16x64xf32, #tpu.memory_space<vmem>> -> memref<1x64xf32, #tpu.memory_space<vmem>>
    %dma_start3A_402 = arith.constant 0 : i32
    %dma_start3A_403 = tpu.memref_slice %arg3[%squeeze3A_393, %dma_start3A_402] : memref<1000000x64xf32, #tpu.memory_space<hbm>> -> memref<1x64xf32, #tpu.memory_space<hbm>>
    tpu.enqueue_dma source(%dma_start3A_403 : memref<1x64xf32, #tpu.memory_space<hbm>>) target(%dma_start3A_401 : memref<1x64xf32, #tpu.memory_space<vmem>>) target_semaphore(%arg12 : memref<!tpu.dma_semaphore, #tpu.memory_space<semaphore_mem>>)
    %slice3A_404 = vector.extract_strided_slice %get3A_322 {offsets = [3], sizes = [1], strides = [1]} : vector<16xi32> to vector<1xi32>
    %squeeze3A_405 = vector.extract %slice3A_404[0] : i32 from vector<1xi32>
    %dma_start3A_406 = arith.constant 3 : i32
    %dma_start3A_407 = arith.constant 0 : i32
    %dma_start3A_408 = tpu.memref_slice %arg9[%dma_start3A_406, %dma_start3A_407] : memref<16x64xf32, #tpu.memory_space<vmem>> -> memref<1x64xf32, #tpu.memory_space<vmem>>
    %dma_start3A_409 = arith.constant 0 : i32
    %dma_start3A_410 = tpu.memref_slice %arg4[%squeeze3A_405, %dma_start3A_409] : memref<1000000x64xf32, #tpu.memory_space<hbm>> -> memref<1x64xf32, #tpu.memory_space<hbm>>
    %dma_start3A_411 = arith.constant 3 : i32
    %dma_start3A_412 = arith.constant 0 : i32
    %dma_start3A_413 = tpu.memref_slice %arg9[%dma_start3A_411, %dma_start3A_412] : memref<16x64xf32, #tpu.memory_space<vmem>> -> memref<1x64xf32, #tpu.memory_space<vmem>>
    %dma_start3A_414 = arith.constant 0 : i32
    %dma_start3A_415 = tpu.memref_slice %arg4[%squeeze3A_405, %dma_start3A_414] : memref<1000000x64xf32, #tpu.memory_space<hbm>> -> memref<1x64xf32, #tpu.memory_space<hbm>>
    tpu.enqueue_dma source(%dma_start3A_415 : memref<1x64xf32, #tpu.memory_space<hbm>>) target(%dma_start3A_413 : memref<1x64xf32, #tpu.memory_space<vmem>>) target_semaphore(%arg13 : memref<!tpu.dma_semaphore, #tpu.memory_space<semaphore_mem>>)
    %slice3A_416 = vector.extract_strided_slice %get3A_322 {offsets = [4], sizes = [1], strides = [1]} : vector<16xi32> to vector<1xi32>
    %squeeze3A_417 = vector.extract %slice3A_416[0] : i32 from vector<1xi32>
    %dma_start3A_418 = arith.constant 4 : i32
    %dma_start3A_419 = arith.constant 0 : i32
    %dma_start3A_420 = tpu.memref_slice %arg8[%dma_start3A_418, %dma_start3A_419] : memref<16x64xf32, #tpu.memory_space<vmem>> -> memref<1x64xf32, #tpu.memory_space<vmem>>
    %dma_start3A_421 = arith.constant 0 : i32
    %dma_start3A_422 = tpu.memref_slice %arg3[%squeeze3A_417, %dma_start3A_421] : memref<1000000x64xf32, #tpu.memory_space<hbm>> -> memref<1x64xf32, #tpu.memory_space<hbm>>
    %dma_start3A_423 = arith.constant 4 : i32
    %dma_start3A_424 = arith.constant 0 : i32
    %dma_start3A_425 = tpu.memref_slice %arg8[%dma_start3A_423, %dma_start3A_424] : memref<16x64xf32, #tpu.memory_space<vmem>> -> memref<1x64xf32, #tpu.memory_space<vmem>>
    %dma_start3A_426 = arith.constant 0 : i32
    %dma_start3A_427 = tpu.memref_slice %arg3[%squeeze3A_417, %dma_start3A_426] : memref<1000000x64xf32, #tpu.memory_space<hbm>> -> memref<1x64xf32, #tpu.memory_space<hbm>>
    tpu.enqueue_dma source(%dma_start3A_427 : memref<1x64xf32, #tpu.memory_space<hbm>>) target(%dma_start3A_425 : memref<1x64xf32, #tpu.memory_space<vmem>>) target_semaphore(%arg12 : memref<!tpu.dma_semaphore, #tpu.memory_space<semaphore_mem>>)
    %slice3A_428 = vector.extract_strided_slice %get3A_322 {offsets = [4], sizes = [1], strides = [1]} : vector<16xi32> to vector<1xi32>
    %squeeze3A_429 = vector.extract %slice3A_428[0] : i32 from vector<1xi32>
    %dma_start3A_430 = arith.constant 4 : i32
    %dma_start3A_431 = arith.constant 0 : i32
    %dma_start3A_432 = tpu.memref_slice %arg9[%dma_start3A_430, %dma_start3A_431] : memref<16x64xf32, #tpu.memory_space<vmem>> -> memref<1x64xf32, #tpu.memory_space<vmem>>
    %dma_start3A_433 = arith.constant 0 : i32
    %dma_start3A_434 = tpu.memref_slice %arg4[%squeeze3A_429, %dma_start3A_433] : memref<1000000x64xf32, #tpu.memory_space<hbm>> -> memref<1x64xf32, #tpu.memory_space<hbm>>
    %dma_start3A_435 = arith.constant 4 : i32
    %dma_start3A_436 = arith.constant 0 : i32
    %dma_start3A_437 = tpu.memref_slice %arg9[%dma_start3A_435, %dma_start3A_436] : memref<16x64xf32, #tpu.memory_space<vmem>> -> memref<1x64xf32, #tpu.memory_space<vmem>>
    %dma_start3A_438 = arith.constant 0 : i32
    %dma_start3A_439 = tpu.memref_slice %arg4[%squeeze3A_429, %dma_start3A_438] : memref<1000000x64xf32, #tpu.memory_space<hbm>> -> memref<1x64xf32, #tpu.memory_space<hbm>>
    tpu.enqueue_dma source(%dma_start3A_439 : memref<1x64xf32, #tpu.memory_space<hbm>>) target(%dma_start3A_437 : memref<1x64xf32, #tpu.memory_space<vmem>>) target_semaphore(%arg13 : memref<!tpu.dma_semaphore, #tpu.memory_space<semaphore_mem>>)
    %slice3A_440 = vector.extract_strided_slice %get3A_322 {offsets = [5], sizes = [1], strides = [1]} : vector<16xi32> to vector<1xi32>
    %squeeze3A_441 = vector.extract %slice3A_440[0] : i32 from vector<1xi32>
    %dma_start3A_442 = arith.constant 5 : i32
    %dma_start3A_443 = arith.constant 0 : i32
    %dma_start3A_444 = tpu.memref_slice %arg8[%dma_start3A_442, %dma_start3A_443] : memref<16x64xf32, #tpu.memory_space<vmem>> -> memref<1x64xf32, #tpu.memory_space<vmem>>
    %dma_start3A_445 = arith.constant 0 : i32
    %dma_start3A_446 = tpu.memref_slice %arg3[%squeeze3A_441, %dma_start3A_445] : memref<1000000x64xf32, #tpu.memory_space<hbm>> -> memref<1x64xf32, #tpu.memory_space<hbm>>
    %dma_start3A_447 = arith.constant 5 : i32
    %dma_start3A_448 = arith.constant 0 : i32
    %dma_start3A_449 = tpu.memref_slice %arg8[%dma_start3A_447, %dma_start3A_448] : memref<16x64xf32, #tpu.memory_space<vmem>> -> memref<1x64xf32, #tpu.memory_space<vmem>>
    %dma_start3A_450 = arith.constant 0 : i32
    %dma_start3A_451 = tpu.memref_slice %arg3[%squeeze3A_441, %dma_start3A_450] : memref<1000000x64xf32, #tpu.memory_space<hbm>> -> memref<1x64xf32, #tpu.memory_space<hbm>>
    tpu.enqueue_dma source(%dma_start3A_451 : memref<1x64xf32, #tpu.memory_space<hbm>>) target(%dma_start3A_449 : memref<1x64xf32, #tpu.memory_space<vmem>>) target_semaphore(%arg12 : memref<!tpu.dma_semaphore, #tpu.memory_space<semaphore_mem>>)
    %slice3A_452 = vector.extract_strided_slice %get3A_322 {offsets = [5], sizes = [1], strides = [1]} : vector<16xi32> to vector<1xi32>
    %squeeze3A_453 = vector.extract %slice3A_452[0] : i32 from vector<1xi32>
    %dma_start3A_454 = arith.constant 5 : i32
    %dma_start3A_455 = arith.constant 0 : i32
    %dma_start3A_456 = tpu.memref_slice %arg9[%dma_start3A_454, %dma_start3A_455] : memref<16x64xf32, #tpu.memory_space<vmem>> -> memref<1x64xf32, #tpu.memory_space<vmem>>
    %dma_start3A_457 = arith.constant 0 : i32
    %dma_start3A_458 = tpu.memref_slice %arg4[%squeeze3A_453, %dma_start3A_457] : memref<1000000x64xf32, #tpu.memory_space<hbm>> -> memref<1x64xf32, #tpu.memory_space<hbm>>
    %dma_start3A_459 = arith.constant 5 : i32
    %dma_start3A_460 = arith.constant 0 : i32
    %dma_start3A_461 = tpu.memref_slice %arg9[%dma_start3A_459, %dma_start3A_460] : memref<16x64xf32, #tpu.memory_space<vmem>> -> memref<1x64xf32, #tpu.memory_space<vmem>>
    %dma_start3A_462 = arith.constant 0 : i32
    %dma_start3A_463 = tpu.memref_slice %arg4[%squeeze3A_453, %dma_start3A_462] : memref<1000000x64xf32, #tpu.memory_space<hbm>> -> memref<1x64xf32, #tpu.memory_space<hbm>>
    tpu.enqueue_dma source(%dma_start3A_463 : memref<1x64xf32, #tpu.memory_space<hbm>>) target(%dma_start3A_461 : memref<1x64xf32, #tpu.memory_space<vmem>>) target_semaphore(%arg13 : memref<!tpu.dma_semaphore, #tpu.memory_space<semaphore_mem>>)
    %slice3A_464 = vector.extract_strided_slice %get3A_322 {offsets = [6], sizes = [1], strides = [1]} : vector<16xi32> to vector<1xi32>
    %squeeze3A_465 = vector.extract %slice3A_464[0] : i32 from vector<1xi32>
    %dma_start3A_466 = arith.constant 6 : i32
    %dma_start3A_467 = arith.constant 0 : i32
    %dma_start3A_468 = tpu.memref_slice %arg8[%dma_start3A_466, %dma_start3A_467] : memref<16x64xf32, #tpu.memory_space<vmem>> -> memref<1x64xf32, #tpu.memory_space<vmem>>
    %dma_start3A_469 = arith.constant 0 : i32
    %dma_start3A_470 = tpu.memref_slice %arg3[%squeeze3A_465, %dma_start3A_469] : memref<1000000x64xf32, #tpu.memory_space<hbm>> -> memref<1x64xf32, #tpu.memory_space<hbm>>
    %dma_start3A_471 = arith.constant 6 : i32
    %dma_start3A_472 = arith.constant 0 : i32
    %dma_start3A_473 = tpu.memref_slice %arg8[%dma_start3A_471, %dma_start3A_472] : memref<16x64xf32, #tpu.memory_space<vmem>> -> memref<1x64xf32, #tpu.memory_space<vmem>>
    %dma_start3A_474 = arith.constant 0 : i32
    %dma_start3A_475 = tpu.memref_slice %arg3[%squeeze3A_465, %dma_start3A_474] : memref<1000000x64xf32, #tpu.memory_space<hbm>> -> memref<1x64xf32, #tpu.memory_space<hbm>>
    tpu.enqueue_dma source(%dma_start3A_475 : memref<1x64xf32, #tpu.memory_space<hbm>>) target(%dma_start3A_473 : memref<1x64xf32, #tpu.memory_space<vmem>>) target_semaphore(%arg12 : memref<!tpu.dma_semaphore, #tpu.memory_space<semaphore_mem>>)
    %slice3A_476 = vector.extract_strided_slice %get3A_322 {offsets = [6], sizes = [1], strides = [1]} : vector<16xi32> to vector<1xi32>
    %squeeze3A_477 = vector.extract %slice3A_476[0] : i32 from vector<1xi32>
    %dma_start3A_478 = arith.constant 6 : i32
    %dma_start3A_479 = arith.constant 0 : i32
    %dma_start3A_480 = tpu.memref_slice %arg9[%dma_start3A_478, %dma_start3A_479] : memref<16x64xf32, #tpu.memory_space<vmem>> -> memref<1x64xf32, #tpu.memory_space<vmem>>
    %dma_start3A_481 = arith.constant 0 : i32
    %dma_start3A_482 = tpu.memref_slice %arg4[%squeeze3A_477, %dma_start3A_481] : memref<1000000x64xf32, #tpu.memory_space<hbm>> -> memref<1x64xf32, #tpu.memory_space<hbm>>
    %dma_start3A_483 = arith.constant 6 : i32
    %dma_start3A_484 = arith.constant 0 : i32
    %dma_start3A_485 = tpu.memref_slice %arg9[%dma_start3A_483, %dma_start3A_484] : memref<16x64xf32, #tpu.memory_space<vmem>> -> memref<1x64xf32, #tpu.memory_space<vmem>>
    %dma_start3A_486 = arith.constant 0 : i32
    %dma_start3A_487 = tpu.memref_slice %arg4[%squeeze3A_477, %dma_start3A_486] : memref<1000000x64xf32, #tpu.memory_space<hbm>> -> memref<1x64xf32, #tpu.memory_space<hbm>>
    tpu.enqueue_dma source(%dma_start3A_487 : memref<1x64xf32, #tpu.memory_space<hbm>>) target(%dma_start3A_485 : memref<1x64xf32, #tpu.memory_space<vmem>>) target_semaphore(%arg13 : memref<!tpu.dma_semaphore, #tpu.memory_space<semaphore_mem>>)
    %slice3A_488 = vector.extract_strided_slice %get3A_322 {offsets = [7], sizes = [1], strides = [1]} : vector<16xi32> to vector<1xi32>
    %squeeze3A_489 = vector.extract %slice3A_488[0] : i32 from vector<1xi32>
    %dma_start3A_490 = arith.constant 7 : i32
    %dma_start3A_491 = arith.constant 0 : i32
    %dma_start3A_492 = tpu.memref_slice %arg8[%dma_start3A_490, %dma_start3A_491] : memref<16x64xf32, #tpu.memory_space<vmem>> -> memref<1x64xf32, #tpu.memory_space<vmem>>
    %dma_start3A_493 = arith.constant 0 : i32
    %dma_start3A_494 = tpu.memref_slice %arg3[%squeeze3A_489, %dma_start3A_493] : memref<1000000x64xf32, #tpu.memory_space<hbm>> -> memref<1x64xf32, #tpu.memory_space<hbm>>
    %dma_start3A_495 = arith.constant 7 : i32
    %dma_start3A_496 = arith.constant 0 : i32
    %dma_start3A_497 = tpu.memref_slice %arg8[%dma_start3A_495, %dma_start3A_496] : memref<16x64xf32, #tpu.memory_space<vmem>> -> memref<1x64xf32, #tpu.memory_space<vmem>>
    %dma_start3A_498 = arith.constant 0 : i32
    %dma_start3A_499 = tpu.memref_slice %arg3[%squeeze3A_489, %dma_start3A_498] : memref<1000000x64xf32, #tpu.memory_space<hbm>> -> memref<1x64xf32, #tpu.memory_space<hbm>>
    tpu.enqueue_dma source(%dma_start3A_499 : memref<1x64xf32, #tpu.memory_space<hbm>>) target(%dma_start3A_497 : memref<1x64xf32, #tpu.memory_space<vmem>>) target_semaphore(%arg12 : memref<!tpu.dma_semaphore, #tpu.memory_space<semaphore_mem>>)
    %slice3A_500 = vector.extract_strided_slice %get3A_322 {offsets = [7], sizes = [1], strides = [1]} : vector<16xi32> to vector<1xi32>
    %squeeze3A_501 = vector.extract %slice3A_500[0] : i32 from vector<1xi32>
    %dma_start3A_502 = arith.constant 7 : i32
    %dma_start3A_503 = arith.constant 0 : i32
    %dma_start3A_504 = tpu.memref_slice %arg9[%dma_start3A_502, %dma_start3A_503] : memref<16x64xf32, #tpu.memory_space<vmem>> -> memref<1x64xf32, #tpu.memory_space<vmem>>
    %dma_start3A_505 = arith.constant 0 : i32
    %dma_start3A_506 = tpu.memref_slice %arg4[%squeeze3A_501, %dma_start3A_505] : memref<1000000x64xf32, #tpu.memory_space<hbm>> -> memref<1x64xf32, #tpu.memory_space<hbm>>
    %dma_start3A_507 = arith.constant 7 : i32
    %dma_start3A_508 = arith.constant 0 : i32
    %dma_start3A_509 = tpu.memref_slice %arg9[%dma_start3A_507, %dma_start3A_508] : memref<16x64xf32, #tpu.memory_space<vmem>> -> memref<1x64xf32, #tpu.memory_space<vmem>>
    %dma_start3A_510 = arith.constant 0 : i32
    %dma_start3A_511 = tpu.memref_slice %arg4[%squeeze3A_501, %dma_start3A_510] : memref<1000000x64xf32, #tpu.memory_space<hbm>> -> memref<1x64xf32, #tpu.memory_space<hbm>>
    tpu.enqueue_dma source(%dma_start3A_511 : memref<1x64xf32, #tpu.memory_space<hbm>>) target(%dma_start3A_509 : memref<1x64xf32, #tpu.memory_space<vmem>>) target_semaphore(%arg13 : memref<!tpu.dma_semaphore, #tpu.memory_space<semaphore_mem>>)
    %slice3A_512 = vector.extract_strided_slice %get3A_322 {offsets = [8], sizes = [1], strides = [1]} : vector<16xi32> to vector<1xi32>
    %squeeze3A_513 = vector.extract %slice3A_512[0] : i32 from vector<1xi32>
    %dma_start3A_514 = arith.constant 8 : i32
    %dma_start3A_515 = arith.constant 0 : i32
    %dma_start3A_516 = tpu.memref_slice %arg8[%dma_start3A_514, %dma_start3A_515] : memref<16x64xf32, #tpu.memory_space<vmem>> -> memref<1x64xf32, #tpu.memory_space<vmem>>
    %dma_start3A_517 = arith.constant 0 : i32
    %dma_start3A_518 = tpu.memref_slice %arg3[%squeeze3A_513, %dma_start3A_517] : memref<1000000x64xf32, #tpu.memory_space<hbm>> -> memref<1x64xf32, #tpu.memory_space<hbm>>
    %dma_start3A_519 = arith.constant 8 : i32
    %dma_start3A_520 = arith.constant 0 : i32
    %dma_start3A_521 = tpu.memref_slice %arg8[%dma_start3A_519, %dma_start3A_520] : memref<16x64xf32, #tpu.memory_space<vmem>> -> memref<1x64xf32, #tpu.memory_space<vmem>>
    %dma_start3A_522 = arith.constant 0 : i32
    %dma_start3A_523 = tpu.memref_slice %arg3[%squeeze3A_513, %dma_start3A_522] : memref<1000000x64xf32, #tpu.memory_space<hbm>> -> memref<1x64xf32, #tpu.memory_space<hbm>>
    tpu.enqueue_dma source(%dma_start3A_523 : memref<1x64xf32, #tpu.memory_space<hbm>>) target(%dma_start3A_521 : memref<1x64xf32, #tpu.memory_space<vmem>>) target_semaphore(%arg12 : memref<!tpu.dma_semaphore, #tpu.memory_space<semaphore_mem>>)
    %slice3A_524 = vector.extract_strided_slice %get3A_322 {offsets = [8], sizes = [1], strides = [1]} : vector<16xi32> to vector<1xi32>
    %squeeze3A_525 = vector.extract %slice3A_524[0] : i32 from vector<1xi32>
    %dma_start3A_526 = arith.constant 8 : i32
    %dma_start3A_527 = arith.constant 0 : i32
    %dma_start3A_528 = tpu.memref_slice %arg9[%dma_start3A_526, %dma_start3A_527] : memref<16x64xf32, #tpu.memory_space<vmem>> -> memref<1x64xf32, #tpu.memory_space<vmem>>
    %dma_start3A_529 = arith.constant 0 : i32
    %dma_start3A_530 = tpu.memref_slice %arg4[%squeeze3A_525, %dma_start3A_529] : memref<1000000x64xf32, #tpu.memory_space<hbm>> -> memref<1x64xf32, #tpu.memory_space<hbm>>
    %dma_start3A_531 = arith.constant 8 : i32
    %dma_start3A_532 = arith.constant 0 : i32
    %dma_start3A_533 = tpu.memref_slice %arg9[%dma_start3A_531, %dma_start3A_532] : memref<16x64xf32, #tpu.memory_space<vmem>> -> memref<1x64xf32, #tpu.memory_space<vmem>>
    %dma_start3A_534 = arith.constant 0 : i32
    %dma_start3A_535 = tpu.memref_slice %arg4[%squeeze3A_525, %dma_start3A_534] : memref<1000000x64xf32, #tpu.memory_space<hbm>> -> memref<1x64xf32, #tpu.memory_space<hbm>>
    tpu.enqueue_dma source(%dma_start3A_535 : memref<1x64xf32, #tpu.memory_space<hbm>>) target(%dma_start3A_533 : memref<1x64xf32, #tpu.memory_space<vmem>>) target_semaphore(%arg13 : memref<!tpu.dma_semaphore, #tpu.memory_space<semaphore_mem>>)
    %slice3A_536 = vector.extract_strided_slice %get3A_322 {offsets = [9], sizes = [1], strides = [1]} : vector<16xi32> to vector<1xi32>
    %squeeze3A_537 = vector.extract %slice3A_536[0] : i32 from vector<1xi32>
    %dma_start3A_538 = arith.constant 9 : i32
    %dma_start3A_539 = arith.constant 0 : i32
    %dma_start3A_540 = tpu.memref_slice %arg8[%dma_start3A_538, %dma_start3A_539] : memref<16x64xf32, #tpu.memory_space<vmem>> -> memref<1x64xf32, #tpu.memory_space<vmem>>
    %dma_start3A_541 = arith.constant 0 : i32
    %dma_start3A_542 = tpu.memref_slice %arg3[%squeeze3A_537, %dma_start3A_541] : memref<1000000x64xf32, #tpu.memory_space<hbm>> -> memref<1x64xf32, #tpu.memory_space<hbm>>
    %dma_start3A_543 = arith.constant 9 : i32
    %dma_start3A_544 = arith.constant 0 : i32
    %dma_start3A_545 = tpu.memref_slice %arg8[%dma_start3A_543, %dma_start3A_544] : memref<16x64xf32, #tpu.memory_space<vmem>> -> memref<1x64xf32, #tpu.memory_space<vmem>>
    %dma_start3A_546 = arith.constant 0 : i32
    %dma_start3A_547 = tpu.memref_slice %arg3[%squeeze3A_537, %dma_start3A_546] : memref<1000000x64xf32, #tpu.memory_space<hbm>> -> memref<1x64xf32, #tpu.memory_space<hbm>>
    tpu.enqueue_dma source(%dma_start3A_547 : memref<1x64xf32, #tpu.memory_space<hbm>>) target(%dma_start3A_545 : memref<1x64xf32, #tpu.memory_space<vmem>>) target_semaphore(%arg12 : memref<!tpu.dma_semaphore, #tpu.memory_space<semaphore_mem>>)
    %slice3A_548 = vector.extract_strided_slice %get3A_322 {offsets = [9], sizes = [1], strides = [1]} : vector<16xi32> to vector<1xi32>
    %squeeze3A_549 = vector.extract %slice3A_548[0] : i32 from vector<1xi32>
    %dma_start3A_550 = arith.constant 9 : i32
    %dma_start3A_551 = arith.constant 0 : i32
    %dma_start3A_552 = tpu.memref_slice %arg9[%dma_start3A_550, %dma_start3A_551] : memref<16x64xf32, #tpu.memory_space<vmem>> -> memref<1x64xf32, #tpu.memory_space<vmem>>
    %dma_start3A_553 = arith.constant 0 : i32
    %dma_start3A_554 = tpu.memref_slice %arg4[%squeeze3A_549, %dma_start3A_553] : memref<1000000x64xf32, #tpu.memory_space<hbm>> -> memref<1x64xf32, #tpu.memory_space<hbm>>
    %dma_start3A_555 = arith.constant 9 : i32
    %dma_start3A_556 = arith.constant 0 : i32
    %dma_start3A_557 = tpu.memref_slice %arg9[%dma_start3A_555, %dma_start3A_556] : memref<16x64xf32, #tpu.memory_space<vmem>> -> memref<1x64xf32, #tpu.memory_space<vmem>>
    %dma_start3A_558 = arith.constant 0 : i32
    %dma_start3A_559 = tpu.memref_slice %arg4[%squeeze3A_549, %dma_start3A_558] : memref<1000000x64xf32, #tpu.memory_space<hbm>> -> memref<1x64xf32, #tpu.memory_space<hbm>>
    tpu.enqueue_dma source(%dma_start3A_559 : memref<1x64xf32, #tpu.memory_space<hbm>>) target(%dma_start3A_557 : memref<1x64xf32, #tpu.memory_space<vmem>>) target_semaphore(%arg13 : memref<!tpu.dma_semaphore, #tpu.memory_space<semaphore_mem>>)
    %slice3A_560 = vector.extract_strided_slice %get3A_322 {offsets = [10], sizes = [1], strides = [1]} : vector<16xi32> to vector<1xi32>
    %squeeze3A_561 = vector.extract %slice3A_560[0] : i32 from vector<1xi32>
    %dma_start3A_562 = arith.constant 10 : i32
    %dma_start3A_563 = arith.constant 0 : i32
    %dma_start3A_564 = tpu.memref_slice %arg8[%dma_start3A_562, %dma_start3A_563] : memref<16x64xf32, #tpu.memory_space<vmem>> -> memref<1x64xf32, #tpu.memory_space<vmem>>
    %dma_start3A_565 = arith.constant 0 : i32
    %dma_start3A_566 = tpu.memref_slice %arg3[%squeeze3A_561, %dma_start3A_565] : memref<1000000x64xf32, #tpu.memory_space<hbm>> -> memref<1x64xf32, #tpu.memory_space<hbm>>
    %dma_start3A_567 = arith.constant 10 : i32
    %dma_start3A_568 = arith.constant 0 : i32
    %dma_start3A_569 = tpu.memref_slice %arg8[%dma_start3A_567, %dma_start3A_568] : memref<16x64xf32, #tpu.memory_space<vmem>> -> memref<1x64xf32, #tpu.memory_space<vmem>>
    %dma_start3A_570 = arith.constant 0 : i32
    %dma_start3A_571 = tpu.memref_slice %arg3[%squeeze3A_561, %dma_start3A_570] : memref<1000000x64xf32, #tpu.memory_space<hbm>> -> memref<1x64xf32, #tpu.memory_space<hbm>>
    tpu.enqueue_dma source(%dma_start3A_571 : memref<1x64xf32, #tpu.memory_space<hbm>>) target(%dma_start3A_569 : memref<1x64xf32, #tpu.memory_space<vmem>>) target_semaphore(%arg12 : memref<!tpu.dma_semaphore, #tpu.memory_space<semaphore_mem>>)
    %slice3A_572 = vector.extract_strided_slice %get3A_322 {offsets = [10], sizes = [1], strides = [1]} : vector<16xi32> to vector<1xi32>
    %squeeze3A_573 = vector.extract %slice3A_572[0] : i32 from vector<1xi32>
    %dma_start3A_574 = arith.constant 10 : i32
    %dma_start3A_575 = arith.constant 0 : i32
    %dma_start3A_576 = tpu.memref_slice %arg9[%dma_start3A_574, %dma_start3A_575] : memref<16x64xf32, #tpu.memory_space<vmem>> -> memref<1x64xf32, #tpu.memory_space<vmem>>
    %dma_start3A_577 = arith.constant 0 : i32
    %dma_start3A_578 = tpu.memref_slice %arg4[%squeeze3A_573, %dma_start3A_577] : memref<1000000x64xf32, #tpu.memory_space<hbm>> -> memref<1x64xf32, #tpu.memory_space<hbm>>
    %dma_start3A_579 = arith.constant 10 : i32
    %dma_start3A_580 = arith.constant 0 : i32
    %dma_start3A_581 = tpu.memref_slice %arg9[%dma_start3A_579, %dma_start3A_580] : memref<16x64xf32, #tpu.memory_space<vmem>> -> memref<1x64xf32, #tpu.memory_space<vmem>>
    %dma_start3A_582 = arith.constant 0 : i32
    %dma_start3A_583 = tpu.memref_slice %arg4[%squeeze3A_573, %dma_start3A_582] : memref<1000000x64xf32, #tpu.memory_space<hbm>> -> memref<1x64xf32, #tpu.memory_space<hbm>>
    tpu.enqueue_dma source(%dma_start3A_583 : memref<1x64xf32, #tpu.memory_space<hbm>>) target(%dma_start3A_581 : memref<1x64xf32, #tpu.memory_space<vmem>>) target_semaphore(%arg13 : memref<!tpu.dma_semaphore, #tpu.memory_space<semaphore_mem>>)
    %slice3A_584 = vector.extract_strided_slice %get3A_322 {offsets = [11], sizes = [1], strides = [1]} : vector<16xi32> to vector<1xi32>
    %squeeze3A_585 = vector.extract %slice3A_584[0] : i32 from vector<1xi32>
    %dma_start3A_586 = arith.constant 11 : i32
    %dma_start3A_587 = arith.constant 0 : i32
    %dma_start3A_588 = tpu.memref_slice %arg8[%dma_start3A_586, %dma_start3A_587] : memref<16x64xf32, #tpu.memory_space<vmem>> -> memref<1x64xf32, #tpu.memory_space<vmem>>
    %dma_start3A_589 = arith.constant 0 : i32
    %dma_start3A_590 = tpu.memref_slice %arg3[%squeeze3A_585, %dma_start3A_589] : memref<1000000x64xf32, #tpu.memory_space<hbm>> -> memref<1x64xf32, #tpu.memory_space<hbm>>
    %dma_start3A_591 = arith.constant 11 : i32
    %dma_start3A_592 = arith.constant 0 : i32
    %dma_start3A_593 = tpu.memref_slice %arg8[%dma_start3A_591, %dma_start3A_592] : memref<16x64xf32, #tpu.memory_space<vmem>> -> memref<1x64xf32, #tpu.memory_space<vmem>>
    %dma_start3A_594 = arith.constant 0 : i32
    %dma_start3A_595 = tpu.memref_slice %arg3[%squeeze3A_585, %dma_start3A_594] : memref<1000000x64xf32, #tpu.memory_space<hbm>> -> memref<1x64xf32, #tpu.memory_space<hbm>>
    tpu.enqueue_dma source(%dma_start3A_595 : memref<1x64xf32, #tpu.memory_space<hbm>>) target(%dma_start3A_593 : memref<1x64xf32, #tpu.memory_space<vmem>>) target_semaphore(%arg12 : memref<!tpu.dma_semaphore, #tpu.memory_space<semaphore_mem>>)
    %slice3A_596 = vector.extract_strided_slice %get3A_322 {offsets = [11], sizes = [1], strides = [1]} : vector<16xi32> to vector<1xi32>
    %squeeze3A_597 = vector.extract %slice3A_596[0] : i32 from vector<1xi32>
    %dma_start3A_598 = arith.constant 11 : i32
    %dma_start3A_599 = arith.constant 0 : i32
    %dma_start3A_600 = tpu.memref_slice %arg9[%dma_start3A_598, %dma_start3A_599] : memref<16x64xf32, #tpu.memory_space<vmem>> -> memref<1x64xf32, #tpu.memory_space<vmem>>
    %dma_start3A_601 = arith.constant 0 : i32
    %dma_start3A_602 = tpu.memref_slice %arg4[%squeeze3A_597, %dma_start3A_601] : memref<1000000x64xf32, #tpu.memory_space<hbm>> -> memref<1x64xf32, #tpu.memory_space<hbm>>
    %dma_start3A_603 = arith.constant 11 : i32
    %dma_start3A_604 = arith.constant 0 : i32
    %dma_start3A_605 = tpu.memref_slice %arg9[%dma_start3A_603, %dma_start3A_604] : memref<16x64xf32, #tpu.memory_space<vmem>> -> memref<1x64xf32, #tpu.memory_space<vmem>>
    %dma_start3A_606 = arith.constant 0 : i32
    %dma_start3A_607 = tpu.memref_slice %arg4[%squeeze3A_597, %dma_start3A_606] : memref<1000000x64xf32, #tpu.memory_space<hbm>> -> memref<1x64xf32, #tpu.memory_space<hbm>>
    tpu.enqueue_dma source(%dma_start3A_607 : memref<1x64xf32, #tpu.memory_space<hbm>>) target(%dma_start3A_605 : memref<1x64xf32, #tpu.memory_space<vmem>>) target_semaphore(%arg13 : memref<!tpu.dma_semaphore, #tpu.memory_space<semaphore_mem>>)
    %slice3A_608 = vector.extract_strided_slice %get3A_322 {offsets = [12], sizes = [1], strides = [1]} : vector<16xi32> to vector<1xi32>
    %squeeze3A_609 = vector.extract %slice3A_608[0] : i32 from vector<1xi32>
    %dma_start3A_610 = arith.constant 12 : i32
    %dma_start3A_611 = arith.constant 0 : i32
    %dma_start3A_612 = tpu.memref_slice %arg8[%dma_start3A_610, %dma_start3A_611] : memref<16x64xf32, #tpu.memory_space<vmem>> -> memref<1x64xf32, #tpu.memory_space<vmem>>
    %dma_start3A_613 = arith.constant 0 : i32
    %dma_start3A_614 = tpu.memref_slice %arg3[%squeeze3A_609, %dma_start3A_613] : memref<1000000x64xf32, #tpu.memory_space<hbm>> -> memref<1x64xf32, #tpu.memory_space<hbm>>
    %dma_start3A_615 = arith.constant 12 : i32
    %dma_start3A_616 = arith.constant 0 : i32
    %dma_start3A_617 = tpu.memref_slice %arg8[%dma_start3A_615, %dma_start3A_616] : memref<16x64xf32, #tpu.memory_space<vmem>> -> memref<1x64xf32, #tpu.memory_space<vmem>>
    %dma_start3A_618 = arith.constant 0 : i32
    %dma_start3A_619 = tpu.memref_slice %arg3[%squeeze3A_609, %dma_start3A_618] : memref<1000000x64xf32, #tpu.memory_space<hbm>> -> memref<1x64xf32, #tpu.memory_space<hbm>>
    tpu.enqueue_dma source(%dma_start3A_619 : memref<1x64xf32, #tpu.memory_space<hbm>>) target(%dma_start3A_617 : memref<1x64xf32, #tpu.memory_space<vmem>>) target_semaphore(%arg12 : memref<!tpu.dma_semaphore, #tpu.memory_space<semaphore_mem>>)
    %slice3A_620 = vector.extract_strided_slice %get3A_322 {offsets = [12], sizes = [1], strides = [1]} : vector<16xi32> to vector<1xi32>
    %squeeze3A_621 = vector.extract %slice3A_620[0] : i32 from vector<1xi32>
    %dma_start3A_622 = arith.constant 12 : i32
    %dma_start3A_623 = arith.constant 0 : i32
    %dma_start3A_624 = tpu.memref_slice %arg9[%dma_start3A_622, %dma_start3A_623] : memref<16x64xf32, #tpu.memory_space<vmem>> -> memref<1x64xf32, #tpu.memory_space<vmem>>
    %dma_start3A_625 = arith.constant 0 : i32
    %dma_start3A_626 = tpu.memref_slice %arg4[%squeeze3A_621, %dma_start3A_625] : memref<1000000x64xf32, #tpu.memory_space<hbm>> -> memref<1x64xf32, #tpu.memory_space<hbm>>
    %dma_start3A_627 = arith.constant 12 : i32
    %dma_start3A_628 = arith.constant 0 : i32
    %dma_start3A_629 = tpu.memref_slice %arg9[%dma_start3A_627, %dma_start3A_628] : memref<16x64xf32, #tpu.memory_space<vmem>> -> memref<1x64xf32, #tpu.memory_space<vmem>>
    %dma_start3A_630 = arith.constant 0 : i32
    %dma_start3A_631 = tpu.memref_slice %arg4[%squeeze3A_621, %dma_start3A_630] : memref<1000000x64xf32, #tpu.memory_space<hbm>> -> memref<1x64xf32, #tpu.memory_space<hbm>>
    tpu.enqueue_dma source(%dma_start3A_631 : memref<1x64xf32, #tpu.memory_space<hbm>>) target(%dma_start3A_629 : memref<1x64xf32, #tpu.memory_space<vmem>>) target_semaphore(%arg13 : memref<!tpu.dma_semaphore, #tpu.memory_space<semaphore_mem>>)
    %slice3A_632 = vector.extract_strided_slice %get3A_322 {offsets = [13], sizes = [1], strides = [1]} : vector<16xi32> to vector<1xi32>
    %squeeze3A_633 = vector.extract %slice3A_632[0] : i32 from vector<1xi32>
    %dma_start3A_634 = arith.constant 13 : i32
    %dma_start3A_635 = arith.constant 0 : i32
    %dma_start3A_636 = tpu.memref_slice %arg8[%dma_start3A_634, %dma_start3A_635] : memref<16x64xf32, #tpu.memory_space<vmem>> -> memref<1x64xf32, #tpu.memory_space<vmem>>
    %dma_start3A_637 = arith.constant 0 : i32
    %dma_start3A_638 = tpu.memref_slice %arg3[%squeeze3A_633, %dma_start3A_637] : memref<1000000x64xf32, #tpu.memory_space<hbm>> -> memref<1x64xf32, #tpu.memory_space<hbm>>
    %dma_start3A_639 = arith.constant 13 : i32
    %dma_start3A_640 = arith.constant 0 : i32
    %dma_start3A_641 = tpu.memref_slice %arg8[%dma_start3A_639, %dma_start3A_640] : memref<16x64xf32, #tpu.memory_space<vmem>> -> memref<1x64xf32, #tpu.memory_space<vmem>>
    %dma_start3A_642 = arith.constant 0 : i32
    %dma_start3A_643 = tpu.memref_slice %arg3[%squeeze3A_633, %dma_start3A_642] : memref<1000000x64xf32, #tpu.memory_space<hbm>> -> memref<1x64xf32, #tpu.memory_space<hbm>>
    tpu.enqueue_dma source(%dma_start3A_643 : memref<1x64xf32, #tpu.memory_space<hbm>>) target(%dma_start3A_641 : memref<1x64xf32, #tpu.memory_space<vmem>>) target_semaphore(%arg12 : memref<!tpu.dma_semaphore, #tpu.memory_space<semaphore_mem>>)
    %slice3A_644 = vector.extract_strided_slice %get3A_322 {offsets = [13], sizes = [1], strides = [1]} : vector<16xi32> to vector<1xi32>
    %squeeze3A_645 = vector.extract %slice3A_644[0] : i32 from vector<1xi32>
    %dma_start3A_646 = arith.constant 13 : i32
    %dma_start3A_647 = arith.constant 0 : i32
    %dma_start3A_648 = tpu.memref_slice %arg9[%dma_start3A_646, %dma_start3A_647] : memref<16x64xf32, #tpu.memory_space<vmem>> -> memref<1x64xf32, #tpu.memory_space<vmem>>
    %dma_start3A_649 = arith.constant 0 : i32
    %dma_start3A_650 = tpu.memref_slice %arg4[%squeeze3A_645, %dma_start3A_649] : memref<1000000x64xf32, #tpu.memory_space<hbm>> -> memref<1x64xf32, #tpu.memory_space<hbm>>
    %dma_start3A_651 = arith.constant 13 : i32
    %dma_start3A_652 = arith.constant 0 : i32
    %dma_start3A_653 = tpu.memref_slice %arg9[%dma_start3A_651, %dma_start3A_652] : memref<16x64xf32, #tpu.memory_space<vmem>> -> memref<1x64xf32, #tpu.memory_space<vmem>>
    %dma_start3A_654 = arith.constant 0 : i32
    %dma_start3A_655 = tpu.memref_slice %arg4[%squeeze3A_645, %dma_start3A_654] : memref<1000000x64xf32, #tpu.memory_space<hbm>> -> memref<1x64xf32, #tpu.memory_space<hbm>>
    tpu.enqueue_dma source(%dma_start3A_655 : memref<1x64xf32, #tpu.memory_space<hbm>>) target(%dma_start3A_653 : memref<1x64xf32, #tpu.memory_space<vmem>>) target_semaphore(%arg13 : memref<!tpu.dma_semaphore, #tpu.memory_space<semaphore_mem>>)
    %slice3A_656 = vector.extract_strided_slice %get3A_322 {offsets = [14], sizes = [1], strides = [1]} : vector<16xi32> to vector<1xi32>
    %squeeze3A_657 = vector.extract %slice3A_656[0] : i32 from vector<1xi32>
    %dma_start3A_658 = arith.constant 14 : i32
    %dma_start3A_659 = arith.constant 0 : i32
    %dma_start3A_660 = tpu.memref_slice %arg8[%dma_start3A_658, %dma_start3A_659] : memref<16x64xf32, #tpu.memory_space<vmem>> -> memref<1x64xf32, #tpu.memory_space<vmem>>
    %dma_start3A_661 = arith.constant 0 : i32
    %dma_start3A_662 = tpu.memref_slice %arg3[%squeeze3A_657, %dma_start3A_661] : memref<1000000x64xf32, #tpu.memory_space<hbm>> -> memref<1x64xf32, #tpu.memory_space<hbm>>
    %dma_start3A_663 = arith.constant 14 : i32
    %dma_start3A_664 = arith.constant 0 : i32
    %dma_start3A_665 = tpu.memref_slice %arg8[%dma_start3A_663, %dma_start3A_664] : memref<16x64xf32, #tpu.memory_space<vmem>> -> memref<1x64xf32, #tpu.memory_space<vmem>>
    %dma_start3A_666 = arith.constant 0 : i32
    %dma_start3A_667 = tpu.memref_slice %arg3[%squeeze3A_657, %dma_start3A_666] : memref<1000000x64xf32, #tpu.memory_space<hbm>> -> memref<1x64xf32, #tpu.memory_space<hbm>>
    tpu.enqueue_dma source(%dma_start3A_667 : memref<1x64xf32, #tpu.memory_space<hbm>>) target(%dma_start3A_665 : memref<1x64xf32, #tpu.memory_space<vmem>>) target_semaphore(%arg12 : memref<!tpu.dma_semaphore, #tpu.memory_space<semaphore_mem>>)
    %slice3A_668 = vector.extract_strided_slice %get3A_322 {offsets = [14], sizes = [1], strides = [1]} : vector<16xi32> to vector<1xi32>
    %squeeze3A_669 = vector.extract %slice3A_668[0] : i32 from vector<1xi32>
    %dma_start3A_670 = arith.constant 14 : i32
    %dma_start3A_671 = arith.constant 0 : i32
    %dma_start3A_672 = tpu.memref_slice %arg9[%dma_start3A_670, %dma_start3A_671] : memref<16x64xf32, #tpu.memory_space<vmem>> -> memref<1x64xf32, #tpu.memory_space<vmem>>
    %dma_start3A_673 = arith.constant 0 : i32
    %dma_start3A_674 = tpu.memref_slice %arg4[%squeeze3A_669, %dma_start3A_673] : memref<1000000x64xf32, #tpu.memory_space<hbm>> -> memref<1x64xf32, #tpu.memory_space<hbm>>
    %dma_start3A_675 = arith.constant 14 : i32
    %dma_start3A_676 = arith.constant 0 : i32
    %dma_start3A_677 = tpu.memref_slice %arg9[%dma_start3A_675, %dma_start3A_676] : memref<16x64xf32, #tpu.memory_space<vmem>> -> memref<1x64xf32, #tpu.memory_space<vmem>>
    %dma_start3A_678 = arith.constant 0 : i32
    %dma_start3A_679 = tpu.memref_slice %arg4[%squeeze3A_669, %dma_start3A_678] : memref<1000000x64xf32, #tpu.memory_space<hbm>> -> memref<1x64xf32, #tpu.memory_space<hbm>>
    tpu.enqueue_dma source(%dma_start3A_679 : memref<1x64xf32, #tpu.memory_space<hbm>>) target(%dma_start3A_677 : memref<1x64xf32, #tpu.memory_space<vmem>>) target_semaphore(%arg13 : memref<!tpu.dma_semaphore, #tpu.memory_space<semaphore_mem>>)
    %slice3A_680 = vector.extract_strided_slice %get3A_322 {offsets = [15], sizes = [1], strides = [1]} : vector<16xi32> to vector<1xi32>
    %squeeze3A_681 = vector.extract %slice3A_680[0] : i32 from vector<1xi32>
    %dma_start3A_682 = arith.constant 15 : i32
    %dma_start3A_683 = arith.constant 0 : i32
    %dma_start3A_684 = tpu.memref_slice %arg8[%dma_start3A_682, %dma_start3A_683] : memref<16x64xf32, #tpu.memory_space<vmem>> -> memref<1x64xf32, #tpu.memory_space<vmem>>
    %dma_start3A_685 = arith.constant 0 : i32
    %dma_start3A_686 = tpu.memref_slice %arg3[%squeeze3A_681, %dma_start3A_685] : memref<1000000x64xf32, #tpu.memory_space<hbm>> -> memref<1x64xf32, #tpu.memory_space<hbm>>
    %dma_start3A_687 = arith.constant 15 : i32
    %dma_start3A_688 = arith.constant 0 : i32
    %dma_start3A_689 = tpu.memref_slice %arg8[%dma_start3A_687, %dma_start3A_688] : memref<16x64xf32, #tpu.memory_space<vmem>> -> memref<1x64xf32, #tpu.memory_space<vmem>>
    %dma_start3A_690 = arith.constant 0 : i32
    %dma_start3A_691 = tpu.memref_slice %arg3[%squeeze3A_681, %dma_start3A_690] : memref<1000000x64xf32, #tpu.memory_space<hbm>> -> memref<1x64xf32, #tpu.memory_space<hbm>>
    tpu.enqueue_dma source(%dma_start3A_691 : memref<1x64xf32, #tpu.memory_space<hbm>>) target(%dma_start3A_689 : memref<1x64xf32, #tpu.memory_space<vmem>>) target_semaphore(%arg12 : memref<!tpu.dma_semaphore, #tpu.memory_space<semaphore_mem>>)
    %slice3A_692 = vector.extract_strided_slice %get3A_322 {offsets = [15], sizes = [1], strides = [1]} : vector<16xi32> to vector<1xi32>
    %squeeze3A_693 = vector.extract %slice3A_692[0] : i32 from vector<1xi32>
    %dma_start3A_694 = arith.constant 15 : i32
    %dma_start3A_695 = arith.constant 0 : i32
    %dma_start3A_696 = tpu.memref_slice %arg9[%dma_start3A_694, %dma_start3A_695] : memref<16x64xf32, #tpu.memory_space<vmem>> -> memref<1x64xf32, #tpu.memory_space<vmem>>
    %dma_start3A_697 = arith.constant 0 : i32
    %dma_start3A_698 = tpu.memref_slice %arg4[%squeeze3A_693, %dma_start3A_697] : memref<1000000x64xf32, #tpu.memory_space<hbm>> -> memref<1x64xf32, #tpu.memory_space<hbm>>
    %dma_start3A_699 = arith.constant 15 : i32
    %dma_start3A_700 = arith.constant 0 : i32
    %dma_start3A_701 = tpu.memref_slice %arg9[%dma_start3A_699, %dma_start3A_700] : memref<16x64xf32, #tpu.memory_space<vmem>> -> memref<1x64xf32, #tpu.memory_space<vmem>>
    %dma_start3A_702 = arith.constant 0 : i32
    %dma_start3A_703 = tpu.memref_slice %arg4[%squeeze3A_693, %dma_start3A_702] : memref<1000000x64xf32, #tpu.memory_space<hbm>> -> memref<1x64xf32, #tpu.memory_space<hbm>>
    tpu.enqueue_dma source(%dma_start3A_703 : memref<1x64xf32, #tpu.memory_space<hbm>>) target(%dma_start3A_701 : memref<1x64xf32, #tpu.memory_space<vmem>>) target_semaphore(%arg13 : memref<!tpu.dma_semaphore, #tpu.memory_space<semaphore_mem>>)
    %scan3A = arith.constant 0 : i32
    %scan3A_704 = arith.constant 0 : i32
    %scan3A_705 = arith.constant 15 : i32
    %scan3A_706 = arith.addi %scan3A_704, %scan3A_705 : i32
    %scan3A_707 = arith.constant 1 : i32
    scf.for %scan3A_1127 = %scan3A_704 to %scan3A_706 step %scan3A_707  : i32 {
      %mul3A_1128 = arith.constant 2 : i32
      %mul3A_1129 = arith.muli %mul3A_1128, %scan3A_1127 : i32
      %add3A_1130 = arith.constant 1 : i32
      %add3A_1131 = arith.addi %mul3A_1129, %add3A_1130 : i32
      %mul3A_1132 = arith.constant 16 : i32
      %mul3A_1133 = arith.muli %add3A_1131, %mul3A_1132 : i32
      %get3A_1134 = arith.index_cast %mul3A_1133 : i32 to index
      %get3A_1135 = tpu.vector_load %arg7[%get3A_1134] {strides = array<i32>} : memref<512xi32, #tpu.memory_space<vmem>>, vector<16xi32>,
      %get3A_1136 = vector.shape_cast %get3A_1135 : vector<16xi32> to vector<16xi32>
      %slice3A_1137 = vector.extract_strided_slice %get3A_1136 {offsets = [0], sizes = [1], strides = [1]} : vector<16xi32> to vector<1xi32>
      %squeeze3A_1138 = vector.extract %slice3A_1137[0] : i32 from vector<1xi32>
      %dma_start3A_1139 = arith.constant 0 : i32
      %dma_start3A_1140 = arith.constant 0 : i32
      %dma_start3A_1141 = tpu.memref_slice %arg10[%dma_start3A_1139, %dma_start3A_1140] : memref<16x64xf32, #tpu.memory_space<vmem>> -> memref<1x64xf32, #tpu.memory_space<vmem>>
      %dma_start3A_1142 = arith.constant 0 : i32
      %dma_start3A_1143 = tpu.memref_slice %arg3[%squeeze3A_1138, %dma_start3A_1142] : memref<1000000x64xf32, #tpu.memory_space<hbm>> -> memref<1x64xf32, #tpu.memory_space<hbm>>
      %dma_start3A_1144 = arith.constant 0 : i32
      %dma_start3A_1145 = arith.constant 0 : i32
      %dma_start3A_1146 = tpu.memref_slice %arg10[%dma_start3A_1144, %dma_start3A_1145] : memref<16x64xf32, #tpu.memory_space<vmem>> -> memref<1x64xf32, #tpu.memory_space<vmem>>
      %dma_start3A_1147 = arith.constant 0 : i32
      %dma_start3A_1148 = tpu.memref_slice %arg3[%squeeze3A_1138, %dma_start3A_1147] : memref<1000000x64xf32, #tpu.memory_space<hbm>> -> memref<1x64xf32, #tpu.memory_space<hbm>>
      tpu.enqueue_dma source(%dma_start3A_1148 : memref<1x64xf32, #tpu.memory_space<hbm>>) target(%dma_start3A_1146 : memref<1x64xf32, #tpu.memory_space<vmem>>) target_semaphore(%arg14 : memref<!tpu.dma_semaphore, #tpu.memory_space<semaphore_mem>>)
      %slice3A_1149 = vector.extract_strided_slice %get3A_1136 {offsets = [0], sizes = [1], strides = [1]} : vector<16xi32> to vector<1xi32>
      %squeeze3A_1150 = vector.extract %slice3A_1149[0] : i32 from vector<1xi32>
      %dma_start3A_1151 = arith.constant 0 : i32
      %dma_start3A_1152 = arith.constant 0 : i32
      %dma_start3A_1153 = tpu.memref_slice %arg11[%dma_start3A_1151, %dma_start3A_1152] : memref<16x64xf32, #tpu.memory_space<vmem>> -> memref<1x64xf32, #tpu.memory_space<vmem>>
      %dma_start3A_1154 = arith.constant 0 : i32
      %dma_start3A_1155 = tpu.memref_slice %arg4[%squeeze3A_1150, %dma_start3A_1154] : memref<1000000x64xf32, #tpu.memory_space<hbm>> -> memref<1x64xf32, #tpu.memory_space<hbm>>
      %dma_start3A_1156 = arith.constant 0 : i32
      %dma_start3A_1157 = arith.constant 0 : i32
      %dma_start3A_1158 = tpu.memref_slice %arg11[%dma_start3A_1156, %dma_start3A_1157] : memref<16x64xf32, #tpu.memory_space<vmem>> -> memref<1x64xf32, #tpu.memory_space<vmem>>
      %dma_start3A_1159 = arith.constant 0 : i32
      %dma_start3A_1160 = tpu.memref_slice %arg4[%squeeze3A_1150, %dma_start3A_1159] : memref<1000000x64xf32, #tpu.memory_space<hbm>> -> memref<1x64xf32, #tpu.memory_space<hbm>>
      tpu.enqueue_dma source(%dma_start3A_1160 : memref<1x64xf32, #tpu.memory_space<hbm>>) target(%dma_start3A_1158 : memref<1x64xf32, #tpu.memory_space<vmem>>) target_semaphore(%arg15 : memref<!tpu.dma_semaphore, #tpu.memory_space<semaphore_mem>>)
      %slice3A_1161 = vector.extract_strided_slice %get3A_1136 {offsets = [1], sizes = [1], strides = [1]} : vector<16xi32> to vector<1xi32>
      %squeeze3A_1162 = vector.extract %slice3A_1161[0] : i32 from vector<1xi32>
      %dma_start3A_1163 = arith.constant 1 : i32
      %dma_start3A_1164 = arith.constant 0 : i32
      %dma_start3A_1165 = tpu.memref_slice %arg10[%dma_start3A_1163, %dma_start3A_1164] : memref<16x64xf32, #tpu.memory_space<vmem>> -> memref<1x64xf32, #tpu.memory_space<vmem>>
      %dma_start3A_1166 = arith.constant 0 : i32
      %dma_start3A_1167 = tpu.memref_slice %arg3[%squeeze3A_1162, %dma_start3A_1166] : memref<1000000x64xf32, #tpu.memory_space<hbm>> -> memref<1x64xf32, #tpu.memory_space<hbm>>
      %dma_start3A_1168 = arith.constant 1 : i32
      %dma_start3A_1169 = arith.constant 0 : i32
      %dma_start3A_1170 = tpu.memref_slice %arg10[%dma_start3A_1168, %dma_start3A_1169] : memref<16x64xf32, #tpu.memory_space<vmem>> -> memref<1x64xf32, #tpu.memory_space<vmem>>
      %dma_start3A_1171 = arith.constant 0 : i32
      %dma_start3A_1172 = tpu.memref_slice %arg3[%squeeze3A_1162, %dma_start3A_1171] : memref<1000000x64xf32, #tpu.memory_space<hbm>> -> memref<1x64xf32, #tpu.memory_space<hbm>>
      tpu.enqueue_dma source(%dma_start3A_1172 : memref<1x64xf32, #tpu.memory_space<hbm>>) target(%dma_start3A_1170 : memref<1x64xf32, #tpu.memory_space<vmem>>) target_semaphore(%arg14 : memref<!tpu.dma_semaphore, #tpu.memory_space<semaphore_mem>>)
      %slice3A_1173 = vector.extract_strided_slice %get3A_1136 {offsets = [1], sizes = [1], strides = [1]} : vector<16xi32> to vector<1xi32>
      %squeeze3A_1174 = vector.extract %slice3A_1173[0] : i32 from vector<1xi32>
      %dma_start3A_1175 = arith.constant 1 : i32
      %dma_start3A_1176 = arith.constant 0 : i32
      %dma_start3A_1177 = tpu.memref_slice %arg11[%dma_start3A_1175, %dma_start3A_1176] : memref<16x64xf32, #tpu.memory_space<vmem>> -> memref<1x64xf32, #tpu.memory_space<vmem>>
      %dma_start3A_1178 = arith.constant 0 : i32
      %dma_start3A_1179 = tpu.memref_slice %arg4[%squeeze3A_1174, %dma_start3A_1178] : memref<1000000x64xf32, #tpu.memory_space<hbm>> -> memref<1x64xf32, #tpu.memory_space<hbm>>
      %dma_start3A_1180 = arith.constant 1 : i32
      %dma_start3A_1181 = arith.constant 0 : i32
      %dma_start3A_1182 = tpu.memref_slice %arg11[%dma_start3A_1180, %dma_start3A_1181] : memref<16x64xf32, #tpu.memory_space<vmem>> -> memref<1x64xf32, #tpu.memory_space<vmem>>
      %dma_start3A_1183 = arith.constant 0 : i32
      %dma_start3A_1184 = tpu.memref_slice %arg4[%squeeze3A_1174, %dma_start3A_1183] : memref<1000000x64xf32, #tpu.memory_space<hbm>> -> memref<1x64xf32, #tpu.memory_space<hbm>>
      tpu.enqueue_dma source(%dma_start3A_1184 : memref<1x64xf32, #tpu.memory_space<hbm>>) target(%dma_start3A_1182 : memref<1x64xf32, #tpu.memory_space<vmem>>) target_semaphore(%arg15 : memref<!tpu.dma_semaphore, #tpu.memory_space<semaphore_mem>>)
      %slice3A_1185 = vector.extract_strided_slice %get3A_1136 {offsets = [2], sizes = [1], strides = [1]} : vector<16xi32> to vector<1xi32>
      %squeeze3A_1186 = vector.extract %slice3A_1185[0] : i32 from vector<1xi32>
      %dma_start3A_1187 = arith.constant 2 : i32
      %dma_start3A_1188 = arith.constant 0 : i32
      %dma_start3A_1189 = tpu.memref_slice %arg10[%dma_start3A_1187, %dma_start3A_1188] : memref<16x64xf32, #tpu.memory_space<vmem>> -> memref<1x64xf32, #tpu.memory_space<vmem>>
      %dma_start3A_1190 = arith.constant 0 : i32
      %dma_start3A_1191 = tpu.memref_slice %arg3[%squeeze3A_1186, %dma_start3A_1190] : memref<1000000x64xf32, #tpu.memory_space<hbm>> -> memref<1x64xf32, #tpu.memory_space<hbm>>
      %dma_start3A_1192 = arith.constant 2 : i32
      %dma_start3A_1193 = arith.constant 0 : i32
      %dma_start3A_1194 = tpu.memref_slice %arg10[%dma_start3A_1192, %dma_start3A_1193] : memref<16x64xf32, #tpu.memory_space<vmem>> -> memref<1x64xf32, #tpu.memory_space<vmem>>
      %dma_start3A_1195 = arith.constant 0 : i32
      %dma_start3A_1196 = tpu.memref_slice %arg3[%squeeze3A_1186, %dma_start3A_1195] : memref<1000000x64xf32, #tpu.memory_space<hbm>> -> memref<1x64xf32, #tpu.memory_space<hbm>>
      tpu.enqueue_dma source(%dma_start3A_1196 : memref<1x64xf32, #tpu.memory_space<hbm>>) target(%dma_start3A_1194 : memref<1x64xf32, #tpu.memory_space<vmem>>) target_semaphore(%arg14 : memref<!tpu.dma_semaphore, #tpu.memory_space<semaphore_mem>>)
      %slice3A_1197 = vector.extract_strided_slice %get3A_1136 {offsets = [2], sizes = [1], strides = [1]} : vector<16xi32> to vector<1xi32>
      %squeeze3A_1198 = vector.extract %slice3A_1197[0] : i32 from vector<1xi32>
      %dma_start3A_1199 = arith.constant 2 : i32
      %dma_start3A_1200 = arith.constant 0 : i32
      %dma_start3A_1201 = tpu.memref_slice %arg11[%dma_start3A_1199, %dma_start3A_1200] : memref<16x64xf32, #tpu.memory_space<vmem>> -> memref<1x64xf32, #tpu.memory_space<vmem>>
      %dma_start3A_1202 = arith.constant 0 : i32
      %dma_start3A_1203 = tpu.memref_slice %arg4[%squeeze3A_1198, %dma_start3A_1202] : memref<1000000x64xf32, #tpu.memory_space<hbm>> -> memref<1x64xf32, #tpu.memory_space<hbm>>
      %dma_start3A_1204 = arith.constant 2 : i32
      %dma_start3A_1205 = arith.constant 0 : i32
      %dma_start3A_1206 = tpu.memref_slice %arg11[%dma_start3A_1204, %dma_start3A_1205] : memref<16x64xf32, #tpu.memory_space<vmem>> -> memref<1x64xf32, #tpu.memory_space<vmem>>
      %dma_start3A_1207 = arith.constant 0 : i32
      %dma_start3A_1208 = tpu.memref_slice %arg4[%squeeze3A_1198, %dma_start3A_1207] : memref<1000000x64xf32, #tpu.memory_space<hbm>> -> memref<1x64xf32, #tpu.memory_space<hbm>>
      tpu.enqueue_dma source(%dma_start3A_1208 : memref<1x64xf32, #tpu.memory_space<hbm>>) target(%dma_start3A_1206 : memref<1x64xf32, #tpu.memory_space<vmem>>) target_semaphore(%arg15 : memref<!tpu.dma_semaphore, #tpu.memory_space<semaphore_mem>>)
      %slice3A_1209 = vector.extract_strided_slice %get3A_1136 {offsets = [3], sizes = [1], strides = [1]} : vector<16xi32> to vector<1xi32>
      %squeeze3A_1210 = vector.extract %slice3A_1209[0] : i32 from vector<1xi32>
      %dma_start3A_1211 = arith.constant 3 : i32
      %dma_start3A_1212 = arith.constant 0 : i32
      %dma_start3A_1213 = tpu.memref_slice %arg10[%dma_start3A_1211, %dma_start3A_1212] : memref<16x64xf32, #tpu.memory_space<vmem>> -> memref<1x64xf32, #tpu.memory_space<vmem>>
      %dma_start3A_1214 = arith.constant 0 : i32
      %dma_start3A_1215 = tpu.memref_slice %arg3[%squeeze3A_1210, %dma_start3A_1214] : memref<1000000x64xf32, #tpu.memory_space<hbm>> -> memref<1x64xf32, #tpu.memory_space<hbm>>
      %dma_start3A_1216 = arith.constant 3 : i32
      %dma_start3A_1217 = arith.constant 0 : i32
      %dma_start3A_1218 = tpu.memref_slice %arg10[%dma_start3A_1216, %dma_start3A_1217] : memref<16x64xf32, #tpu.memory_space<vmem>> -> memref<1x64xf32, #tpu.memory_space<vmem>>
      %dma_start3A_1219 = arith.constant 0 : i32
      %dma_start3A_1220 = tpu.memref_slice %arg3[%squeeze3A_1210, %dma_start3A_1219] : memref<1000000x64xf32, #tpu.memory_space<hbm>> -> memref<1x64xf32, #tpu.memory_space<hbm>>
      tpu.enqueue_dma source(%dma_start3A_1220 : memref<1x64xf32, #tpu.memory_space<hbm>>) target(%dma_start3A_1218 : memref<1x64xf32, #tpu.memory_space<vmem>>) target_semaphore(%arg14 : memref<!tpu.dma_semaphore, #tpu.memory_space<semaphore_mem>>)
      %slice3A_1221 = vector.extract_strided_slice %get3A_1136 {offsets = [3], sizes = [1], strides = [1]} : vector<16xi32> to vector<1xi32>
      %squeeze3A_1222 = vector.extract %slice3A_1221[0] : i32 from vector<1xi32>
      %dma_start3A_1223 = arith.constant 3 : i32
      %dma_start3A_1224 = arith.constant 0 : i32
      %dma_start3A_1225 = tpu.memref_slice %arg11[%dma_start3A_1223, %dma_start3A_1224] : memref<16x64xf32, #tpu.memory_space<vmem>> -> memref<1x64xf32, #tpu.memory_space<vmem>>
      %dma_start3A_1226 = arith.constant 0 : i32
      %dma_start3A_1227 = tpu.memref_slice %arg4[%squeeze3A_1222, %dma_start3A_1226] : memref<1000000x64xf32, #tpu.memory_space<hbm>> -> memref<1x64xf32, #tpu.memory_space<hbm>>
      %dma_start3A_1228 = arith.constant 3 : i32
      %dma_start3A_1229 = arith.constant 0 : i32
      %dma_start3A_1230 = tpu.memref_slice %arg11[%dma_start3A_1228, %dma_start3A_1229] : memref<16x64xf32, #tpu.memory_space<vmem>> -> memref<1x64xf32, #tpu.memory_space<vmem>>
      %dma_start3A_1231 = arith.constant 0 : i32
      %dma_start3A_1232 = tpu.memref_slice %arg4[%squeeze3A_1222, %dma_start3A_1231] : memref<1000000x64xf32, #tpu.memory_space<hbm>> -> memref<1x64xf32, #tpu.memory_space<hbm>>
      tpu.enqueue_dma source(%dma_start3A_1232 : memref<1x64xf32, #tpu.memory_space<hbm>>) target(%dma_start3A_1230 : memref<1x64xf32, #tpu.memory_space<vmem>>) target_semaphore(%arg15 : memref<!tpu.dma_semaphore, #tpu.memory_space<semaphore_mem>>)
      %slice3A_1233 = vector.extract_strided_slice %get3A_1136 {offsets = [4], sizes = [1], strides = [1]} : vector<16xi32> to vector<1xi32>
      %squeeze3A_1234 = vector.extract %slice3A_1233[0] : i32 from vector<1xi32>
      %dma_start3A_1235 = arith.constant 4 : i32
      %dma_start3A_1236 = arith.constant 0 : i32
      %dma_start3A_1237 = tpu.memref_slice %arg10[%dma_start3A_1235, %dma_start3A_1236] : memref<16x64xf32, #tpu.memory_space<vmem>> -> memref<1x64xf32, #tpu.memory_space<vmem>>
      %dma_start3A_1238 = arith.constant 0 : i32
      %dma_start3A_1239 = tpu.memref_slice %arg3[%squeeze3A_1234, %dma_start3A_1238] : memref<1000000x64xf32, #tpu.memory_space<hbm>> -> memref<1x64xf32, #tpu.memory_space<hbm>>
      %dma_start3A_1240 = arith.constant 4 : i32
      %dma_start3A_1241 = arith.constant 0 : i32
      %dma_start3A_1242 = tpu.memref_slice %arg10[%dma_start3A_1240, %dma_start3A_1241] : memref<16x64xf32, #tpu.memory_space<vmem>> -> memref<1x64xf32, #tpu.memory_space<vmem>>
      %dma_start3A_1243 = arith.constant 0 : i32
      %dma_start3A_1244 = tpu.memref_slice %arg3[%squeeze3A_1234, %dma_start3A_1243] : memref<1000000x64xf32, #tpu.memory_space<hbm>> -> memref<1x64xf32, #tpu.memory_space<hbm>>
      tpu.enqueue_dma source(%dma_start3A_1244 : memref<1x64xf32, #tpu.memory_space<hbm>>) target(%dma_start3A_1242 : memref<1x64xf32, #tpu.memory_space<vmem>>) target_semaphore(%arg14 : memref<!tpu.dma_semaphore, #tpu.memory_space<semaphore_mem>>)
      %slice3A_1245 = vector.extract_strided_slice %get3A_1136 {offsets = [4], sizes = [1], strides = [1]} : vector<16xi32> to vector<1xi32>
      %squeeze3A_1246 = vector.extract %slice3A_1245[0] : i32 from vector<1xi32>
      %dma_start3A_1247 = arith.constant 4 : i32
      %dma_start3A_1248 = arith.constant 0 : i32
      %dma_start3A_1249 = tpu.memref_slice %arg11[%dma_start3A_1247, %dma_start3A_1248] : memref<16x64xf32, #tpu.memory_space<vmem>> -> memref<1x64xf32, #tpu.memory_space<vmem>>
      %dma_start3A_1250 = arith.constant 0 : i32
      %dma_start3A_1251 = tpu.memref_slice %arg4[%squeeze3A_1246, %dma_start3A_1250] : memref<1000000x64xf32, #tpu.memory_space<hbm>> -> memref<1x64xf32, #tpu.memory_space<hbm>>
      %dma_start3A_1252 = arith.constant 4 : i32
      %dma_start3A_1253 = arith.constant 0 : i32
      %dma_start3A_1254 = tpu.memref_slice %arg11[%dma_start3A_1252, %dma_start3A_1253] : memref<16x64xf32, #tpu.memory_space<vmem>> -> memref<1x64xf32, #tpu.memory_space<vmem>>
      %dma_start3A_1255 = arith.constant 0 : i32
      %dma_start3A_1256 = tpu.memref_slice %arg4[%squeeze3A_1246, %dma_start3A_1255] : memref<1000000x64xf32, #tpu.memory_space<hbm>> -> memref<1x64xf32, #tpu.memory_space<hbm>>
      tpu.enqueue_dma source(%dma_start3A_1256 : memref<1x64xf32, #tpu.memory_space<hbm>>) target(%dma_start3A_1254 : memref<1x64xf32, #tpu.memory_space<vmem>>) target_semaphore(%arg15 : memref<!tpu.dma_semaphore, #tpu.memory_space<semaphore_mem>>)
      %slice3A_1257 = vector.extract_strided_slice %get3A_1136 {offsets = [5], sizes = [1], strides = [1]} : vector<16xi32> to vector<1xi32>
      %squeeze3A_1258 = vector.extract %slice3A_1257[0] : i32 from vector<1xi32>
      %dma_start3A_1259 = arith.constant 5 : i32
      %dma_start3A_1260 = arith.constant 0 : i32
      %dma_start3A_1261 = tpu.memref_slice %arg10[%dma_start3A_1259, %dma_start3A_1260] : memref<16x64xf32, #tpu.memory_space<vmem>> -> memref<1x64xf32, #tpu.memory_space<vmem>>
      %dma_start3A_1262 = arith.constant 0 : i32
      %dma_start3A_1263 = tpu.memref_slice %arg3[%squeeze3A_1258, %dma_start3A_1262] : memref<1000000x64xf32, #tpu.memory_space<hbm>> -> memref<1x64xf32, #tpu.memory_space<hbm>>
      %dma_start3A_1264 = arith.constant 5 : i32
      %dma_start3A_1265 = arith.constant 0 : i32
      %dma_start3A_1266 = tpu.memref_slice %arg10[%dma_start3A_1264, %dma_start3A_1265] : memref<16x64xf32, #tpu.memory_space<vmem>> -> memref<1x64xf32, #tpu.memory_space<vmem>>
      %dma_start3A_1267 = arith.constant 0 : i32
      %dma_start3A_1268 = tpu.memref_slice %arg3[%squeeze3A_1258, %dma_start3A_1267] : memref<1000000x64xf32, #tpu.memory_space<hbm>> -> memref<1x64xf32, #tpu.memory_space<hbm>>
      tpu.enqueue_dma source(%dma_start3A_1268 : memref<1x64xf32, #tpu.memory_space<hbm>>) target(%dma_start3A_1266 : memref<1x64xf32, #tpu.memory_space<vmem>>) target_semaphore(%arg14 : memref<!tpu.dma_semaphore, #tpu.memory_space<semaphore_mem>>)
      %slice3A_1269 = vector.extract_strided_slice %get3A_1136 {offsets = [5], sizes = [1], strides = [1]} : vector<16xi32> to vector<1xi32>
      %squeeze3A_1270 = vector.extract %slice3A_1269[0] : i32 from vector<1xi32>
      %dma_start3A_1271 = arith.constant 5 : i32
      %dma_start3A_1272 = arith.constant 0 : i32
      %dma_start3A_1273 = tpu.memref_slice %arg11[%dma_start3A_1271, %dma_start3A_1272] : memref<16x64xf32, #tpu.memory_space<vmem>> -> memref<1x64xf32, #tpu.memory_space<vmem>>
      %dma_start3A_1274 = arith.constant 0 : i32
      %dma_start3A_1275 = tpu.memref_slice %arg4[%squeeze3A_1270, %dma_start3A_1274] : memref<1000000x64xf32, #tpu.memory_space<hbm>> -> memref<1x64xf32, #tpu.memory_space<hbm>>
      %dma_start3A_1276 = arith.constant 5 : i32
      %dma_start3A_1277 = arith.constant 0 : i32
      %dma_start3A_1278 = tpu.memref_slice %arg11[%dma_start3A_1276, %dma_start3A_1277] : memref<16x64xf32, #tpu.memory_space<vmem>> -> memref<1x64xf32, #tpu.memory_space<vmem>>
      %dma_start3A_1279 = arith.constant 0 : i32
      %dma_start3A_1280 = tpu.memref_slice %arg4[%squeeze3A_1270, %dma_start3A_1279] : memref<1000000x64xf32, #tpu.memory_space<hbm>> -> memref<1x64xf32, #tpu.memory_space<hbm>>
      tpu.enqueue_dma source(%dma_start3A_1280 : memref<1x64xf32, #tpu.memory_space<hbm>>) target(%dma_start3A_1278 : memref<1x64xf32, #tpu.memory_space<vmem>>) target_semaphore(%arg15 : memref<!tpu.dma_semaphore, #tpu.memory_space<semaphore_mem>>)
      %slice3A_1281 = vector.extract_strided_slice %get3A_1136 {offsets = [6], sizes = [1], strides = [1]} : vector<16xi32> to vector<1xi32>
      %squeeze3A_1282 = vector.extract %slice3A_1281[0] : i32 from vector<1xi32>
      %dma_start3A_1283 = arith.constant 6 : i32
      %dma_start3A_1284 = arith.constant 0 : i32
      %dma_start3A_1285 = tpu.memref_slice %arg10[%dma_start3A_1283, %dma_start3A_1284] : memref<16x64xf32, #tpu.memory_space<vmem>> -> memref<1x64xf32, #tpu.memory_space<vmem>>
      %dma_start3A_1286 = arith.constant 0 : i32
      %dma_start3A_1287 = tpu.memref_slice %arg3[%squeeze3A_1282, %dma_start3A_1286] : memref<1000000x64xf32, #tpu.memory_space<hbm>> -> memref<1x64xf32, #tpu.memory_space<hbm>>
      %dma_start3A_1288 = arith.constant 6 : i32
      %dma_start3A_1289 = arith.constant 0 : i32
      %dma_start3A_1290 = tpu.memref_slice %arg10[%dma_start3A_1288, %dma_start3A_1289] : memref<16x64xf32, #tpu.memory_space<vmem>> -> memref<1x64xf32, #tpu.memory_space<vmem>>
      %dma_start3A_1291 = arith.constant 0 : i32
      %dma_start3A_1292 = tpu.memref_slice %arg3[%squeeze3A_1282, %dma_start3A_1291] : memref<1000000x64xf32, #tpu.memory_space<hbm>> -> memref<1x64xf32, #tpu.memory_space<hbm>>
      tpu.enqueue_dma source(%dma_start3A_1292 : memref<1x64xf32, #tpu.memory_space<hbm>>) target(%dma_start3A_1290 : memref<1x64xf32, #tpu.memory_space<vmem>>) target_semaphore(%arg14 : memref<!tpu.dma_semaphore, #tpu.memory_space<semaphore_mem>>)
      %slice3A_1293 = vector.extract_strided_slice %get3A_1136 {offsets = [6], sizes = [1], strides = [1]} : vector<16xi32> to vector<1xi32>
      %squeeze3A_1294 = vector.extract %slice3A_1293[0] : i32 from vector<1xi32>
      %dma_start3A_1295 = arith.constant 6 : i32
      %dma_start3A_1296 = arith.constant 0 : i32
      %dma_start3A_1297 = tpu.memref_slice %arg11[%dma_start3A_1295, %dma_start3A_1296] : memref<16x64xf32, #tpu.memory_space<vmem>> -> memref<1x64xf32, #tpu.memory_space<vmem>>
      %dma_start3A_1298 = arith.constant 0 : i32
      %dma_start3A_1299 = tpu.memref_slice %arg4[%squeeze3A_1294, %dma_start3A_1298] : memref<1000000x64xf32, #tpu.memory_space<hbm>> -> memref<1x64xf32, #tpu.memory_space<hbm>>
      %dma_start3A_1300 = arith.constant 6 : i32
      %dma_start3A_1301 = arith.constant 0 : i32
      %dma_start3A_1302 = tpu.memref_slice %arg11[%dma_start3A_1300, %dma_start3A_1301] : memref<16x64xf32, #tpu.memory_space<vmem>> -> memref<1x64xf32, #tpu.memory_space<vmem>>
      %dma_start3A_1303 = arith.constant 0 : i32
      %dma_start3A_1304 = tpu.memref_slice %arg4[%squeeze3A_1294, %dma_start3A_1303] : memref<1000000x64xf32, #tpu.memory_space<hbm>> -> memref<1x64xf32, #tpu.memory_space<hbm>>
      tpu.enqueue_dma source(%dma_start3A_1304 : memref<1x64xf32, #tpu.memory_space<hbm>>) target(%dma_start3A_1302 : memref<1x64xf32, #tpu.memory_space<vmem>>) target_semaphore(%arg15 : memref<!tpu.dma_semaphore, #tpu.memory_space<semaphore_mem>>)
      %slice3A_1305 = vector.extract_strided_slice %get3A_1136 {offsets = [7], sizes = [1], strides = [1]} : vector<16xi32> to vector<1xi32>
      %squeeze3A_1306 = vector.extract %slice3A_1305[0] : i32 from vector<1xi32>
      %dma_start3A_1307 = arith.constant 7 : i32
      %dma_start3A_1308 = arith.constant 0 : i32
      %dma_start3A_1309 = tpu.memref_slice %arg10[%dma_start3A_1307, %dma_start3A_1308] : memref<16x64xf32, #tpu.memory_space<vmem>> -> memref<1x64xf32, #tpu.memory_space<vmem>>
      %dma_start3A_1310 = arith.constant 0 : i32
      %dma_start3A_1311 = tpu.memref_slice %arg3[%squeeze3A_1306, %dma_start3A_1310] : memref<1000000x64xf32, #tpu.memory_space<hbm>> -> memref<1x64xf32, #tpu.memory_space<hbm>>
      %dma_start3A_1312 = arith.constant 7 : i32
      %dma_start3A_1313 = arith.constant 0 : i32
      %dma_start3A_1314 = tpu.memref_slice %arg10[%dma_start3A_1312, %dma_start3A_1313] : memref<16x64xf32, #tpu.memory_space<vmem>> -> memref<1x64xf32, #tpu.memory_space<vmem>>
      %dma_start3A_1315 = arith.constant 0 : i32
      %dma_start3A_1316 = tpu.memref_slice %arg3[%squeeze3A_1306, %dma_start3A_1315] : memref<1000000x64xf32, #tpu.memory_space<hbm>> -> memref<1x64xf32, #tpu.memory_space<hbm>>
      tpu.enqueue_dma source(%dma_start3A_1316 : memref<1x64xf32, #tpu.memory_space<hbm>>) target(%dma_start3A_1314 : memref<1x64xf32, #tpu.memory_space<vmem>>) target_semaphore(%arg14 : memref<!tpu.dma_semaphore, #tpu.memory_space<semaphore_mem>>)
      %slice3A_1317 = vector.extract_strided_slice %get3A_1136 {offsets = [7], sizes = [1], strides = [1]} : vector<16xi32> to vector<1xi32>
      %squeeze3A_1318 = vector.extract %slice3A_1317[0] : i32 from vector<1xi32>
      %dma_start3A_1319 = arith.constant 7 : i32
      %dma_start3A_1320 = arith.constant 0 : i32
      %dma_start3A_1321 = tpu.memref_slice %arg11[%dma_start3A_1319, %dma_start3A_1320] : memref<16x64xf32, #tpu.memory_space<vmem>> -> memref<1x64xf32, #tpu.memory_space<vmem>>
      %dma_start3A_1322 = arith.constant 0 : i32
      %dma_start3A_1323 = tpu.memref_slice %arg4[%squeeze3A_1318, %dma_start3A_1322] : memref<1000000x64xf32, #tpu.memory_space<hbm>> -> memref<1x64xf32, #tpu.memory_space<hbm>>
      %dma_start3A_1324 = arith.constant 7 : i32
      %dma_start3A_1325 = arith.constant 0 : i32
      %dma_start3A_1326 = tpu.memref_slice %arg11[%dma_start3A_1324, %dma_start3A_1325] : memref<16x64xf32, #tpu.memory_space<vmem>> -> memref<1x64xf32, #tpu.memory_space<vmem>>
      %dma_start3A_1327 = arith.constant 0 : i32
      %dma_start3A_1328 = tpu.memref_slice %arg4[%squeeze3A_1318, %dma_start3A_1327] : memref<1000000x64xf32, #tpu.memory_space<hbm>> -> memref<1x64xf32, #tpu.memory_space<hbm>>
      tpu.enqueue_dma source(%dma_start3A_1328 : memref<1x64xf32, #tpu.memory_space<hbm>>) target(%dma_start3A_1326 : memref<1x64xf32, #tpu.memory_space<vmem>>) target_semaphore(%arg15 : memref<!tpu.dma_semaphore, #tpu.memory_space<semaphore_mem>>)
      %slice3A_1329 = vector.extract_strided_slice %get3A_1136 {offsets = [8], sizes = [1], strides = [1]} : vector<16xi32> to vector<1xi32>
      %squeeze3A_1330 = vector.extract %slice3A_1329[0] : i32 from vector<1xi32>
      %dma_start3A_1331 = arith.constant 8 : i32
      %dma_start3A_1332 = arith.constant 0 : i32
      %dma_start3A_1333 = tpu.memref_slice %arg10[%dma_start3A_1331, %dma_start3A_1332] : memref<16x64xf32, #tpu.memory_space<vmem>> -> memref<1x64xf32, #tpu.memory_space<vmem>>
      %dma_start3A_1334 = arith.constant 0 : i32
      %dma_start3A_1335 = tpu.memref_slice %arg3[%squeeze3A_1330, %dma_start3A_1334] : memref<1000000x64xf32, #tpu.memory_space<hbm>> -> memref<1x64xf32, #tpu.memory_space<hbm>>
      %dma_start3A_1336 = arith.constant 8 : i32
      %dma_start3A_1337 = arith.constant 0 : i32
      %dma_start3A_1338 = tpu.memref_slice %arg10[%dma_start3A_1336, %dma_start3A_1337] : memref<16x64xf32, #tpu.memory_space<vmem>> -> memref<1x64xf32, #tpu.memory_space<vmem>>
      %dma_start3A_1339 = arith.constant 0 : i32
      %dma_start3A_1340 = tpu.memref_slice %arg3[%squeeze3A_1330, %dma_start3A_1339] : memref<1000000x64xf32, #tpu.memory_space<hbm>> -> memref<1x64xf32, #tpu.memory_space<hbm>>
      tpu.enqueue_dma source(%dma_start3A_1340 : memref<1x64xf32, #tpu.memory_space<hbm>>) target(%dma_start3A_1338 : memref<1x64xf32, #tpu.memory_space<vmem>>) target_semaphore(%arg14 : memref<!tpu.dma_semaphore, #tpu.memory_space<semaphore_mem>>)
      %slice3A_1341 = vector.extract_strided_slice %get3A_1136 {offsets = [8], sizes = [1], strides = [1]} : vector<16xi32> to vector<1xi32>
      %squeeze3A_1342 = vector.extract %slice3A_1341[0] : i32 from vector<1xi32>
      %dma_start3A_1343 = arith.constant 8 : i32
      %dma_start3A_1344 = arith.constant 0 : i32
      %dma_start3A_1345 = tpu.memref_slice %arg11[%dma_start3A_1343, %dma_start3A_1344] : memref<16x64xf32, #tpu.memory_space<vmem>> -> memref<1x64xf32, #tpu.memory_space<vmem>>
      %dma_start3A_1346 = arith.constant 0 : i32
      %dma_start3A_1347 = tpu.memref_slice %arg4[%squeeze3A_1342, %dma_start3A_1346] : memref<1000000x64xf32, #tpu.memory_space<hbm>> -> memref<1x64xf32, #tpu.memory_space<hbm>>
      %dma_start3A_1348 = arith.constant 8 : i32
      %dma_start3A_1349 = arith.constant 0 : i32
      %dma_start3A_1350 = tpu.memref_slice %arg11[%dma_start3A_1348, %dma_start3A_1349] : memref<16x64xf32, #tpu.memory_space<vmem>> -> memref<1x64xf32, #tpu.memory_space<vmem>>
      %dma_start3A_1351 = arith.constant 0 : i32
      %dma_start3A_1352 = tpu.memref_slice %arg4[%squeeze3A_1342, %dma_start3A_1351] : memref<1000000x64xf32, #tpu.memory_space<hbm>> -> memref<1x64xf32, #tpu.memory_space<hbm>>
      tpu.enqueue_dma source(%dma_start3A_1352 : memref<1x64xf32, #tpu.memory_space<hbm>>) target(%dma_start3A_1350 : memref<1x64xf32, #tpu.memory_space<vmem>>) target_semaphore(%arg15 : memref<!tpu.dma_semaphore, #tpu.memory_space<semaphore_mem>>)
      %slice3A_1353 = vector.extract_strided_slice %get3A_1136 {offsets = [9], sizes = [1], strides = [1]} : vector<16xi32> to vector<1xi32>
      %squeeze3A_1354 = vector.extract %slice3A_1353[0] : i32 from vector<1xi32>
      %dma_start3A_1355 = arith.constant 9 : i32
      %dma_start3A_1356 = arith.constant 0 : i32
      %dma_start3A_1357 = tpu.memref_slice %arg10[%dma_start3A_1355, %dma_start3A_1356] : memref<16x64xf32, #tpu.memory_space<vmem>> -> memref<1x64xf32, #tpu.memory_space<vmem>>
      %dma_start3A_1358 = arith.constant 0 : i32
      %dma_start3A_1359 = tpu.memref_slice %arg3[%squeeze3A_1354, %dma_start3A_1358] : memref<1000000x64xf32, #tpu.memory_space<hbm>> -> memref<1x64xf32, #tpu.memory_space<hbm>>
      %dma_start3A_1360 = arith.constant 9 : i32
      %dma_start3A_1361 = arith.constant 0 : i32
      %dma_start3A_1362 = tpu.memref_slice %arg10[%dma_start3A_1360, %dma_start3A_1361] : memref<16x64xf32, #tpu.memory_space<vmem>> -> memref<1x64xf32, #tpu.memory_space<vmem>>
      %dma_start3A_1363 = arith.constant 0 : i32
      %dma_start3A_1364 = tpu.memref_slice %arg3[%squeeze3A_1354, %dma_start3A_1363] : memref<1000000x64xf32, #tpu.memory_space<hbm>> -> memref<1x64xf32, #tpu.memory_space<hbm>>
      tpu.enqueue_dma source(%dma_start3A_1364 : memref<1x64xf32, #tpu.memory_space<hbm>>) target(%dma_start3A_1362 : memref<1x64xf32, #tpu.memory_space<vmem>>) target_semaphore(%arg14 : memref<!tpu.dma_semaphore, #tpu.memory_space<semaphore_mem>>)
      %slice3A_1365 = vector.extract_strided_slice %get3A_1136 {offsets = [9], sizes = [1], strides = [1]} : vector<16xi32> to vector<1xi32>
      %squeeze3A_1366 = vector.extract %slice3A_1365[0] : i32 from vector<1xi32>
      %dma_start3A_1367 = arith.constant 9 : i32
      %dma_start3A_1368 = arith.constant 0 : i32
      %dma_start3A_1369 = tpu.memref_slice %arg11[%dma_start3A_1367, %dma_start3A_1368] : memref<16x64xf32, #tpu.memory_space<vmem>> -> memref<1x64xf32, #tpu.memory_space<vmem>>
      %dma_start3A_1370 = arith.constant 0 : i32
      %dma_start3A_1371 = tpu.memref_slice %arg4[%squeeze3A_1366, %dma_start3A_1370] : memref<1000000x64xf32, #tpu.memory_space<hbm>> -> memref<1x64xf32, #tpu.memory_space<hbm>>
      %dma_start3A_1372 = arith.constant 9 : i32
      %dma_start3A_1373 = arith.constant 0 : i32
      %dma_start3A_1374 = tpu.memref_slice %arg11[%dma_start3A_1372, %dma_start3A_1373] : memref<16x64xf32, #tpu.memory_space<vmem>> -> memref<1x64xf32, #tpu.memory_space<vmem>>
      %dma_start3A_1375 = arith.constant 0 : i32
      %dma_start3A_1376 = tpu.memref_slice %arg4[%squeeze3A_1366, %dma_start3A_1375] : memref<1000000x64xf32, #tpu.memory_space<hbm>> -> memref<1x64xf32, #tpu.memory_space<hbm>>
      tpu.enqueue_dma source(%dma_start3A_1376 : memref<1x64xf32, #tpu.memory_space<hbm>>) target(%dma_start3A_1374 : memref<1x64xf32, #tpu.memory_space<vmem>>) target_semaphore(%arg15 : memref<!tpu.dma_semaphore, #tpu.memory_space<semaphore_mem>>)
      %slice3A_1377 = vector.extract_strided_slice %get3A_1136 {offsets = [10], sizes = [1], strides = [1]} : vector<16xi32> to vector<1xi32>
      %squeeze3A_1378 = vector.extract %slice3A_1377[0] : i32 from vector<1xi32>
      %dma_start3A_1379 = arith.constant 10 : i32
      %dma_start3A_1380 = arith.constant 0 : i32
      %dma_start3A_1381 = tpu.memref_slice %arg10[%dma_start3A_1379, %dma_start3A_1380] : memref<16x64xf32, #tpu.memory_space<vmem>> -> memref<1x64xf32, #tpu.memory_space<vmem>>
      %dma_start3A_1382 = arith.constant 0 : i32
      %dma_start3A_1383 = tpu.memref_slice %arg3[%squeeze3A_1378, %dma_start3A_1382] : memref<1000000x64xf32, #tpu.memory_space<hbm>> -> memref<1x64xf32, #tpu.memory_space<hbm>>
      %dma_start3A_1384 = arith.constant 10 : i32
      %dma_start3A_1385 = arith.constant 0 : i32
      %dma_start3A_1386 = tpu.memref_slice %arg10[%dma_start3A_1384, %dma_start3A_1385] : memref<16x64xf32, #tpu.memory_space<vmem>> -> memref<1x64xf32, #tpu.memory_space<vmem>>
      %dma_start3A_1387 = arith.constant 0 : i32
      %dma_start3A_1388 = tpu.memref_slice %arg3[%squeeze3A_1378, %dma_start3A_1387] : memref<1000000x64xf32, #tpu.memory_space<hbm>> -> memref<1x64xf32, #tpu.memory_space<hbm>>
      tpu.enqueue_dma source(%dma_start3A_1388 : memref<1x64xf32, #tpu.memory_space<hbm>>) target(%dma_start3A_1386 : memref<1x64xf32, #tpu.memory_space<vmem>>) target_semaphore(%arg14 : memref<!tpu.dma_semaphore, #tpu.memory_space<semaphore_mem>>)
      %slice3A_1389 = vector.extract_strided_slice %get3A_1136 {offsets = [10], sizes = [1], strides = [1]} : vector<16xi32> to vector<1xi32>
      %squeeze3A_1390 = vector.extract %slice3A_1389[0] : i32 from vector<1xi32>
      %dma_start3A_1391 = arith.constant 10 : i32
      %dma_start3A_1392 = arith.constant 0 : i32
      %dma_start3A_1393 = tpu.memref_slice %arg11[%dma_start3A_1391, %dma_start3A_1392] : memref<16x64xf32, #tpu.memory_space<vmem>> -> memref<1x64xf32, #tpu.memory_space<vmem>>
      %dma_start3A_1394 = arith.constant 0 : i32
      %dma_start3A_1395 = tpu.memref_slice %arg4[%squeeze3A_1390, %dma_start3A_1394] : memref<1000000x64xf32, #tpu.memory_space<hbm>> -> memref<1x64xf32, #tpu.memory_space<hbm>>
      %dma_start3A_1396 = arith.constant 10 : i32
      %dma_start3A_1397 = arith.constant 0 : i32
      %dma_start3A_1398 = tpu.memref_slice %arg11[%dma_start3A_1396, %dma_start3A_1397] : memref<16x64xf32, #tpu.memory_space<vmem>> -> memref<1x64xf32, #tpu.memory_space<vmem>>
      %dma_start3A_1399 = arith.constant 0 : i32
      %dma_start3A_1400 = tpu.memref_slice %arg4[%squeeze3A_1390, %dma_start3A_1399] : memref<1000000x64xf32, #tpu.memory_space<hbm>> -> memref<1x64xf32, #tpu.memory_space<hbm>>
      tpu.enqueue_dma source(%dma_start3A_1400 : memref<1x64xf32, #tpu.memory_space<hbm>>) target(%dma_start3A_1398 : memref<1x64xf32, #tpu.memory_space<vmem>>) target_semaphore(%arg15 : memref<!tpu.dma_semaphore, #tpu.memory_space<semaphore_mem>>)
      %slice3A_1401 = vector.extract_strided_slice %get3A_1136 {offsets = [11], sizes = [1], strides = [1]} : vector<16xi32> to vector<1xi32>
      %squeeze3A_1402 = vector.extract %slice3A_1401[0] : i32 from vector<1xi32>
      %dma_start3A_1403 = arith.constant 11 : i32
      %dma_start3A_1404 = arith.constant 0 : i32
      %dma_start3A_1405 = tpu.memref_slice %arg10[%dma_start3A_1403, %dma_start3A_1404] : memref<16x64xf32, #tpu.memory_space<vmem>> -> memref<1x64xf32, #tpu.memory_space<vmem>>
      %dma_start3A_1406 = arith.constant 0 : i32
      %dma_start3A_1407 = tpu.memref_slice %arg3[%squeeze3A_1402, %dma_start3A_1406] : memref<1000000x64xf32, #tpu.memory_space<hbm>> -> memref<1x64xf32, #tpu.memory_space<hbm>>
      %dma_start3A_1408 = arith.constant 11 : i32
      %dma_start3A_1409 = arith.constant 0 : i32
      %dma_start3A_1410 = tpu.memref_slice %arg10[%dma_start3A_1408, %dma_start3A_1409] : memref<16x64xf32, #tpu.memory_space<vmem>> -> memref<1x64xf32, #tpu.memory_space<vmem>>
      %dma_start3A_1411 = arith.constant 0 : i32
      %dma_start3A_1412 = tpu.memref_slice %arg3[%squeeze3A_1402, %dma_start3A_1411] : memref<1000000x64xf32, #tpu.memory_space<hbm>> -> memref<1x64xf32, #tpu.memory_space<hbm>>
      tpu.enqueue_dma source(%dma_start3A_1412 : memref<1x64xf32, #tpu.memory_space<hbm>>) target(%dma_start3A_1410 : memref<1x64xf32, #tpu.memory_space<vmem>>) target_semaphore(%arg14 : memref<!tpu.dma_semaphore, #tpu.memory_space<semaphore_mem>>)
      %slice3A_1413 = vector.extract_strided_slice %get3A_1136 {offsets = [11], sizes = [1], strides = [1]} : vector<16xi32> to vector<1xi32>
      %squeeze3A_1414 = vector.extract %slice3A_1413[0] : i32 from vector<1xi32>
      %dma_start3A_1415 = arith.constant 11 : i32
      %dma_start3A_1416 = arith.constant 0 : i32
      %dma_start3A_1417 = tpu.memref_slice %arg11[%dma_start3A_1415, %dma_start3A_1416] : memref<16x64xf32, #tpu.memory_space<vmem>> -> memref<1x64xf32, #tpu.memory_space<vmem>>
      %dma_start3A_1418 = arith.constant 0 : i32
      %dma_start3A_1419 = tpu.memref_slice %arg4[%squeeze3A_1414, %dma_start3A_1418] : memref<1000000x64xf32, #tpu.memory_space<hbm>> -> memref<1x64xf32, #tpu.memory_space<hbm>>
      %dma_start3A_1420 = arith.constant 11 : i32
      %dma_start3A_1421 = arith.constant 0 : i32
      %dma_start3A_1422 = tpu.memref_slice %arg11[%dma_start3A_1420, %dma_start3A_1421] : memref<16x64xf32, #tpu.memory_space<vmem>> -> memref<1x64xf32, #tpu.memory_space<vmem>>
      %dma_start3A_1423 = arith.constant 0 : i32
      %dma_start3A_1424 = tpu.memref_slice %arg4[%squeeze3A_1414, %dma_start3A_1423] : memref<1000000x64xf32, #tpu.memory_space<hbm>> -> memref<1x64xf32, #tpu.memory_space<hbm>>
      tpu.enqueue_dma source(%dma_start3A_1424 : memref<1x64xf32, #tpu.memory_space<hbm>>) target(%dma_start3A_1422 : memref<1x64xf32, #tpu.memory_space<vmem>>) target_semaphore(%arg15 : memref<!tpu.dma_semaphore, #tpu.memory_space<semaphore_mem>>)
      %slice3A_1425 = vector.extract_strided_slice %get3A_1136 {offsets = [12], sizes = [1], strides = [1]} : vector<16xi32> to vector<1xi32>
      %squeeze3A_1426 = vector.extract %slice3A_1425[0] : i32 from vector<1xi32>
      %dma_start3A_1427 = arith.constant 12 : i32
      %dma_start3A_1428 = arith.constant 0 : i32
      %dma_start3A_1429 = tpu.memref_slice %arg10[%dma_start3A_1427, %dma_start3A_1428] : memref<16x64xf32, #tpu.memory_space<vmem>> -> memref<1x64xf32, #tpu.memory_space<vmem>>
      %dma_start3A_1430 = arith.constant 0 : i32
      %dma_start3A_1431 = tpu.memref_slice %arg3[%squeeze3A_1426, %dma_start3A_1430] : memref<1000000x64xf32, #tpu.memory_space<hbm>> -> memref<1x64xf32, #tpu.memory_space<hbm>>
      %dma_start3A_1432 = arith.constant 12 : i32
      %dma_start3A_1433 = arith.constant 0 : i32
      %dma_start3A_1434 = tpu.memref_slice %arg10[%dma_start3A_1432, %dma_start3A_1433] : memref<16x64xf32, #tpu.memory_space<vmem>> -> memref<1x64xf32, #tpu.memory_space<vmem>>
      %dma_start3A_1435 = arith.constant 0 : i32
      %dma_start3A_1436 = tpu.memref_slice %arg3[%squeeze3A_1426, %dma_start3A_1435] : memref<1000000x64xf32, #tpu.memory_space<hbm>> -> memref<1x64xf32, #tpu.memory_space<hbm>>
      tpu.enqueue_dma source(%dma_start3A_1436 : memref<1x64xf32, #tpu.memory_space<hbm>>) target(%dma_start3A_1434 : memref<1x64xf32, #tpu.memory_space<vmem>>) target_semaphore(%arg14 : memref<!tpu.dma_semaphore, #tpu.memory_space<semaphore_mem>>)
      %slice3A_1437 = vector.extract_strided_slice %get3A_1136 {offsets = [12], sizes = [1], strides = [1]} : vector<16xi32> to vector<1xi32>
      %squeeze3A_1438 = vector.extract %slice3A_1437[0] : i32 from vector<1xi32>
      %dma_start3A_1439 = arith.constant 12 : i32
      %dma_start3A_1440 = arith.constant 0 : i32
      %dma_start3A_1441 = tpu.memref_slice %arg11[%dma_start3A_1439, %dma_start3A_1440] : memref<16x64xf32, #tpu.memory_space<vmem>> -> memref<1x64xf32, #tpu.memory_space<vmem>>
      %dma_start3A_1442 = arith.constant 0 : i32
      %dma_start3A_1443 = tpu.memref_slice %arg4[%squeeze3A_1438, %dma_start3A_1442] : memref<1000000x64xf32, #tpu.memory_space<hbm>> -> memref<1x64xf32, #tpu.memory_space<hbm>>
      %dma_start3A_1444 = arith.constant 12 : i32
      %dma_start3A_1445 = arith.constant 0 : i32
      %dma_start3A_1446 = tpu.memref_slice %arg11[%dma_start3A_1444, %dma_start3A_1445] : memref<16x64xf32, #tpu.memory_space<vmem>> -> memref<1x64xf32, #tpu.memory_space<vmem>>
      %dma_start3A_1447 = arith.constant 0 : i32
      %dma_start3A_1448 = tpu.memref_slice %arg4[%squeeze3A_1438, %dma_start3A_1447] : memref<1000000x64xf32, #tpu.memory_space<hbm>> -> memref<1x64xf32, #tpu.memory_space<hbm>>
      tpu.enqueue_dma source(%dma_start3A_1448 : memref<1x64xf32, #tpu.memory_space<hbm>>) target(%dma_start3A_1446 : memref<1x64xf32, #tpu.memory_space<vmem>>) target_semaphore(%arg15 : memref<!tpu.dma_semaphore, #tpu.memory_space<semaphore_mem>>)
      %slice3A_1449 = vector.extract_strided_slice %get3A_1136 {offsets = [13], sizes = [1], strides = [1]} : vector<16xi32> to vector<1xi32>
      %squeeze3A_1450 = vector.extract %slice3A_1449[0] : i32 from vector<1xi32>
      %dma_start3A_1451 = arith.constant 13 : i32
      %dma_start3A_1452 = arith.constant 0 : i32
      %dma_start3A_1453 = tpu.memref_slice %arg10[%dma_start3A_1451, %dma_start3A_1452] : memref<16x64xf32, #tpu.memory_space<vmem>> -> memref<1x64xf32, #tpu.memory_space<vmem>>
      %dma_start3A_1454 = arith.constant 0 : i32
      %dma_start3A_1455 = tpu.memref_slice %arg3[%squeeze3A_1450, %dma_start3A_1454] : memref<1000000x64xf32, #tpu.memory_space<hbm>> -> memref<1x64xf32, #tpu.memory_space<hbm>>
      %dma_start3A_1456 = arith.constant 13 : i32
      %dma_start3A_1457 = arith.constant 0 : i32
      %dma_start3A_1458 = tpu.memref_slice %arg10[%dma_start3A_1456, %dma_start3A_1457] : memref<16x64xf32, #tpu.memory_space<vmem>> -> memref<1x64xf32, #tpu.memory_space<vmem>>
      %dma_start3A_1459 = arith.constant 0 : i32
      %dma_start3A_1460 = tpu.memref_slice %arg3[%squeeze3A_1450, %dma_start3A_1459] : memref<1000000x64xf32, #tpu.memory_space<hbm>> -> memref<1x64xf32, #tpu.memory_space<hbm>>
      tpu.enqueue_dma source(%dma_start3A_1460 : memref<1x64xf32, #tpu.memory_space<hbm>>) target(%dma_start3A_1458 : memref<1x64xf32, #tpu.memory_space<vmem>>) target_semaphore(%arg14 : memref<!tpu.dma_semaphore, #tpu.memory_space<semaphore_mem>>)
      %slice3A_1461 = vector.extract_strided_slice %get3A_1136 {offsets = [13], sizes = [1], strides = [1]} : vector<16xi32> to vector<1xi32>
      %squeeze3A_1462 = vector.extract %slice3A_1461[0] : i32 from vector<1xi32>
      %dma_start3A_1463 = arith.constant 13 : i32
      %dma_start3A_1464 = arith.constant 0 : i32
      %dma_start3A_1465 = tpu.memref_slice %arg11[%dma_start3A_1463, %dma_start3A_1464] : memref<16x64xf32, #tpu.memory_space<vmem>> -> memref<1x64xf32, #tpu.memory_space<vmem>>
      %dma_start3A_1466 = arith.constant 0 : i32
      %dma_start3A_1467 = tpu.memref_slice %arg4[%squeeze3A_1462, %dma_start3A_1466] : memref<1000000x64xf32, #tpu.memory_space<hbm>> -> memref<1x64xf32, #tpu.memory_space<hbm>>
      %dma_start3A_1468 = arith.constant 13 : i32
      %dma_start3A_1469 = arith.constant 0 : i32
      %dma_start3A_1470 = tpu.memref_slice %arg11[%dma_start3A_1468, %dma_start3A_1469] : memref<16x64xf32, #tpu.memory_space<vmem>> -> memref<1x64xf32, #tpu.memory_space<vmem>>
      %dma_start3A_1471 = arith.constant 0 : i32
      %dma_start3A_1472 = tpu.memref_slice %arg4[%squeeze3A_1462, %dma_start3A_1471] : memref<1000000x64xf32, #tpu.memory_space<hbm>> -> memref<1x64xf32, #tpu.memory_space<hbm>>
      tpu.enqueue_dma source(%dma_start3A_1472 : memref<1x64xf32, #tpu.memory_space<hbm>>) target(%dma_start3A_1470 : memref<1x64xf32, #tpu.memory_space<vmem>>) target_semaphore(%arg15 : memref<!tpu.dma_semaphore, #tpu.memory_space<semaphore_mem>>)
      %slice3A_1473 = vector.extract_strided_slice %get3A_1136 {offsets = [14], sizes = [1], strides = [1]} : vector<16xi32> to vector<1xi32>
      %squeeze3A_1474 = vector.extract %slice3A_1473[0] : i32 from vector<1xi32>
      %dma_start3A_1475 = arith.constant 14 : i32
      %dma_start3A_1476 = arith.constant 0 : i32
      %dma_start3A_1477 = tpu.memref_slice %arg10[%dma_start3A_1475, %dma_start3A_1476] : memref<16x64xf32, #tpu.memory_space<vmem>> -> memref<1x64xf32, #tpu.memory_space<vmem>>
      %dma_start3A_1478 = arith.constant 0 : i32
      %dma_start3A_1479 = tpu.memref_slice %arg3[%squeeze3A_1474, %dma_start3A_1478] : memref<1000000x64xf32, #tpu.memory_space<hbm>> -> memref<1x64xf32, #tpu.memory_space<hbm>>
      %dma_start3A_1480 = arith.constant 14 : i32
      %dma_start3A_1481 = arith.constant 0 : i32
      %dma_start3A_1482 = tpu.memref_slice %arg10[%dma_start3A_1480, %dma_start3A_1481] : memref<16x64xf32, #tpu.memory_space<vmem>> -> memref<1x64xf32, #tpu.memory_space<vmem>>
      %dma_start3A_1483 = arith.constant 0 : i32
      %dma_start3A_1484 = tpu.memref_slice %arg3[%squeeze3A_1474, %dma_start3A_1483] : memref<1000000x64xf32, #tpu.memory_space<hbm>> -> memref<1x64xf32, #tpu.memory_space<hbm>>
      tpu.enqueue_dma source(%dma_start3A_1484 : memref<1x64xf32, #tpu.memory_space<hbm>>) target(%dma_start3A_1482 : memref<1x64xf32, #tpu.memory_space<vmem>>) target_semaphore(%arg14 : memref<!tpu.dma_semaphore, #tpu.memory_space<semaphore_mem>>)
      %slice3A_1485 = vector.extract_strided_slice %get3A_1136 {offsets = [14], sizes = [1], strides = [1]} : vector<16xi32> to vector<1xi32>
      %squeeze3A_1486 = vector.extract %slice3A_1485[0] : i32 from vector<1xi32>
      %dma_start3A_1487 = arith.constant 14 : i32
      %dma_start3A_1488 = arith.constant 0 : i32
      %dma_start3A_1489 = tpu.memref_slice %arg11[%dma_start3A_1487, %dma_start3A_1488] : memref<16x64xf32, #tpu.memory_space<vmem>> -> memref<1x64xf32, #tpu.memory_space<vmem>>
      %dma_start3A_1490 = arith.constant 0 : i32
      %dma_start3A_1491 = tpu.memref_slice %arg4[%squeeze3A_1486, %dma_start3A_1490] : memref<1000000x64xf32, #tpu.memory_space<hbm>> -> memref<1x64xf32, #tpu.memory_space<hbm>>
      %dma_start3A_1492 = arith.constant 14 : i32
      %dma_start3A_1493 = arith.constant 0 : i32
      %dma_start3A_1494 = tpu.memref_slice %arg11[%dma_start3A_1492, %dma_start3A_1493] : memref<16x64xf32, #tpu.memory_space<vmem>> -> memref<1x64xf32, #tpu.memory_space<vmem>>
      %dma_start3A_1495 = arith.constant 0 : i32
      %dma_start3A_1496 = tpu.memref_slice %arg4[%squeeze3A_1486, %dma_start3A_1495] : memref<1000000x64xf32, #tpu.memory_space<hbm>> -> memref<1x64xf32, #tpu.memory_space<hbm>>
      tpu.enqueue_dma source(%dma_start3A_1496 : memref<1x64xf32, #tpu.memory_space<hbm>>) target(%dma_start3A_1494 : memref<1x64xf32, #tpu.memory_space<vmem>>) target_semaphore(%arg15 : memref<!tpu.dma_semaphore, #tpu.memory_space<semaphore_mem>>)
      %slice3A_1497 = vector.extract_strided_slice %get3A_1136 {offsets = [15], sizes = [1], strides = [1]} : vector<16xi32> to vector<1xi32>
      %squeeze3A_1498 = vector.extract %slice3A_1497[0] : i32 from vector<1xi32>
      %dma_start3A_1499 = arith.constant 15 : i32
      %dma_start3A_1500 = arith.constant 0 : i32
      %dma_start3A_1501 = tpu.memref_slice %arg10[%dma_start3A_1499, %dma_start3A_1500] : memref<16x64xf32, #tpu.memory_space<vmem>> -> memref<1x64xf32, #tpu.memory_space<vmem>>
      %dma_start3A_1502 = arith.constant 0 : i32
      %dma_start3A_1503 = tpu.memref_slice %arg3[%squeeze3A_1498, %dma_start3A_1502] : memref<1000000x64xf32, #tpu.memory_space<hbm>> -> memref<1x64xf32, #tpu.memory_space<hbm>>
      %dma_start3A_1504 = arith.constant 15 : i32
      %dma_start3A_1505 = arith.constant 0 : i32
      %dma_start3A_1506 = tpu.memref_slice %arg10[%dma_start3A_1504, %dma_start3A_1505] : memref<16x64xf32, #tpu.memory_space<vmem>> -> memref<1x64xf32, #tpu.memory_space<vmem>>
      %dma_start3A_1507 = arith.constant 0 : i32
      %dma_start3A_1508 = tpu.memref_slice %arg3[%squeeze3A_1498, %dma_start3A_1507] : memref<1000000x64xf32, #tpu.memory_space<hbm>> -> memref<1x64xf32, #tpu.memory_space<hbm>>
      tpu.enqueue_dma source(%dma_start3A_1508 : memref<1x64xf32, #tpu.memory_space<hbm>>) target(%dma_start3A_1506 : memref<1x64xf32, #tpu.memory_space<vmem>>) target_semaphore(%arg14 : memref<!tpu.dma_semaphore, #tpu.memory_space<semaphore_mem>>)
      %slice3A_1509 = vector.extract_strided_slice %get3A_1136 {offsets = [15], sizes = [1], strides = [1]} : vector<16xi32> to vector<1xi32>
      %squeeze3A_1510 = vector.extract %slice3A_1509[0] : i32 from vector<1xi32>
      %dma_start3A_1511 = arith.constant 15 : i32
      %dma_start3A_1512 = arith.constant 0 : i32
      %dma_start3A_1513 = tpu.memref_slice %arg11[%dma_start3A_1511, %dma_start3A_1512] : memref<16x64xf32, #tpu.memory_space<vmem>> -> memref<1x64xf32, #tpu.memory_space<vmem>>
      %dma_start3A_1514 = arith.constant 0 : i32
      %dma_start3A_1515 = tpu.memref_slice %arg4[%squeeze3A_1510, %dma_start3A_1514] : memref<1000000x64xf32, #tpu.memory_space<hbm>> -> memref<1x64xf32, #tpu.memory_space<hbm>>
      %dma_start3A_1516 = arith.constant 15 : i32
      %dma_start3A_1517 = arith.constant 0 : i32
      %dma_start3A_1518 = tpu.memref_slice %arg11[%dma_start3A_1516, %dma_start3A_1517] : memref<16x64xf32, #tpu.memory_space<vmem>> -> memref<1x64xf32, #tpu.memory_space<vmem>>
      %dma_start3A_1519 = arith.constant 0 : i32
      %dma_start3A_1520 = tpu.memref_slice %arg4[%squeeze3A_1510, %dma_start3A_1519] : memref<1000000x64xf32, #tpu.memory_space<hbm>> -> memref<1x64xf32, #tpu.memory_space<hbm>>
      tpu.enqueue_dma source(%dma_start3A_1520 : memref<1x64xf32, #tpu.memory_space<hbm>>) target(%dma_start3A_1518 : memref<1x64xf32, #tpu.memory_space<vmem>>) target_semaphore(%arg15 : memref<!tpu.dma_semaphore, #tpu.memory_space<semaphore_mem>>)
      %dma_wait3A_1521 = arith.constant 0 : i32
      %dma_wait3A_1522 = arith.constant 0 : i32
      %dma_wait3A_1523 = tpu.memref_slice %arg3[%dma_wait3A_1521, %dma_wait3A_1522] : memref<1000000x64xf32, #tpu.memory_space<hbm>> -> memref<16x64xf32, #tpu.memory_space<hbm>>
      %dma_wait3A_1524 = arith.constant 0 : i32
      %dma_wait3A_1525 = arith.constant 0 : i32
      %dma_wait3A_1526 = tpu.memref_slice %arg3[%dma_wait3A_1524, %dma_wait3A_1525] : memref<1000000x64xf32, #tpu.memory_space<hbm>> -> memref<16x64xf32, #tpu.memory_space<hbm>>
      tpu.wait_dma2 semaphore(%arg12 : memref<!tpu.dma_semaphore, #tpu.memory_space<semaphore_mem>>) src(%dma_wait3A_1526 : memref<16x64xf32, #tpu.memory_space<hbm>>) dst(%arg8 : memref<16x64xf32, #tpu.memory_space<vmem>>)
      %mul3A_1527 = arith.constant 16 : i32
      %mul3A_1528 = arith.muli %mul3A_1129, %mul3A_1527 : i32
      %add3A_1529 = arith.addi %mul3A_2, %mul3A_1528 : i32
      "tpu.region"() ({
        %run_scoped3A = tpu.sem_alloc : memref<!tpu.dma_semaphore, #tpu.memory_space<semaphore_mem>>
        %dma_start3A_1950 = arith.constant 0 : i32
        %dma_start3A_1951 = tpu.memref_slice %arg5[%add3A_1529, %dma_start3A_1950] : memref<16384x64xf32, #tpu.memory_space<hbm>> -> memref<16x64xf32, #tpu.memory_space<hbm>>
        %dma_start3A_1952 = arith.constant 0 : i32
        %dma_start3A_1953 = tpu.memref_slice %arg5[%add3A_1529, %dma_start3A_1952] : memref<16384x64xf32, #tpu.memory_space<hbm>> -> memref<16x64xf32, #tpu.memory_space<hbm>>
        tpu.enqueue_dma source(%arg8 : memref<16x64xf32, #tpu.memory_space<vmem>>) target(%dma_start3A_1953 : memref<16x64xf32, #tpu.memory_space<hbm>>) target_semaphore(%run_scoped3A : memref<!tpu.dma_semaphore, #tpu.memory_space<semaphore_mem>>)
        %dma_wait3A_1954 = arith.constant 0 : i32
        %dma_wait3A_1955 = tpu.memref_slice %arg5[%add3A_1529, %dma_wait3A_1954] : memref<16384x64xf32, #tpu.memory_space<hbm>> -> memref<16x64xf32, #tpu.memory_space<hbm>>
        %dma_wait3A_1956 = arith.constant 0 : i32
        %dma_wait3A_1957 = tpu.memref_slice %arg5[%add3A_1529, %dma_wait3A_1956] : memref<16384x64xf32, #tpu.memory_space<hbm>> -> memref<16x64xf32, #tpu.memory_space<hbm>>
        tpu.wait_dma2 semaphore(%run_scoped3A : memref<!tpu.dma_semaphore, #tpu.memory_space<semaphore_mem>>) src(%arg8 : memref<16x64xf32, #tpu.memory_space<vmem>>) dst(%dma_wait3A_1957 : memref<16x64xf32, #tpu.memory_space<hbm>>)
        tpu.yield
      }) : () -> ()
      %dma_wait3A_1530 = arith.constant 0 : i32
      %dma_wait3A_1531 = arith.constant 0 : i32
      %dma_wait3A_1532 = tpu.memref_slice %arg4[%dma_wait3A_1530, %dma_wait3A_1531] : memref<1000000x64xf32, #tpu.memory_space<hbm>> -> memref<16x64xf32, #tpu.memory_space<hbm>>
      %dma_wait3A_1533 = arith.constant 0 : i32
      %dma_wait3A_1534 = arith.constant 0 : i32
      %dma_wait3A_1535 = tpu.memref_slice %arg4[%dma_wait3A_1533, %dma_wait3A_1534] : memref<1000000x64xf32, #tpu.memory_space<hbm>> -> memref<16x64xf32, #tpu.memory_space<hbm>>
      tpu.wait_dma2 semaphore(%arg13 : memref<!tpu.dma_semaphore, #tpu.memory_space<semaphore_mem>>) src(%dma_wait3A_1535 : memref<16x64xf32, #tpu.memory_space<hbm>>) dst(%arg9 : memref<16x64xf32, #tpu.memory_space<vmem>>)
      %mul3A_1536 = arith.constant 16 : i32
      %mul3A_1537 = arith.muli %mul3A_1129, %mul3A_1536 : i32
      %add3A_1538 = arith.addi %mul3A_2, %mul3A_1537 : i32
      "tpu.region"() ({
        %run_scoped3A = tpu.sem_alloc : memref<!tpu.dma_semaphore, #tpu.memory_space<semaphore_mem>>
        %dma_start3A_1950 = arith.constant 0 : i32
        %dma_start3A_1951 = tpu.memref_slice %arg6[%add3A_1538, %dma_start3A_1950] : memref<16384x64xf32, #tpu.memory_space<hbm>> -> memref<16x64xf32, #tpu.memory_space<hbm>>
        %dma_start3A_1952 = arith.constant 0 : i32
        %dma_start3A_1953 = tpu.memref_slice %arg6[%add3A_1538, %dma_start3A_1952] : memref<16384x64xf32, #tpu.memory_space<hbm>> -> memref<16x64xf32, #tpu.memory_space<hbm>>
        tpu.enqueue_dma source(%arg9 : memref<16x64xf32, #tpu.memory_space<vmem>>) target(%dma_start3A_1953 : memref<16x64xf32, #tpu.memory_space<hbm>>) target_semaphore(%run_scoped3A : memref<!tpu.dma_semaphore, #tpu.memory_space<semaphore_mem>>)
        %dma_wait3A_1954 = arith.constant 0 : i32
        %dma_wait3A_1955 = tpu.memref_slice %arg6[%add3A_1538, %dma_wait3A_1954] : memref<16384x64xf32, #tpu.memory_space<hbm>> -> memref<16x64xf32, #tpu.memory_space<hbm>>
        %dma_wait3A_1956 = arith.constant 0 : i32
        %dma_wait3A_1957 = tpu.memref_slice %arg6[%add3A_1538, %dma_wait3A_1956] : memref<16384x64xf32, #tpu.memory_space<hbm>> -> memref<16x64xf32, #tpu.memory_space<hbm>>
        tpu.wait_dma2 semaphore(%run_scoped3A : memref<!tpu.dma_semaphore, #tpu.memory_space<semaphore_mem>>) src(%arg9 : memref<16x64xf32, #tpu.memory_space<vmem>>) dst(%dma_wait3A_1957 : memref<16x64xf32, #tpu.memory_space<hbm>>)
        tpu.yield
      }) : () -> ()
      %add3A_1539 = arith.constant 2 : i32
      %add3A_1540 = arith.addi %mul3A_1129, %add3A_1539 : i32
      %mul3A_1541 = arith.constant 16 : i32
      %mul3A_1542 = arith.muli %add3A_1540, %mul3A_1541 : i32
      %get3A_1543 = arith.index_cast %mul3A_1542 : i32 to index
      %get3A_1544 = tpu.vector_load %arg7[%get3A_1543] {strides = array<i32>} : memref<512xi32, #tpu.memory_space<vmem>>, vector<16xi32>,
      %get3A_1545 = vector.shape_cast %get3A_1544 : vector<16xi32> to vector<16xi32>
      %slice3A_1546 = vector.extract_strided_slice %get3A_1545 {offsets = [0], sizes = [1], strides = [1]} : vector<16xi32> to vector<1xi32>
      %squeeze3A_1547 = vector.extract %slice3A_1546[0] : i32 from vector<1xi32>
      %dma_start3A_1548 = arith.constant 0 : i32
      %dma_start3A_1549 = arith.constant 0 : i32
      %dma_start3A_1550 = tpu.memref_slice %arg8[%dma_start3A_1548, %dma_start3A_1549] : memref<16x64xf32, #tpu.memory_space<vmem>> -> memref<1x64xf32, #tpu.memory_space<vmem>>
      %dma_start3A_1551 = arith.constant 0 : i32
      %dma_start3A_1552 = tpu.memref_slice %arg3[%squeeze3A_1547, %dma_start3A_1551] : memref<1000000x64xf32, #tpu.memory_space<hbm>> -> memref<1x64xf32, #tpu.memory_space<hbm>>
      %dma_start3A_1553 = arith.constant 0 : i32
      %dma_start3A_1554 = arith.constant 0 : i32
      %dma_start3A_1555 = tpu.memref_slice %arg8[%dma_start3A_1553, %dma_start3A_1554] : memref<16x64xf32, #tpu.memory_space<vmem>> -> memref<1x64xf32, #tpu.memory_space<vmem>>
      %dma_start3A_1556 = arith.constant 0 : i32
      %dma_start3A_1557 = tpu.memref_slice %arg3[%squeeze3A_1547, %dma_start3A_1556] : memref<1000000x64xf32, #tpu.memory_space<hbm>> -> memref<1x64xf32, #tpu.memory_space<hbm>>
      tpu.enqueue_dma source(%dma_start3A_1557 : memref<1x64xf32, #tpu.memory_space<hbm>>) target(%dma_start3A_1555 : memref<1x64xf32, #tpu.memory_space<vmem>>) target_semaphore(%arg12 : memref<!tpu.dma_semaphore, #tpu.memory_space<semaphore_mem>>)
      %slice3A_1558 = vector.extract_strided_slice %get3A_1545 {offsets = [0], sizes = [1], strides = [1]} : vector<16xi32> to vector<1xi32>
      %squeeze3A_1559 = vector.extract %slice3A_1558[0] : i32 from vector<1xi32>
      %dma_start3A_1560 = arith.constant 0 : i32
      %dma_start3A_1561 = arith.constant 0 : i32
      %dma_start3A_1562 = tpu.memref_slice %arg9[%dma_start3A_1560, %dma_start3A_1561] : memref<16x64xf32, #tpu.memory_space<vmem>> -> memref<1x64xf32, #tpu.memory_space<vmem>>
      %dma_start3A_1563 = arith.constant 0 : i32
      %dma_start3A_1564 = tpu.memref_slice %arg4[%squeeze3A_1559, %dma_start3A_1563] : memref<1000000x64xf32, #tpu.memory_space<hbm>> -> memref<1x64xf32, #tpu.memory_space<hbm>>
      %dma_start3A_1565 = arith.constant 0 : i32
      %dma_start3A_1566 = arith.constant 0 : i32
      %dma_start3A_1567 = tpu.memref_slice %arg9[%dma_start3A_1565, %dma_start3A_1566] : memref<16x64xf32, #tpu.memory_space<vmem>> -> memref<1x64xf32, #tpu.memory_space<vmem>>
      %dma_start3A_1568 = arith.constant 0 : i32
      %dma_start3A_1569 = tpu.memref_slice %arg4[%squeeze3A_1559, %dma_start3A_1568] : memref<1000000x64xf32, #tpu.memory_space<hbm>> -> memref<1x64xf32, #tpu.memory_space<hbm>>
      tpu.enqueue_dma source(%dma_start3A_1569 : memref<1x64xf32, #tpu.memory_space<hbm>>) target(%dma_start3A_1567 : memref<1x64xf32, #tpu.memory_space<vmem>>) target_semaphore(%arg13 : memref<!tpu.dma_semaphore, #tpu.memory_space<semaphore_mem>>)
      %slice3A_1570 = vector.extract_strided_slice %get3A_1545 {offsets = [1], sizes = [1], strides = [1]} : vector<16xi32> to vector<1xi32>
      %squeeze3A_1571 = vector.extract %slice3A_1570[0] : i32 from vector<1xi32>
      %dma_start3A_1572 = arith.constant 1 : i32
      %dma_start3A_1573 = arith.constant 0 : i32
      %dma_start3A_1574 = tpu.memref_slice %arg8[%dma_start3A_1572, %dma_start3A_1573] : memref<16x64xf32, #tpu.memory_space<vmem>> -> memref<1x64xf32, #tpu.memory_space<vmem>>
      %dma_start3A_1575 = arith.constant 0 : i32
      %dma_start3A_1576 = tpu.memref_slice %arg3[%squeeze3A_1571, %dma_start3A_1575] : memref<1000000x64xf32, #tpu.memory_space<hbm>> -> memref<1x64xf32, #tpu.memory_space<hbm>>
      %dma_start3A_1577 = arith.constant 1 : i32
      %dma_start3A_1578 = arith.constant 0 : i32
      %dma_start3A_1579 = tpu.memref_slice %arg8[%dma_start3A_1577, %dma_start3A_1578] : memref<16x64xf32, #tpu.memory_space<vmem>> -> memref<1x64xf32, #tpu.memory_space<vmem>>
      %dma_start3A_1580 = arith.constant 0 : i32
      %dma_start3A_1581 = tpu.memref_slice %arg3[%squeeze3A_1571, %dma_start3A_1580] : memref<1000000x64xf32, #tpu.memory_space<hbm>> -> memref<1x64xf32, #tpu.memory_space<hbm>>
      tpu.enqueue_dma source(%dma_start3A_1581 : memref<1x64xf32, #tpu.memory_space<hbm>>) target(%dma_start3A_1579 : memref<1x64xf32, #tpu.memory_space<vmem>>) target_semaphore(%arg12 : memref<!tpu.dma_semaphore, #tpu.memory_space<semaphore_mem>>)
      %slice3A_1582 = vector.extract_strided_slice %get3A_1545 {offsets = [1], sizes = [1], strides = [1]} : vector<16xi32> to vector<1xi32>
      %squeeze3A_1583 = vector.extract %slice3A_1582[0] : i32 from vector<1xi32>
      %dma_start3A_1584 = arith.constant 1 : i32
      %dma_start3A_1585 = arith.constant 0 : i32
      %dma_start3A_1586 = tpu.memref_slice %arg9[%dma_start3A_1584, %dma_start3A_1585] : memref<16x64xf32, #tpu.memory_space<vmem>> -> memref<1x64xf32, #tpu.memory_space<vmem>>
      %dma_start3A_1587 = arith.constant 0 : i32
      %dma_start3A_1588 = tpu.memref_slice %arg4[%squeeze3A_1583, %dma_start3A_1587] : memref<1000000x64xf32, #tpu.memory_space<hbm>> -> memref<1x64xf32, #tpu.memory_space<hbm>>
      %dma_start3A_1589 = arith.constant 1 : i32
      %dma_start3A_1590 = arith.constant 0 : i32
      %dma_start3A_1591 = tpu.memref_slice %arg9[%dma_start3A_1589, %dma_start3A_1590] : memref<16x64xf32, #tpu.memory_space<vmem>> -> memref<1x64xf32, #tpu.memory_space<vmem>>
      %dma_start3A_1592 = arith.constant 0 : i32
      %dma_start3A_1593 = tpu.memref_slice %arg4[%squeeze3A_1583, %dma_start3A_1592] : memref<1000000x64xf32, #tpu.memory_space<hbm>> -> memref<1x64xf32, #tpu.memory_space<hbm>>
      tpu.enqueue_dma source(%dma_start3A_1593 : memref<1x64xf32, #tpu.memory_space<hbm>>) target(%dma_start3A_1591 : memref<1x64xf32, #tpu.memory_space<vmem>>) target_semaphore(%arg13 : memref<!tpu.dma_semaphore, #tpu.memory_space<semaphore_mem>>)
      %slice3A_1594 = vector.extract_strided_slice %get3A_1545 {offsets = [2], sizes = [1], strides = [1]} : vector<16xi32> to vector<1xi32>
      %squeeze3A_1595 = vector.extract %slice3A_1594[0] : i32 from vector<1xi32>
      %dma_start3A_1596 = arith.constant 2 : i32
      %dma_start3A_1597 = arith.constant 0 : i32
      %dma_start3A_1598 = tpu.memref_slice %arg8[%dma_start3A_1596, %dma_start3A_1597] : memref<16x64xf32, #tpu.memory_space<vmem>> -> memref<1x64xf32, #tpu.memory_space<vmem>>
      %dma_start3A_1599 = arith.constant 0 : i32
      %dma_start3A_1600 = tpu.memref_slice %arg3[%squeeze3A_1595, %dma_start3A_1599] : memref<1000000x64xf32, #tpu.memory_space<hbm>> -> memref<1x64xf32, #tpu.memory_space<hbm>>
      %dma_start3A_1601 = arith.constant 2 : i32
      %dma_start3A_1602 = arith.constant 0 : i32
      %dma_start3A_1603 = tpu.memref_slice %arg8[%dma_start3A_1601, %dma_start3A_1602] : memref<16x64xf32, #tpu.memory_space<vmem>> -> memref<1x64xf32, #tpu.memory_space<vmem>>
      %dma_start3A_1604 = arith.constant 0 : i32
      %dma_start3A_1605 = tpu.memref_slice %arg3[%squeeze3A_1595, %dma_start3A_1604] : memref<1000000x64xf32, #tpu.memory_space<hbm>> -> memref<1x64xf32, #tpu.memory_space<hbm>>
      tpu.enqueue_dma source(%dma_start3A_1605 : memref<1x64xf32, #tpu.memory_space<hbm>>) target(%dma_start3A_1603 : memref<1x64xf32, #tpu.memory_space<vmem>>) target_semaphore(%arg12 : memref<!tpu.dma_semaphore, #tpu.memory_space<semaphore_mem>>)
      %slice3A_1606 = vector.extract_strided_slice %get3A_1545 {offsets = [2], sizes = [1], strides = [1]} : vector<16xi32> to vector<1xi32>
      %squeeze3A_1607 = vector.extract %slice3A_1606[0] : i32 from vector<1xi32>
      %dma_start3A_1608 = arith.constant 2 : i32
      %dma_start3A_1609 = arith.constant 0 : i32
      %dma_start3A_1610 = tpu.memref_slice %arg9[%dma_start3A_1608, %dma_start3A_1609] : memref<16x64xf32, #tpu.memory_space<vmem>> -> memref<1x64xf32, #tpu.memory_space<vmem>>
      %dma_start3A_1611 = arith.constant 0 : i32
      %dma_start3A_1612 = tpu.memref_slice %arg4[%squeeze3A_1607, %dma_start3A_1611] : memref<1000000x64xf32, #tpu.memory_space<hbm>> -> memref<1x64xf32, #tpu.memory_space<hbm>>
      %dma_start3A_1613 = arith.constant 2 : i32
      %dma_start3A_1614 = arith.constant 0 : i32
      %dma_start3A_1615 = tpu.memref_slice %arg9[%dma_start3A_1613, %dma_start3A_1614] : memref<16x64xf32, #tpu.memory_space<vmem>> -> memref<1x64xf32, #tpu.memory_space<vmem>>
      %dma_start3A_1616 = arith.constant 0 : i32
      %dma_start3A_1617 = tpu.memref_slice %arg4[%squeeze3A_1607, %dma_start3A_1616] : memref<1000000x64xf32, #tpu.memory_space<hbm>> -> memref<1x64xf32, #tpu.memory_space<hbm>>
      tpu.enqueue_dma source(%dma_start3A_1617 : memref<1x64xf32, #tpu.memory_space<hbm>>) target(%dma_start3A_1615 : memref<1x64xf32, #tpu.memory_space<vmem>>) target_semaphore(%arg13 : memref<!tpu.dma_semaphore, #tpu.memory_space<semaphore_mem>>)
      %slice3A_1618 = vector.extract_strided_slice %get3A_1545 {offsets = [3], sizes = [1], strides = [1]} : vector<16xi32> to vector<1xi32>
      %squeeze3A_1619 = vector.extract %slice3A_1618[0] : i32 from vector<1xi32>
      %dma_start3A_1620 = arith.constant 3 : i32
      %dma_start3A_1621 = arith.constant 0 : i32
      %dma_start3A_1622 = tpu.memref_slice %arg8[%dma_start3A_1620, %dma_start3A_1621] : memref<16x64xf32, #tpu.memory_space<vmem>> -> memref<1x64xf32, #tpu.memory_space<vmem>>
      %dma_start3A_1623 = arith.constant 0 : i32
      %dma_start3A_1624 = tpu.memref_slice %arg3[%squeeze3A_1619, %dma_start3A_1623] : memref<1000000x64xf32, #tpu.memory_space<hbm>> -> memref<1x64xf32, #tpu.memory_space<hbm>>
      %dma_start3A_1625 = arith.constant 3 : i32
      %dma_start3A_1626 = arith.constant 0 : i32
      %dma_start3A_1627 = tpu.memref_slice %arg8[%dma_start3A_1625, %dma_start3A_1626] : memref<16x64xf32, #tpu.memory_space<vmem>> -> memref<1x64xf32, #tpu.memory_space<vmem>>
      %dma_start3A_1628 = arith.constant 0 : i32
      %dma_start3A_1629 = tpu.memref_slice %arg3[%squeeze3A_1619, %dma_start3A_1628] : memref<1000000x64xf32, #tpu.memory_space<hbm>> -> memref<1x64xf32, #tpu.memory_space<hbm>>
      tpu.enqueue_dma source(%dma_start3A_1629 : memref<1x64xf32, #tpu.memory_space<hbm>>) target(%dma_start3A_1627 : memref<1x64xf32, #tpu.memory_space<vmem>>) target_semaphore(%arg12 : memref<!tpu.dma_semaphore, #tpu.memory_space<semaphore_mem>>)
      %slice3A_1630 = vector.extract_strided_slice %get3A_1545 {offsets = [3], sizes = [1], strides = [1]} : vector<16xi32> to vector<1xi32>
      %squeeze3A_1631 = vector.extract %slice3A_1630[0] : i32 from vector<1xi32>
      %dma_start3A_1632 = arith.constant 3 : i32
      %dma_start3A_1633 = arith.constant 0 : i32
      %dma_start3A_1634 = tpu.memref_slice %arg9[%dma_start3A_1632, %dma_start3A_1633] : memref<16x64xf32, #tpu.memory_space<vmem>> -> memref<1x64xf32, #tpu.memory_space<vmem>>
      %dma_start3A_1635 = arith.constant 0 : i32
      %dma_start3A_1636 = tpu.memref_slice %arg4[%squeeze3A_1631, %dma_start3A_1635] : memref<1000000x64xf32, #tpu.memory_space<hbm>> -> memref<1x64xf32, #tpu.memory_space<hbm>>
      %dma_start3A_1637 = arith.constant 3 : i32
      %dma_start3A_1638 = arith.constant 0 : i32
      %dma_start3A_1639 = tpu.memref_slice %arg9[%dma_start3A_1637, %dma_start3A_1638] : memref<16x64xf32, #tpu.memory_space<vmem>> -> memref<1x64xf32, #tpu.memory_space<vmem>>
      %dma_start3A_1640 = arith.constant 0 : i32
      %dma_start3A_1641 = tpu.memref_slice %arg4[%squeeze3A_1631, %dma_start3A_1640] : memref<1000000x64xf32, #tpu.memory_space<hbm>> -> memref<1x64xf32, #tpu.memory_space<hbm>>
      tpu.enqueue_dma source(%dma_start3A_1641 : memref<1x64xf32, #tpu.memory_space<hbm>>) target(%dma_start3A_1639 : memref<1x64xf32, #tpu.memory_space<vmem>>) target_semaphore(%arg13 : memref<!tpu.dma_semaphore, #tpu.memory_space<semaphore_mem>>)
      %slice3A_1642 = vector.extract_strided_slice %get3A_1545 {offsets = [4], sizes = [1], strides = [1]} : vector<16xi32> to vector<1xi32>
      %squeeze3A_1643 = vector.extract %slice3A_1642[0] : i32 from vector<1xi32>
      %dma_start3A_1644 = arith.constant 4 : i32
      %dma_start3A_1645 = arith.constant 0 : i32
      %dma_start3A_1646 = tpu.memref_slice %arg8[%dma_start3A_1644, %dma_start3A_1645] : memref<16x64xf32, #tpu.memory_space<vmem>> -> memref<1x64xf32, #tpu.memory_space<vmem>>
      %dma_start3A_1647 = arith.constant 0 : i32
      %dma_start3A_1648 = tpu.memref_slice %arg3[%squeeze3A_1643, %dma_start3A_1647] : memref<1000000x64xf32, #tpu.memory_space<hbm>> -> memref<1x64xf32, #tpu.memory_space<hbm>>
      %dma_start3A_1649 = arith.constant 4 : i32
      %dma_start3A_1650 = arith.constant 0 : i32
      %dma_start3A_1651 = tpu.memref_slice %arg8[%dma_start3A_1649, %dma_start3A_1650] : memref<16x64xf32, #tpu.memory_space<vmem>> -> memref<1x64xf32, #tpu.memory_space<vmem>>
      %dma_start3A_1652 = arith.constant 0 : i32
      %dma_start3A_1653 = tpu.memref_slice %arg3[%squeeze3A_1643, %dma_start3A_1652] : memref<1000000x64xf32, #tpu.memory_space<hbm>> -> memref<1x64xf32, #tpu.memory_space<hbm>>
      tpu.enqueue_dma source(%dma_start3A_1653 : memref<1x64xf32, #tpu.memory_space<hbm>>) target(%dma_start3A_1651 : memref<1x64xf32, #tpu.memory_space<vmem>>) target_semaphore(%arg12 : memref<!tpu.dma_semaphore, #tpu.memory_space<semaphore_mem>>)
      %slice3A_1654 = vector.extract_strided_slice %get3A_1545 {offsets = [4], sizes = [1], strides = [1]} : vector<16xi32> to vector<1xi32>
      %squeeze3A_1655 = vector.extract %slice3A_1654[0] : i32 from vector<1xi32>
      %dma_start3A_1656 = arith.constant 4 : i32
      %dma_start3A_1657 = arith.constant 0 : i32
      %dma_start3A_1658 = tpu.memref_slice %arg9[%dma_start3A_1656, %dma_start3A_1657] : memref<16x64xf32, #tpu.memory_space<vmem>> -> memref<1x64xf32, #tpu.memory_space<vmem>>
      %dma_start3A_1659 = arith.constant 0 : i32
      %dma_start3A_1660 = tpu.memref_slice %arg4[%squeeze3A_1655, %dma_start3A_1659] : memref<1000000x64xf32, #tpu.memory_space<hbm>> -> memref<1x64xf32, #tpu.memory_space<hbm>>
      %dma_start3A_1661 = arith.constant 4 : i32
      %dma_start3A_1662 = arith.constant 0 : i32
      %dma_start3A_1663 = tpu.memref_slice %arg9[%dma_start3A_1661, %dma_start3A_1662] : memref<16x64xf32, #tpu.memory_space<vmem>> -> memref<1x64xf32, #tpu.memory_space<vmem>>
      %dma_start3A_1664 = arith.constant 0 : i32
      %dma_start3A_1665 = tpu.memref_slice %arg4[%squeeze3A_1655, %dma_start3A_1664] : memref<1000000x64xf32, #tpu.memory_space<hbm>> -> memref<1x64xf32, #tpu.memory_space<hbm>>
      tpu.enqueue_dma source(%dma_start3A_1665 : memref<1x64xf32, #tpu.memory_space<hbm>>) target(%dma_start3A_1663 : memref<1x64xf32, #tpu.memory_space<vmem>>) target_semaphore(%arg13 : memref<!tpu.dma_semaphore, #tpu.memory_space<semaphore_mem>>)
      %slice3A_1666 = vector.extract_strided_slice %get3A_1545 {offsets = [5], sizes = [1], strides = [1]} : vector<16xi32> to vector<1xi32>
      %squeeze3A_1667 = vector.extract %slice3A_1666[0] : i32 from vector<1xi32>
      %dma_start3A_1668 = arith.constant 5 : i32
      %dma_start3A_1669 = arith.constant 0 : i32
      %dma_start3A_1670 = tpu.memref_slice %arg8[%dma_start3A_1668, %dma_start3A_1669] : memref<16x64xf32, #tpu.memory_space<vmem>> -> memref<1x64xf32, #tpu.memory_space<vmem>>
      %dma_start3A_1671 = arith.constant 0 : i32
      %dma_start3A_1672 = tpu.memref_slice %arg3[%squeeze3A_1667, %dma_start3A_1671] : memref<1000000x64xf32, #tpu.memory_space<hbm>> -> memref<1x64xf32, #tpu.memory_space<hbm>>
      %dma_start3A_1673 = arith.constant 5 : i32
      %dma_start3A_1674 = arith.constant 0 : i32
      %dma_start3A_1675 = tpu.memref_slice %arg8[%dma_start3A_1673, %dma_start3A_1674] : memref<16x64xf32, #tpu.memory_space<vmem>> -> memref<1x64xf32, #tpu.memory_space<vmem>>
      %dma_start3A_1676 = arith.constant 0 : i32
      %dma_start3A_1677 = tpu.memref_slice %arg3[%squeeze3A_1667, %dma_start3A_1676] : memref<1000000x64xf32, #tpu.memory_space<hbm>> -> memref<1x64xf32, #tpu.memory_space<hbm>>
      tpu.enqueue_dma source(%dma_start3A_1677 : memref<1x64xf32, #tpu.memory_space<hbm>>) target(%dma_start3A_1675 : memref<1x64xf32, #tpu.memory_space<vmem>>) target_semaphore(%arg12 : memref<!tpu.dma_semaphore, #tpu.memory_space<semaphore_mem>>)
      %slice3A_1678 = vector.extract_strided_slice %get3A_1545 {offsets = [5], sizes = [1], strides = [1]} : vector<16xi32> to vector<1xi32>
      %squeeze3A_1679 = vector.extract %slice3A_1678[0] : i32 from vector<1xi32>
      %dma_start3A_1680 = arith.constant 5 : i32
      %dma_start3A_1681 = arith.constant 0 : i32
      %dma_start3A_1682 = tpu.memref_slice %arg9[%dma_start3A_1680, %dma_start3A_1681] : memref<16x64xf32, #tpu.memory_space<vmem>> -> memref<1x64xf32, #tpu.memory_space<vmem>>
      %dma_start3A_1683 = arith.constant 0 : i32
      %dma_start3A_1684 = tpu.memref_slice %arg4[%squeeze3A_1679, %dma_start3A_1683] : memref<1000000x64xf32, #tpu.memory_space<hbm>> -> memref<1x64xf32, #tpu.memory_space<hbm>>
      %dma_start3A_1685 = arith.constant 5 : i32
      %dma_start3A_1686 = arith.constant 0 : i32
      %dma_start3A_1687 = tpu.memref_slice %arg9[%dma_start3A_1685, %dma_start3A_1686] : memref<16x64xf32, #tpu.memory_space<vmem>> -> memref<1x64xf32, #tpu.memory_space<vmem>>
      %dma_start3A_1688 = arith.constant 0 : i32
      %dma_start3A_1689 = tpu.memref_slice %arg4[%squeeze3A_1679, %dma_start3A_1688] : memref<1000000x64xf32, #tpu.memory_space<hbm>> -> memref<1x64xf32, #tpu.memory_space<hbm>>
      tpu.enqueue_dma source(%dma_start3A_1689 : memref<1x64xf32, #tpu.memory_space<hbm>>) target(%dma_start3A_1687 : memref<1x64xf32, #tpu.memory_space<vmem>>) target_semaphore(%arg13 : memref<!tpu.dma_semaphore, #tpu.memory_space<semaphore_mem>>)
      %slice3A_1690 = vector.extract_strided_slice %get3A_1545 {offsets = [6], sizes = [1], strides = [1]} : vector<16xi32> to vector<1xi32>
      %squeeze3A_1691 = vector.extract %slice3A_1690[0] : i32 from vector<1xi32>
      %dma_start3A_1692 = arith.constant 6 : i32
      %dma_start3A_1693 = arith.constant 0 : i32
      %dma_start3A_1694 = tpu.memref_slice %arg8[%dma_start3A_1692, %dma_start3A_1693] : memref<16x64xf32, #tpu.memory_space<vmem>> -> memref<1x64xf32, #tpu.memory_space<vmem>>
      %dma_start3A_1695 = arith.constant 0 : i32
      %dma_start3A_1696 = tpu.memref_slice %arg3[%squeeze3A_1691, %dma_start3A_1695] : memref<1000000x64xf32, #tpu.memory_space<hbm>> -> memref<1x64xf32, #tpu.memory_space<hbm>>
      %dma_start3A_1697 = arith.constant 6 : i32
      %dma_start3A_1698 = arith.constant 0 : i32
      %dma_start3A_1699 = tpu.memref_slice %arg8[%dma_start3A_1697, %dma_start3A_1698] : memref<16x64xf32, #tpu.memory_space<vmem>> -> memref<1x64xf32, #tpu.memory_space<vmem>>
      %dma_start3A_1700 = arith.constant 0 : i32
      %dma_start3A_1701 = tpu.memref_slice %arg3[%squeeze3A_1691, %dma_start3A_1700] : memref<1000000x64xf32, #tpu.memory_space<hbm>> -> memref<1x64xf32, #tpu.memory_space<hbm>>
      tpu.enqueue_dma source(%dma_start3A_1701 : memref<1x64xf32, #tpu.memory_space<hbm>>) target(%dma_start3A_1699 : memref<1x64xf32, #tpu.memory_space<vmem>>) target_semaphore(%arg12 : memref<!tpu.dma_semaphore, #tpu.memory_space<semaphore_mem>>)
      %slice3A_1702 = vector.extract_strided_slice %get3A_1545 {offsets = [6], sizes = [1], strides = [1]} : vector<16xi32> to vector<1xi32>
      %squeeze3A_1703 = vector.extract %slice3A_1702[0] : i32 from vector<1xi32>
      %dma_start3A_1704 = arith.constant 6 : i32
      %dma_start3A_1705 = arith.constant 0 : i32
      %dma_start3A_1706 = tpu.memref_slice %arg9[%dma_start3A_1704, %dma_start3A_1705] : memref<16x64xf32, #tpu.memory_space<vmem>> -> memref<1x64xf32, #tpu.memory_space<vmem>>
      %dma_start3A_1707 = arith.constant 0 : i32
      %dma_start3A_1708 = tpu.memref_slice %arg4[%squeeze3A_1703, %dma_start3A_1707] : memref<1000000x64xf32, #tpu.memory_space<hbm>> -> memref<1x64xf32, #tpu.memory_space<hbm>>
      %dma_start3A_1709 = arith.constant 6 : i32
      %dma_start3A_1710 = arith.constant 0 : i32
      %dma_start3A_1711 = tpu.memref_slice %arg9[%dma_start3A_1709, %dma_start3A_1710] : memref<16x64xf32, #tpu.memory_space<vmem>> -> memref<1x64xf32, #tpu.memory_space<vmem>>
      %dma_start3A_1712 = arith.constant 0 : i32
      %dma_start3A_1713 = tpu.memref_slice %arg4[%squeeze3A_1703, %dma_start3A_1712] : memref<1000000x64xf32, #tpu.memory_space<hbm>> -> memref<1x64xf32, #tpu.memory_space<hbm>>
      tpu.enqueue_dma source(%dma_start3A_1713 : memref<1x64xf32, #tpu.memory_space<hbm>>) target(%dma_start3A_1711 : memref<1x64xf32, #tpu.memory_space<vmem>>) target_semaphore(%arg13 : memref<!tpu.dma_semaphore, #tpu.memory_space<semaphore_mem>>)
      %slice3A_1714 = vector.extract_strided_slice %get3A_1545 {offsets = [7], sizes = [1], strides = [1]} : vector<16xi32> to vector<1xi32>
      %squeeze3A_1715 = vector.extract %slice3A_1714[0] : i32 from vector<1xi32>
      %dma_start3A_1716 = arith.constant 7 : i32
      %dma_start3A_1717 = arith.constant 0 : i32
      %dma_start3A_1718 = tpu.memref_slice %arg8[%dma_start3A_1716, %dma_start3A_1717] : memref<16x64xf32, #tpu.memory_space<vmem>> -> memref<1x64xf32, #tpu.memory_space<vmem>>
      %dma_start3A_1719 = arith.constant 0 : i32
      %dma_start3A_1720 = tpu.memref_slice %arg3[%squeeze3A_1715, %dma_start3A_1719] : memref<1000000x64xf32, #tpu.memory_space<hbm>> -> memref<1x64xf32, #tpu.memory_space<hbm>>
      %dma_start3A_1721 = arith.constant 7 : i32
      %dma_start3A_1722 = arith.constant 0 : i32
      %dma_start3A_1723 = tpu.memref_slice %arg8[%dma_start3A_1721, %dma_start3A_1722] : memref<16x64xf32, #tpu.memory_space<vmem>> -> memref<1x64xf32, #tpu.memory_space<vmem>>
      %dma_start3A_1724 = arith.constant 0 : i32
      %dma_start3A_1725 = tpu.memref_slice %arg3[%squeeze3A_1715, %dma_start3A_1724] : memref<1000000x64xf32, #tpu.memory_space<hbm>> -> memref<1x64xf32, #tpu.memory_space<hbm>>
      tpu.enqueue_dma source(%dma_start3A_1725 : memref<1x64xf32, #tpu.memory_space<hbm>>) target(%dma_start3A_1723 : memref<1x64xf32, #tpu.memory_space<vmem>>) target_semaphore(%arg12 : memref<!tpu.dma_semaphore, #tpu.memory_space<semaphore_mem>>)
      %slice3A_1726 = vector.extract_strided_slice %get3A_1545 {offsets = [7], sizes = [1], strides = [1]} : vector<16xi32> to vector<1xi32>
      %squeeze3A_1727 = vector.extract %slice3A_1726[0] : i32 from vector<1xi32>
      %dma_start3A_1728 = arith.constant 7 : i32
      %dma_start3A_1729 = arith.constant 0 : i32
      %dma_start3A_1730 = tpu.memref_slice %arg9[%dma_start3A_1728, %dma_start3A_1729] : memref<16x64xf32, #tpu.memory_space<vmem>> -> memref<1x64xf32, #tpu.memory_space<vmem>>
      %dma_start3A_1731 = arith.constant 0 : i32
      %dma_start3A_1732 = tpu.memref_slice %arg4[%squeeze3A_1727, %dma_start3A_1731] : memref<1000000x64xf32, #tpu.memory_space<hbm>> -> memref<1x64xf32, #tpu.memory_space<hbm>>
      %dma_start3A_1733 = arith.constant 7 : i32
      %dma_start3A_1734 = arith.constant 0 : i32
      %dma_start3A_1735 = tpu.memref_slice %arg9[%dma_start3A_1733, %dma_start3A_1734] : memref<16x64xf32, #tpu.memory_space<vmem>> -> memref<1x64xf32, #tpu.memory_space<vmem>>
      %dma_start3A_1736 = arith.constant 0 : i32
      %dma_start3A_1737 = tpu.memref_slice %arg4[%squeeze3A_1727, %dma_start3A_1736] : memref<1000000x64xf32, #tpu.memory_space<hbm>> -> memref<1x64xf32, #tpu.memory_space<hbm>>
      tpu.enqueue_dma source(%dma_start3A_1737 : memref<1x64xf32, #tpu.memory_space<hbm>>) target(%dma_start3A_1735 : memref<1x64xf32, #tpu.memory_space<vmem>>) target_semaphore(%arg13 : memref<!tpu.dma_semaphore, #tpu.memory_space<semaphore_mem>>)
      %slice3A_1738 = vector.extract_strided_slice %get3A_1545 {offsets = [8], sizes = [1], strides = [1]} : vector<16xi32> to vector<1xi32>
      %squeeze3A_1739 = vector.extract %slice3A_1738[0] : i32 from vector<1xi32>
      %dma_start3A_1740 = arith.constant 8 : i32
      %dma_start3A_1741 = arith.constant 0 : i32
      %dma_start3A_1742 = tpu.memref_slice %arg8[%dma_start3A_1740, %dma_start3A_1741] : memref<16x64xf32, #tpu.memory_space<vmem>> -> memref<1x64xf32, #tpu.memory_space<vmem>>
      %dma_start3A_1743 = arith.constant 0 : i32
      %dma_start3A_1744 = tpu.memref_slice %arg3[%squeeze3A_1739, %dma_start3A_1743] : memref<1000000x64xf32, #tpu.memory_space<hbm>> -> memref<1x64xf32, #tpu.memory_space<hbm>>
      %dma_start3A_1745 = arith.constant 8 : i32
      %dma_start3A_1746 = arith.constant 0 : i32
      %dma_start3A_1747 = tpu.memref_slice %arg8[%dma_start3A_1745, %dma_start3A_1746] : memref<16x64xf32, #tpu.memory_space<vmem>> -> memref<1x64xf32, #tpu.memory_space<vmem>>
      %dma_start3A_1748 = arith.constant 0 : i32
      %dma_start3A_1749 = tpu.memref_slice %arg3[%squeeze3A_1739, %dma_start3A_1748] : memref<1000000x64xf32, #tpu.memory_space<hbm>> -> memref<1x64xf32, #tpu.memory_space<hbm>>
      tpu.enqueue_dma source(%dma_start3A_1749 : memref<1x64xf32, #tpu.memory_space<hbm>>) target(%dma_start3A_1747 : memref<1x64xf32, #tpu.memory_space<vmem>>) target_semaphore(%arg12 : memref<!tpu.dma_semaphore, #tpu.memory_space<semaphore_mem>>)
      %slice3A_1750 = vector.extract_strided_slice %get3A_1545 {offsets = [8], sizes = [1], strides = [1]} : vector<16xi32> to vector<1xi32>
      %squeeze3A_1751 = vector.extract %slice3A_1750[0] : i32 from vector<1xi32>
      %dma_start3A_1752 = arith.constant 8 : i32
      %dma_start3A_1753 = arith.constant 0 : i32
      %dma_start3A_1754 = tpu.memref_slice %arg9[%dma_start3A_1752, %dma_start3A_1753] : memref<16x64xf32, #tpu.memory_space<vmem>> -> memref<1x64xf32, #tpu.memory_space<vmem>>
      %dma_start3A_1755 = arith.constant 0 : i32
      %dma_start3A_1756 = tpu.memref_slice %arg4[%squeeze3A_1751, %dma_start3A_1755] : memref<1000000x64xf32, #tpu.memory_space<hbm>> -> memref<1x64xf32, #tpu.memory_space<hbm>>
      %dma_start3A_1757 = arith.constant 8 : i32
      %dma_start3A_1758 = arith.constant 0 : i32
      %dma_start3A_1759 = tpu.memref_slice %arg9[%dma_start3A_1757, %dma_start3A_1758] : memref<16x64xf32, #tpu.memory_space<vmem>> -> memref<1x64xf32, #tpu.memory_space<vmem>>
      %dma_start3A_1760 = arith.constant 0 : i32
      %dma_start3A_1761 = tpu.memref_slice %arg4[%squeeze3A_1751, %dma_start3A_1760] : memref<1000000x64xf32, #tpu.memory_space<hbm>> -> memref<1x64xf32, #tpu.memory_space<hbm>>
      tpu.enqueue_dma source(%dma_start3A_1761 : memref<1x64xf32, #tpu.memory_space<hbm>>) target(%dma_start3A_1759 : memref<1x64xf32, #tpu.memory_space<vmem>>) target_semaphore(%arg13 : memref<!tpu.dma_semaphore, #tpu.memory_space<semaphore_mem>>)
      %slice3A_1762 = vector.extract_strided_slice %get3A_1545 {offsets = [9], sizes = [1], strides = [1]} : vector<16xi32> to vector<1xi32>
      %squeeze3A_1763 = vector.extract %slice3A_1762[0] : i32 from vector<1xi32>
      %dma_start3A_1764 = arith.constant 9 : i32
      %dma_start3A_1765 = arith.constant 0 : i32
      %dma_start3A_1766 = tpu.memref_slice %arg8[%dma_start3A_1764, %dma_start3A_1765] : memref<16x64xf32, #tpu.memory_space<vmem>> -> memref<1x64xf32, #tpu.memory_space<vmem>>
      %dma_start3A_1767 = arith.constant 0 : i32
      %dma_start3A_1768 = tpu.memref_slice %arg3[%squeeze3A_1763, %dma_start3A_1767] : memref<1000000x64xf32, #tpu.memory_space<hbm>> -> memref<1x64xf32, #tpu.memory_space<hbm>>
      %dma_start3A_1769 = arith.constant 9 : i32
      %dma_start3A_1770 = arith.constant 0 : i32
      %dma_start3A_1771 = tpu.memref_slice %arg8[%dma_start3A_1769, %dma_start3A_1770] : memref<16x64xf32, #tpu.memory_space<vmem>> -> memref<1x64xf32, #tpu.memory_space<vmem>>
      %dma_start3A_1772 = arith.constant 0 : i32
      %dma_start3A_1773 = tpu.memref_slice %arg3[%squeeze3A_1763, %dma_start3A_1772] : memref<1000000x64xf32, #tpu.memory_space<hbm>> -> memref<1x64xf32, #tpu.memory_space<hbm>>
      tpu.enqueue_dma source(%dma_start3A_1773 : memref<1x64xf32, #tpu.memory_space<hbm>>) target(%dma_start3A_1771 : memref<1x64xf32, #tpu.memory_space<vmem>>) target_semaphore(%arg12 : memref<!tpu.dma_semaphore, #tpu.memory_space<semaphore_mem>>)
      %slice3A_1774 = vector.extract_strided_slice %get3A_1545 {offsets = [9], sizes = [1], strides = [1]} : vector<16xi32> to vector<1xi32>
      %squeeze3A_1775 = vector.extract %slice3A_1774[0] : i32 from vector<1xi32>
      %dma_start3A_1776 = arith.constant 9 : i32
      %dma_start3A_1777 = arith.constant 0 : i32
      %dma_start3A_1778 = tpu.memref_slice %arg9[%dma_start3A_1776, %dma_start3A_1777] : memref<16x64xf32, #tpu.memory_space<vmem>> -> memref<1x64xf32, #tpu.memory_space<vmem>>
      %dma_start3A_1779 = arith.constant 0 : i32
      %dma_start3A_1780 = tpu.memref_slice %arg4[%squeeze3A_1775, %dma_start3A_1779] : memref<1000000x64xf32, #tpu.memory_space<hbm>> -> memref<1x64xf32, #tpu.memory_space<hbm>>
      %dma_start3A_1781 = arith.constant 9 : i32
      %dma_start3A_1782 = arith.constant 0 : i32
      %dma_start3A_1783 = tpu.memref_slice %arg9[%dma_start3A_1781, %dma_start3A_1782] : memref<16x64xf32, #tpu.memory_space<vmem>> -> memref<1x64xf32, #tpu.memory_space<vmem>>
      %dma_start3A_1784 = arith.constant 0 : i32
      %dma_start3A_1785 = tpu.memref_slice %arg4[%squeeze3A_1775, %dma_start3A_1784] : memref<1000000x64xf32, #tpu.memory_space<hbm>> -> memref<1x64xf32, #tpu.memory_space<hbm>>
      tpu.enqueue_dma source(%dma_start3A_1785 : memref<1x64xf32, #tpu.memory_space<hbm>>) target(%dma_start3A_1783 : memref<1x64xf32, #tpu.memory_space<vmem>>) target_semaphore(%arg13 : memref<!tpu.dma_semaphore, #tpu.memory_space<semaphore_mem>>)
      %slice3A_1786 = vector.extract_strided_slice %get3A_1545 {offsets = [10], sizes = [1], strides = [1]} : vector<16xi32> to vector<1xi32>
      %squeeze3A_1787 = vector.extract %slice3A_1786[0] : i32 from vector<1xi32>
      %dma_start3A_1788 = arith.constant 10 : i32
      %dma_start3A_1789 = arith.constant 0 : i32
      %dma_start3A_1790 = tpu.memref_slice %arg8[%dma_start3A_1788, %dma_start3A_1789] : memref<16x64xf32, #tpu.memory_space<vmem>> -> memref<1x64xf32, #tpu.memory_space<vmem>>
      %dma_start3A_1791 = arith.constant 0 : i32
      %dma_start3A_1792 = tpu.memref_slice %arg3[%squeeze3A_1787, %dma_start3A_1791] : memref<1000000x64xf32, #tpu.memory_space<hbm>> -> memref<1x64xf32, #tpu.memory_space<hbm>>
      %dma_start3A_1793 = arith.constant 10 : i32
      %dma_start3A_1794 = arith.constant 0 : i32
      %dma_start3A_1795 = tpu.memref_slice %arg8[%dma_start3A_1793, %dma_start3A_1794] : memref<16x64xf32, #tpu.memory_space<vmem>> -> memref<1x64xf32, #tpu.memory_space<vmem>>
      %dma_start3A_1796 = arith.constant 0 : i32
      %dma_start3A_1797 = tpu.memref_slice %arg3[%squeeze3A_1787, %dma_start3A_1796] : memref<1000000x64xf32, #tpu.memory_space<hbm>> -> memref<1x64xf32, #tpu.memory_space<hbm>>
      tpu.enqueue_dma source(%dma_start3A_1797 : memref<1x64xf32, #tpu.memory_space<hbm>>) target(%dma_start3A_1795 : memref<1x64xf32, #tpu.memory_space<vmem>>) target_semaphore(%arg12 : memref<!tpu.dma_semaphore, #tpu.memory_space<semaphore_mem>>)
      %slice3A_1798 = vector.extract_strided_slice %get3A_1545 {offsets = [10], sizes = [1], strides = [1]} : vector<16xi32> to vector<1xi32>
      %squeeze3A_1799 = vector.extract %slice3A_1798[0] : i32 from vector<1xi32>
      %dma_start3A_1800 = arith.constant 10 : i32
      %dma_start3A_1801 = arith.constant 0 : i32
      %dma_start3A_1802 = tpu.memref_slice %arg9[%dma_start3A_1800, %dma_start3A_1801] : memref<16x64xf32, #tpu.memory_space<vmem>> -> memref<1x64xf32, #tpu.memory_space<vmem>>
      %dma_start3A_1803 = arith.constant 0 : i32
      %dma_start3A_1804 = tpu.memref_slice %arg4[%squeeze3A_1799, %dma_start3A_1803] : memref<1000000x64xf32, #tpu.memory_space<hbm>> -> memref<1x64xf32, #tpu.memory_space<hbm>>
      %dma_start3A_1805 = arith.constant 10 : i32
      %dma_start3A_1806 = arith.constant 0 : i32
      %dma_start3A_1807 = tpu.memref_slice %arg9[%dma_start3A_1805, %dma_start3A_1806] : memref<16x64xf32, #tpu.memory_space<vmem>> -> memref<1x64xf32, #tpu.memory_space<vmem>>
      %dma_start3A_1808 = arith.constant 0 : i32
      %dma_start3A_1809 = tpu.memref_slice %arg4[%squeeze3A_1799, %dma_start3A_1808] : memref<1000000x64xf32, #tpu.memory_space<hbm>> -> memref<1x64xf32, #tpu.memory_space<hbm>>
      tpu.enqueue_dma source(%dma_start3A_1809 : memref<1x64xf32, #tpu.memory_space<hbm>>) target(%dma_start3A_1807 : memref<1x64xf32, #tpu.memory_space<vmem>>) target_semaphore(%arg13 : memref<!tpu.dma_semaphore, #tpu.memory_space<semaphore_mem>>)
      %slice3A_1810 = vector.extract_strided_slice %get3A_1545 {offsets = [11], sizes = [1], strides = [1]} : vector<16xi32> to vector<1xi32>
      %squeeze3A_1811 = vector.extract %slice3A_1810[0] : i32 from vector<1xi32>
      %dma_start3A_1812 = arith.constant 11 : i32
      %dma_start3A_1813 = arith.constant 0 : i32
      %dma_start3A_1814 = tpu.memref_slice %arg8[%dma_start3A_1812, %dma_start3A_1813] : memref<16x64xf32, #tpu.memory_space<vmem>> -> memref<1x64xf32, #tpu.memory_space<vmem>>
      %dma_start3A_1815 = arith.constant 0 : i32
      %dma_start3A_1816 = tpu.memref_slice %arg3[%squeeze3A_1811, %dma_start3A_1815] : memref<1000000x64xf32, #tpu.memory_space<hbm>> -> memref<1x64xf32, #tpu.memory_space<hbm>>
      %dma_start3A_1817 = arith.constant 11 : i32
      %dma_start3A_1818 = arith.constant 0 : i32
      %dma_start3A_1819 = tpu.memref_slice %arg8[%dma_start3A_1817, %dma_start3A_1818] : memref<16x64xf32, #tpu.memory_space<vmem>> -> memref<1x64xf32, #tpu.memory_space<vmem>>
      %dma_start3A_1820 = arith.constant 0 : i32
      %dma_start3A_1821 = tpu.memref_slice %arg3[%squeeze3A_1811, %dma_start3A_1820] : memref<1000000x64xf32, #tpu.memory_space<hbm>> -> memref<1x64xf32, #tpu.memory_space<hbm>>
      tpu.enqueue_dma source(%dma_start3A_1821 : memref<1x64xf32, #tpu.memory_space<hbm>>) target(%dma_start3A_1819 : memref<1x64xf32, #tpu.memory_space<vmem>>) target_semaphore(%arg12 : memref<!tpu.dma_semaphore, #tpu.memory_space<semaphore_mem>>)
      %slice3A_1822 = vector.extract_strided_slice %get3A_1545 {offsets = [11], sizes = [1], strides = [1]} : vector<16xi32> to vector<1xi32>
      %squeeze3A_1823 = vector.extract %slice3A_1822[0] : i32 from vector<1xi32>
      %dma_start3A_1824 = arith.constant 11 : i32
      %dma_start3A_1825 = arith.constant 0 : i32
      %dma_start3A_1826 = tpu.memref_slice %arg9[%dma_start3A_1824, %dma_start3A_1825] : memref<16x64xf32, #tpu.memory_space<vmem>> -> memref<1x64xf32, #tpu.memory_space<vmem>>
      %dma_start3A_1827 = arith.constant 0 : i32
      %dma_start3A_1828 = tpu.memref_slice %arg4[%squeeze3A_1823, %dma_start3A_1827] : memref<1000000x64xf32, #tpu.memory_space<hbm>> -> memref<1x64xf32, #tpu.memory_space<hbm>>
      %dma_start3A_1829 = arith.constant 11 : i32
      %dma_start3A_1830 = arith.constant 0 : i32
      %dma_start3A_1831 = tpu.memref_slice %arg9[%dma_start3A_1829, %dma_start3A_1830] : memref<16x64xf32, #tpu.memory_space<vmem>> -> memref<1x64xf32, #tpu.memory_space<vmem>>
      %dma_start3A_1832 = arith.constant 0 : i32
      %dma_start3A_1833 = tpu.memref_slice %arg4[%squeeze3A_1823, %dma_start3A_1832] : memref<1000000x64xf32, #tpu.memory_space<hbm>> -> memref<1x64xf32, #tpu.memory_space<hbm>>
      tpu.enqueue_dma source(%dma_start3A_1833 : memref<1x64xf32, #tpu.memory_space<hbm>>) target(%dma_start3A_1831 : memref<1x64xf32, #tpu.memory_space<vmem>>) target_semaphore(%arg13 : memref<!tpu.dma_semaphore, #tpu.memory_space<semaphore_mem>>)
      %slice3A_1834 = vector.extract_strided_slice %get3A_1545 {offsets = [12], sizes = [1], strides = [1]} : vector<16xi32> to vector<1xi32>
      %squeeze3A_1835 = vector.extract %slice3A_1834[0] : i32 from vector<1xi32>
      %dma_start3A_1836 = arith.constant 12 : i32
      %dma_start3A_1837 = arith.constant 0 : i32
      %dma_start3A_1838 = tpu.memref_slice %arg8[%dma_start3A_1836, %dma_start3A_1837] : memref<16x64xf32, #tpu.memory_space<vmem>> -> memref<1x64xf32, #tpu.memory_space<vmem>>
      %dma_start3A_1839 = arith.constant 0 : i32
      %dma_start3A_1840 = tpu.memref_slice %arg3[%squeeze3A_1835, %dma_start3A_1839] : memref<1000000x64xf32, #tpu.memory_space<hbm>> -> memref<1x64xf32, #tpu.memory_space<hbm>>
      %dma_start3A_1841 = arith.constant 12 : i32
      %dma_start3A_1842 = arith.constant 0 : i32
      %dma_start3A_1843 = tpu.memref_slice %arg8[%dma_start3A_1841, %dma_start3A_1842] : memref<16x64xf32, #tpu.memory_space<vmem>> -> memref<1x64xf32, #tpu.memory_space<vmem>>
      %dma_start3A_1844 = arith.constant 0 : i32
      %dma_start3A_1845 = tpu.memref_slice %arg3[%squeeze3A_1835, %dma_start3A_1844] : memref<1000000x64xf32, #tpu.memory_space<hbm>> -> memref<1x64xf32, #tpu.memory_space<hbm>>
      tpu.enqueue_dma source(%dma_start3A_1845 : memref<1x64xf32, #tpu.memory_space<hbm>>) target(%dma_start3A_1843 : memref<1x64xf32, #tpu.memory_space<vmem>>) target_semaphore(%arg12 : memref<!tpu.dma_semaphore, #tpu.memory_space<semaphore_mem>>)
      %slice3A_1846 = vector.extract_strided_slice %get3A_1545 {offsets = [12], sizes = [1], strides = [1]} : vector<16xi32> to vector<1xi32>
      %squeeze3A_1847 = vector.extract %slice3A_1846[0] : i32 from vector<1xi32>
      %dma_start3A_1848 = arith.constant 12 : i32
      %dma_start3A_1849 = arith.constant 0 : i32
      %dma_start3A_1850 = tpu.memref_slice %arg9[%dma_start3A_1848, %dma_start3A_1849] : memref<16x64xf32, #tpu.memory_space<vmem>> -> memref<1x64xf32, #tpu.memory_space<vmem>>
      %dma_start3A_1851 = arith.constant 0 : i32
      %dma_start3A_1852 = tpu.memref_slice %arg4[%squeeze3A_1847, %dma_start3A_1851] : memref<1000000x64xf32, #tpu.memory_space<hbm>> -> memref<1x64xf32, #tpu.memory_space<hbm>>
      %dma_start3A_1853 = arith.constant 12 : i32
      %dma_start3A_1854 = arith.constant 0 : i32
      %dma_start3A_1855 = tpu.memref_slice %arg9[%dma_start3A_1853, %dma_start3A_1854] : memref<16x64xf32, #tpu.memory_space<vmem>> -> memref<1x64xf32, #tpu.memory_space<vmem>>
      %dma_start3A_1856 = arith.constant 0 : i32
      %dma_start3A_1857 = tpu.memref_slice %arg4[%squeeze3A_1847, %dma_start3A_1856] : memref<1000000x64xf32, #tpu.memory_space<hbm>> -> memref<1x64xf32, #tpu.memory_space<hbm>>
      tpu.enqueue_dma source(%dma_start3A_1857 : memref<1x64xf32, #tpu.memory_space<hbm>>) target(%dma_start3A_1855 : memref<1x64xf32, #tpu.memory_space<vmem>>) target_semaphore(%arg13 : memref<!tpu.dma_semaphore, #tpu.memory_space<semaphore_mem>>)
      %slice3A_1858 = vector.extract_strided_slice %get3A_1545 {offsets = [13], sizes = [1], strides = [1]} : vector<16xi32> to vector<1xi32>
      %squeeze3A_1859 = vector.extract %slice3A_1858[0] : i32 from vector<1xi32>
      %dma_start3A_1860 = arith.constant 13 : i32
      %dma_start3A_1861 = arith.constant 0 : i32
      %dma_start3A_1862 = tpu.memref_slice %arg8[%dma_start3A_1860, %dma_start3A_1861] : memref<16x64xf32, #tpu.memory_space<vmem>> -> memref<1x64xf32, #tpu.memory_space<vmem>>
      %dma_start3A_1863 = arith.constant 0 : i32
      %dma_start3A_1864 = tpu.memref_slice %arg3[%squeeze3A_1859, %dma_start3A_1863] : memref<1000000x64xf32, #tpu.memory_space<hbm>> -> memref<1x64xf32, #tpu.memory_space<hbm>>
      %dma_start3A_1865 = arith.constant 13 : i32
      %dma_start3A_1866 = arith.constant 0 : i32
      %dma_start3A_1867 = tpu.memref_slice %arg8[%dma_start3A_1865, %dma_start3A_1866] : memref<16x64xf32, #tpu.memory_space<vmem>> -> memref<1x64xf32, #tpu.memory_space<vmem>>
      %dma_start3A_1868 = arith.constant 0 : i32
      %dma_start3A_1869 = tpu.memref_slice %arg3[%squeeze3A_1859, %dma_start3A_1868] : memref<1000000x64xf32, #tpu.memory_space<hbm>> -> memref<1x64xf32, #tpu.memory_space<hbm>>
      tpu.enqueue_dma source(%dma_start3A_1869 : memref<1x64xf32, #tpu.memory_space<hbm>>) target(%dma_start3A_1867 : memref<1x64xf32, #tpu.memory_space<vmem>>) target_semaphore(%arg12 : memref<!tpu.dma_semaphore, #tpu.memory_space<semaphore_mem>>)
      %slice3A_1870 = vector.extract_strided_slice %get3A_1545 {offsets = [13], sizes = [1], strides = [1]} : vector<16xi32> to vector<1xi32>
      %squeeze3A_1871 = vector.extract %slice3A_1870[0] : i32 from vector<1xi32>
      %dma_start3A_1872 = arith.constant 13 : i32
      %dma_start3A_1873 = arith.constant 0 : i32
      %dma_start3A_1874 = tpu.memref_slice %arg9[%dma_start3A_1872, %dma_start3A_1873] : memref<16x64xf32, #tpu.memory_space<vmem>> -> memref<1x64xf32, #tpu.memory_space<vmem>>
      %dma_start3A_1875 = arith.constant 0 : i32
      %dma_start3A_1876 = tpu.memref_slice %arg4[%squeeze3A_1871, %dma_start3A_1875] : memref<1000000x64xf32, #tpu.memory_space<hbm>> -> memref<1x64xf32, #tpu.memory_space<hbm>>
      %dma_start3A_1877 = arith.constant 13 : i32
      %dma_start3A_1878 = arith.constant 0 : i32
      %dma_start3A_1879 = tpu.memref_slice %arg9[%dma_start3A_1877, %dma_start3A_1878] : memref<16x64xf32, #tpu.memory_space<vmem>> -> memref<1x64xf32, #tpu.memory_space<vmem>>
      %dma_start3A_1880 = arith.constant 0 : i32
      %dma_start3A_1881 = tpu.memref_slice %arg4[%squeeze3A_1871, %dma_start3A_1880] : memref<1000000x64xf32, #tpu.memory_space<hbm>> -> memref<1x64xf32, #tpu.memory_space<hbm>>
      tpu.enqueue_dma source(%dma_start3A_1881 : memref<1x64xf32, #tpu.memory_space<hbm>>) target(%dma_start3A_1879 : memref<1x64xf32, #tpu.memory_space<vmem>>) target_semaphore(%arg13 : memref<!tpu.dma_semaphore, #tpu.memory_space<semaphore_mem>>)
      %slice3A_1882 = vector.extract_strided_slice %get3A_1545 {offsets = [14], sizes = [1], strides = [1]} : vector<16xi32> to vector<1xi32>
      %squeeze3A_1883 = vector.extract %slice3A_1882[0] : i32 from vector<1xi32>
      %dma_start3A_1884 = arith.constant 14 : i32
      %dma_start3A_1885 = arith.constant 0 : i32
      %dma_start3A_1886 = tpu.memref_slice %arg8[%dma_start3A_1884, %dma_start3A_1885] : memref<16x64xf32, #tpu.memory_space<vmem>> -> memref<1x64xf32, #tpu.memory_space<vmem>>
      %dma_start3A_1887 = arith.constant 0 : i32
      %dma_start3A_1888 = tpu.memref_slice %arg3[%squeeze3A_1883, %dma_start3A_1887] : memref<1000000x64xf32, #tpu.memory_space<hbm>> -> memref<1x64xf32, #tpu.memory_space<hbm>>
      %dma_start3A_1889 = arith.constant 14 : i32
      %dma_start3A_1890 = arith.constant 0 : i32
      %dma_start3A_1891 = tpu.memref_slice %arg8[%dma_start3A_1889, %dma_start3A_1890] : memref<16x64xf32, #tpu.memory_space<vmem>> -> memref<1x64xf32, #tpu.memory_space<vmem>>
      %dma_start3A_1892 = arith.constant 0 : i32
      %dma_start3A_1893 = tpu.memref_slice %arg3[%squeeze3A_1883, %dma_start3A_1892] : memref<1000000x64xf32, #tpu.memory_space<hbm>> -> memref<1x64xf32, #tpu.memory_space<hbm>>
      tpu.enqueue_dma source(%dma_start3A_1893 : memref<1x64xf32, #tpu.memory_space<hbm>>) target(%dma_start3A_1891 : memref<1x64xf32, #tpu.memory_space<vmem>>) target_semaphore(%arg12 : memref<!tpu.dma_semaphore, #tpu.memory_space<semaphore_mem>>)
      %slice3A_1894 = vector.extract_strided_slice %get3A_1545 {offsets = [14], sizes = [1], strides = [1]} : vector<16xi32> to vector<1xi32>
      %squeeze3A_1895 = vector.extract %slice3A_1894[0] : i32 from vector<1xi32>
      %dma_start3A_1896 = arith.constant 14 : i32
      %dma_start3A_1897 = arith.constant 0 : i32
      %dma_start3A_1898 = tpu.memref_slice %arg9[%dma_start3A_1896, %dma_start3A_1897] : memref<16x64xf32, #tpu.memory_space<vmem>> -> memref<1x64xf32, #tpu.memory_space<vmem>>
      %dma_start3A_1899 = arith.constant 0 : i32
      %dma_start3A_1900 = tpu.memref_slice %arg4[%squeeze3A_1895, %dma_start3A_1899] : memref<1000000x64xf32, #tpu.memory_space<hbm>> -> memref<1x64xf32, #tpu.memory_space<hbm>>
      %dma_start3A_1901 = arith.constant 14 : i32
      %dma_start3A_1902 = arith.constant 0 : i32
      %dma_start3A_1903 = tpu.memref_slice %arg9[%dma_start3A_1901, %dma_start3A_1902] : memref<16x64xf32, #tpu.memory_space<vmem>> -> memref<1x64xf32, #tpu.memory_space<vmem>>
      %dma_start3A_1904 = arith.constant 0 : i32
      %dma_start3A_1905 = tpu.memref_slice %arg4[%squeeze3A_1895, %dma_start3A_1904] : memref<1000000x64xf32, #tpu.memory_space<hbm>> -> memref<1x64xf32, #tpu.memory_space<hbm>>
      tpu.enqueue_dma source(%dma_start3A_1905 : memref<1x64xf32, #tpu.memory_space<hbm>>) target(%dma_start3A_1903 : memref<1x64xf32, #tpu.memory_space<vmem>>) target_semaphore(%arg13 : memref<!tpu.dma_semaphore, #tpu.memory_space<semaphore_mem>>)
      %slice3A_1906 = vector.extract_strided_slice %get3A_1545 {offsets = [15], sizes = [1], strides = [1]} : vector<16xi32> to vector<1xi32>
      %squeeze3A_1907 = vector.extract %slice3A_1906[0] : i32 from vector<1xi32>
      %dma_start3A_1908 = arith.constant 15 : i32
      %dma_start3A_1909 = arith.constant 0 : i32
      %dma_start3A_1910 = tpu.memref_slice %arg8[%dma_start3A_1908, %dma_start3A_1909] : memref<16x64xf32, #tpu.memory_space<vmem>> -> memref<1x64xf32, #tpu.memory_space<vmem>>
      %dma_start3A_1911 = arith.constant 0 : i32
      %dma_start3A_1912 = tpu.memref_slice %arg3[%squeeze3A_1907, %dma_start3A_1911] : memref<1000000x64xf32, #tpu.memory_space<hbm>> -> memref<1x64xf32, #tpu.memory_space<hbm>>
      %dma_start3A_1913 = arith.constant 15 : i32
      %dma_start3A_1914 = arith.constant 0 : i32
      %dma_start3A_1915 = tpu.memref_slice %arg8[%dma_start3A_1913, %dma_start3A_1914] : memref<16x64xf32, #tpu.memory_space<vmem>> -> memref<1x64xf32, #tpu.memory_space<vmem>>
      %dma_start3A_1916 = arith.constant 0 : i32
      %dma_start3A_1917 = tpu.memref_slice %arg3[%squeeze3A_1907, %dma_start3A_1916] : memref<1000000x64xf32, #tpu.memory_space<hbm>> -> memref<1x64xf32, #tpu.memory_space<hbm>>
      tpu.enqueue_dma source(%dma_start3A_1917 : memref<1x64xf32, #tpu.memory_space<hbm>>) target(%dma_start3A_1915 : memref<1x64xf32, #tpu.memory_space<vmem>>) target_semaphore(%arg12 : memref<!tpu.dma_semaphore, #tpu.memory_space<semaphore_mem>>)
      %slice3A_1918 = vector.extract_strided_slice %get3A_1545 {offsets = [15], sizes = [1], strides = [1]} : vector<16xi32> to vector<1xi32>
      %squeeze3A_1919 = vector.extract %slice3A_1918[0] : i32 from vector<1xi32>
      %dma_start3A_1920 = arith.constant 15 : i32
      %dma_start3A_1921 = arith.constant 0 : i32
      %dma_start3A_1922 = tpu.memref_slice %arg9[%dma_start3A_1920, %dma_start3A_1921] : memref<16x64xf32, #tpu.memory_space<vmem>> -> memref<1x64xf32, #tpu.memory_space<vmem>>
      %dma_start3A_1923 = arith.constant 0 : i32
      %dma_start3A_1924 = tpu.memref_slice %arg4[%squeeze3A_1919, %dma_start3A_1923] : memref<1000000x64xf32, #tpu.memory_space<hbm>> -> memref<1x64xf32, #tpu.memory_space<hbm>>
      %dma_start3A_1925 = arith.constant 15 : i32
      %dma_start3A_1926 = arith.constant 0 : i32
      %dma_start3A_1927 = tpu.memref_slice %arg9[%dma_start3A_1925, %dma_start3A_1926] : memref<16x64xf32, #tpu.memory_space<vmem>> -> memref<1x64xf32, #tpu.memory_space<vmem>>
      %dma_start3A_1928 = arith.constant 0 : i32
      %dma_start3A_1929 = tpu.memref_slice %arg4[%squeeze3A_1919, %dma_start3A_1928] : memref<1000000x64xf32, #tpu.memory_space<hbm>> -> memref<1x64xf32, #tpu.memory_space<hbm>>
      tpu.enqueue_dma source(%dma_start3A_1929 : memref<1x64xf32, #tpu.memory_space<hbm>>) target(%dma_start3A_1927 : memref<1x64xf32, #tpu.memory_space<vmem>>) target_semaphore(%arg13 : memref<!tpu.dma_semaphore, #tpu.memory_space<semaphore_mem>>)
      %add3A_1930 = arith.constant 1 : i32
      %add3A_1931 = arith.addi %mul3A_1129, %add3A_1930 : i32
      %dma_wait3A_1932 = arith.constant 0 : i32
      %dma_wait3A_1933 = arith.constant 0 : i32
      %dma_wait3A_1934 = tpu.memref_slice %arg3[%dma_wait3A_1932, %dma_wait3A_1933] : memref<1000000x64xf32, #tpu.memory_space<hbm>> -> memref<16x64xf32, #tpu.memory_space<hbm>>
      %dma_wait3A_1935 = arith.constant 0 : i32
      %dma_wait3A_1936 = arith.constant 0 : i32
      %dma_wait3A_1937 = tpu.memref_slice %arg3[%dma_wait3A_1935, %dma_wait3A_1936] : memref<1000000x64xf32, #tpu.memory_space<hbm>> -> memref<16x64xf32, #tpu.memory_space<hbm>>
      tpu.wait_dma2 semaphore(%arg14 : memref<!tpu.dma_semaphore, #tpu.memory_space<semaphore_mem>>) src(%dma_wait3A_1937 : memref<16x64xf32, #tpu.memory_space<hbm>>) dst(%arg10 : memref<16x64xf32, #tpu.memory_space<vmem>>)
      %mul3A_1938 = arith.constant 16 : i32
      %mul3A_1939 = arith.muli %add3A_1931, %mul3A_1938 : i32
      %add3A_1940 = arith.addi %mul3A_2, %mul3A_1939 : i32
      "tpu.region"() ({
        %run_scoped3A = tpu.sem_alloc : memref<!tpu.dma_semaphore, #tpu.memory_space<semaphore_mem>>
        %dma_start3A_1950 = arith.constant 0 : i32
        %dma_start3A_1951 = tpu.memref_slice %arg5[%add3A_1940, %dma_start3A_1950] : memref<16384x64xf32, #tpu.memory_space<hbm>> -> memref<16x64xf32, #tpu.memory_space<hbm>>
        %dma_start3A_1952 = arith.constant 0 : i32
        %dma_start3A_1953 = tpu.memref_slice %arg5[%add3A_1940, %dma_start3A_1952] : memref<16384x64xf32, #tpu.memory_space<hbm>> -> memref<16x64xf32, #tpu.memory_space<hbm>>
        tpu.enqueue_dma source(%arg10 : memref<16x64xf32, #tpu.memory_space<vmem>>) target(%dma_start3A_1953 : memref<16x64xf32, #tpu.memory_space<hbm>>) target_semaphore(%run_scoped3A : memref<!tpu.dma_semaphore, #tpu.memory_space<semaphore_mem>>)
        %dma_wait3A_1954 = arith.constant 0 : i32
        %dma_wait3A_1955 = tpu.memref_slice %arg5[%add3A_1940, %dma_wait3A_1954] : memref<16384x64xf32, #tpu.memory_space<hbm>> -> memref<16x64xf32, #tpu.memory_space<hbm>>
        %dma_wait3A_1956 = arith.constant 0 : i32
        %dma_wait3A_1957 = tpu.memref_slice %arg5[%add3A_1940, %dma_wait3A_1956] : memref<16384x64xf32, #tpu.memory_space<hbm>> -> memref<16x64xf32, #tpu.memory_space<hbm>>
        tpu.wait_dma2 semaphore(%run_scoped3A : memref<!tpu.dma_semaphore, #tpu.memory_space<semaphore_mem>>) src(%arg10 : memref<16x64xf32, #tpu.memory_space<vmem>>) dst(%dma_wait3A_1957 : memref<16x64xf32, #tpu.memory_space<hbm>>)
        tpu.yield
      }) : () -> ()
      %dma_wait3A_1941 = arith.constant 0 : i32
      %dma_wait3A_1942 = arith.constant 0 : i32
      %dma_wait3A_1943 = tpu.memref_slice %arg4[%dma_wait3A_1941, %dma_wait3A_1942] : memref<1000000x64xf32, #tpu.memory_space<hbm>> -> memref<16x64xf32, #tpu.memory_space<hbm>>
      %dma_wait3A_1944 = arith.constant 0 : i32
      %dma_wait3A_1945 = arith.constant 0 : i32
      %dma_wait3A_1946 = tpu.memref_slice %arg4[%dma_wait3A_1944, %dma_wait3A_1945] : memref<1000000x64xf32, #tpu.memory_space<hbm>> -> memref<16x64xf32, #tpu.memory_space<hbm>>
      tpu.wait_dma2 semaphore(%arg15 : memref<!tpu.dma_semaphore, #tpu.memory_space<semaphore_mem>>) src(%dma_wait3A_1946 : memref<16x64xf32, #tpu.memory_space<hbm>>) dst(%arg11 : memref<16x64xf32, #tpu.memory_space<vmem>>)
      %mul3A_1947 = arith.constant 16 : i32
      %mul3A_1948 = arith.muli %add3A_1931, %mul3A_1947 : i32
      %add3A_1949 = arith.addi %mul3A_2, %mul3A_1948 : i32
      "tpu.region"() ({
        %run_scoped3A = tpu.sem_alloc : memref<!tpu.dma_semaphore, #tpu.memory_space<semaphore_mem>>
        %dma_start3A_1950 = arith.constant 0 : i32
        %dma_start3A_1951 = tpu.memref_slice %arg6[%add3A_1949, %dma_start3A_1950] : memref<16384x64xf32, #tpu.memory_space<hbm>> -> memref<16x64xf32, #tpu.memory_space<hbm>>
        %dma_start3A_1952 = arith.constant 0 : i32
        %dma_start3A_1953 = tpu.memref_slice %arg6[%add3A_1949, %dma_start3A_1952] : memref<16384x64xf32, #tpu.memory_space<hbm>> -> memref<16x64xf32, #tpu.memory_space<hbm>>
        tpu.enqueue_dma source(%arg11 : memref<16x64xf32, #tpu.memory_space<vmem>>) target(%dma_start3A_1953 : memref<16x64xf32, #tpu.memory_space<hbm>>) target_semaphore(%run_scoped3A : memref<!tpu.dma_semaphore, #tpu.memory_space<semaphore_mem>>)
        %dma_wait3A_1954 = arith.constant 0 : i32
        %dma_wait3A_1955 = tpu.memref_slice %arg6[%add3A_1949, %dma_wait3A_1954] : memref<16384x64xf32, #tpu.memory_space<hbm>> -> memref<16x64xf32, #tpu.memory_space<hbm>>
        %dma_wait3A_1956 = arith.constant 0 : i32
        %dma_wait3A_1957 = tpu.memref_slice %arg6[%add3A_1949, %dma_wait3A_1956] : memref<16384x64xf32, #tpu.memory_space<hbm>> -> memref<16x64xf32, #tpu.memory_space<hbm>>
        tpu.wait_dma2 semaphore(%run_scoped3A : memref<!tpu.dma_semaphore, #tpu.memory_space<semaphore_mem>>) src(%arg11 : memref<16x64xf32, #tpu.memory_space<vmem>>) dst(%dma_wait3A_1957 : memref<16x64xf32, #tpu.memory_space<hbm>>)
        tpu.yield
      }) : () -> ()
    }
    %scan3A_708 = arith.constant 15 : i32
    %get3A_709 = arith.constant 496 : index
    %get3A_710 = tpu.vector_load %arg7[%get3A_709] {strides = array<i32>} : memref<512xi32, #tpu.memory_space<vmem>>, vector<16xi32>,
    %get3A_711 = vector.shape_cast %get3A_710 : vector<16xi32> to vector<16xi32>
    %slice3A_712 = vector.extract_strided_slice %get3A_711 {offsets = [0], sizes = [1], strides = [1]} : vector<16xi32> to vector<1xi32>
    %squeeze3A_713 = vector.extract %slice3A_712[0] : i32 from vector<1xi32>
    %dma_start3A_714 = arith.constant 0 : i32
    %dma_start3A_715 = arith.constant 0 : i32
    %dma_start3A_716 = tpu.memref_slice %arg10[%dma_start3A_714, %dma_start3A_715] : memref<16x64xf32, #tpu.memory_space<vmem>> -> memref<1x64xf32, #tpu.memory_space<vmem>>
    %dma_start3A_717 = arith.constant 0 : i32
    %dma_start3A_718 = tpu.memref_slice %arg3[%squeeze3A_713, %dma_start3A_717] : memref<1000000x64xf32, #tpu.memory_space<hbm>> -> memref<1x64xf32, #tpu.memory_space<hbm>>
    %dma_start3A_719 = arith.constant 0 : i32
    %dma_start3A_720 = arith.constant 0 : i32
    %dma_start3A_721 = tpu.memref_slice %arg10[%dma_start3A_719, %dma_start3A_720] : memref<16x64xf32, #tpu.memory_space<vmem>> -> memref<1x64xf32, #tpu.memory_space<vmem>>
    %dma_start3A_722 = arith.constant 0 : i32
    %dma_start3A_723 = tpu.memref_slice %arg3[%squeeze3A_713, %dma_start3A_722] : memref<1000000x64xf32, #tpu.memory_space<hbm>> -> memref<1x64xf32, #tpu.memory_space<hbm>>
    tpu.enqueue_dma source(%dma_start3A_723 : memref<1x64xf32, #tpu.memory_space<hbm>>) target(%dma_start3A_721 : memref<1x64xf32, #tpu.memory_space<vmem>>) target_semaphore(%arg14 : memref<!tpu.dma_semaphore, #tpu.memory_space<semaphore_mem>>)
    %slice3A_724 = vector.extract_strided_slice %get3A_711 {offsets = [0], sizes = [1], strides = [1]} : vector<16xi32> to vector<1xi32>
    %squeeze3A_725 = vector.extract %slice3A_724[0] : i32 from vector<1xi32>
    %dma_start3A_726 = arith.constant 0 : i32
    %dma_start3A_727 = arith.constant 0 : i32
    %dma_start3A_728 = tpu.memref_slice %arg11[%dma_start3A_726, %dma_start3A_727] : memref<16x64xf32, #tpu.memory_space<vmem>> -> memref<1x64xf32, #tpu.memory_space<vmem>>
    %dma_start3A_729 = arith.constant 0 : i32
    %dma_start3A_730 = tpu.memref_slice %arg4[%squeeze3A_725, %dma_start3A_729] : memref<1000000x64xf32, #tpu.memory_space<hbm>> -> memref<1x64xf32, #tpu.memory_space<hbm>>
    %dma_start3A_731 = arith.constant 0 : i32
    %dma_start3A_732 = arith.constant 0 : i32
    %dma_start3A_733 = tpu.memref_slice %arg11[%dma_start3A_731, %dma_start3A_732] : memref<16x64xf32, #tpu.memory_space<vmem>> -> memref<1x64xf32, #tpu.memory_space<vmem>>
    %dma_start3A_734 = arith.constant 0 : i32
    %dma_start3A_735 = tpu.memref_slice %arg4[%squeeze3A_725, %dma_start3A_734] : memref<1000000x64xf32, #tpu.memory_space<hbm>> -> memref<1x64xf32, #tpu.memory_space<hbm>>
    tpu.enqueue_dma source(%dma_start3A_735 : memref<1x64xf32, #tpu.memory_space<hbm>>) target(%dma_start3A_733 : memref<1x64xf32, #tpu.memory_space<vmem>>) target_semaphore(%arg15 : memref<!tpu.dma_semaphore, #tpu.memory_space<semaphore_mem>>)
    %slice3A_736 = vector.extract_strided_slice %get3A_711 {offsets = [1], sizes = [1], strides = [1]} : vector<16xi32> to vector<1xi32>
    %squeeze3A_737 = vector.extract %slice3A_736[0] : i32 from vector<1xi32>
    %dma_start3A_738 = arith.constant 1 : i32
    %dma_start3A_739 = arith.constant 0 : i32
    %dma_start3A_740 = tpu.memref_slice %arg10[%dma_start3A_738, %dma_start3A_739] : memref<16x64xf32, #tpu.memory_space<vmem>> -> memref<1x64xf32, #tpu.memory_space<vmem>>
    %dma_start3A_741 = arith.constant 0 : i32
    %dma_start3A_742 = tpu.memref_slice %arg3[%squeeze3A_737, %dma_start3A_741] : memref<1000000x64xf32, #tpu.memory_space<hbm>> -> memref<1x64xf32, #tpu.memory_space<hbm>>
    %dma_start3A_743 = arith.constant 1 : i32
    %dma_start3A_744 = arith.constant 0 : i32
    %dma_start3A_745 = tpu.memref_slice %arg10[%dma_start3A_743, %dma_start3A_744] : memref<16x64xf32, #tpu.memory_space<vmem>> -> memref<1x64xf32, #tpu.memory_space<vmem>>
    %dma_start3A_746 = arith.constant 0 : i32
    %dma_start3A_747 = tpu.memref_slice %arg3[%squeeze3A_737, %dma_start3A_746] : memref<1000000x64xf32, #tpu.memory_space<hbm>> -> memref<1x64xf32, #tpu.memory_space<hbm>>
    tpu.enqueue_dma source(%dma_start3A_747 : memref<1x64xf32, #tpu.memory_space<hbm>>) target(%dma_start3A_745 : memref<1x64xf32, #tpu.memory_space<vmem>>) target_semaphore(%arg14 : memref<!tpu.dma_semaphore, #tpu.memory_space<semaphore_mem>>)
    %slice3A_748 = vector.extract_strided_slice %get3A_711 {offsets = [1], sizes = [1], strides = [1]} : vector<16xi32> to vector<1xi32>
    %squeeze3A_749 = vector.extract %slice3A_748[0] : i32 from vector<1xi32>
    %dma_start3A_750 = arith.constant 1 : i32
    %dma_start3A_751 = arith.constant 0 : i32
    %dma_start3A_752 = tpu.memref_slice %arg11[%dma_start3A_750, %dma_start3A_751] : memref<16x64xf32, #tpu.memory_space<vmem>> -> memref<1x64xf32, #tpu.memory_space<vmem>>
    %dma_start3A_753 = arith.constant 0 : i32
    %dma_start3A_754 = tpu.memref_slice %arg4[%squeeze3A_749, %dma_start3A_753] : memref<1000000x64xf32, #tpu.memory_space<hbm>> -> memref<1x64xf32, #tpu.memory_space<hbm>>
    %dma_start3A_755 = arith.constant 1 : i32
    %dma_start3A_756 = arith.constant 0 : i32
    %dma_start3A_757 = tpu.memref_slice %arg11[%dma_start3A_755, %dma_start3A_756] : memref<16x64xf32, #tpu.memory_space<vmem>> -> memref<1x64xf32, #tpu.memory_space<vmem>>
    %dma_start3A_758 = arith.constant 0 : i32
    %dma_start3A_759 = tpu.memref_slice %arg4[%squeeze3A_749, %dma_start3A_758] : memref<1000000x64xf32, #tpu.memory_space<hbm>> -> memref<1x64xf32, #tpu.memory_space<hbm>>
    tpu.enqueue_dma source(%dma_start3A_759 : memref<1x64xf32, #tpu.memory_space<hbm>>) target(%dma_start3A_757 : memref<1x64xf32, #tpu.memory_space<vmem>>) target_semaphore(%arg15 : memref<!tpu.dma_semaphore, #tpu.memory_space<semaphore_mem>>)
    %slice3A_760 = vector.extract_strided_slice %get3A_711 {offsets = [2], sizes = [1], strides = [1]} : vector<16xi32> to vector<1xi32>
    %squeeze3A_761 = vector.extract %slice3A_760[0] : i32 from vector<1xi32>
    %dma_start3A_762 = arith.constant 2 : i32
    %dma_start3A_763 = arith.constant 0 : i32
    %dma_start3A_764 = tpu.memref_slice %arg10[%dma_start3A_762, %dma_start3A_763] : memref<16x64xf32, #tpu.memory_space<vmem>> -> memref<1x64xf32, #tpu.memory_space<vmem>>
    %dma_start3A_765 = arith.constant 0 : i32
    %dma_start3A_766 = tpu.memref_slice %arg3[%squeeze3A_761, %dma_start3A_765] : memref<1000000x64xf32, #tpu.memory_space<hbm>> -> memref<1x64xf32, #tpu.memory_space<hbm>>
    %dma_start3A_767 = arith.constant 2 : i32
    %dma_start3A_768 = arith.constant 0 : i32
    %dma_start3A_769 = tpu.memref_slice %arg10[%dma_start3A_767, %dma_start3A_768] : memref<16x64xf32, #tpu.memory_space<vmem>> -> memref<1x64xf32, #tpu.memory_space<vmem>>
    %dma_start3A_770 = arith.constant 0 : i32
    %dma_start3A_771 = tpu.memref_slice %arg3[%squeeze3A_761, %dma_start3A_770] : memref<1000000x64xf32, #tpu.memory_space<hbm>> -> memref<1x64xf32, #tpu.memory_space<hbm>>
    tpu.enqueue_dma source(%dma_start3A_771 : memref<1x64xf32, #tpu.memory_space<hbm>>) target(%dma_start3A_769 : memref<1x64xf32, #tpu.memory_space<vmem>>) target_semaphore(%arg14 : memref<!tpu.dma_semaphore, #tpu.memory_space<semaphore_mem>>)
    %slice3A_772 = vector.extract_strided_slice %get3A_711 {offsets = [2], sizes = [1], strides = [1]} : vector<16xi32> to vector<1xi32>
    %squeeze3A_773 = vector.extract %slice3A_772[0] : i32 from vector<1xi32>
    %dma_start3A_774 = arith.constant 2 : i32
    %dma_start3A_775 = arith.constant 0 : i32
    %dma_start3A_776 = tpu.memref_slice %arg11[%dma_start3A_774, %dma_start3A_775] : memref<16x64xf32, #tpu.memory_space<vmem>> -> memref<1x64xf32, #tpu.memory_space<vmem>>
    %dma_start3A_777 = arith.constant 0 : i32
    %dma_start3A_778 = tpu.memref_slice %arg4[%squeeze3A_773, %dma_start3A_777] : memref<1000000x64xf32, #tpu.memory_space<hbm>> -> memref<1x64xf32, #tpu.memory_space<hbm>>
    %dma_start3A_779 = arith.constant 2 : i32
    %dma_start3A_780 = arith.constant 0 : i32
    %dma_start3A_781 = tpu.memref_slice %arg11[%dma_start3A_779, %dma_start3A_780] : memref<16x64xf32, #tpu.memory_space<vmem>> -> memref<1x64xf32, #tpu.memory_space<vmem>>
    %dma_start3A_782 = arith.constant 0 : i32
    %dma_start3A_783 = tpu.memref_slice %arg4[%squeeze3A_773, %dma_start3A_782] : memref<1000000x64xf32, #tpu.memory_space<hbm>> -> memref<1x64xf32, #tpu.memory_space<hbm>>
    tpu.enqueue_dma source(%dma_start3A_783 : memref<1x64xf32, #tpu.memory_space<hbm>>) target(%dma_start3A_781 : memref<1x64xf32, #tpu.memory_space<vmem>>) target_semaphore(%arg15 : memref<!tpu.dma_semaphore, #tpu.memory_space<semaphore_mem>>)
    %slice3A_784 = vector.extract_strided_slice %get3A_711 {offsets = [3], sizes = [1], strides = [1]} : vector<16xi32> to vector<1xi32>
    %squeeze3A_785 = vector.extract %slice3A_784[0] : i32 from vector<1xi32>
    %dma_start3A_786 = arith.constant 3 : i32
    %dma_start3A_787 = arith.constant 0 : i32
    %dma_start3A_788 = tpu.memref_slice %arg10[%dma_start3A_786, %dma_start3A_787] : memref<16x64xf32, #tpu.memory_space<vmem>> -> memref<1x64xf32, #tpu.memory_space<vmem>>
    %dma_start3A_789 = arith.constant 0 : i32
    %dma_start3A_790 = tpu.memref_slice %arg3[%squeeze3A_785, %dma_start3A_789] : memref<1000000x64xf32, #tpu.memory_space<hbm>> -> memref<1x64xf32, #tpu.memory_space<hbm>>
    %dma_start3A_791 = arith.constant 3 : i32
    %dma_start3A_792 = arith.constant 0 : i32
    %dma_start3A_793 = tpu.memref_slice %arg10[%dma_start3A_791, %dma_start3A_792] : memref<16x64xf32, #tpu.memory_space<vmem>> -> memref<1x64xf32, #tpu.memory_space<vmem>>
    %dma_start3A_794 = arith.constant 0 : i32
    %dma_start3A_795 = tpu.memref_slice %arg3[%squeeze3A_785, %dma_start3A_794] : memref<1000000x64xf32, #tpu.memory_space<hbm>> -> memref<1x64xf32, #tpu.memory_space<hbm>>
    tpu.enqueue_dma source(%dma_start3A_795 : memref<1x64xf32, #tpu.memory_space<hbm>>) target(%dma_start3A_793 : memref<1x64xf32, #tpu.memory_space<vmem>>) target_semaphore(%arg14 : memref<!tpu.dma_semaphore, #tpu.memory_space<semaphore_mem>>)
    %slice3A_796 = vector.extract_strided_slice %get3A_711 {offsets = [3], sizes = [1], strides = [1]} : vector<16xi32> to vector<1xi32>
    %squeeze3A_797 = vector.extract %slice3A_796[0] : i32 from vector<1xi32>
    %dma_start3A_798 = arith.constant 3 : i32
    %dma_start3A_799 = arith.constant 0 : i32
    %dma_start3A_800 = tpu.memref_slice %arg11[%dma_start3A_798, %dma_start3A_799] : memref<16x64xf32, #tpu.memory_space<vmem>> -> memref<1x64xf32, #tpu.memory_space<vmem>>
    %dma_start3A_801 = arith.constant 0 : i32
    %dma_start3A_802 = tpu.memref_slice %arg4[%squeeze3A_797, %dma_start3A_801] : memref<1000000x64xf32, #tpu.memory_space<hbm>> -> memref<1x64xf32, #tpu.memory_space<hbm>>
    %dma_start3A_803 = arith.constant 3 : i32
    %dma_start3A_804 = arith.constant 0 : i32
    %dma_start3A_805 = tpu.memref_slice %arg11[%dma_start3A_803, %dma_start3A_804] : memref<16x64xf32, #tpu.memory_space<vmem>> -> memref<1x64xf32, #tpu.memory_space<vmem>>
    %dma_start3A_806 = arith.constant 0 : i32
    %dma_start3A_807 = tpu.memref_slice %arg4[%squeeze3A_797, %dma_start3A_806] : memref<1000000x64xf32, #tpu.memory_space<hbm>> -> memref<1x64xf32, #tpu.memory_space<hbm>>
    tpu.enqueue_dma source(%dma_start3A_807 : memref<1x64xf32, #tpu.memory_space<hbm>>) target(%dma_start3A_805 : memref<1x64xf32, #tpu.memory_space<vmem>>) target_semaphore(%arg15 : memref<!tpu.dma_semaphore, #tpu.memory_space<semaphore_mem>>)
    %slice3A_808 = vector.extract_strided_slice %get3A_711 {offsets = [4], sizes = [1], strides = [1]} : vector<16xi32> to vector<1xi32>
    %squeeze3A_809 = vector.extract %slice3A_808[0] : i32 from vector<1xi32>
    %dma_start3A_810 = arith.constant 4 : i32
    %dma_start3A_811 = arith.constant 0 : i32
    %dma_start3A_812 = tpu.memref_slice %arg10[%dma_start3A_810, %dma_start3A_811] : memref<16x64xf32, #tpu.memory_space<vmem>> -> memref<1x64xf32, #tpu.memory_space<vmem>>
    %dma_start3A_813 = arith.constant 0 : i32
    %dma_start3A_814 = tpu.memref_slice %arg3[%squeeze3A_809, %dma_start3A_813] : memref<1000000x64xf32, #tpu.memory_space<hbm>> -> memref<1x64xf32, #tpu.memory_space<hbm>>
    %dma_start3A_815 = arith.constant 4 : i32
    %dma_start3A_816 = arith.constant 0 : i32
    %dma_start3A_817 = tpu.memref_slice %arg10[%dma_start3A_815, %dma_start3A_816] : memref<16x64xf32, #tpu.memory_space<vmem>> -> memref<1x64xf32, #tpu.memory_space<vmem>>
    %dma_start3A_818 = arith.constant 0 : i32
    %dma_start3A_819 = tpu.memref_slice %arg3[%squeeze3A_809, %dma_start3A_818] : memref<1000000x64xf32, #tpu.memory_space<hbm>> -> memref<1x64xf32, #tpu.memory_space<hbm>>
    tpu.enqueue_dma source(%dma_start3A_819 : memref<1x64xf32, #tpu.memory_space<hbm>>) target(%dma_start3A_817 : memref<1x64xf32, #tpu.memory_space<vmem>>) target_semaphore(%arg14 : memref<!tpu.dma_semaphore, #tpu.memory_space<semaphore_mem>>)
    %slice3A_820 = vector.extract_strided_slice %get3A_711 {offsets = [4], sizes = [1], strides = [1]} : vector<16xi32> to vector<1xi32>
    %squeeze3A_821 = vector.extract %slice3A_820[0] : i32 from vector<1xi32>
    %dma_start3A_822 = arith.constant 4 : i32
    %dma_start3A_823 = arith.constant 0 : i32
    %dma_start3A_824 = tpu.memref_slice %arg11[%dma_start3A_822, %dma_start3A_823] : memref<16x64xf32, #tpu.memory_space<vmem>> -> memref<1x64xf32, #tpu.memory_space<vmem>>
    %dma_start3A_825 = arith.constant 0 : i32
    %dma_start3A_826 = tpu.memref_slice %arg4[%squeeze3A_821, %dma_start3A_825] : memref<1000000x64xf32, #tpu.memory_space<hbm>> -> memref<1x64xf32, #tpu.memory_space<hbm>>
    %dma_start3A_827 = arith.constant 4 : i32
    %dma_start3A_828 = arith.constant 0 : i32
    %dma_start3A_829 = tpu.memref_slice %arg11[%dma_start3A_827, %dma_start3A_828] : memref<16x64xf32, #tpu.memory_space<vmem>> -> memref<1x64xf32, #tpu.memory_space<vmem>>
    %dma_start3A_830 = arith.constant 0 : i32
    %dma_start3A_831 = tpu.memref_slice %arg4[%squeeze3A_821, %dma_start3A_830] : memref<1000000x64xf32, #tpu.memory_space<hbm>> -> memref<1x64xf32, #tpu.memory_space<hbm>>
    tpu.enqueue_dma source(%dma_start3A_831 : memref<1x64xf32, #tpu.memory_space<hbm>>) target(%dma_start3A_829 : memref<1x64xf32, #tpu.memory_space<vmem>>) target_semaphore(%arg15 : memref<!tpu.dma_semaphore, #tpu.memory_space<semaphore_mem>>)
    %slice3A_832 = vector.extract_strided_slice %get3A_711 {offsets = [5], sizes = [1], strides = [1]} : vector<16xi32> to vector<1xi32>
    %squeeze3A_833 = vector.extract %slice3A_832[0] : i32 from vector<1xi32>
    %dma_start3A_834 = arith.constant 5 : i32
    %dma_start3A_835 = arith.constant 0 : i32
    %dma_start3A_836 = tpu.memref_slice %arg10[%dma_start3A_834, %dma_start3A_835] : memref<16x64xf32, #tpu.memory_space<vmem>> -> memref<1x64xf32, #tpu.memory_space<vmem>>
    %dma_start3A_837 = arith.constant 0 : i32
    %dma_start3A_838 = tpu.memref_slice %arg3[%squeeze3A_833, %dma_start3A_837] : memref<1000000x64xf32, #tpu.memory_space<hbm>> -> memref<1x64xf32, #tpu.memory_space<hbm>>
    %dma_start3A_839 = arith.constant 5 : i32
    %dma_start3A_840 = arith.constant 0 : i32
    %dma_start3A_841 = tpu.memref_slice %arg10[%dma_start3A_839, %dma_start3A_840] : memref<16x64xf32, #tpu.memory_space<vmem>> -> memref<1x64xf32, #tpu.memory_space<vmem>>
    %dma_start3A_842 = arith.constant 0 : i32
    %dma_start3A_843 = tpu.memref_slice %arg3[%squeeze3A_833, %dma_start3A_842] : memref<1000000x64xf32, #tpu.memory_space<hbm>> -> memref<1x64xf32, #tpu.memory_space<hbm>>
    tpu.enqueue_dma source(%dma_start3A_843 : memref<1x64xf32, #tpu.memory_space<hbm>>) target(%dma_start3A_841 : memref<1x64xf32, #tpu.memory_space<vmem>>) target_semaphore(%arg14 : memref<!tpu.dma_semaphore, #tpu.memory_space<semaphore_mem>>)
    %slice3A_844 = vector.extract_strided_slice %get3A_711 {offsets = [5], sizes = [1], strides = [1]} : vector<16xi32> to vector<1xi32>
    %squeeze3A_845 = vector.extract %slice3A_844[0] : i32 from vector<1xi32>
    %dma_start3A_846 = arith.constant 5 : i32
    %dma_start3A_847 = arith.constant 0 : i32
    %dma_start3A_848 = tpu.memref_slice %arg11[%dma_start3A_846, %dma_start3A_847] : memref<16x64xf32, #tpu.memory_space<vmem>> -> memref<1x64xf32, #tpu.memory_space<vmem>>
    %dma_start3A_849 = arith.constant 0 : i32
    %dma_start3A_850 = tpu.memref_slice %arg4[%squeeze3A_845, %dma_start3A_849] : memref<1000000x64xf32, #tpu.memory_space<hbm>> -> memref<1x64xf32, #tpu.memory_space<hbm>>
    %dma_start3A_851 = arith.constant 5 : i32
    %dma_start3A_852 = arith.constant 0 : i32
    %dma_start3A_853 = tpu.memref_slice %arg11[%dma_start3A_851, %dma_start3A_852] : memref<16x64xf32, #tpu.memory_space<vmem>> -> memref<1x64xf32, #tpu.memory_space<vmem>>
    %dma_start3A_854 = arith.constant 0 : i32
    %dma_start3A_855 = tpu.memref_slice %arg4[%squeeze3A_845, %dma_start3A_854] : memref<1000000x64xf32, #tpu.memory_space<hbm>> -> memref<1x64xf32, #tpu.memory_space<hbm>>
    tpu.enqueue_dma source(%dma_start3A_855 : memref<1x64xf32, #tpu.memory_space<hbm>>) target(%dma_start3A_853 : memref<1x64xf32, #tpu.memory_space<vmem>>) target_semaphore(%arg15 : memref<!tpu.dma_semaphore, #tpu.memory_space<semaphore_mem>>)
    %slice3A_856 = vector.extract_strided_slice %get3A_711 {offsets = [6], sizes = [1], strides = [1]} : vector<16xi32> to vector<1xi32>
    %squeeze3A_857 = vector.extract %slice3A_856[0] : i32 from vector<1xi32>
    %dma_start3A_858 = arith.constant 6 : i32
    %dma_start3A_859 = arith.constant 0 : i32
    %dma_start3A_860 = tpu.memref_slice %arg10[%dma_start3A_858, %dma_start3A_859] : memref<16x64xf32, #tpu.memory_space<vmem>> -> memref<1x64xf32, #tpu.memory_space<vmem>>
    %dma_start3A_861 = arith.constant 0 : i32
    %dma_start3A_862 = tpu.memref_slice %arg3[%squeeze3A_857, %dma_start3A_861] : memref<1000000x64xf32, #tpu.memory_space<hbm>> -> memref<1x64xf32, #tpu.memory_space<hbm>>
    %dma_start3A_863 = arith.constant 6 : i32
    %dma_start3A_864 = arith.constant 0 : i32
    %dma_start3A_865 = tpu.memref_slice %arg10[%dma_start3A_863, %dma_start3A_864] : memref<16x64xf32, #tpu.memory_space<vmem>> -> memref<1x64xf32, #tpu.memory_space<vmem>>
    %dma_start3A_866 = arith.constant 0 : i32
    %dma_start3A_867 = tpu.memref_slice %arg3[%squeeze3A_857, %dma_start3A_866] : memref<1000000x64xf32, #tpu.memory_space<hbm>> -> memref<1x64xf32, #tpu.memory_space<hbm>>
    tpu.enqueue_dma source(%dma_start3A_867 : memref<1x64xf32, #tpu.memory_space<hbm>>) target(%dma_start3A_865 : memref<1x64xf32, #tpu.memory_space<vmem>>) target_semaphore(%arg14 : memref<!tpu.dma_semaphore, #tpu.memory_space<semaphore_mem>>)
    %slice3A_868 = vector.extract_strided_slice %get3A_711 {offsets = [6], sizes = [1], strides = [1]} : vector<16xi32> to vector<1xi32>
    %squeeze3A_869 = vector.extract %slice3A_868[0] : i32 from vector<1xi32>
    %dma_start3A_870 = arith.constant 6 : i32
    %dma_start3A_871 = arith.constant 0 : i32
    %dma_start3A_872 = tpu.memref_slice %arg11[%dma_start3A_870, %dma_start3A_871] : memref<16x64xf32, #tpu.memory_space<vmem>> -> memref<1x64xf32, #tpu.memory_space<vmem>>
    %dma_start3A_873 = arith.constant 0 : i32
    %dma_start3A_874 = tpu.memref_slice %arg4[%squeeze3A_869, %dma_start3A_873] : memref<1000000x64xf32, #tpu.memory_space<hbm>> -> memref<1x64xf32, #tpu.memory_space<hbm>>
    %dma_start3A_875 = arith.constant 6 : i32
    %dma_start3A_876 = arith.constant 0 : i32
    %dma_start3A_877 = tpu.memref_slice %arg11[%dma_start3A_875, %dma_start3A_876] : memref<16x64xf32, #tpu.memory_space<vmem>> -> memref<1x64xf32, #tpu.memory_space<vmem>>
    %dma_start3A_878 = arith.constant 0 : i32
    %dma_start3A_879 = tpu.memref_slice %arg4[%squeeze3A_869, %dma_start3A_878] : memref<1000000x64xf32, #tpu.memory_space<hbm>> -> memref<1x64xf32, #tpu.memory_space<hbm>>
    tpu.enqueue_dma source(%dma_start3A_879 : memref<1x64xf32, #tpu.memory_space<hbm>>) target(%dma_start3A_877 : memref<1x64xf32, #tpu.memory_space<vmem>>) target_semaphore(%arg15 : memref<!tpu.dma_semaphore, #tpu.memory_space<semaphore_mem>>)
    %slice3A_880 = vector.extract_strided_slice %get3A_711 {offsets = [7], sizes = [1], strides = [1]} : vector<16xi32> to vector<1xi32>
    %squeeze3A_881 = vector.extract %slice3A_880[0] : i32 from vector<1xi32>
    %dma_start3A_882 = arith.constant 7 : i32
    %dma_start3A_883 = arith.constant 0 : i32
    %dma_start3A_884 = tpu.memref_slice %arg10[%dma_start3A_882, %dma_start3A_883] : memref<16x64xf32, #tpu.memory_space<vmem>> -> memref<1x64xf32, #tpu.memory_space<vmem>>
    %dma_start3A_885 = arith.constant 0 : i32
    %dma_start3A_886 = tpu.memref_slice %arg3[%squeeze3A_881, %dma_start3A_885] : memref<1000000x64xf32, #tpu.memory_space<hbm>> -> memref<1x64xf32, #tpu.memory_space<hbm>>
    %dma_start3A_887 = arith.constant 7 : i32
    %dma_start3A_888 = arith.constant 0 : i32
    %dma_start3A_889 = tpu.memref_slice %arg10[%dma_start3A_887, %dma_start3A_888] : memref<16x64xf32, #tpu.memory_space<vmem>> -> memref<1x64xf32, #tpu.memory_space<vmem>>
    %dma_start3A_890 = arith.constant 0 : i32
    %dma_start3A_891 = tpu.memref_slice %arg3[%squeeze3A_881, %dma_start3A_890] : memref<1000000x64xf32, #tpu.memory_space<hbm>> -> memref<1x64xf32, #tpu.memory_space<hbm>>
    tpu.enqueue_dma source(%dma_start3A_891 : memref<1x64xf32, #tpu.memory_space<hbm>>) target(%dma_start3A_889 : memref<1x64xf32, #tpu.memory_space<vmem>>) target_semaphore(%arg14 : memref<!tpu.dma_semaphore, #tpu.memory_space<semaphore_mem>>)
    %slice3A_892 = vector.extract_strided_slice %get3A_711 {offsets = [7], sizes = [1], strides = [1]} : vector<16xi32> to vector<1xi32>
    %squeeze3A_893 = vector.extract %slice3A_892[0] : i32 from vector<1xi32>
    %dma_start3A_894 = arith.constant 7 : i32
    %dma_start3A_895 = arith.constant 0 : i32
    %dma_start3A_896 = tpu.memref_slice %arg11[%dma_start3A_894, %dma_start3A_895] : memref<16x64xf32, #tpu.memory_space<vmem>> -> memref<1x64xf32, #tpu.memory_space<vmem>>
    %dma_start3A_897 = arith.constant 0 : i32
    %dma_start3A_898 = tpu.memref_slice %arg4[%squeeze3A_893, %dma_start3A_897] : memref<1000000x64xf32, #tpu.memory_space<hbm>> -> memref<1x64xf32, #tpu.memory_space<hbm>>
    %dma_start3A_899 = arith.constant 7 : i32
    %dma_start3A_900 = arith.constant 0 : i32
    %dma_start3A_901 = tpu.memref_slice %arg11[%dma_start3A_899, %dma_start3A_900] : memref<16x64xf32, #tpu.memory_space<vmem>> -> memref<1x64xf32, #tpu.memory_space<vmem>>
    %dma_start3A_902 = arith.constant 0 : i32
    %dma_start3A_903 = tpu.memref_slice %arg4[%squeeze3A_893, %dma_start3A_902] : memref<1000000x64xf32, #tpu.memory_space<hbm>> -> memref<1x64xf32, #tpu.memory_space<hbm>>
    tpu.enqueue_dma source(%dma_start3A_903 : memref<1x64xf32, #tpu.memory_space<hbm>>) target(%dma_start3A_901 : memref<1x64xf32, #tpu.memory_space<vmem>>) target_semaphore(%arg15 : memref<!tpu.dma_semaphore, #tpu.memory_space<semaphore_mem>>)
    %slice3A_904 = vector.extract_strided_slice %get3A_711 {offsets = [8], sizes = [1], strides = [1]} : vector<16xi32> to vector<1xi32>
    %squeeze3A_905 = vector.extract %slice3A_904[0] : i32 from vector<1xi32>
    %dma_start3A_906 = arith.constant 8 : i32
    %dma_start3A_907 = arith.constant 0 : i32
    %dma_start3A_908 = tpu.memref_slice %arg10[%dma_start3A_906, %dma_start3A_907] : memref<16x64xf32, #tpu.memory_space<vmem>> -> memref<1x64xf32, #tpu.memory_space<vmem>>
    %dma_start3A_909 = arith.constant 0 : i32
    %dma_start3A_910 = tpu.memref_slice %arg3[%squeeze3A_905, %dma_start3A_909] : memref<1000000x64xf32, #tpu.memory_space<hbm>> -> memref<1x64xf32, #tpu.memory_space<hbm>>
    %dma_start3A_911 = arith.constant 8 : i32
    %dma_start3A_912 = arith.constant 0 : i32
    %dma_start3A_913 = tpu.memref_slice %arg10[%dma_start3A_911, %dma_start3A_912] : memref<16x64xf32, #tpu.memory_space<vmem>> -> memref<1x64xf32, #tpu.memory_space<vmem>>
    %dma_start3A_914 = arith.constant 0 : i32
    %dma_start3A_915 = tpu.memref_slice %arg3[%squeeze3A_905, %dma_start3A_914] : memref<1000000x64xf32, #tpu.memory_space<hbm>> -> memref<1x64xf32, #tpu.memory_space<hbm>>
    tpu.enqueue_dma source(%dma_start3A_915 : memref<1x64xf32, #tpu.memory_space<hbm>>) target(%dma_start3A_913 : memref<1x64xf32, #tpu.memory_space<vmem>>) target_semaphore(%arg14 : memref<!tpu.dma_semaphore, #tpu.memory_space<semaphore_mem>>)
    %slice3A_916 = vector.extract_strided_slice %get3A_711 {offsets = [8], sizes = [1], strides = [1]} : vector<16xi32> to vector<1xi32>
    %squeeze3A_917 = vector.extract %slice3A_916[0] : i32 from vector<1xi32>
    %dma_start3A_918 = arith.constant 8 : i32
    %dma_start3A_919 = arith.constant 0 : i32
    %dma_start3A_920 = tpu.memref_slice %arg11[%dma_start3A_918, %dma_start3A_919] : memref<16x64xf32, #tpu.memory_space<vmem>> -> memref<1x64xf32, #tpu.memory_space<vmem>>
    %dma_start3A_921 = arith.constant 0 : i32
    %dma_start3A_922 = tpu.memref_slice %arg4[%squeeze3A_917, %dma_start3A_921] : memref<1000000x64xf32, #tpu.memory_space<hbm>> -> memref<1x64xf32, #tpu.memory_space<hbm>>
    %dma_start3A_923 = arith.constant 8 : i32
    %dma_start3A_924 = arith.constant 0 : i32
    %dma_start3A_925 = tpu.memref_slice %arg11[%dma_start3A_923, %dma_start3A_924] : memref<16x64xf32, #tpu.memory_space<vmem>> -> memref<1x64xf32, #tpu.memory_space<vmem>>
    %dma_start3A_926 = arith.constant 0 : i32
    %dma_start3A_927 = tpu.memref_slice %arg4[%squeeze3A_917, %dma_start3A_926] : memref<1000000x64xf32, #tpu.memory_space<hbm>> -> memref<1x64xf32, #tpu.memory_space<hbm>>
    tpu.enqueue_dma source(%dma_start3A_927 : memref<1x64xf32, #tpu.memory_space<hbm>>) target(%dma_start3A_925 : memref<1x64xf32, #tpu.memory_space<vmem>>) target_semaphore(%arg15 : memref<!tpu.dma_semaphore, #tpu.memory_space<semaphore_mem>>)
    %slice3A_928 = vector.extract_strided_slice %get3A_711 {offsets = [9], sizes = [1], strides = [1]} : vector<16xi32> to vector<1xi32>
    %squeeze3A_929 = vector.extract %slice3A_928[0] : i32 from vector<1xi32>
    %dma_start3A_930 = arith.constant 9 : i32
    %dma_start3A_931 = arith.constant 0 : i32
    %dma_start3A_932 = tpu.memref_slice %arg10[%dma_start3A_930, %dma_start3A_931] : memref<16x64xf32, #tpu.memory_space<vmem>> -> memref<1x64xf32, #tpu.memory_space<vmem>>
    %dma_start3A_933 = arith.constant 0 : i32
    %dma_start3A_934 = tpu.memref_slice %arg3[%squeeze3A_929, %dma_start3A_933] : memref<1000000x64xf32, #tpu.memory_space<hbm>> -> memref<1x64xf32, #tpu.memory_space<hbm>>
    %dma_start3A_935 = arith.constant 9 : i32
    %dma_start3A_936 = arith.constant 0 : i32
    %dma_start3A_937 = tpu.memref_slice %arg10[%dma_start3A_935, %dma_start3A_936] : memref<16x64xf32, #tpu.memory_space<vmem>> -> memref<1x64xf32, #tpu.memory_space<vmem>>
    %dma_start3A_938 = arith.constant 0 : i32
    %dma_start3A_939 = tpu.memref_slice %arg3[%squeeze3A_929, %dma_start3A_938] : memref<1000000x64xf32, #tpu.memory_space<hbm>> -> memref<1x64xf32, #tpu.memory_space<hbm>>
    tpu.enqueue_dma source(%dma_start3A_939 : memref<1x64xf32, #tpu.memory_space<hbm>>) target(%dma_start3A_937 : memref<1x64xf32, #tpu.memory_space<vmem>>) target_semaphore(%arg14 : memref<!tpu.dma_semaphore, #tpu.memory_space<semaphore_mem>>)
    %slice3A_940 = vector.extract_strided_slice %get3A_711 {offsets = [9], sizes = [1], strides = [1]} : vector<16xi32> to vector<1xi32>
    %squeeze3A_941 = vector.extract %slice3A_940[0] : i32 from vector<1xi32>
    %dma_start3A_942 = arith.constant 9 : i32
    %dma_start3A_943 = arith.constant 0 : i32
    %dma_start3A_944 = tpu.memref_slice %arg11[%dma_start3A_942, %dma_start3A_943] : memref<16x64xf32, #tpu.memory_space<vmem>> -> memref<1x64xf32, #tpu.memory_space<vmem>>
    %dma_start3A_945 = arith.constant 0 : i32
    %dma_start3A_946 = tpu.memref_slice %arg4[%squeeze3A_941, %dma_start3A_945] : memref<1000000x64xf32, #tpu.memory_space<hbm>> -> memref<1x64xf32, #tpu.memory_space<hbm>>
    %dma_start3A_947 = arith.constant 9 : i32
    %dma_start3A_948 = arith.constant 0 : i32
    %dma_start3A_949 = tpu.memref_slice %arg11[%dma_start3A_947, %dma_start3A_948] : memref<16x64xf32, #tpu.memory_space<vmem>> -> memref<1x64xf32, #tpu.memory_space<vmem>>
    %dma_start3A_950 = arith.constant 0 : i32
    %dma_start3A_951 = tpu.memref_slice %arg4[%squeeze3A_941, %dma_start3A_950] : memref<1000000x64xf32, #tpu.memory_space<hbm>> -> memref<1x64xf32, #tpu.memory_space<hbm>>
    tpu.enqueue_dma source(%dma_start3A_951 : memref<1x64xf32, #tpu.memory_space<hbm>>) target(%dma_start3A_949 : memref<1x64xf32, #tpu.memory_space<vmem>>) target_semaphore(%arg15 : memref<!tpu.dma_semaphore, #tpu.memory_space<semaphore_mem>>)
    %slice3A_952 = vector.extract_strided_slice %get3A_711 {offsets = [10], sizes = [1], strides = [1]} : vector<16xi32> to vector<1xi32>
    %squeeze3A_953 = vector.extract %slice3A_952[0] : i32 from vector<1xi32>
    %dma_start3A_954 = arith.constant 10 : i32
    %dma_start3A_955 = arith.constant 0 : i32
    %dma_start3A_956 = tpu.memref_slice %arg10[%dma_start3A_954, %dma_start3A_955] : memref<16x64xf32, #tpu.memory_space<vmem>> -> memref<1x64xf32, #tpu.memory_space<vmem>>
    %dma_start3A_957 = arith.constant 0 : i32
    %dma_start3A_958 = tpu.memref_slice %arg3[%squeeze3A_953, %dma_start3A_957] : memref<1000000x64xf32, #tpu.memory_space<hbm>> -> memref<1x64xf32, #tpu.memory_space<hbm>>
    %dma_start3A_959 = arith.constant 10 : i32
    %dma_start3A_960 = arith.constant 0 : i32
    %dma_start3A_961 = tpu.memref_slice %arg10[%dma_start3A_959, %dma_start3A_960] : memref<16x64xf32, #tpu.memory_space<vmem>> -> memref<1x64xf32, #tpu.memory_space<vmem>>
    %dma_start3A_962 = arith.constant 0 : i32
    %dma_start3A_963 = tpu.memref_slice %arg3[%squeeze3A_953, %dma_start3A_962] : memref<1000000x64xf32, #tpu.memory_space<hbm>> -> memref<1x64xf32, #tpu.memory_space<hbm>>
    tpu.enqueue_dma source(%dma_start3A_963 : memref<1x64xf32, #tpu.memory_space<hbm>>) target(%dma_start3A_961 : memref<1x64xf32, #tpu.memory_space<vmem>>) target_semaphore(%arg14 : memref<!tpu.dma_semaphore, #tpu.memory_space<semaphore_mem>>)
    %slice3A_964 = vector.extract_strided_slice %get3A_711 {offsets = [10], sizes = [1], strides = [1]} : vector<16xi32> to vector<1xi32>
    %squeeze3A_965 = vector.extract %slice3A_964[0] : i32 from vector<1xi32>
    %dma_start3A_966 = arith.constant 10 : i32
    %dma_start3A_967 = arith.constant 0 : i32
    %dma_start3A_968 = tpu.memref_slice %arg11[%dma_start3A_966, %dma_start3A_967] : memref<16x64xf32, #tpu.memory_space<vmem>> -> memref<1x64xf32, #tpu.memory_space<vmem>>
    %dma_start3A_969 = arith.constant 0 : i32
    %dma_start3A_970 = tpu.memref_slice %arg4[%squeeze3A_965, %dma_start3A_969] : memref<1000000x64xf32, #tpu.memory_space<hbm>> -> memref<1x64xf32, #tpu.memory_space<hbm>>
    %dma_start3A_971 = arith.constant 10 : i32
    %dma_start3A_972 = arith.constant 0 : i32
    %dma_start3A_973 = tpu.memref_slice %arg11[%dma_start3A_971, %dma_start3A_972] : memref<16x64xf32, #tpu.memory_space<vmem>> -> memref<1x64xf32, #tpu.memory_space<vmem>>
    %dma_start3A_974 = arith.constant 0 : i32
    %dma_start3A_975 = tpu.memref_slice %arg4[%squeeze3A_965, %dma_start3A_974] : memref<1000000x64xf32, #tpu.memory_space<hbm>> -> memref<1x64xf32, #tpu.memory_space<hbm>>
    tpu.enqueue_dma source(%dma_start3A_975 : memref<1x64xf32, #tpu.memory_space<hbm>>) target(%dma_start3A_973 : memref<1x64xf32, #tpu.memory_space<vmem>>) target_semaphore(%arg15 : memref<!tpu.dma_semaphore, #tpu.memory_space<semaphore_mem>>)
    %slice3A_976 = vector.extract_strided_slice %get3A_711 {offsets = [11], sizes = [1], strides = [1]} : vector<16xi32> to vector<1xi32>
    %squeeze3A_977 = vector.extract %slice3A_976[0] : i32 from vector<1xi32>
    %dma_start3A_978 = arith.constant 11 : i32
    %dma_start3A_979 = arith.constant 0 : i32
    %dma_start3A_980 = tpu.memref_slice %arg10[%dma_start3A_978, %dma_start3A_979] : memref<16x64xf32, #tpu.memory_space<vmem>> -> memref<1x64xf32, #tpu.memory_space<vmem>>
    %dma_start3A_981 = arith.constant 0 : i32
    %dma_start3A_982 = tpu.memref_slice %arg3[%squeeze3A_977, %dma_start3A_981] : memref<1000000x64xf32, #tpu.memory_space<hbm>> -> memref<1x64xf32, #tpu.memory_space<hbm>>
    %dma_start3A_983 = arith.constant 11 : i32
    %dma_start3A_984 = arith.constant 0 : i32
    %dma_start3A_985 = tpu.memref_slice %arg10[%dma_start3A_983, %dma_start3A_984] : memref<16x64xf32, #tpu.memory_space<vmem>> -> memref<1x64xf32, #tpu.memory_space<vmem>>
    %dma_start3A_986 = arith.constant 0 : i32
    %dma_start3A_987 = tpu.memref_slice %arg3[%squeeze3A_977, %dma_start3A_986] : memref<1000000x64xf32, #tpu.memory_space<hbm>> -> memref<1x64xf32, #tpu.memory_space<hbm>>
    tpu.enqueue_dma source(%dma_start3A_987 : memref<1x64xf32, #tpu.memory_space<hbm>>) target(%dma_start3A_985 : memref<1x64xf32, #tpu.memory_space<vmem>>) target_semaphore(%arg14 : memref<!tpu.dma_semaphore, #tpu.memory_space<semaphore_mem>>)
    %slice3A_988 = vector.extract_strided_slice %get3A_711 {offsets = [11], sizes = [1], strides = [1]} : vector<16xi32> to vector<1xi32>
    %squeeze3A_989 = vector.extract %slice3A_988[0] : i32 from vector<1xi32>
    %dma_start3A_990 = arith.constant 11 : i32
    %dma_start3A_991 = arith.constant 0 : i32
    %dma_start3A_992 = tpu.memref_slice %arg11[%dma_start3A_990, %dma_start3A_991] : memref<16x64xf32, #tpu.memory_space<vmem>> -> memref<1x64xf32, #tpu.memory_space<vmem>>
    %dma_start3A_993 = arith.constant 0 : i32
    %dma_start3A_994 = tpu.memref_slice %arg4[%squeeze3A_989, %dma_start3A_993] : memref<1000000x64xf32, #tpu.memory_space<hbm>> -> memref<1x64xf32, #tpu.memory_space<hbm>>
    %dma_start3A_995 = arith.constant 11 : i32
    %dma_start3A_996 = arith.constant 0 : i32
    %dma_start3A_997 = tpu.memref_slice %arg11[%dma_start3A_995, %dma_start3A_996] : memref<16x64xf32, #tpu.memory_space<vmem>> -> memref<1x64xf32, #tpu.memory_space<vmem>>
    %dma_start3A_998 = arith.constant 0 : i32
    %dma_start3A_999 = tpu.memref_slice %arg4[%squeeze3A_989, %dma_start3A_998] : memref<1000000x64xf32, #tpu.memory_space<hbm>> -> memref<1x64xf32, #tpu.memory_space<hbm>>
    tpu.enqueue_dma source(%dma_start3A_999 : memref<1x64xf32, #tpu.memory_space<hbm>>) target(%dma_start3A_997 : memref<1x64xf32, #tpu.memory_space<vmem>>) target_semaphore(%arg15 : memref<!tpu.dma_semaphore, #tpu.memory_space<semaphore_mem>>)
    %slice3A_1000 = vector.extract_strided_slice %get3A_711 {offsets = [12], sizes = [1], strides = [1]} : vector<16xi32> to vector<1xi32>
    %squeeze3A_1001 = vector.extract %slice3A_1000[0] : i32 from vector<1xi32>
    %dma_start3A_1002 = arith.constant 12 : i32
    %dma_start3A_1003 = arith.constant 0 : i32
    %dma_start3A_1004 = tpu.memref_slice %arg10[%dma_start3A_1002, %dma_start3A_1003] : memref<16x64xf32, #tpu.memory_space<vmem>> -> memref<1x64xf32, #tpu.memory_space<vmem>>
    %dma_start3A_1005 = arith.constant 0 : i32
    %dma_start3A_1006 = tpu.memref_slice %arg3[%squeeze3A_1001, %dma_start3A_1005] : memref<1000000x64xf32, #tpu.memory_space<hbm>> -> memref<1x64xf32, #tpu.memory_space<hbm>>
    %dma_start3A_1007 = arith.constant 12 : i32
    %dma_start3A_1008 = arith.constant 0 : i32
    %dma_start3A_1009 = tpu.memref_slice %arg10[%dma_start3A_1007, %dma_start3A_1008] : memref<16x64xf32, #tpu.memory_space<vmem>> -> memref<1x64xf32, #tpu.memory_space<vmem>>
    %dma_start3A_1010 = arith.constant 0 : i32
    %dma_start3A_1011 = tpu.memref_slice %arg3[%squeeze3A_1001, %dma_start3A_1010] : memref<1000000x64xf32, #tpu.memory_space<hbm>> -> memref<1x64xf32, #tpu.memory_space<hbm>>
    tpu.enqueue_dma source(%dma_start3A_1011 : memref<1x64xf32, #tpu.memory_space<hbm>>) target(%dma_start3A_1009 : memref<1x64xf32, #tpu.memory_space<vmem>>) target_semaphore(%arg14 : memref<!tpu.dma_semaphore, #tpu.memory_space<semaphore_mem>>)
    %slice3A_1012 = vector.extract_strided_slice %get3A_711 {offsets = [12], sizes = [1], strides = [1]} : vector<16xi32> to vector<1xi32>
    %squeeze3A_1013 = vector.extract %slice3A_1012[0] : i32 from vector<1xi32>
    %dma_start3A_1014 = arith.constant 12 : i32
    %dma_start3A_1015 = arith.constant 0 : i32
    %dma_start3A_1016 = tpu.memref_slice %arg11[%dma_start3A_1014, %dma_start3A_1015] : memref<16x64xf32, #tpu.memory_space<vmem>> -> memref<1x64xf32, #tpu.memory_space<vmem>>
    %dma_start3A_1017 = arith.constant 0 : i32
    %dma_start3A_1018 = tpu.memref_slice %arg4[%squeeze3A_1013, %dma_start3A_1017] : memref<1000000x64xf32, #tpu.memory_space<hbm>> -> memref<1x64xf32, #tpu.memory_space<hbm>>
    %dma_start3A_1019 = arith.constant 12 : i32
    %dma_start3A_1020 = arith.constant 0 : i32
    %dma_start3A_1021 = tpu.memref_slice %arg11[%dma_start3A_1019, %dma_start3A_1020] : memref<16x64xf32, #tpu.memory_space<vmem>> -> memref<1x64xf32, #tpu.memory_space<vmem>>
    %dma_start3A_1022 = arith.constant 0 : i32
    %dma_start3A_1023 = tpu.memref_slice %arg4[%squeeze3A_1013, %dma_start3A_1022] : memref<1000000x64xf32, #tpu.memory_space<hbm>> -> memref<1x64xf32, #tpu.memory_space<hbm>>
    tpu.enqueue_dma source(%dma_start3A_1023 : memref<1x64xf32, #tpu.memory_space<hbm>>) target(%dma_start3A_1021 : memref<1x64xf32, #tpu.memory_space<vmem>>) target_semaphore(%arg15 : memref<!tpu.dma_semaphore, #tpu.memory_space<semaphore_mem>>)
    %slice3A_1024 = vector.extract_strided_slice %get3A_711 {offsets = [13], sizes = [1], strides = [1]} : vector<16xi32> to vector<1xi32>
    %squeeze3A_1025 = vector.extract %slice3A_1024[0] : i32 from vector<1xi32>
    %dma_start3A_1026 = arith.constant 13 : i32
    %dma_start3A_1027 = arith.constant 0 : i32
    %dma_start3A_1028 = tpu.memref_slice %arg10[%dma_start3A_1026, %dma_start3A_1027] : memref<16x64xf32, #tpu.memory_space<vmem>> -> memref<1x64xf32, #tpu.memory_space<vmem>>
    %dma_start3A_1029 = arith.constant 0 : i32
    %dma_start3A_1030 = tpu.memref_slice %arg3[%squeeze3A_1025, %dma_start3A_1029] : memref<1000000x64xf32, #tpu.memory_space<hbm>> -> memref<1x64xf32, #tpu.memory_space<hbm>>
    %dma_start3A_1031 = arith.constant 13 : i32
    %dma_start3A_1032 = arith.constant 0 : i32
    %dma_start3A_1033 = tpu.memref_slice %arg10[%dma_start3A_1031, %dma_start3A_1032] : memref<16x64xf32, #tpu.memory_space<vmem>> -> memref<1x64xf32, #tpu.memory_space<vmem>>
    %dma_start3A_1034 = arith.constant 0 : i32
    %dma_start3A_1035 = tpu.memref_slice %arg3[%squeeze3A_1025, %dma_start3A_1034] : memref<1000000x64xf32, #tpu.memory_space<hbm>> -> memref<1x64xf32, #tpu.memory_space<hbm>>
    tpu.enqueue_dma source(%dma_start3A_1035 : memref<1x64xf32, #tpu.memory_space<hbm>>) target(%dma_start3A_1033 : memref<1x64xf32, #tpu.memory_space<vmem>>) target_semaphore(%arg14 : memref<!tpu.dma_semaphore, #tpu.memory_space<semaphore_mem>>)
    %slice3A_1036 = vector.extract_strided_slice %get3A_711 {offsets = [13], sizes = [1], strides = [1]} : vector<16xi32> to vector<1xi32>
    %squeeze3A_1037 = vector.extract %slice3A_1036[0] : i32 from vector<1xi32>
    %dma_start3A_1038 = arith.constant 13 : i32
    %dma_start3A_1039 = arith.constant 0 : i32
    %dma_start3A_1040 = tpu.memref_slice %arg11[%dma_start3A_1038, %dma_start3A_1039] : memref<16x64xf32, #tpu.memory_space<vmem>> -> memref<1x64xf32, #tpu.memory_space<vmem>>
    %dma_start3A_1041 = arith.constant 0 : i32
    %dma_start3A_1042 = tpu.memref_slice %arg4[%squeeze3A_1037, %dma_start3A_1041] : memref<1000000x64xf32, #tpu.memory_space<hbm>> -> memref<1x64xf32, #tpu.memory_space<hbm>>
    %dma_start3A_1043 = arith.constant 13 : i32
    %dma_start3A_1044 = arith.constant 0 : i32
    %dma_start3A_1045 = tpu.memref_slice %arg11[%dma_start3A_1043, %dma_start3A_1044] : memref<16x64xf32, #tpu.memory_space<vmem>> -> memref<1x64xf32, #tpu.memory_space<vmem>>
    %dma_start3A_1046 = arith.constant 0 : i32
    %dma_start3A_1047 = tpu.memref_slice %arg4[%squeeze3A_1037, %dma_start3A_1046] : memref<1000000x64xf32, #tpu.memory_space<hbm>> -> memref<1x64xf32, #tpu.memory_space<hbm>>
    tpu.enqueue_dma source(%dma_start3A_1047 : memref<1x64xf32, #tpu.memory_space<hbm>>) target(%dma_start3A_1045 : memref<1x64xf32, #tpu.memory_space<vmem>>) target_semaphore(%arg15 : memref<!tpu.dma_semaphore, #tpu.memory_space<semaphore_mem>>)
    %slice3A_1048 = vector.extract_strided_slice %get3A_711 {offsets = [14], sizes = [1], strides = [1]} : vector<16xi32> to vector<1xi32>
    %squeeze3A_1049 = vector.extract %slice3A_1048[0] : i32 from vector<1xi32>
    %dma_start3A_1050 = arith.constant 14 : i32
    %dma_start3A_1051 = arith.constant 0 : i32
    %dma_start3A_1052 = tpu.memref_slice %arg10[%dma_start3A_1050, %dma_start3A_1051] : memref<16x64xf32, #tpu.memory_space<vmem>> -> memref<1x64xf32, #tpu.memory_space<vmem>>
    %dma_start3A_1053 = arith.constant 0 : i32
    %dma_start3A_1054 = tpu.memref_slice %arg3[%squeeze3A_1049, %dma_start3A_1053] : memref<1000000x64xf32, #tpu.memory_space<hbm>> -> memref<1x64xf32, #tpu.memory_space<hbm>>
    %dma_start3A_1055 = arith.constant 14 : i32
    %dma_start3A_1056 = arith.constant 0 : i32
    %dma_start3A_1057 = tpu.memref_slice %arg10[%dma_start3A_1055, %dma_start3A_1056] : memref<16x64xf32, #tpu.memory_space<vmem>> -> memref<1x64xf32, #tpu.memory_space<vmem>>
    %dma_start3A_1058 = arith.constant 0 : i32
    %dma_start3A_1059 = tpu.memref_slice %arg3[%squeeze3A_1049, %dma_start3A_1058] : memref<1000000x64xf32, #tpu.memory_space<hbm>> -> memref<1x64xf32, #tpu.memory_space<hbm>>
    tpu.enqueue_dma source(%dma_start3A_1059 : memref<1x64xf32, #tpu.memory_space<hbm>>) target(%dma_start3A_1057 : memref<1x64xf32, #tpu.memory_space<vmem>>) target_semaphore(%arg14 : memref<!tpu.dma_semaphore, #tpu.memory_space<semaphore_mem>>)
    %slice3A_1060 = vector.extract_strided_slice %get3A_711 {offsets = [14], sizes = [1], strides = [1]} : vector<16xi32> to vector<1xi32>
    %squeeze3A_1061 = vector.extract %slice3A_1060[0] : i32 from vector<1xi32>
    %dma_start3A_1062 = arith.constant 14 : i32
    %dma_start3A_1063 = arith.constant 0 : i32
    %dma_start3A_1064 = tpu.memref_slice %arg11[%dma_start3A_1062, %dma_start3A_1063] : memref<16x64xf32, #tpu.memory_space<vmem>> -> memref<1x64xf32, #tpu.memory_space<vmem>>
    %dma_start3A_1065 = arith.constant 0 : i32
    %dma_start3A_1066 = tpu.memref_slice %arg4[%squeeze3A_1061, %dma_start3A_1065] : memref<1000000x64xf32, #tpu.memory_space<hbm>> -> memref<1x64xf32, #tpu.memory_space<hbm>>
    %dma_start3A_1067 = arith.constant 14 : i32
    %dma_start3A_1068 = arith.constant 0 : i32
    %dma_start3A_1069 = tpu.memref_slice %arg11[%dma_start3A_1067, %dma_start3A_1068] : memref<16x64xf32, #tpu.memory_space<vmem>> -> memref<1x64xf32, #tpu.memory_space<vmem>>
    %dma_start3A_1070 = arith.constant 0 : i32
    %dma_start3A_1071 = tpu.memref_slice %arg4[%squeeze3A_1061, %dma_start3A_1070] : memref<1000000x64xf32, #tpu.memory_space<hbm>> -> memref<1x64xf32, #tpu.memory_space<hbm>>
    tpu.enqueue_dma source(%dma_start3A_1071 : memref<1x64xf32, #tpu.memory_space<hbm>>) target(%dma_start3A_1069 : memref<1x64xf32, #tpu.memory_space<vmem>>) target_semaphore(%arg15 : memref<!tpu.dma_semaphore, #tpu.memory_space<semaphore_mem>>)
    %slice3A_1072 = vector.extract_strided_slice %get3A_711 {offsets = [15], sizes = [1], strides = [1]} : vector<16xi32> to vector<1xi32>
    %squeeze3A_1073 = vector.extract %slice3A_1072[0] : i32 from vector<1xi32>
    %dma_start3A_1074 = arith.constant 15 : i32
    %dma_start3A_1075 = arith.constant 0 : i32
    %dma_start3A_1076 = tpu.memref_slice %arg10[%dma_start3A_1074, %dma_start3A_1075] : memref<16x64xf32, #tpu.memory_space<vmem>> -> memref<1x64xf32, #tpu.memory_space<vmem>>
    %dma_start3A_1077 = arith.constant 0 : i32
    %dma_start3A_1078 = tpu.memref_slice %arg3[%squeeze3A_1073, %dma_start3A_1077] : memref<1000000x64xf32, #tpu.memory_space<hbm>> -> memref<1x64xf32, #tpu.memory_space<hbm>>
    %dma_start3A_1079 = arith.constant 15 : i32
    %dma_start3A_1080 = arith.constant 0 : i32
    %dma_start3A_1081 = tpu.memref_slice %arg10[%dma_start3A_1079, %dma_start3A_1080] : memref<16x64xf32, #tpu.memory_space<vmem>> -> memref<1x64xf32, #tpu.memory_space<vmem>>
    %dma_start3A_1082 = arith.constant 0 : i32
    %dma_start3A_1083 = tpu.memref_slice %arg3[%squeeze3A_1073, %dma_start3A_1082] : memref<1000000x64xf32, #tpu.memory_space<hbm>> -> memref<1x64xf32, #tpu.memory_space<hbm>>
    tpu.enqueue_dma source(%dma_start3A_1083 : memref<1x64xf32, #tpu.memory_space<hbm>>) target(%dma_start3A_1081 : memref<1x64xf32, #tpu.memory_space<vmem>>) target_semaphore(%arg14 : memref<!tpu.dma_semaphore, #tpu.memory_space<semaphore_mem>>)
    %slice3A_1084 = vector.extract_strided_slice %get3A_711 {offsets = [15], sizes = [1], strides = [1]} : vector<16xi32> to vector<1xi32>
    %squeeze3A_1085 = vector.extract %slice3A_1084[0] : i32 from vector<1xi32>
    %dma_start3A_1086 = arith.constant 15 : i32
    %dma_start3A_1087 = arith.constant 0 : i32
    %dma_start3A_1088 = tpu.memref_slice %arg11[%dma_start3A_1086, %dma_start3A_1087] : memref<16x64xf32, #tpu.memory_space<vmem>> -> memref<1x64xf32, #tpu.memory_space<vmem>>
    %dma_start3A_1089 = arith.constant 0 : i32
    %dma_start3A_1090 = tpu.memref_slice %arg4[%squeeze3A_1085, %dma_start3A_1089] : memref<1000000x64xf32, #tpu.memory_space<hbm>> -> memref<1x64xf32, #tpu.memory_space<hbm>>
    %dma_start3A_1091 = arith.constant 15 : i32
    %dma_start3A_1092 = arith.constant 0 : i32
    %dma_start3A_1093 = tpu.memref_slice %arg11[%dma_start3A_1091, %dma_start3A_1092] : memref<16x64xf32, #tpu.memory_space<vmem>> -> memref<1x64xf32, #tpu.memory_space<vmem>>
    %dma_start3A_1094 = arith.constant 0 : i32
    %dma_start3A_1095 = tpu.memref_slice %arg4[%squeeze3A_1085, %dma_start3A_1094] : memref<1000000x64xf32, #tpu.memory_space<hbm>> -> memref<1x64xf32, #tpu.memory_space<hbm>>
    tpu.enqueue_dma source(%dma_start3A_1095 : memref<1x64xf32, #tpu.memory_space<hbm>>) target(%dma_start3A_1093 : memref<1x64xf32, #tpu.memory_space<vmem>>) target_semaphore(%arg15 : memref<!tpu.dma_semaphore, #tpu.memory_space<semaphore_mem>>)
    %dma_wait3A = arith.constant 0 : i32
    %dma_wait3A_1096 = arith.constant 0 : i32
    %dma_wait3A_1097 = tpu.memref_slice %arg3[%dma_wait3A, %dma_wait3A_1096] : memref<1000000x64xf32, #tpu.memory_space<hbm>> -> memref<16x64xf32, #tpu.memory_space<hbm>>
    %dma_wait3A_1098 = arith.constant 0 : i32
    %dma_wait3A_1099 = arith.constant 0 : i32
    %dma_wait3A_1100 = tpu.memref_slice %arg3[%dma_wait3A_1098, %dma_wait3A_1099] : memref<1000000x64xf32, #tpu.memory_space<hbm>> -> memref<16x64xf32, #tpu.memory_space<hbm>>
    tpu.wait_dma2 semaphore(%arg12 : memref<!tpu.dma_semaphore, #tpu.memory_space<semaphore_mem>>) src(%dma_wait3A_1100 : memref<16x64xf32, #tpu.memory_space<hbm>>) dst(%arg8 : memref<16x64xf32, #tpu.memory_space<vmem>>)
    %add3A_1101 = arith.constant 480 : i32
    %add3A_1102 = arith.addi %mul3A_2, %add3A_1101 : i32
    "tpu.region"() ({
      %run_scoped3A = tpu.sem_alloc : memref<!tpu.dma_semaphore, #tpu.memory_space<semaphore_mem>>
      %dma_start3A_1127 = arith.constant 0 : i32
      %dma_start3A_1128 = tpu.memref_slice %arg5[%add3A_1102, %dma_start3A_1127] : memref<16384x64xf32, #tpu.memory_space<hbm>> -> memref<16x64xf32, #tpu.memory_space<hbm>>
      %dma_start3A_1129 = arith.constant 0 : i32
      %dma_start3A_1130 = tpu.memref_slice %arg5[%add3A_1102, %dma_start3A_1129] : memref<16384x64xf32, #tpu.memory_space<hbm>> -> memref<16x64xf32, #tpu.memory_space<hbm>>
      tpu.enqueue_dma source(%arg8 : memref<16x64xf32, #tpu.memory_space<vmem>>) target(%dma_start3A_1130 : memref<16x64xf32, #tpu.memory_space<hbm>>) target_semaphore(%run_scoped3A : memref<!tpu.dma_semaphore, #tpu.memory_space<semaphore_mem>>)
      %dma_wait3A_1131 = arith.constant 0 : i32
      %dma_wait3A_1132 = tpu.memref_slice %arg5[%add3A_1102, %dma_wait3A_1131] : memref<16384x64xf32, #tpu.memory_space<hbm>> -> memref<16x64xf32, #tpu.memory_space<hbm>>
      %dma_wait3A_1133 = arith.constant 0 : i32
      %dma_wait3A_1134 = tpu.memref_slice %arg5[%add3A_1102, %dma_wait3A_1133] : memref<16384x64xf32, #tpu.memory_space<hbm>> -> memref<16x64xf32, #tpu.memory_space<hbm>>
      tpu.wait_dma2 semaphore(%run_scoped3A : memref<!tpu.dma_semaphore, #tpu.memory_space<semaphore_mem>>) src(%arg8 : memref<16x64xf32, #tpu.memory_space<vmem>>) dst(%dma_wait3A_1134 : memref<16x64xf32, #tpu.memory_space<hbm>>)
      tpu.yield
    }) : () -> ()
    %dma_wait3A_1103 = arith.constant 0 : i32
    %dma_wait3A_1104 = arith.constant 0 : i32
    %dma_wait3A_1105 = tpu.memref_slice %arg4[%dma_wait3A_1103, %dma_wait3A_1104] : memref<1000000x64xf32, #tpu.memory_space<hbm>> -> memref<16x64xf32, #tpu.memory_space<hbm>>
    %dma_wait3A_1106 = arith.constant 0 : i32
    %dma_wait3A_1107 = arith.constant 0 : i32
    %dma_wait3A_1108 = tpu.memref_slice %arg4[%dma_wait3A_1106, %dma_wait3A_1107] : memref<1000000x64xf32, #tpu.memory_space<hbm>> -> memref<16x64xf32, #tpu.memory_space<hbm>>
    tpu.wait_dma2 semaphore(%arg13 : memref<!tpu.dma_semaphore, #tpu.memory_space<semaphore_mem>>) src(%dma_wait3A_1108 : memref<16x64xf32, #tpu.memory_space<hbm>>) dst(%arg9 : memref<16x64xf32, #tpu.memory_space<vmem>>)
    %add3A_1109 = arith.constant 480 : i32
    %add3A_1110 = arith.addi %mul3A_2, %add3A_1109 : i32
    "tpu.region"() ({
      %run_scoped3A = tpu.sem_alloc : memref<!tpu.dma_semaphore, #tpu.memory_space<semaphore_mem>>
      %dma_start3A_1127 = arith.constant 0 : i32
      %dma_start3A_1128 = tpu.memref_slice %arg6[%add3A_1110, %dma_start3A_1127] : memref<16384x64xf32, #tpu.memory_space<hbm>> -> memref<16x64xf32, #tpu.memory_space<hbm>>
      %dma_start3A_1129 = arith.constant 0 : i32
      %dma_start3A_1130 = tpu.memref_slice %arg6[%add3A_1110, %dma_start3A_1129] : memref<16384x64xf32, #tpu.memory_space<hbm>> -> memref<16x64xf32, #tpu.memory_space<hbm>>
      tpu.enqueue_dma source(%arg9 : memref<16x64xf32, #tpu.memory_space<vmem>>) target(%dma_start3A_1130 : memref<16x64xf32, #tpu.memory_space<hbm>>) target_semaphore(%run_scoped3A : memref<!tpu.dma_semaphore, #tpu.memory_space<semaphore_mem>>)
      %dma_wait3A_1131 = arith.constant 0 : i32
      %dma_wait3A_1132 = tpu.memref_slice %arg6[%add3A_1110, %dma_wait3A_1131] : memref<16384x64xf32, #tpu.memory_space<hbm>> -> memref<16x64xf32, #tpu.memory_space<hbm>>
      %dma_wait3A_1133 = arith.constant 0 : i32
      %dma_wait3A_1134 = tpu.memref_slice %arg6[%add3A_1110, %dma_wait3A_1133] : memref<16384x64xf32, #tpu.memory_space<hbm>> -> memref<16x64xf32, #tpu.memory_space<hbm>>
      tpu.wait_dma2 semaphore(%run_scoped3A : memref<!tpu.dma_semaphore, #tpu.memory_space<semaphore_mem>>) src(%arg9 : memref<16x64xf32, #tpu.memory_space<vmem>>) dst(%dma_wait3A_1134 : memref<16x64xf32, #tpu.memory_space<hbm>>)
      tpu.yield
    }) : () -> ()
    %dma_wait3A_1111 = arith.constant 0 : i32
    %dma_wait3A_1112 = arith.constant 0 : i32
    %dma_wait3A_1113 = tpu.memref_slice %arg3[%dma_wait3A_1111, %dma_wait3A_1112] : memref<1000000x64xf32, #tpu.memory_space<hbm>> -> memref<16x64xf32, #tpu.memory_space<hbm>>
    %dma_wait3A_1114 = arith.constant 0 : i32
    %dma_wait3A_1115 = arith.constant 0 : i32
    %dma_wait3A_1116 = tpu.memref_slice %arg3[%dma_wait3A_1114, %dma_wait3A_1115] : memref<1000000x64xf32, #tpu.memory_space<hbm>> -> memref<16x64xf32, #tpu.memory_space<hbm>>
    tpu.wait_dma2 semaphore(%arg14 : memref<!tpu.dma_semaphore, #tpu.memory_space<semaphore_mem>>) src(%dma_wait3A_1116 : memref<16x64xf32, #tpu.memory_space<hbm>>) dst(%arg10 : memref<16x64xf32, #tpu.memory_space<vmem>>)
    %add3A_1117 = arith.constant 496 : i32
    %add3A_1118 = arith.addi %mul3A_2, %add3A_1117 : i32
    "tpu.region"() ({
      %run_scoped3A = tpu.sem_alloc : memref<!tpu.dma_semaphore, #tpu.memory_space<semaphore_mem>>
      %dma_start3A_1127 = arith.constant 0 : i32
      %dma_start3A_1128 = tpu.memref_slice %arg5[%add3A_1118, %dma_start3A_1127] : memref<16384x64xf32, #tpu.memory_space<hbm>> -> memref<16x64xf32, #tpu.memory_space<hbm>>
      %dma_start3A_1129 = arith.constant 0 : i32
      %dma_start3A_1130 = tpu.memref_slice %arg5[%add3A_1118, %dma_start3A_1129] : memref<16384x64xf32, #tpu.memory_space<hbm>> -> memref<16x64xf32, #tpu.memory_space<hbm>>
      tpu.enqueue_dma source(%arg10 : memref<16x64xf32, #tpu.memory_space<vmem>>) target(%dma_start3A_1130 : memref<16x64xf32, #tpu.memory_space<hbm>>) target_semaphore(%run_scoped3A : memref<!tpu.dma_semaphore, #tpu.memory_space<semaphore_mem>>)
      %dma_wait3A_1131 = arith.constant 0 : i32
      %dma_wait3A_1132 = tpu.memref_slice %arg5[%add3A_1118, %dma_wait3A_1131] : memref<16384x64xf32, #tpu.memory_space<hbm>> -> memref<16x64xf32, #tpu.memory_space<hbm>>
      %dma_wait3A_1133 = arith.constant 0 : i32
      %dma_wait3A_1134 = tpu.memref_slice %arg5[%add3A_1118, %dma_wait3A_1133] : memref<16384x64xf32, #tpu.memory_space<hbm>> -> memref<16x64xf32, #tpu.memory_space<hbm>>
      tpu.wait_dma2 semaphore(%run_scoped3A : memref<!tpu.dma_semaphore, #tpu.memory_space<semaphore_mem>>) src(%arg10 : memref<16x64xf32, #tpu.memory_space<vmem>>) dst(%dma_wait3A_1134 : memref<16x64xf32, #tpu.memory_space<hbm>>)
      tpu.yield
    }) : () -> ()
    %dma_wait3A_1119 = arith.constant 0 : i32
    %dma_wait3A_1120 = arith.constant 0 : i32
    %dma_wait3A_1121 = tpu.memref_slice %arg4[%dma_wait3A_1119, %dma_wait3A_1120] : memref<1000000x64xf32, #tpu.memory_space<hbm>> -> memref<16x64xf32, #tpu.memory_space<hbm>>
    %dma_wait3A_1122 = arith.constant 0 : i32
    %dma_wait3A_1123 = arith.constant 0 : i32
    %dma_wait3A_1124 = tpu.memref_slice %arg4[%dma_wait3A_1122, %dma_wait3A_1123] : memref<1000000x64xf32, #tpu.memory_space<hbm>> -> memref<16x64xf32, #tpu.memory_space<hbm>>
    tpu.wait_dma2 semaphore(%arg15 : memref<!tpu.dma_semaphore, #tpu.memory_space<semaphore_mem>>) src(%dma_wait3A_1124 : memref<16x64xf32, #tpu.memory_space<hbm>>) dst(%arg11 : memref<16x64xf32, #tpu.memory_space<vmem>>)
    %add3A_1125 = arith.constant 496 : i32
    %add3A_1126 = arith.addi %mul3A_2, %add3A_1125 : i32
    "tpu.region"() ({
      %run_scoped3A = tpu.sem_alloc : memref<!tpu.dma_semaphore, #tpu.memory_space<semaphore_mem>>
      %dma_start3A_1127 = arith.constant 0 : i32
      %dma_start3A_1128 = tpu.memref_slice %arg6[%add3A_1126, %dma_start3A_1127] : memref<16384x64xf32, #tpu.memory_space<hbm>> -> memref<16x64xf32, #tpu.memory_space<hbm>>
      %dma_start3A_1129 = arith.constant 0 : i32
      %dma_start3A_1130 = tpu.memref_slice %arg6[%add3A_1126, %dma_start3A_1129] : memref<16384x64xf32, #tpu.memory_space<hbm>> -> memref<16x64xf32, #tpu.memory_space<hbm>>
      tpu.enqueue_dma source(%arg11 : memref<16x64xf32, #tpu.memory_space<vmem>>) target(%dma_start3A_1130 : memref<16x64xf32, #tpu.memory_space<hbm>>) target_semaphore(%run_scoped3A : memref<!tpu.dma_semaphore, #tpu.memory_space<semaphore_mem>>)
      %dma_wait3A_1131 = arith.constant 0 : i32
      %dma_wait3A_1132 = tpu.memref_slice %arg6[%add3A_1126, %dma_wait3A_1131] : memref<16384x64xf32, #tpu.memory_space<hbm>> -> memref<16x64xf32, #tpu.memory_space<hbm>>
      %dma_wait3A_1133 = arith.constant 0 : i32
      %dma_wait3A_1134 = tpu.memref_slice %arg6[%add3A_1126, %dma_wait3A_1133] : memref<16384x64xf32, #tpu.memory_space<hbm>> -> memref<16x64xf32, #tpu.memory_space<hbm>>
      tpu.wait_dma2 semaphore(%run_scoped3A : memref<!tpu.dma_semaphore, #tpu.memory_space<semaphore_mem>>) src(%arg11 : memref<16x64xf32, #tpu.memory_space<vmem>>) dst(%dma_wait3A_1134 : memref<16x64xf32, #tpu.memory_space<hbm>>)
      tpu.yield
    }) : () -> ()
    return
  }
}

module attributes {stable_mosaic.version = 14 : i64} {
  func.func @_tc_body(%arg0: i32, %arg1: memref<2048x64xf32, #tpu.memory_space<vmem>>, %arg2: memref<2048x64xf32, #tpu.memory_space<vmem>>, %arg3: memref<1x64xf32, #tpu.memory_space<vmem>>, %arg4: memref<1x64xf32, #tpu.memory_space<vmem>>, %arg5: memref<128x64xf32, #tpu.memory_space<vmem>>, %arg6: memref<1x64xf32, #tpu.memory_space<vmem>>, %arg7: memref<64x32xf32, #tpu.memory_space<vmem>>, %arg8: memref<1x32xf32, #tpu.memory_space<vmem>>, %arg9: memref<32x16xf32, #tpu.memory_space<vmem>>, %arg10: memref<1x16xf32, #tpu.memory_space<vmem>>, %arg11: memref<80x1xf32, #tpu.memory_space<vmem>>, %arg12: memref<1x1xf32, #tpu.memory_space<vmem>>, %arg13: memref<2048xf32, #tpu.memory_space<vmem>>) attributes {dimension_semantics = [#tpu.dimension_semantics<arbitrary>], iteration_bounds = array<i64: 8>, scalar_prefetch = 0 : i64, scratch_operands = 0 : i64, tpu.core_type = #tpu.core_type<tc>, window_params = [{transform_indices = @transform_0, window_bounds = array<i64: 2048, 64>}, {transform_indices = @transform_1, window_bounds = array<i64: 2048, 64>}, {pipeline_mode = #tpu.pipeline_mode<synchronous>, transform_indices = @transform_2, window_bounds = array<i64: 1, 64>}, {pipeline_mode = #tpu.pipeline_mode<synchronous>, transform_indices = @transform_3, window_bounds = array<i64: 1, 64>}, {pipeline_mode = #tpu.pipeline_mode<synchronous>, transform_indices = @transform_4, window_bounds = array<i64: 128, 64>}, {pipeline_mode = #tpu.pipeline_mode<synchronous>, transform_indices = @transform_5, window_bounds = array<i64: 1, 64>}, {pipeline_mode = #tpu.pipeline_mode<synchronous>, transform_indices = @transform_6, window_bounds = array<i64: 64, 32>}, {pipeline_mode = #tpu.pipeline_mode<synchronous>, transform_indices = @transform_7, window_bounds = array<i64: 1, 32>}, {pipeline_mode = #tpu.pipeline_mode<synchronous>, transform_indices = @transform_8, window_bounds = array<i64: 32, 16>}, {pipeline_mode = #tpu.pipeline_mode<synchronous>, transform_indices = @transform_9, window_bounds = array<i64: 1, 16>}, {pipeline_mode = #tpu.pipeline_mode<synchronous>, transform_indices = @transform_10, window_bounds = array<i64: 80, 1>}, {pipeline_mode = #tpu.pipeline_mode<synchronous>, transform_indices = @transform_11, window_bounds = array<i64: 1, 1>}, {transform_indices = @transform_12, window_bounds = array<i64: 2048>}]} {
    %get3A = arith.constant 0 : index
    %get3A_0 = arith.constant 0 : index
    %get3A_1 = vector.load %arg5[%get3A, %get3A_0] : memref<128x64xf32, #tpu.memory_space<vmem>>, vector<128x64xf32>
    %get3A_2 = arith.constant 0 : index
    %get3A_3 = arith.constant 0 : index
    %get3A_4 = vector.load %arg1[%get3A_2, %get3A_3] : memref<2048x64xf32, #tpu.memory_space<vmem>>, vector<2048x64xf32>
    %slice3A = vector.extract_strided_slice %get3A_1 {offsets = [64, 0], sizes = [64, 64], strides = [1, 1]} : vector<128x64xf32> to vector<64x64xf32>
    %dot_general3A = arith.constant dense<0.000000e+00> : vector<2048x64xf32>
    %dot_general3A_5 = tpu.matmul %get3A_4, %slice3A, %dot_general3A {dimension_numbers = #tpu.dot_dimension_numbers<[1], [0], [0], [1], [0, 0, 1, 1], [], []>, transpose_lhs_hint = false} : vector<2048x64xf32>, vector<64x64xf32>, vector<2048x64xf32> -> vector<2048x64xf32>
    %get3A_6 = arith.constant 0 : index
    %get3A_7 = arith.constant 0 : index
    %get3A_8 = vector.load %arg3[%get3A_6, %get3A_7] : memref<1x64xf32, #tpu.memory_space<vmem>>, vector<1x64xf32>
    %slice3A_9 = vector.extract_strided_slice %get3A_1 {offsets = [0, 0], sizes = [64, 64], strides = [1, 1]} : vector<128x64xf32> to vector<64x64xf32>
    %dot_general3A_10 = arith.constant dense<0.000000e+00> : vector<1x64xf32>
    %dot_general3A_11 = tpu.matmul %get3A_8, %slice3A_9, %dot_general3A_10 {dimension_numbers = #tpu.dot_dimension_numbers<[1], [0], [0], [1], [0, 0, 1, 1], [], []>, transpose_lhs_hint = false} : vector<1x64xf32>, vector<64x64xf32>, vector<1x64xf32> -> vector<1x64xf32>
    %add3A = vector.broadcast %dot_general3A_11 : vector<1x64xf32> to vector<2048x64xf32>
    %add3A_12 = arith.addf %dot_general3A_5, %add3A : vector<2048x64xf32>
    %get3A_13 = arith.constant 0 : index
    %get3A_14 = arith.constant 0 : index
    %get3A_15 = vector.load %arg6[%get3A_13, %get3A_14] : memref<1x64xf32, #tpu.memory_space<vmem>>, vector<1x64xf32>
    %add3A_16 = vector.broadcast %get3A_15 : vector<1x64xf32> to vector<2048x64xf32>
    %add3A_17 = arith.addf %add3A_12, %add3A_16 : vector<2048x64xf32>
    %max3A = arith.constant 0.000000e+00 : f32
    %max3A_18 = vector.broadcast %max3A : f32 to vector<2048x64xf32>
    %max3A_19 = arith.maximumf %add3A_17, %max3A_18 : vector<2048x64xf32>
    %get3A_20 = arith.constant 0 : index
    %get3A_21 = arith.constant 0 : index
    %get3A_22 = vector.load %arg7[%get3A_20, %get3A_21] : memref<64x32xf32, #tpu.memory_space<vmem>>, vector<64x32xf32>
    %dot_general3A_23 = arith.constant dense<0.000000e+00> : vector<2048x32xf32>
    %dot_general3A_24 = tpu.matmul %max3A_19, %get3A_22, %dot_general3A_23 {dimension_numbers = #tpu.dot_dimension_numbers<[1], [0], [0], [1], [0, 0, 1, 1], [], []>, transpose_lhs_hint = false} : vector<2048x64xf32>, vector<64x32xf32>, vector<2048x32xf32> -> vector<2048x32xf32>
    %get3A_25 = arith.constant 0 : index
    %get3A_26 = arith.constant 0 : index
    %get3A_27 = vector.load %arg8[%get3A_25, %get3A_26] : memref<1x32xf32, #tpu.memory_space<vmem>>, vector<1x32xf32>
    %add3A_28 = vector.broadcast %get3A_27 : vector<1x32xf32> to vector<2048x32xf32>
    %add3A_29 = arith.addf %dot_general3A_24, %add3A_28 : vector<2048x32xf32>
    %max3A_30 = arith.constant 0.000000e+00 : f32
    %max3A_31 = vector.broadcast %max3A_30 : f32 to vector<2048x32xf32>
    %max3A_32 = arith.maximumf %add3A_29, %max3A_31 : vector<2048x32xf32>
    %get3A_33 = arith.constant 0 : index
    %get3A_34 = arith.constant 0 : index
    %get3A_35 = vector.load %arg9[%get3A_33, %get3A_34] : memref<32x16xf32, #tpu.memory_space<vmem>>, vector<32x16xf32>
    %dot_general3A_36 = arith.constant dense<0.000000e+00> : vector<2048x16xf32>
    %dot_general3A_37 = tpu.matmul %max3A_32, %get3A_35, %dot_general3A_36 {dimension_numbers = #tpu.dot_dimension_numbers<[1], [0], [0], [1], [0, 0, 1, 1], [], []>, transpose_lhs_hint = false} : vector<2048x32xf32>, vector<32x16xf32>, vector<2048x16xf32> -> vector<2048x16xf32>
    %get3A_38 = arith.constant 0 : index
    %get3A_39 = arith.constant 0 : index
    %get3A_40 = vector.load %arg10[%get3A_38, %get3A_39] : memref<1x16xf32, #tpu.memory_space<vmem>>, vector<1x16xf32>
    %add3A_41 = vector.broadcast %get3A_40 : vector<1x16xf32> to vector<2048x16xf32>
    %add3A_42 = arith.addf %dot_general3A_37, %add3A_41 : vector<2048x16xf32>
    %max3A_43 = arith.constant 0.000000e+00 : f32
    %max3A_44 = vector.broadcast %max3A_43 : f32 to vector<2048x16xf32>
    %max3A_45 = arith.maximumf %add3A_42, %max3A_44 : vector<2048x16xf32>
    %get3A_46 = arith.constant 0 : index
    %get3A_47 = arith.constant 0 : index
    %get3A_48 = vector.load %arg11[%get3A_46, %get3A_47] : memref<80x1xf32, #tpu.memory_space<vmem>>, vector<80x1xf32>
    %slice3A_49 = vector.extract_strided_slice %get3A_48 {offsets = [0, 0], sizes = [16, 1], strides = [1, 1]} : vector<80x1xf32> to vector<16x1xf32>
    %dot_general3A_50 = arith.constant dense<0.000000e+00> : vector<2048x1xf32>
    %dot_general3A_51 = tpu.matmul %max3A_45, %slice3A_49, %dot_general3A_50 {dimension_numbers = #tpu.dot_dimension_numbers<[1], [0], [0], [1], [0, 0, 1, 1], [], []>, transpose_lhs_hint = false} : vector<2048x16xf32>, vector<16x1xf32>, vector<2048x1xf32> -> vector<2048x1xf32>
    %get3A_52 = arith.constant 0 : index
    %get3A_53 = arith.constant 0 : index
    %get3A_54 = vector.load %arg2[%get3A_52, %get3A_53] : memref<2048x64xf32, #tpu.memory_space<vmem>>, vector<2048x64xf32>
    %get3A_55 = arith.constant 0 : index
    %get3A_56 = arith.constant 0 : index
    %get3A_57 = vector.load %arg4[%get3A_55, %get3A_56] : memref<1x64xf32, #tpu.memory_space<vmem>>, vector<1x64xf32>
    %mul3A = vector.broadcast %get3A_57 : vector<1x64xf32> to vector<2048x64xf32>
    %mul3A_58 = arith.mulf %get3A_54, %mul3A : vector<2048x64xf32>
    %slice3A_59 = vector.extract_strided_slice %get3A_48 {offsets = [16, 0], sizes = [64, 1], strides = [1, 1]} : vector<80x1xf32> to vector<64x1xf32>
    %dot_general3A_60 = arith.constant dense<0.000000e+00> : vector<2048x1xf32>
    %dot_general3A_61 = tpu.matmul %mul3A_58, %slice3A_59, %dot_general3A_60 {dimension_numbers = #tpu.dot_dimension_numbers<[1], [0], [0], [1], [0, 0, 1, 1], [], []>, transpose_lhs_hint = false} : vector<2048x64xf32>, vector<64x1xf32>, vector<2048x1xf32> -> vector<2048x1xf32>
    %add3A_62 = arith.addf %dot_general3A_51, %dot_general3A_61 : vector<2048x1xf32>
    %get3A_63 = arith.constant 0 : index
    %get3A_64 = arith.constant 0 : index
    %get3A_65 = vector.load %arg12[%get3A_63, %get3A_64] : memref<1x1xf32, #tpu.memory_space<vmem>>, vector<1x1xf32>
    %add3A_66 = vector.broadcast %get3A_65 : vector<1x1xf32> to vector<2048x1xf32>
    %add3A_67 = arith.addf %add3A_62, %add3A_66 : vector<2048x1xf32>
    %logistic3A = arith.negf %add3A_67 : vector<2048x1xf32>
    %logistic3A_68 = math.exp %logistic3A : vector<2048x1xf32>
    %logistic3A_69 = arith.constant 1.000000e+00 : f32
    %logistic3A_70 = vector.broadcast %logistic3A_69 : f32 to vector<2048x1xf32>
    %logistic3A_71 = arith.addf %logistic3A_70, %logistic3A_68 : vector<2048x1xf32>
    %logistic3A_72 = arith.divf %logistic3A_70, %logistic3A_71 : vector<2048x1xf32>
    %squeeze3A = vector.shape_cast %logistic3A_72 : vector<2048x1xf32> to vector<2048xf32>
    %swap3A = arith.constant 0 : index
    %swap3A_73 = vector.load %arg13[%swap3A] : memref<2048xf32, #tpu.memory_space<vmem>>, vector<2048xf32>
    tpu.vector_store %arg13[%swap3A], %squeeze3A {strides = array<i32>} : memref<2048xf32, #tpu.memory_space<vmem>>, vector<2048xf32>,
    return
  }
  func.func @transform_0(%arg0: i32) -> (i32, i32) {
    %c0_i32 = arith.constant 0 : i32
    %c0_i32_0 = arith.constant 0 : i32
    return %arg0, %c0_i32 : i32, i32
  }
  func.func @transform_1(%arg0: i32) -> (i32, i32) {
    %c0_i32 = arith.constant 0 : i32
    %c0_i32_0 = arith.constant 0 : i32
    return %arg0, %c0_i32 : i32, i32
  }
  func.func @transform_2(%arg0: i32) -> (i32, i32) {
    %c0_i32 = arith.constant 0 : i32
    %c0_i32_0 = arith.constant 0 : i32
    %c0_i32_1 = arith.constant 0 : i32
    return %c0_i32, %c0_i32_0 : i32, i32
  }
  func.func @transform_3(%arg0: i32) -> (i32, i32) {
    %c0_i32 = arith.constant 0 : i32
    %c0_i32_0 = arith.constant 0 : i32
    %c0_i32_1 = arith.constant 0 : i32
    return %c0_i32, %c0_i32_0 : i32, i32
  }
  func.func @transform_4(%arg0: i32) -> (i32, i32) {
    %c0_i32 = arith.constant 0 : i32
    %c0_i32_0 = arith.constant 0 : i32
    %c0_i32_1 = arith.constant 0 : i32
    return %c0_i32, %c0_i32_0 : i32, i32
  }
  func.func @transform_5(%arg0: i32) -> (i32, i32) {
    %c0_i32 = arith.constant 0 : i32
    %c0_i32_0 = arith.constant 0 : i32
    %c0_i32_1 = arith.constant 0 : i32
    return %c0_i32, %c0_i32_0 : i32, i32
  }
  func.func @transform_6(%arg0: i32) -> (i32, i32) {
    %c0_i32 = arith.constant 0 : i32
    %c0_i32_0 = arith.constant 0 : i32
    %c0_i32_1 = arith.constant 0 : i32
    return %c0_i32, %c0_i32_0 : i32, i32
  }
  func.func @transform_7(%arg0: i32) -> (i32, i32) {
    %c0_i32 = arith.constant 0 : i32
    %c0_i32_0 = arith.constant 0 : i32
    %c0_i32_1 = arith.constant 0 : i32
    return %c0_i32, %c0_i32_0 : i32, i32
  }
  func.func @transform_8(%arg0: i32) -> (i32, i32) {
    %c0_i32 = arith.constant 0 : i32
    %c0_i32_0 = arith.constant 0 : i32
    %c0_i32_1 = arith.constant 0 : i32
    return %c0_i32, %c0_i32_0 : i32, i32
  }
  func.func @transform_9(%arg0: i32) -> (i32, i32) {
    %c0_i32 = arith.constant 0 : i32
    %c0_i32_0 = arith.constant 0 : i32
    %c0_i32_1 = arith.constant 0 : i32
    return %c0_i32, %c0_i32_0 : i32, i32
  }
  func.func @transform_10(%arg0: i32) -> (i32, i32) {
    %c0_i32 = arith.constant 0 : i32
    %c0_i32_0 = arith.constant 0 : i32
    %c0_i32_1 = arith.constant 0 : i32
    return %c0_i32, %c0_i32_0 : i32, i32
  }
  func.func @transform_11(%arg0: i32) -> (i32, i32) {
    %c0_i32 = arith.constant 0 : i32
    %c0_i32_0 = arith.constant 0 : i32
    %c0_i32_1 = arith.constant 0 : i32
    return %c0_i32, %c0_i32_0 : i32, i32
  }
  func.func @transform_12(%arg0: i32) -> i32 {
    %c0_i32 = arith.constant 0 : i32
    return %arg0 : i32
  }
}

</mosaic_0001>

<sc_bundles>
// kernel: kernel.4.cloned.1.call-start
scs
__scs_entry_jumppad:
0x0: {  	(pc) =	sbr.rel $0x88, $3  }
0x1: {  	(tag) =	ssettag $0x0;
	lr =	simm.s32 $0x1  }
0x2: {  	[smem:$0x3F94] =	sst lr;
	_ =	strace $0xD0000000  }
0x3: {  	_ = 	snop  }
0x4: {  	_ = 	snop  }
0x5: {  	_ = 	snop  }
0x6: {  	_ = 	snop  }
0x7: {  	_ = 	snop  }
__scs_overlays_trampoline_lowered:
0x8: {  	[smem:$0x3FA3] =	sst s0  }
0x9: {  	[smem:$0x3FA4] =	sst s1  }
0xa: {  	[smem:$0x3FA5] =	sst s2  }
0xb: {  	[smem:$0x3FA6] =	sst s3  }
0xc: {  	[smem:$0x3FA7] =	sst s4  }
0xd: {  	[smem:$0x3FA8] =	sst s5  }
0xe: {  	[smem:$0x3FA9] =	sst s6  }
0xf: {  	[smem:$0x3FAA] =	sst s7  }
0x10: {  	[smem:$0x3FAB] =	sst s8  }
0x11: {  	[smem:$0x3FAC] =	sst s9;
	s0 =	simm.s32 @!p0 $0x0  }
0x12: {  	s1 =	sld [smem:$0x3F92];
	s0 =	simm.s32 @p0 $0x1  }
0x13: {  	[smem:$0x3FAD] =	sst s0;
	s0 =	simm.s32 @!p1 $0x0  }
0x14: {  	s2 =	sld [smem:$0x3F91];
	s0 =	simm.s32 @p1 $0x1  }
0x15: {  	[smem:$0x3FAE] =	sst s0;
	s0 =	simm.s32 @!p2 $0x0  }
0x16: {  	s3 =	sld [smem:$0x3FDB];
	s0 =	simm.s32 @p2 $0x1  }
0x17: {  	s4 =	simm.s32 $0x1BF5;
	[smem:$0x3FB0] =	sst s0  }
0x18: {  	s0 =	sld [smem:$0x3F93];
	_ =	swait.ge [sflag:s4], $0x0  }
0x19: {  	s7 =	sld [smem:$0x3F94]  }
0x1a: {  	s8 =	sadd.s32 $0xFFFFE003, lr  }
0x1b: {  	s9 =	sadd.s32 $0xFFFFFEF7, lr;
	s5 =	simm.s32 $0xFFFFFFFF;
	p2 =	slt.u32 s8, $0xFFFFF086  }
0x1c: {  	p1 =	slt.u32 s9, $0xF7A;
	s5 =	simm.s32 @!p2 $0x0  }
0x1d: {  	s5 =	simm.s32 @p1 $0x1;
	p0 =	seq.s32 s7, s2  }
0x1e: {  	s7 =	smul.u32 @!p0 $0xF7A, s2;
	p2 =	seq.s32 @!p0 s5, $0x0  }
0x1f: {  	s9 =	smul.u32 $0xF7A, s1;
	s8 =	simm.s32 @!p0 $0x1BF5;
	p2 =	por !p2, p0  }
0x20: {  	[sflag:s8] =	ssyncset.s32 @!p0 $0xFFFFF086;
	s6 =	sadd.s32 @!p0 s3, s7;
	s7 =	simm.s32 @!p0 $0x108  }
0x21: {  	s3 =	sadd.s32 s3, s9;
	s6 =	sadd.s32 @!p0 $0x88, s6;
	s7 =	simm.s32 @p2 $0x1082  }
0x22: {  	[simem:s7], [sflag:s8] =	dma.local @!p0 [hbm:s6], $0xF7A  }
0x23: {  	s9 =	sor.u32 $0xD0000000, s2;
	s6 =	simm.s32 $0x108;
	_ =	swait.ge @!p0 [sflag:s8], $0x0  }
0x24: {  	s3 =	sadd.s32 $0x88, s3;
	s6 =	simm.s32 @!p1 $0x1082;
	[sflag:s4] =	ssyncset.s32 $0xFFFFF086  }
0x25: {  	[simem:s6], [sflag:s4] =	dma.local [hbm:s3], $0xF7A  }
0x26: {  	[smem:$0x3F94] =	sst s1;
	(tag) =	ssettag s2;
	_ =	strace s9  }
0x27: {  	s1 =	sld [smem:$0x3FA4]  }
0x28: {  	s2 =	sld [smem:$0x3FA5]  }
0x29: {  	s4 =	sld [smem:$0x3FA7]  }
0x2a: {  	p0 =	seq.s32 s5, $0x0;
	s5 =	sld [smem:$0x3FA8]  }
0x2b: {  	s6 =	sld [smem:$0x3FA9]  }
0x2c: {  	s7 =	sld [smem:$0x3FAA]  }
0x2d: {  	s3 =	simm.s32 $0x108;
	s8 =	sld [smem:$0x3FAB]  }
0x2e: {  	s3 =	simm.s32 @!p0 $0x1082;
	s9 =	sld [smem:$0x3FAC]  }
0x2f: {  	lr =	sadd.s32 s0, s3;
	s0 =	sld [smem:$0x3FA3]  }
0x30: {  	s3 =	sld [smem:$0x3FA6]  }
0x31: {  	[smem:$0x3FAF] =	sst s10  }
0x32: {  	s10 =	sld [smem:$0x3FAD];
	_ =	sdelay $0x3  }
0x33: {  	p0 =	seq.s32 s10, $0x1;
	s10 =	sld [smem:$0x3FAF];
	_ =	sdelay $0x3  }
0x34: {  	[smem:$0x3FAF] =	sst s10  }
0x35: {  	s10 =	sld [smem:$0x3FAE];
	_ =	sdelay $0x3  }
0x36: {  	p1 =	seq.s32 s10, $0x1;
	s10 =	sld [smem:$0x3FAF];
	_ =	sdelay $0x3  }
0x37: {  	[smem:$0x3FAF] =	sst s10  }
0x38: {  	s10 =	sld [smem:$0x3FB0]  }
0x39: {  	_ = 	snop;
	(pc) =	sbr.ind lr, $3  }
0x3a: {  	_ = 	snop  }
0x3b: {  	_ = 	snop  }
0x3c: {  	p2 =	seq.s32 s10, $0x1;
	s10 =	sld [smem:$0x3FAF]  }
0x3d: {  	_ =	shalt  }
0x3e: {  	_ =	shalt  }
0x3f: {  	_ =	shalt  }
0x40: {  	_ =	shalt  }
0x41: {  	_ =	shalt  }
0x42: {  	_ =	shalt  }
0x43: {  	_ =	shalt  }
0x44: {  	_ =	shalt  }
0x45: {  	_ =	shalt  }
0x46: {  	_ =	shalt  }
0x47: {  	_ =	shalt  }
0x48: {  	_ =	shalt  }
0x49: {  	_ =	shalt  }
0x4a: {  	_ =	shalt  }
0x4b: {  	_ =	shalt  }
0x4c: {  	_ =	shalt  }
0x4d: {  	_ =	shalt  }
0x4e: {  	_ =	shalt  }
0x4f: {  	_ =	shalt  }
0x50: {  	_ =	shalt  }
0x51: {  	_ =	shalt  }
0x52: {  	_ =	shalt  }
0x53: {  	_ =	shalt  }
0x54: {  	_ =	shalt  }
0x55: {  	_ =	shalt  }
0x56: {  	_ =	shalt  }
0x57: {  	_ =	shalt  }
0x58: {  	_ =	shalt  }
0x59: {  	_ =	shalt  }
0x5a: {  	_ =	shalt  }
0x5b: {  	_ =	shalt  }
0x5c: {  	_ =	shalt  }
0x5d: {  	_ =	shalt  }
0x5e: {  	_ =	shalt  }
0x5f: {  	_ =	shalt  }
0x60: {  	_ =	shalt  }
0x61: {  	_ =	shalt  }
0x62: {  	_ =	shalt  }
0x63: {  	_ =	shalt  }
0x64: {  	_ =	shalt  }
0x65: {  	_ =	shalt  }
0x66: {  	_ =	shalt  }
0x67: {  	_ =	shalt  }
0x68: {  	_ =	shalt  }
0x69: {  	_ =	shalt  }
0x6a: {  	_ =	shalt  }
0x6b: {  	_ =	shalt  }
0x6c: {  	_ =	shalt  }
0x6d: {  	_ =	shalt  }
0x6e: {  	_ =	shalt  }
0x6f: {  	_ =	shalt  }
0x70: {  	_ =	shalt  }
0x71: {  	_ =	shalt  }
0x72: {  	_ =	shalt  }
0x73: {  	_ =	shalt  }
0x74: {  	_ =	shalt  }
0x75: {  	_ =	shalt  }
0x76: {  	_ =	shalt  }
0x77: {  	_ =	shalt  }
0x78: {  	_ =	shalt  }
0x79: {  	_ =	shalt  }
0x7a: {  	_ =	shalt  }
0x7b: {  	_ =	shalt  }
0x7c: {  	_ =	shalt  }
0x7d: {  	_ =	shalt  }
0x7e: {  	_ =	shalt  }
0x7f: {  	_ =	shalt  }
0x80: {  	_ =	shalt  }
0x81: {  	_ =	shalt  }
0x82: {  	_ =	shalt  }
0x83: {  	_ =	shalt  }
0x84: {  	_ =	shalt  }
0x85: {  	_ =	shalt  }
0x86: {  	_ =	shalt  }
0x87: {  	_ =	shalt  }
.Lfunc_end0:
.L_simem_size_0:
called_computation_lowered:
.L_overlay_start_0:
0x88: {  	s2 =	sld [smem:$0x3FD9]  }
0x89: {  	s3 =	sld [smem:$0x3FFE];
	_ =	sdelay $0x1  }
0x8a: {  	s1 =	srdreg.scid  }
0x8b: {  	s0 =	sand.u32 $0x1, s1  }
0x8c: {  	s17 =	sshll.u32 s0, $0xA;
	s2 =	sadd.s32 s3, s2  }
0x8d: {  	s2 =	sadd.s32 s2, s17  }
0x8e: {  	[smem:$0x3FBB] =	sst s2  }
0x8f: {  	_ = 	snop  }
0x90: {  	s2 =	sld [smem:$0x3FC9];
	(tm) =	ssettm $0x1  }
0x91: {  	s18 =	sld [smem:$0x3FFB];
	_ =	sdelay $0x3  }
0x92: {  	_ =	strace s18  }
0x93: {  	s3 =	sld [smem:$0x3FFC];
	_ =	sdelay $0x3  }
0x94: {  	_ =	strace s3  }
0x95: {  	s3 =	sld [smem:$0x3FFD];
	_ =	sdelay $0x3  }
0x96: {  	_ =	strace s3  }
0x97: {  	_ =	strace $0x8FFFFFFF  }
0x98: {  	s19 =	sld [smem:$0x3FDB];
	_ =	sdelay $0x1  }
0x99: {  	s4 =	simm.s32 $_scs_section_size  }
0x9a: {  	s5 =	simm.s32 $_size__tile_overlayer_lowered;
	s6 =	simm.s32 $_tile_overlayer_lowered  }
0x9b: {  	s22 =	simm.s32 $0x1BFF;
	s21 =	sshll.u32 s6, $0x1;
	s3 =	sadd.s32 s4, s19  }
0x9c: {  	s7 =	simm.s32 $0x0;
	s20 =	sshll.u32 s5, $0x1;
	s5 =	sadd.s32 s21, s3  }
0x9d: {  	[timem:s7], [sflag:s22] =	dma.local [hbm:s5], s20  }
0x9e: {  	_ =	swait.ge [sflag:s22], s20  }
0x9f: {  	s4 =	ssub.s32 $0x0, s20;
	[sflag:s22] =	ssyncset.done $0x0  }
0xa0: {  	[sflag:s22] =	ssyncadd.s32 s4;
	_ =	sdelay $0x1  }
0xa1: {  	s23 =	simm.s32 $0x1B8B  }
0xa2: {  	_ =	swait.ge [sflag:s23], $0x1  }
0xa3: {  	[sflag:s23] =	ssyncset.done $0x0  }
0xa4: {  	s25 =	simm.s32 $0x1B8E;
	s24 =	sld [smem:$0x3FFE];
	[sflag:s23] =	ssyncadd.s32 $0xFFFFFFFF  }
0xa5: {  	s26 =	simm.s32 $execute0_lowered;
	[smem:$0x3FD2] =	sst s25  }
0xa6: {  	s5 =	sshll.u32 s26, $0x1;
	_ =	strace $0x80000046;
	[dreg:$0x1] =	wrdreg $0xFFFFFFFF  }
0xa7: {  	s28 =	simm.s32 $_size_execute0_lowered;
	s3 =	sadd.s32 s3, s5;
	[dreg:$0x0] =	wrdreg $0x0  }
0xa8: {  	s5 =	sshll.u32 s28, $0x1;
	[dreg:$0x2] =	wrdreg s3  }
0xa9: {  	[dreg:$0x3] =	wrdreg s5  }
0xaa: {  	[dreg:$0x4] =	wrdreg $0xC0  }
0xab: {  	_ =	task [dreg:s7], $0x5FFFF  }
0xac: {  	[dreg:$0x1] =	wrdreg $0xFFFFFFFF  }
0xad: {  	[dreg:$0x0] =	wrdreg $0x60  }
0xae: {  	[dreg:$0x2] =	wrdreg s2  }
0xaf: {  	[dreg:$0x3] =	wrdreg s24  }
0xb0: {  	[dreg:$0x4] =	wrdreg $0x9  }
0xb1: {  	_ =	task.clear_ibuf [dreg:s7], $0x5FFFF;
	_ =	strace $0x90000046  }
0xb2: {  	s29 =	simm.s32 $0x9;
	_ =	strace $0x80000048  }
0xb3: {  	_ =	swait.ge [sflag:s29], $0x1  }
0xb4: {  	[sflag:s29] =	ssyncadd.s32 $0xFFFFFFFF  }
0xb5: {  	_ =	strace $0x90000048  }
0xb6: {  	_ =	sfence  }
0xb7: {  	s30 =	sld [smem:$0x0];
	_ =	sdelay $0x2  }
0xb8: {  	s31 =	sshll.u32 s1, $0xD;
	s1 =	sshrl.u32 s1, $0x2  }
0xb9: {  	s3 =	sand.u32 $0x4000, s31;
	s1 =	sadd.s32 s1, s30  }
0xba: {  	s0 =	sor.u32 s3, s0;
	s1 =	sshll.u32 s1, $0x11  }
0xbb: {  	s0 =	sor.u32 s1, s0  }
0xbc: {  	s0 =	sadd.s32 $0x8F2B, s0  }
0xbd: {  	[sflag:s0] =	ssyncadd.remote.s32 $0x1  }
0xbe: {  	_ =	sfence.sel $0xFFFF  }
0xbf: {  	[dreg:$0x0] =	wrdreg $0xFFFFFFFF;
	(pc) =	sbr.abs _section_cstart, $3  }
0xc0: {  	[dreg:$0x1] =	wrdreg $0xFFFFFFFF  }
0xc1: {  	_ =	task.clear_ibuf [dreg:s7], $0x2FFFF;
	_ =	strace $0x9FFFFFFF  }
0xc2: {  	(tm) =	ssettm $0x7FFFFFFF  }
0xc3: {  	_ =	shalt  }
tec
execute0_lowered:
.L_overlay_start_1:
0x0: {  	(tag) =	ssettag $0x1  }
0x1: {  	s0 =	rddreg [dreg:$0x0]  }
0x2: {  	s2 =	rddreg [dreg:$0x1];
	s1 =	simm.s32 $0x0;
	s5 =	srdreg.scid  }
0x3: {  	s11 =	stileid.u32;
	s14 =	simm.s32 $0xB00;
	s15 =	simm.s32 $0x380  }
0x4: {  	s12 =	simm.s32 $0xB80;
	s17 =	simm.s32 $0x400;
	s18 =	simm.s32 $0xC00  }
0x5: {  	s19 =	simm.s32 $0x480;
	s20 =	simm.s32 $0xC80;
	s16 =	simm.s32 $0xE00  }
0x6: {  	s29 =	simm.s32 $0x1;
	s30 =	simm.s32 $0x2;
	s31 =	simm.s32 $0x3  }
0x7: {  	[smem:$0x7FF] =	sst s1;
	s3 =	sadd.s32 $0x1E00, s2;
	s4 =	sadd.s32 $0xF44200, s2  }
0x8: {  	s5 =	sand.u32 $0x1, s5;
	s6 =	sadd.s32 $0x1E86600, s2;
	s7 =	sshll.u32 s11, $0xA  }
0x9: {  	s2 =	sadd.s32 $0x1EC6600, s2;
	s24 =	sshll.u32 s11, $0xE;
	s11 =	simm.s32 $0x5  }
0xa: {  	_ =	strace $0x80000047;
	s8 =	sshll.u32 s5, $0x9;
	s9 =	ssub.s32 $0x2, s5  }
0xb: {  	s25 =	sadd.s32 s24, s2;
	s5 =	sshll.u32 s5, $0xD;
	s7 =	sor.u32 s8, s7  }
0xc: {  	s21 =	sshrl.u32 s9, $0x1;
	s10 =	sshrl.u32 s7, $0x3;
	s7 =	sshll.u32 s7, $0x4  }
0xd: {  	s8 =	ssub.s32 s9, s21;
	s9 =	sadd.s32 s5, s25;
	s21 =	simm.s32 $0x500  }
0xe: {  	s25 =	simm.s32 $0xD80;
	s0 =	sadd.s32 s0, s10;
	s22 =	sor.u32 $0x1E00, s7  }
0xf: {  	s7 =	sor.u32 $0x1F00, s7;
	[dreg:$0x3] =	wrdreg s9;
	s28 =	smax.u32 s8, $0x1  }
0x10: {  	s9 =	simm.s32 $0xA80;
	s10 =	simm.s32 $0x300;
	[dreg:$0x5] =	wrdreg s0  }
0x11: {  	s8 =	simm.s32 $0x700;
	s23 =	sadd.s32 s6, s22;
	[dreg:$0xa] =	wrdreg s28  }
0x12: {  	s0 =	sadd.s32 s2, s22;
	s26 =	sadd.s32 s6, s7;
	[dreg:$0x6] =	wrdreg s23  }
0x13: {  	s2 =	sadd.s32 s2, s7;
	s22 =	simm.s32 $0xD00;
	[dreg:$0x7] =	wrdreg s0  }
0x14: {  	s7 =	simm.s32 $0xE80;
	[dreg:$0x8] =	wrdreg s26;
	s0 =	sadd.s32 s24, s6  }
0x15: {  	[dreg:$0x9] =	wrdreg s2;
	s23 =	simm.s32 $0x280;
	s24 =	simm.s32 $0x580  }
0x16: {  	s26 =	simm.s32 $0x600;
	s6 =	simm.s32 $0x680;
	s0 =	sadd.s32 s5, s0  }
0x17: {  	s5 =	simm.s32 $0x0;
	[dreg:$0x4] =	wrdreg s0;
	s0 =	simm.s32 $0x4  }
.LBB2_1:
0x18: {  	[dreg:$0xb] =	wrdreg s5  }
0x19: {  	s2 =	rddreg [dreg:$0x5]  }
0x1a: {  	[tilespmem:s1], [sflag:$0x5] =	stream.linear.gather [hbm4b:s2+s1], $0x200, $0x38;
	[tilespmem:$0x2200] =	vst v63  }
0x1b: {  	_ =	swait.ge [sflag:s11], $0x200  }
0x1c: {  	[sflag:s11] =	ssyncset.done $0x0  }
0x1d: {  	[sflag:s11] =	ssyncadd.s32 $0xFFFFFE00  }
0x1e: {  	v0 =	vld [tilespmem:$0x0]  }
0x1f: {  	v1 =	vld [tilespmem:$0x10]  }
0x20: {  	v2 =	vld [tilespmem:$0x20]  }
0x21: {  	v3 =	vld [tilespmem:$0x30]  }
0x22: {  	v4 =	vld [tilespmem:$0x40]  }
0x23: {  	v5 =	vld [tilespmem:$0x50];
	v0 =	vadd.s32 $0xFFFFFFFF, v0  }
0x24: {  	v6 =	vld [tilespmem:$0x60];
	v1 =	vadd.s32 $0xFFFFFFFF, v1;
	[tilespmem:$0x0] =	vst v0  }
0x25: {  	v63 =	vld [tilespmem:$0x70];
	v62 =	vadd.s32 $0xFFFFFFFF, v2;
	[tilespmem:$0x10] =	vst v1  }
0x26: {  	v10 =	vld [tilespmem:$0x80];
	v9 =	vadd.s32 $0xFFFFFFFF, v3;
	[tilespmem:$0x20] =	vst v62  }
0x27: {  	v12 =	vld [tilespmem:$0x90];
	v11 =	vadd.s32 $0xFFFFFFFF, v4;
	[tilespmem:$0x30] =	vst v9  }
0x28: {  	v14 =	vld [tilespmem:$0xA0];
	v13 =	vadd.s32 $0xFFFFFFFF, v5;
	[tilespmem:$0x40] =	vst v11  }
0x29: {  	v16 =	vld [tilespmem:$0xB0];
	v15 =	vadd.s32 $0xFFFFFFFF, v6;
	[tilespmem:$0x50] =	vst v13  }
0x2a: {  	v18 =	vld [tilespmem:$0xC0];
	v17 =	vadd.s32 $0xFFFFFFFF, v63;
	[tilespmem:$0x60] =	vst v15  }
0x2b: {  	v20 =	vld [tilespmem:$0xD0];
	v19 =	vadd.s32 $0xFFFFFFFF, v10;
	[tilespmem:$0x70] =	vst v17  }
0x2c: {  	v22 =	vld [tilespmem:$0xE0];
	v21 =	vadd.s32 $0xFFFFFFFF, v12;
	[tilespmem:$0x80] =	vst v19  }
0x2d: {  	v24 =	vld [tilespmem:$0xF0];
	v23 =	vadd.s32 $0xFFFFFFFF, v14;
	[tilespmem:$0x90] =	vst v21  }
0x2e: {  	v26 =	vld [tilespmem:$0x100];
	v25 =	vadd.s32 $0xFFFFFFFF, v16;
	[tilespmem:$0xA0] =	vst v23  }
0x2f: {  	v28 =	vld [tilespmem:$0x110];
	v27 =	vadd.s32 $0xFFFFFFFF, v18;
	[tilespmem:$0xB0] =	vst v25  }
0x30: {  	v30 =	vld [tilespmem:$0x120];
	v29 =	vadd.s32 $0xFFFFFFFF, v20;
	[tilespmem:$0xC0] =	vst v27  }
0x31: {  	v32 =	vld [tilespmem:$0x130];
	v31 =	vadd.s32 $0xFFFFFFFF, v22;
	[tilespmem:$0xD0] =	vst v29;
	v0 =	vshll.u32 v0, $0x4  }
0x32: {  	v34 =	vld [tilespmem:$0x140];
	v33 =	vadd.s32 $0xFFFFFFFF, v24;
	[tilespmem:$0xE0] =	vst v31;
	(v2sf) =	vpush v0, $0x0  }
0x33: {  	v36 =	vld [tilespmem:$0x150];
	v35 =	vadd.s32 $0xFFFFFFFF, v26;
	[tilespmem:$0xF0] =	vst v33  }
0x34: {  	v38 =	vld [tilespmem:$0x160];
	v37 =	vadd.s32 $0xFFFFFFFF, v28;
	[tilespmem:$0x100] =	vst v35  }
0x35: {  	v40 =	vld [tilespmem:$0x170];
	v39 =	vadd.s32 $0xFFFFFFFF, v30;
	[tilespmem:$0x110] =	vst v37  }
0x36: {  	v42 =	vld [tilespmem:$0x180];
	v41 =	vadd.s32 $0xFFFFFFFF, v32;
	[tilespmem:$0x120] =	vst v39;
	(v2sf) =	vpush v0, $0x1  }
0x37: {  	v44 =	vld [tilespmem:$0x190];
	v43 =	vadd.s32 $0xFFFFFFFF, v34;
	[tilespmem:$0x130] =	vst v41  }
0x38: {  	v46 =	vld [tilespmem:$0x1A0];
	v45 =	vadd.s32 $0xFFFFFFFF, v36;
	[tilespmem:$0x140] =	vst v43  }
0x39: {  	v48 =	vld [tilespmem:$0x1B0];
	v47 =	vadd.s32 $0xFFFFFFFF, v38;
	[tilespmem:$0x150] =	vst v45  }
0x3a: {  	v50 =	vld [tilespmem:$0x1C0];
	v49 =	vadd.s32 $0xFFFFFFFF, v40;
	[tilespmem:$0x160] =	vst v47  }
0x3b: {  	v52 =	vld [tilespmem:$0x1D0];
	v51 =	vadd.s32 $0xFFFFFFFF, v42;
	[tilespmem:$0x170] =	vst v49;
	(v2sf) =	vpush v0, $0x2  }
0x3c: {  	v54 =	vld [tilespmem:$0x1E0];
	v53 =	vadd.s32 $0xFFFFFFFF, v44;
	[tilespmem:$0x180] =	vst v51  }
0x3d: {  	v56 =	vld [tilespmem:$0x1F0];
	v55 =	vadd.s32 $0xFFFFFFFF, v46;
	[tilespmem:$0x190] =	vst v53  }
0x3e: {  	v57 =	vadd.s32 $0xFFFFFFFF, v48;
	[tilespmem:$0x1A0] =	vst v55  }
0x3f: {  	v58 =	vadd.s32 $0xFFFFFFFF, v50;
	[tilespmem:$0x1B0] =	vst v57  }
0x40: {  	v59 =	vadd.s32 $0xFFFFFFFF, v52;
	[tilespmem:$0x1C0] =	vst v58;
	(v2sf) =	vpush v0, $0x3  }
0x41: {  	v60 =	vadd.s32 $0xFFFFFFFF, v54;
	[tilespmem:$0x1D0] =	vst v59;
	s5 =	spop (v2sf)  }
0x42: {  	v61 =	vadd.s32 $0xFFFFFFFF, v56;
	[tilespmem:$0x1E0] =	vst v60;
	s2 =	sand.u32 $0x1FFFFFF0, s5  }
0x43: {  	s13 =	simm.s32 $0x200;
	[tilespmem:$0x1F0] =	vst v61;
	s5 =	sadd.s32 s3, s2  }
0x44: {  	[tilespmem:s13], [sflag:$0x1] =	stream.linear.gather [hbm4b:s5+s1], $0x80, $0x38;
	[tilespmem:$0x2200] =	vst v63  }
0x45: {  	s2 =	sadd.s32 s4, s2;
	s13 =	simm.s32 $0xA00;
	s5 =	spop (v2sf)  }
0x46: {  	[tilespmem:s13], [sflag:$0x2] =	stream.linear.gather [hbm4b:s2+s1], $0x80, $0x38;
	[tilespmem:$0x2200] =	vst v63  }
0x47: {  	(v2sf) =	vpush v0, $0x4;
	s2 =	sand.u32 $0x1FFFFFF0, s5  }
0x48: {  	s13 =	sadd.s32 s3, s2  }
0x49: {  	[tilespmem:s23], [sflag:$0x1] =	stream.linear.gather [hbm4b:s13+s1], $0x80, $0x38;
	[tilespmem:$0x2200] =	vst v63  }
0x4a: {  	s5 =	spop (v2sf);
	s2 =	sadd.s32 s4, s2  }
0x4b: {  	(v2sf) =	vpush v0, $0x5;
	[tilespmem:s9], [sflag:$0x2] =	stream.linear.gather [hbm4b:s2+s1], $0x80, $0x38;
	[tilespmem:$0x2200] =	vst v63  }
0x4c: {  	s2 =	sand.u32 $0x1FFFFFF0, s5  }
0x4d: {  	s13 =	sadd.s32 s3, s2  }
0x4e: {  	[tilespmem:s10], [sflag:$0x1] =	stream.linear.gather [hbm4b:s13+s1], $0x80, $0x38;
	[tilespmem:$0x2200] =	vst v63  }
0x4f: {  	s5 =	spop (v2sf);
	s2 =	sadd.s32 s4, s2  }
0x50: {  	(v2sf) =	vpush v0, $0x6;
	[tilespmem:s14], [sflag:$0x2] =	stream.linear.gather [hbm4b:s2+s1], $0x80, $0x38;
	[tilespmem:$0x2200] =	vst v63  }
0x51: {  	s2 =	sand.u32 $0x1FFFFFF0, s5  }
0x52: {  	s13 =	sadd.s32 s3, s2  }
0x53: {  	[tilespmem:s15], [sflag:$0x1] =	stream.linear.gather [hbm4b:s13+s1], $0x80, $0x38;
	[tilespmem:$0x2200] =	vst v63  }
0x54: {  	s2 =	sadd.s32 s4, s2  }
0x55: {  	[tilespmem:s12], [sflag:$0x2] =	stream.linear.gather [hbm4b:s2+s1], $0x80, $0x38;
	[tilespmem:$0x2200] =	vst v63  }
0x56: {  	s5 =	spop (v2sf)  }
0x57: {  	(v2sf) =	vpush v0, $0x7;
	s2 =	sand.u32 $0x1FFFFFF0, s5  }
0x58: {  	s13 =	sadd.s32 s3, s2  }
0x59: {  	[tilespmem:s17], [sflag:$0x1] =	stream.linear.gather [hbm4b:s13+s1], $0x80, $0x38;
	[tilespmem:$0x2200] =	vst v63  }
0x5a: {  	s5 =	spop (v2sf);
	s2 =	sadd.s32 s4, s2  }
0x5b: {  	(v2sf) =	vpush v0, $0x8;
	[tilespmem:s18], [sflag:$0x2] =	stream.linear.gather [hbm4b:s2+s1], $0x80, $0x38;
	[tilespmem:$0x2200] =	vst v63  }
0x5c: {  	s2 =	sand.u32 $0x1FFFFFF0, s5  }
0x5d: {  	s13 =	sadd.s32 s3, s2  }
0x5e: {  	[tilespmem:s19], [sflag:$0x1] =	stream.linear.gather [hbm4b:s13+s1], $0x80, $0x38;
	[tilespmem:$0x2200] =	vst v63  }
0x5f: {  	s2 =	sadd.s32 s4, s2;
	s5 =	spop (v2sf)  }
0x60: {  	(v2sf) =	vpush v0, $0x9;
	[tilespmem:s20], [sflag:$0x2] =	stream.linear.gather [hbm4b:s2+s1], $0x80, $0x38;
	[tilespmem:$0x2200] =	vst v63  }
0x61: {  	s2 =	sand.u32 $0x1FFFFFF0, s5  }
0x62: {  	s13 =	sadd.s32 s3, s2  }
0x63: {  	[tilespmem:s21], [sflag:$0x1] =	stream.linear.gather [hbm4b:s13+s1], $0x80, $0x38;
	[tilespmem:$0x2200] =	vst v63  }
0x64: {  	s2 =	sadd.s32 s4, s2  }
0x65: {  	[tilespmem:s22], [sflag:$0x2] =	stream.linear.gather [hbm4b:s2+s1], $0x80, $0x38;
	[tilespmem:$0x2200] =	vst v63  }
0x66: {  	s5 =	spop (v2sf)  }
0x67: {  	(v2sf) =	vpush v0, $0xA;
	s2 =	sand.u32 $0x1FFFFFF0, s5  }
0x68: {  	s13 =	sadd.s32 s3, s2  }
0x69: {  	[tilespmem:s24], [sflag:$0x1] =	stream.linear.gather [hbm4b:s13+s1], $0x80, $0x38;
	[tilespmem:$0x2200] =	vst v63  }
0x6a: {  	s5 =	spop (v2sf);
	s2 =	sadd.s32 s4, s2  }
0x6b: {  	(v2sf) =	vpush v0, $0xB;
	[tilespmem:s25], [sflag:$0x2] =	stream.linear.gather [hbm4b:s2+s1], $0x80, $0x38;
	[tilespmem:$0x2200] =	vst v63  }
0x6c: {  	s2 =	sand.u32 $0x1FFFFFF0, s5  }
0x6d: {  	s13 =	sadd.s32 s3, s2  }
0x6e: {  	[tilespmem:s26], [sflag:$0x1] =	stream.linear.gather [hbm4b:s13+s1], $0x80, $0x38;
	[tilespmem:$0x2200] =	vst v63  }
0x6f: {  	s2 =	sadd.s32 s4, s2;
	s13 =	spop (v2sf)  }
0x70: {  	(v2sf) =	vpush v0, $0xC;
	[tilespmem:s16], [sflag:$0x2] =	stream.linear.gather [hbm4b:s2+s1], $0x80, $0x38;
	[tilespmem:$0x2200] =	vst v63  }
0x71: {  	s2 =	sand.u32 $0x1FFFFFF0, s13  }
0x72: {  	s16 =	sadd.s32 s3, s2  }
0x73: {  	[tilespmem:s6], [sflag:$0x1] =	stream.linear.gather [hbm4b:s16+s1], $0x80, $0x38;
	[tilespmem:$0x2200] =	vst v63  }
0x74: {  	s2 =	sadd.s32 s4, s2  }
0x75: {  	[tilespmem:s7], [sflag:$0x2] =	stream.linear.gather [hbm4b:s2+s1], $0x80, $0x38;
	[tilespmem:$0x2200] =	vst v63  }
0x76: {  	s5 =	spop (v2sf)  }
0x77: {  	(v2sf) =	vpush v0, $0xD;
	s2 =	sand.u32 $0x1FFFFFF0, s5  }
0x78: {  	s6 =	sadd.s32 s3, s2  }
0x79: {  	[tilespmem:s8], [sflag:$0x1] =	stream.linear.gather [hbm4b:s6+s1], $0x80, $0x38;
	[tilespmem:$0x2200] =	vst v63  }
0x7a: {  	s7 =	simm.s32 $0xF00;
	s2 =	sadd.s32 s4, s2;
	s8 =	spop (v2sf)  }
0x7b: {  	(v2sf) =	vpush v0, $0xE;
	[tilespmem:s7], [sflag:$0x2] =	stream.linear.gather [hbm4b:s2+s1], $0x80, $0x38;
	[tilespmem:$0x2200] =	vst v63  }
0x7c: {  	s2 =	sand.u32 $0x1FFFFFF0, s8  }
0x7d: {  	s16 =	simm.s32 $0x780;
	s13 =	sadd.s32 s3, s2  }
0x7e: {  	[tilespmem:s16], [sflag:$0x1] =	stream.linear.gather [hbm4b:s13+s1], $0x80, $0x38;
	[tilespmem:$0x2200] =	vst v63  }
0x7f: {  	s7 =	simm.s32 $0xF80;
	s2 =	sadd.s32 s4, s2;
	s8 =	spop (v2sf)  }
0x80: {  	(v2sf) =	vpush v0, $0xF;
	[tilespmem:s7], [sflag:$0x2] =	stream.linear.gather [hbm4b:s2+s1], $0x80, $0x38;
	[tilespmem:$0x2200] =	vst v63  }
0x81: {  	s2 =	sand.u32 $0x1FFFFFF0, s8  }
0x82: {  	s16 =	simm.s32 $0x800;
	s13 =	sadd.s32 s3, s2  }
0x83: {  	[tilespmem:s16], [sflag:$0x1] =	stream.linear.gather [hbm4b:s13+s1], $0x80, $0x38;
	[tilespmem:$0x2200] =	vst v63  }
0x84: {  	s7 =	simm.s32 $0x1000;
	s2 =	sadd.s32 s4, s2  }
0x85: {  	[tilespmem:s7], [sflag:$0x2] =	stream.linear.gather [hbm4b:s2+s1], $0x80, $0x38;
	[tilespmem:$0x2200] =	vst v63  }
0x86: {  	s8 =	spop (v2sf)  }
0x87: {  	s2 =	sand.u32 $0x1FFFFFF0, s8  }
0x88: {  	s16 =	simm.s32 $0x880;
	s13 =	sadd.s32 s3, s2  }
0x89: {  	[tilespmem:s16], [sflag:$0x1] =	stream.linear.gather [hbm4b:s13+s1], $0x80, $0x38;
	[tilespmem:$0x2200] =	vst v63  }
0x8a: {  	s7 =	simm.s32 $0x1080;
	s2 =	sadd.s32 s4, s2;
	s8 =	spop (v2sf)  }
0x8b: {  	[tilespmem:s7], [sflag:$0x2] =	stream.linear.gather [hbm4b:s2+s1], $0x80, $0x38;
	[tilespmem:$0x2200] =	vst v63  }
0x8c: {  	s2 =	sand.u32 $0x1FFFFFF0, s8  }
0x8d: {  	s16 =	simm.s32 $0x900;
	s13 =	sadd.s32 s3, s2  }
0x8e: {  	[tilespmem:s16], [sflag:$0x1] =	stream.linear.gather [hbm4b:s13+s1], $0x80, $0x38;
	[tilespmem:$0x2200] =	vst v63  }
0x8f: {  	s7 =	simm.s32 $0x1100;
	s2 =	sadd.s32 s4, s2;
	s8 =	spop (v2sf)  }
0x90: {  	[tilespmem:s7], [sflag:$0x2] =	stream.linear.gather [hbm4b:s2+s1], $0x80, $0x38;
	[tilespmem:$0x2200] =	vst v63  }
0x91: {  	s2 =	sand.u32 $0x1FFFFFF0, s8  }
0x92: {  	s16 =	simm.s32 $0x980;
	s13 =	sadd.s32 s3, s2  }
0x93: {  	[tilespmem:s16], [sflag:$0x1] =	stream.linear.gather [hbm4b:s13+s1], $0x80, $0x38;
	[tilespmem:$0x2200] =	vst v63  }
0x94: {  	s7 =	simm.s32 $0x1180;
	s2 =	sadd.s32 s4, s2  }
0x95: {  	[tilespmem:s7], [sflag:$0x2] =	stream.linear.gather [hbm4b:s2+s1], $0x80, $0x38;
	[tilespmem:$0x2200] =	vst v63  }
0x96: {  	s2 =	simm.s32 $0x20  }
0x97: {  	v62 =	vld [tilespmem:s2+$0xFFFFFFF0];
	_ =	sdelay $0x4  }
0x98: {  	v0 =	vshll.u32 v62, $0x4  }
0x99: {  	(v2sf) =	vpush v0, $0x0;
	_ =	sdelay $0x1  }
0x9a: {  	(v2sf) =	vpush v0, $0x1;
	_ =	sdelay $0x3  }
0x9b: {  	(v2sf) =	vpush v0, $0x2;
	_ =	sdelay $0x3  }
0x9c: {  	(v2sf) =	vpush v0, $0x3;
	_ =	sdelay $0x3  }
0x9d: {  	(v2sf) =	vpush v0, $0x4  }
0x9e: {  	s8 =	spop (v2sf)  }
0x9f: {  	s5 =	sand.u32 $0x1FFFFFF0, s8  }
0xa0: {  	s16 =	simm.s32 $0x1200;
	s6 =	spop (v2sf);
	s13 =	sadd.s32 s3, s5  }
0xa1: {  	(v2sf) =	vpush v0, $0x5;
	[tilespmem:s16], [sflag:$0x3] =	stream.linear.gather [hbm4b:s13+s1], $0x80, $0x38;
	[tilespmem:$0x2200] =	vst v63  }
0xa2: {  	s8 =	simm.s32 $0x1A00;
	s6 =	sand.u32 $0x1FFFFFF0, s6;
	s5 =	sadd.s32 s4, s5  }
0xa3: {  	[tilespmem:s8], [sflag:$0x4] =	stream.linear.gather [hbm4b:s5+s1], $0x80, $0x38;
	[tilespmem:$0x2200] =	vst v63  }
0xa4: {  	s13 =	sadd.s32 s3, s6;
	s16 =	simm.s32 $0x1280;
	s5 =	spop (v2sf)  }
0xa5: {  	(v2sf) =	vpush v0, $0x6;
	[tilespmem:s16], [sflag:$0x3] =	stream.linear.gather [hbm4b:s13+s1], $0x80, $0x38;
	[tilespmem:$0x2200] =	vst v63  }
0xa6: {  	s6 =	sadd.s32 s4, s6;
	s8 =	simm.s32 $0x1A80;
	s5 =	sand.u32 $0x1FFFFFF0, s5  }
0xa7: {  	[tilespmem:s8], [sflag:$0x4] =	stream.linear.gather [hbm4b:s6+s1], $0x80, $0x38;
	[tilespmem:$0x2200] =	vst v63  }
0xa8: {  	s13 =	sadd.s32 s3, s5;
	s16 =	simm.s32 $0x1300;
	s6 =	spop (v2sf)  }
0xa9: {  	(v2sf) =	vpush v0, $0x7;
	[tilespmem:s16], [sflag:$0x3] =	stream.linear.gather [hbm4b:s13+s1], $0x80, $0x38;
	[tilespmem:$0x2200] =	vst v63  }
0xaa: {  	s5 =	sadd.s32 s4, s5;
	s8 =	simm.s32 $0x1B00;
	s6 =	sand.u32 $0x1FFFFFF0, s6  }
0xab: {  	[tilespmem:s8], [sflag:$0x4] =	stream.linear.gather [hbm4b:s5+s1], $0x80, $0x38;
	[tilespmem:$0x2200] =	vst v63  }
0xac: {  	s13 =	sadd.s32 s3, s6;
	s16 =	simm.s32 $0x1380;
	s5 =	spop (v2sf)  }
0xad: {  	(v2sf) =	vpush v0, $0x8;
	[tilespmem:s16], [sflag:$0x3] =	stream.linear.gather [hbm4b:s13+s1], $0x80, $0x38;
	[tilespmem:$0x2200] =	vst v63  }
0xae: {  	s6 =	sadd.s32 s4, s6;
	s8 =	simm.s32 $0x1B80;
	s5 =	sand.u32 $0x1FFFFFF0, s5  }
0xaf: {  	[tilespmem:s8], [sflag:$0x4] =	stream.linear.gather [hbm4b:s6+s1], $0x80, $0x38;
	[tilespmem:$0x2200] =	vst v63  }
0xb0: {  	s13 =	sadd.s32 s3, s5;
	s16 =	simm.s32 $0x1400;
	s6 =	spop (v2sf)  }
0xb1: {  	(v2sf) =	vpush v0, $0x9;
	[tilespmem:s16], [sflag:$0x3] =	stream.linear.gather [hbm4b:s13+s1], $0x80, $0x38;
	[tilespmem:$0x2200] =	vst v63  }
0xb2: {  	s5 =	sadd.s32 s4, s5;
	s8 =	simm.s32 $0x1C00;
	s6 =	sand.u32 $0x1FFFFFF0, s6  }
0xb3: {  	[tilespmem:s8], [sflag:$0x4] =	stream.linear.gather [hbm4b:s5+s1], $0x80, $0x38;
	[tilespmem:$0x2200] =	vst v63  }
0xb4: {  	s13 =	sadd.s32 s3, s6;
	s16 =	simm.s32 $0x1480;
	s5 =	spop (v2sf)  }
0xb5: {  	(v2sf) =	vpush v0, $0xA;
	[tilespmem:s16], [sflag:$0x3] =	stream.linear.gather [hbm4b:s13+s1], $0x80, $0x38;
	[tilespmem:$0x2200] =	vst v63  }
0xb6: {  	s6 =	sadd.s32 s4, s6;
	s8 =	simm.s32 $0x1C80;
	s5 =	sand.u32 $0x1FFFFFF0, s5  }
0xb7: {  	[tilespmem:s8], [sflag:$0x4] =	stream.linear.gather [hbm4b:s6+s1], $0x80, $0x38;
	[tilespmem:$0x2200] =	vst v63  }
0xb8: {  	s13 =	sadd.s32 s3, s5;
	s16 =	simm.s32 $0x1500;
	s6 =	spop (v2sf)  }
0xb9: {  	(v2sf) =	vpush v0, $0xB;
	[tilespmem:s16], [sflag:$0x3] =	stream.linear.gather [hbm4b:s13+s1], $0x80, $0x38;
	[tilespmem:$0x2200] =	vst v63  }
0xba: {  	s5 =	sadd.s32 s4, s5;
	s8 =	simm.s32 $0x1D00;
	s6 =	sand.u32 $0x1FFFFFF0, s6  }
0xbb: {  	[tilespmem:s8], [sflag:$0x4] =	stream.linear.gather [hbm4b:s5+s1], $0x80, $0x38;
	[tilespmem:$0x2200] =	vst v63  }
0xbc: {  	s13 =	sadd.s32 s3, s6;
	s16 =	simm.s32 $0x1580;
	s5 =	spop (v2sf)  }
0xbd: {  	(v2sf) =	vpush v0, $0xC;
	[tilespmem:s16], [sflag:$0x3] =	stream.linear.gather [hbm4b:s13+s1], $0x80, $0x38;
	[tilespmem:$0x2200] =	vst v63  }
0xbe: {  	s6 =	sadd.s32 s4, s6;
	s8 =	simm.s32 $0x1D80;
	s5 =	sand.u32 $0x1FFFFFF0, s5  }
0xbf: {  	[tilespmem:s8], [sflag:$0x4] =	stream.linear.gather [hbm4b:s6+s1], $0x80, $0x38;
	[tilespmem:$0x2200] =	vst v63  }
0xc0: {  	s13 =	sadd.s32 s3, s5;
	s16 =	simm.s32 $0x1600;
	s6 =	spop (v2sf)  }
0xc1: {  	(v2sf) =	vpush v0, $0xD;
	[tilespmem:s16], [sflag:$0x3] =	stream.linear.gather [hbm4b:s13+s1], $0x80, $0x38;
	[tilespmem:$0x2200] =	vst v63  }
0xc2: {  	s5 =	sadd.s32 s4, s5;
	s8 =	simm.s32 $0x1E00;
	s6 =	sand.u32 $0x1FFFFFF0, s6  }
0xc3: {  	[tilespmem:s8], [sflag:$0x4] =	stream.linear.gather [hbm4b:s5+s1], $0x80, $0x38;
	[tilespmem:$0x2200] =	vst v63  }
0xc4: {  	s13 =	sadd.s32 s3, s6;
	s16 =	simm.s32 $0x1680;
	s5 =	spop (v2sf)  }
0xc5: {  	(v2sf) =	vpush v0, $0xE;
	[tilespmem:s16], [sflag:$0x3] =	stream.linear.gather [hbm4b:s13+s1], $0x80, $0x38;
	[tilespmem:$0x2200] =	vst v63  }
0xc6: {  	s6 =	sadd.s32 s4, s6;
	s8 =	simm.s32 $0x1E80;
	s5 =	sand.u32 $0x1FFFFFF0, s5  }
0xc7: {  	[tilespmem:s8], [sflag:$0x4] =	stream.linear.gather [hbm4b:s6+s1], $0x80, $0x38;
	[tilespmem:$0x2200] =	vst v63  }
0xc8: {  	s13 =	sadd.s32 s3, s5;
	s16 =	simm.s32 $0x1700;
	s6 =	spop (v2sf)  }
0xc9: {  	(v2sf) =	vpush v0, $0xF;
	[tilespmem:s16], [sflag:$0x3] =	stream.linear.gather [hbm4b:s13+s1], $0x80, $0x38;
	[tilespmem:$0x2200] =	vst v63  }
0xca: {  	s5 =	sadd.s32 s4, s5;
	s8 =	simm.s32 $0x1F00;
	s6 =	sand.u32 $0x1FFFFFF0, s6  }
0xcb: {  	[tilespmem:s8], [sflag:$0x4] =	stream.linear.gather [hbm4b:s5+s1], $0x80, $0x38;
	[tilespmem:$0x2200] =	vst v63  }
0xcc: {  	s13 =	sadd.s32 s3, s6;
	s16 =	simm.s32 $0x1780;
	s5 =	spop (v2sf)  }
0xcd: {  	[tilespmem:s16], [sflag:$0x3] =	stream.linear.gather [hbm4b:s13+s1], $0x80, $0x38;
	[tilespmem:$0x2200] =	vst v63  }
0xce: {  	s6 =	sadd.s32 s4, s6;
	s8 =	simm.s32 $0x1F80;
	s5 =	sand.u32 $0x1FFFFFF0, s5  }
0xcf: {  	[tilespmem:s8], [sflag:$0x4] =	stream.linear.gather [hbm4b:s6+s1], $0x80, $0x38;
	[tilespmem:$0x2200] =	vst v63  }
0xd0: {  	s13 =	sadd.s32 s3, s5;
	s16 =	simm.s32 $0x1800;
	s6 =	spop (v2sf)  }
0xd1: {  	[tilespmem:s16], [sflag:$0x3] =	stream.linear.gather [hbm4b:s13+s1], $0x80, $0x38;
	[tilespmem:$0x2200] =	vst v63  }
0xd2: {  	s5 =	sadd.s32 s4, s5;
	s8 =	simm.s32 $0x2000;
	s6 =	sand.u32 $0x1FFFFFF0, s6  }
0xd3: {  	[tilespmem:s8], [sflag:$0x4] =	stream.linear.gather [hbm4b:s5+s1], $0x80, $0x38;
	[tilespmem:$0x2200] =	vst v63  }
0xd4: {  	s13 =	sadd.s32 s3, s6;
	s16 =	simm.s32 $0x1880;
	s5 =	spop (v2sf)  }
0xd5: {  	[tilespmem:s16], [sflag:$0x3] =	stream.linear.gather [hbm4b:s13+s1], $0x80, $0x38;
	[tilespmem:$0x2200] =	vst v63  }
0xd6: {  	s6 =	sadd.s32 s4, s6;
	s5 =	sand.u32 $0x1FFFFFF0, s5;
	s13 =	simm.s32 $0x2080  }
0xd7: {  	[tilespmem:s13], [sflag:$0x4] =	stream.linear.gather [hbm4b:s6+s1], $0x80, $0x38;
	[tilespmem:$0x2200] =	vst v63  }
0xd8: {  	s8 =	sadd.s32 s3, s5;
	s16 =	spop (v2sf);
	s13 =	simm.s32 $0x1900  }
0xd9: {  	[tilespmem:s13], [sflag:$0x3] =	stream.linear.gather [hbm4b:s8+s1], $0x80, $0x38;
	[tilespmem:$0x2200] =	vst v63  }
0xda: {  	s5 =	sadd.s32 s4, s5;
	s6 =	sand.u32 $0x1FFFFFF0, s16;
	s16 =	simm.s32 $0x2100  }
0xdb: {  	[tilespmem:s16], [sflag:$0x4] =	stream.linear.gather [hbm4b:s5+s1], $0x80, $0x38;
	[tilespmem:$0x2200] =	vst v63  }
0xdc: {  	s7 =	sadd.s32 s3, s6;
	s8 =	simm.s32 $0x1980  }
0xdd: {  	[tilespmem:s8], [sflag:$0x3] =	stream.linear.gather [hbm4b:s7+s1], $0x80, $0x38;
	[tilespmem:$0x2200] =	vst v63  }
0xde: {  	s13 =	sadd.s32 s4, s6;
	s16 =	simm.s32 $0x2180  }
0xdf: {  	[tilespmem:s16], [sflag:$0x4] =	stream.linear.gather [hbm4b:s13+s1], $0x80, $0x38;
	[tilespmem:$0x2200] =	vst v63  }
0xe0: {  	_ =	swait.ge [sflag:s29], $0x800  }
0xe1: {  	s7 =	rddreg [dreg:$0x4];
	[sflag:s29] =	ssyncset.done $0x0  }
0xe2: {  	s16 =	simm.s32 $0x200;
	[sflag:s29] =	ssyncadd.s32 $0xFFFFF800;
	s5 =	sadd.s32 $0x0, s7  }
0xe3: {  	[hbm4b:s5+s1] =	stream.linear.scatter [tilespmem:s16], [sflag:$0x5], $0x800, $0x38;
	[tilespmem:$0x2200] =	vst v63  }
0xe4: {  	_ =	swait.ge [sflag:s11], $0x800  }
0xe5: {  	[sflag:s11] =	ssyncset.done $0x0  }
0xe6: {  	[sflag:s11] =	ssyncadd.s32 $0xFFFFF800  }
0xe7: {  	_ =	swait.ge [sflag:s30], $0x800  }
0xe8: {  	s8 =	rddreg [dreg:$0x3];
	[sflag:s30] =	ssyncset.done $0x0  }
0xe9: {  	s28 =	simm.s32 $0xA00;
	[sflag:s30] =	ssyncadd.s32 $0xFFFFF800;
	s6 =	sadd.s32 $0x0, s8  }
0xea: {  	[hbm4b:s6+s1] =	stream.linear.scatter [tilespmem:s28], [sflag:$0x5], $0x800, $0x38;
	[tilespmem:$0x2200] =	vst v63  }
0xeb: {  	_ =	swait.ge [sflag:s11], $0x800  }
0xec: {  	[sflag:s11] =	ssyncset.done $0x0  }
0xed: {  	[sflag:s11] =	ssyncadd.s32 $0xFFFFF800  }
0xee: {  	v63 =	vld [tilespmem:s2+$0x0];
	_ =	sdelay $0x4  }
0xef: {  	v0 =	vshll.u32 v63, $0x4  }
0xf0: {  	(v2sf) =	vpush v0, $0x0;
	_ =	sdelay $0x3  }
0xf1: {  	(v2sf) =	vpush v0, $0x1;
	_ =	sdelay $0x4  }
0xf2: {  	(v2sf) =	vpush v0, $0x2;
	_ =	sdelay $0x2  }
0xf3: {  	(v2sf) =	vpush v0, $0x3;
	_ =	sdelay $0x2  }
0xf4: {  	s13 =	spop (v2sf)  }
0xf5: {  	s7 =	sand.u32 $0x1FFFFFF0, s13  }
0xf6: {  	s8 =	sadd.s32 s3, s7  }
0xf7: {  	(v2sf) =	vpush v0, $0x4;
	[tilespmem:s16], [sflag:$0x1] =	stream.linear.gather [hbm4b:s8+s1], $0x80, $0x38;
	[tilespmem:$0x2200] =	vst v63  }
0xf8: {  	s16 =	spop (v2sf)  }
0xf9: {  	s7 =	sadd.s32 s4, s7;
	s8 =	sand.u32 $0x1FFFFFF0, s16  }
0xfa: {  	(v2sf) =	vpush v0, $0x5;
	[tilespmem:s28], [sflag:$0x2] =	stream.linear.gather [hbm4b:s7+s1], $0x80, $0x38;
	[tilespmem:$0x2200] =	vst v63  }
0xfb: {  	s16 =	sadd.s32 s3, s8  }
0xfc: {  	[tilespmem:s23], [sflag:$0x1] =	stream.linear.gather [hbm4b:s16+s1], $0x80, $0x38;
	[tilespmem:$0x2200] =	vst v63  }
0xfd: {  	s16 =	spop (v2sf)  }
0xfe: {  	s8 =	sadd.s32 s4, s8;
	(v2sf) =	vpush v0, $0x6;
	s7 =	sand.u32 $0x1FFFFFF0, s16  }
0xff: {  	[tilespmem:s9], [sflag:$0x2] =	stream.linear.gather [hbm4b:s8+s1], $0x80, $0x38;
	[tilespmem:$0x2200] =	vst v63  }
0x100: {  	s16 =	sadd.s32 s3, s7;
	s9 =	spop (v2sf)  }
0x101: {  	[tilespmem:s10], [sflag:$0x1] =	stream.linear.gather [hbm4b:s16+s1], $0x80, $0x38;
	[tilespmem:$0x2200] =	vst v63  }
0x102: {  	s7 =	sadd.s32 s4, s7;
	(v2sf) =	vpush v0, $0x7;
	s8 =	sand.u32 $0x1FFFFFF0, s9  }
0x103: {  	[tilespmem:s14], [sflag:$0x2] =	stream.linear.gather [hbm4b:s7+s1], $0x80, $0x38;
	[tilespmem:$0x2200] =	vst v63  }
0x104: {  	s10 =	sadd.s32 s3, s8  }
0x105: {  	[tilespmem:s15], [sflag:$0x1] =	stream.linear.gather [hbm4b:s10+s1], $0x80, $0x38;
	[tilespmem:$0x2200] =	vst v63  }
0x106: {  	s14 =	spop (v2sf);
	(v2sf) =	vpush v0, $0x8  }
0x107: {  	s8 =	sadd.s32 s4, s8;
	s7 =	sand.u32 $0x1FFFFFF0, s14  }
0x108: {  	[tilespmem:s12], [sflag:$0x2] =	stream.linear.gather [hbm4b:s8+s1], $0x80, $0x38;
	[tilespmem:$0x2200] =	vst v63  }
0x109: {  	s15 =	sadd.s32 s3, s7;
	s16 =	spop (v2sf)  }
0x10a: {  	(v2sf) =	vpush v0, $0x9;
	[tilespmem:s17], [sflag:$0x1] =	stream.linear.gather [hbm4b:s15+s1], $0x80, $0x38;
	[tilespmem:$0x2200] =	vst v63  }
0x10b: {  	s7 =	sadd.s32 s4, s7;
	s8 =	sand.u32 $0x1FFFFFF0, s16  }
0x10c: {  	[tilespmem:s18], [sflag:$0x2] =	stream.linear.gather [hbm4b:s7+s1], $0x80, $0x38;
	[tilespmem:$0x2200] =	vst v63  }
0x10d: {  	s17 =	sadd.s32 s3, s8;
	s18 =	spop (v2sf)  }
0x10e: {  	(v2sf) =	vpush v0, $0xA;
	[tilespmem:s19], [sflag:$0x1] =	stream.linear.gather [hbm4b:s17+s1], $0x80, $0x38;
	[tilespmem:$0x2200] =	vst v63  }
0x10f: {  	s8 =	sadd.s32 s4, s8;
	s7 =	sand.u32 $0x1FFFFFF0, s18  }
0x110: {  	[tilespmem:s20], [sflag:$0x2] =	stream.linear.gather [hbm4b:s8+s1], $0x80, $0x38;
	[tilespmem:$0x2200] =	vst v63  }
0x111: {  	s19 =	sadd.s32 s3, s7;
	s20 =	spop (v2sf)  }
0x112: {  	(v2sf) =	vpush v0, $0xB;
	[tilespmem:s21], [sflag:$0x1] =	stream.linear.gather [hbm4b:s19+s1], $0x80, $0x38;
	[tilespmem:$0x2200] =	vst v63  }
0x113: {  	s7 =	sadd.s32 s4, s7;
	s8 =	sand.u32 $0x1FFFFFF0, s20  }
0x114: {  	[tilespmem:s22], [sflag:$0x2] =	stream.linear.gather [hbm4b:s7+s1], $0x80, $0x38;
	[tilespmem:$0x2200] =	vst v63  }
0x115: {  	s21 =	sadd.s32 s3, s8;
	s22 =	spop (v2sf)  }
0x116: {  	(v2sf) =	vpush v0, $0xC;
	[tilespmem:s24], [sflag:$0x1] =	stream.linear.gather [hbm4b:s21+s1], $0x80, $0x38;
	[tilespmem:$0x2200] =	vst v63  }
0x117: {  	s8 =	sadd.s32 s4, s8;
	s7 =	sand.u32 $0x1FFFFFF0, s22  }
0x118: {  	[tilespmem:s25], [sflag:$0x2] =	stream.linear.gather [hbm4b:s8+s1], $0x80, $0x38;
	[tilespmem:$0x2200] =	vst v63  }
0x119: {  	s24 =	sadd.s32 s3, s7;
	s25 =	spop (v2sf)  }
0x11a: {  	(v2sf) =	vpush v0, $0xD;
	[tilespmem:s26], [sflag:$0x1] =	stream.linear.gather [hbm4b:s24+s1], $0x80, $0x38;
	[tilespmem:$0x2200] =	vst v63  }
0x11b: {  	s7 =	sadd.s32 s4, s7;
	s8 =	sand.u32 $0x1FFFFFF0, s25;
	s26 =	simm.s32 $0xE00  }
0x11c: {  	[tilespmem:s26], [sflag:$0x2] =	stream.linear.gather [hbm4b:s7+s1], $0x80, $0x38;
	[tilespmem:$0x2200] =	vst v63  }
0x11d: {  	s10 =	simm.s32 $0x680;
	s9 =	sadd.s32 s3, s8;
	s12 =	spop (v2sf)  }
0x11e: {  	(v2sf) =	vpush v0, $0xE;
	[tilespmem:s10], [sflag:$0x1] =	stream.linear.gather [hbm4b:s9+s1], $0x80, $0x38;
	[tilespmem:$0x2200] =	vst v63  }
0x11f: {  	s14 =	simm.s32 $0xE80;
	s8 =	sadd.s32 s4, s8;
	s7 =	sand.u32 $0x1FFFFFF0, s12  }
0x120: {  	[tilespmem:s14], [sflag:$0x2] =	stream.linear.gather [hbm4b:s8+s1], $0x80, $0x38;
	[tilespmem:$0x2200] =	vst v63  }
0x121: {  	s13 =	simm.s32 $0x700;
	s15 =	sadd.s32 s3, s7;
	s16 =	spop (v2sf)  }
0x122: {  	(v2sf) =	vpush v0, $0xF;
	[tilespmem:s13], [sflag:$0x1] =	stream.linear.gather [hbm4b:s15+s1], $0x80, $0x38;
	[tilespmem:$0x2200] =	vst v63  }
0x123: {  	s17 =	simm.s32 $0xF00;
	s7 =	sadd.s32 s4, s7;
	s8 =	sand.u32 $0x1FFFFFF0, s16  }
0x124: {  	[tilespmem:s17], [sflag:$0x2] =	stream.linear.gather [hbm4b:s7+s1], $0x80, $0x38;
	[tilespmem:$0x2200] =	vst v63  }
0x125: {  	s19 =	simm.s32 $0x780;
	s18 =	sadd.s32 s3, s8;
	s20 =	spop (v2sf)  }
0x126: {  	[tilespmem:s19], [sflag:$0x1] =	stream.linear.gather [hbm4b:s18+s1], $0x80, $0x38;
	[tilespmem:$0x2200] =	vst v63  }
0x127: {  	s21 =	simm.s32 $0xF80;
	s8 =	sadd.s32 s4, s8;
	s7 =	sand.u32 $0x1FFFFFF0, s20  }
0x128: {  	[tilespmem:s21], [sflag:$0x2] =	stream.linear.gather [hbm4b:s8+s1], $0x80, $0x38;
	[tilespmem:$0x2200] =	vst v63  }
0x129: {  	s24 =	simm.s32 $0x800;
	s22 =	sadd.s32 s3, s7;
	s25 =	spop (v2sf)  }
0x12a: {  	[tilespmem:s24], [sflag:$0x1] =	stream.linear.gather [hbm4b:s22+s1], $0x80, $0x38;
	[tilespmem:$0x2200] =	vst v63  }
0x12b: {  	s26 =	simm.s32 $0x1000;
	s7 =	sadd.s32 s4, s7;
	s8 =	sand.u32 $0x1FFFFFF0, s25  }
0x12c: {  	[tilespmem:s26], [sflag:$0x2] =	stream.linear.gather [hbm4b:s7+s1], $0x80, $0x38;
	[tilespmem:$0x2200] =	vst v63  }
0x12d: {  	s12 =	simm.s32 $0x880;
	s10 =	sadd.s32 s3, s8;
	s13 =	spop (v2sf)  }
0x12e: {  	[tilespmem:s12], [sflag:$0x1] =	stream.linear.gather [hbm4b:s10+s1], $0x80, $0x38;
	[tilespmem:$0x2200] =	vst v63  }
0x12f: {  	s14 =	simm.s32 $0x1080;
	s8 =	sadd.s32 s4, s8;
	s7 =	sand.u32 $0x1FFFFFF0, s13  }
0x130: {  	[tilespmem:s14], [sflag:$0x2] =	stream.linear.gather [hbm4b:s8+s1], $0x80, $0x38;
	[tilespmem:$0x2200] =	vst v63  }
0x131: {  	s16 =	simm.s32 $0x900;
	s15 =	sadd.s32 s3, s7;
	s17 =	spop (v2sf)  }
0x132: {  	[tilespmem:s16], [sflag:$0x1] =	stream.linear.gather [hbm4b:s15+s1], $0x80, $0x38;
	[tilespmem:$0x2200] =	vst v63  }
0x133: {  	s18 =	simm.s32 $0x1100;
	s7 =	sadd.s32 s4, s7;
	s8 =	sand.u32 $0x1FFFFFF0, s17  }
0x134: {  	[tilespmem:s18], [sflag:$0x2] =	stream.linear.gather [hbm4b:s7+s1], $0x80, $0x38;
	[tilespmem:$0x2200] =	vst v63  }
0x135: {  	s20 =	simm.s32 $0x980;
	s19 =	sadd.s32 s3, s8  }
0x136: {  	[tilespmem:s20], [sflag:$0x1] =	stream.linear.gather [hbm4b:s19+s1], $0x80, $0x38;
	[tilespmem:$0x2200] =	vst v63  }
0x137: {  	s22 =	simm.s32 $0x1180;
	s21 =	sadd.s32 s4, s8  }
0x138: {  	[tilespmem:s22], [sflag:$0x2] =	stream.linear.gather [hbm4b:s21+s1], $0x80, $0x38;
	[tilespmem:$0x2200] =	vst v63  }
0x139: {  	_ =	swait.ge [sflag:s31], $0x800  }
0x13a: {  	[sflag:s31] =	ssyncset.done $0x0  }
0x13b: {  	s5 =	sadd.s32 $0x100, s5;
	s24 =	simm.s32 $0x1200;
	[sflag:s31] =	ssyncadd.s32 $0xFFFFF800  }
0x13c: {  	[hbm4b:s5+s1] =	stream.linear.scatter [tilespmem:s24], [sflag:$0x5], $0x800, $0x38;
	[tilespmem:$0x2200] =	vst v63  }
0x13d: {  	_ =	swait.ge [sflag:s11], $0x800  }
0x13e: {  	[sflag:s11] =	ssyncset.done $0x0  }
0x13f: {  	[sflag:s11] =	ssyncadd.s32 $0xFFFFF800  }
0x140: {  	_ =	swait.ge [sflag:s0], $0x800  }
0x141: {  	s28 =	simm.s32 $0x500;
	[sflag:s0] =	ssyncset.done $0x0  }
0x142: {  	s25 =	sadd.s32 $0x100, s6;
	s26 =	simm.s32 $0x1A00;
	[sflag:s0] =	ssyncadd.s32 $0xFFFFF800  }
0x143: {  	[hbm4b:s25+s1] =	stream.linear.scatter [tilespmem:s26], [sflag:$0x5], $0x800, $0x38;
	[tilespmem:$0x2200] =	vst v63  }
0x144: {  	s12 =	simm.s32 $0xD00;
	s5 =	simm.s32 $0x200;
	_ =	swait.ge [sflag:s11], $0x800  }
0x145: {  	s24 =	simm.s32 $0x600;
	s25 =	simm.s32 $0xE00;
	[sflag:s11] =	ssyncset.done $0x0  }
.LBB2_2:
0x146: {  	[sflag:s11] =	ssyncadd.s32 $0xFFFFF800;
	s2 =	sadd.s32 $0x20, s2  }
0x147: {  	v0 =	vld [tilespmem:s2+$0xFFFFFFF0];
	_ =	sdelay $0x4  }
0x148: {  	v0 =	vshll.u32 v0, $0x4  }
0x149: {  	(v2sf) =	vpush v0, $0x0  }
0x14a: {  	(v2sf) =	vpush v0, $0x1  }
0x14b: {  	(v2sf) =	vpush v0, $0x2;
	_ =	sdelay $0x1  }
0x14c: {  	(v2sf) =	vpush v0, $0x3  }
0x14d: {  	(v2sf) =	vpush v0, $0x4;
	_ =	sdelay $0x1  }
0x14e: {  	(v2sf) =	vpush v0, $0x5;
	_ =	sdelay $0x3  }
0x14f: {  	(v2sf) =	vpush v0, $0x6;
	_ =	sdelay $0x1  }
0x150: {  	(v2sf) =	vpush v0, $0x7  }
0x151: {  	s20 =	simm.s32 $0x1200  }
0x152: {  	s26 =	simm.s32 $0x1A00;
	s13 =	simm.s32 $0x1280;
	(v2sf) =	vpush v0, $0x8;
	s6 =	spop (v2sf)  }
0x153: {  	s19 =	simm.s32 $0x1A80;
	s6 =	sand.u32 $0x1FFFFFF0, s6;
	s8 =	spop (v2sf)  }
0x154: {  	s22 =	simm.s32 $0x1300;
	(v2sf) =	vpush v0, $0x9;
	s9 =	sadd.s32 s3, s6;
	s10 =	spop (v2sf)  }
0x155: {  	[tilespmem:s20], [sflag:$0x3] =	stream.linear.gather [hbm4b:s9+s1], $0x80, $0x38;
	[tilespmem:$0x2200] =	vst v63  }
0x156: {  	s8 =	sand.u32 $0x1FFFFFF0, s8;
	s6 =	sadd.s32 s4, s6;
	s15 =	spop (v2sf)  }
0x157: {  	(v2sf) =	vpush v0, $0xA;
	s9 =	sand.u32 $0x1FFFFFF0, s10;
	s16 =	sadd.s32 s3, s8;
	s14 =	spop (v2sf)  }
0x158: {  	[tilespmem:s26], [sflag:$0x4] =	stream.linear.gather [hbm4b:s6+s1], $0x80, $0x38;
	[tilespmem:$0x2200] =	vst v63  }
0x159: {  	(v2sf) =	vpush v0, $0xB;
	s17 =	sadd.s32 s4, s8;
	s10 =	sand.u32 $0x1FFFFFF0, s15;
	s18 =	spop (v2sf)  }
0x15a: {  	[tilespmem:s13], [sflag:$0x3] =	stream.linear.gather [hbm4b:s16+s1], $0x80, $0x38;
	[tilespmem:$0x2200] =	vst v63  }
0x15b: {  	(v2sf) =	vpush v0, $0xC;
	s21 =	sadd.s32 s3, s9;
	s8 =	sand.u32 $0x1FFFFFF0, s14;
	s14 =	sand.u32 $0x1FFFFFF0, s18  }
0x15c: {  	[tilespmem:s19], [sflag:$0x4] =	stream.linear.gather [hbm4b:s17+s1], $0x80, $0x38;
	[tilespmem:$0x2200] =	vst v63  }
0x15d: {  	(v2sf) =	vpush v0, $0xD;
	s15 =	spop (v2sf);
	s18 =	simm.s32 $0x1B00;
	s16 =	sadd.s32 s4, s9  }
0x15e: {  	(v2sf) =	vpush v0, $0xE;
	[tilespmem:s22], [sflag:$0x3] =	stream.linear.gather [hbm4b:s21+s1], $0x80, $0x38;
	[tilespmem:$0x2200] =	vst v63  }
0x15f: {  	s15 =	sand.u32 $0x1FFFFFF0, s15;
	s17 =	spop (v2sf);
	s19 =	sadd.s32 s3, s10  }
0x160: {  	[tilespmem:s18], [sflag:$0x4] =	stream.linear.gather [hbm4b:s16+s1], $0x80, $0x38;
	[tilespmem:$0x2200] =	vst v63  }
0x161: {  	s21 =	spop (v2sf);
	s22 =	simm.s32 $0x1380;
	s16 =	sand.u32 $0x1FFFFFF0, s17  }
0x162: {  	(v2sf) =	vpush v0, $0xF;
	[tilespmem:s22], [sflag:$0x3] =	stream.linear.gather [hbm4b:s19+s1], $0x80, $0x38;
	[tilespmem:$0x2200] =	vst v63  }
0x163: {  	s17 =	sadd.s32 s4, s10;
	s19 =	simm.s32 $0x1B80;
	s18 =	spop (v2sf)  }
0x164: {  	[tilespmem:s19], [sflag:$0x4] =	stream.linear.gather [hbm4b:s17+s1], $0x80, $0x38;
	[tilespmem:$0x2200] =	vst v63  }
0x165: {  	s10 =	sand.u32 $0x1FFFFFF0, s21;
	s21 =	sadd.s32 s3, s8;
	s17 =	sand.u32 $0x1FFFFFF0, s18  }
0x166: {  	s22 =	spop (v2sf);
	s18 =	simm.s32 $0x1400;
	s19 =	sadd.s32 s4, s8  }
0x167: {  	[tilespmem:s18], [sflag:$0x3] =	stream.linear.gather [hbm4b:s21+s1], $0x80, $0x38;
	[tilespmem:$0x2200] =	vst v63  }
0x168: {  	s18 =	sand.u32 $0x1FFFFFF0, s22;
	s21 =	spop (v2sf);
	s22 =	simm.s32 $0x1C00  }
0x169: {  	[tilespmem:s22], [sflag:$0x4] =	stream.linear.gather [hbm4b:s19+s1], $0x80, $0x38;
	[tilespmem:$0x2200] =	vst v63  }
0x16a: {  	s13 =	sadd.s32 s3, s14;
	s19 =	spop (v2sf);
	s22 =	simm.s32 $0x1480  }
0x16b: {  	[tilespmem:s22], [sflag:$0x3] =	stream.linear.gather [hbm4b:s13+s1], $0x80, $0x38;
	[tilespmem:$0x2200] =	vst v63  }
0x16c: {  	s13 =	sadd.s32 s4, s14;
	s14 =	sand.u32 $0x1FFFFFF0, s19;
	s19 =	spop (v2sf)  }
0x16d: {  	s22 =	simm.s32 $0x1C80;
	s9 =	sand.u32 $0x1FFFFFF0, s19;
	s19 =	spop (v2sf)  }
0x16e: {  	[tilespmem:s22], [sflag:$0x4] =	stream.linear.gather [hbm4b:s13+s1], $0x80, $0x38;
	[tilespmem:$0x2200] =	vst v63  }
0x16f: {  	s13 =	sadd.s32 s3, s15;
	s22 =	simm.s32 $0x1500;
	s15 =	sadd.s32 s4, s15  }
0x170: {  	[tilespmem:s22], [sflag:$0x3] =	stream.linear.gather [hbm4b:s13+s1], $0x80, $0x38;
	[tilespmem:$0x2200] =	vst v63  }
0x171: {  	s8 =	sand.u32 $0x1FFFFFF0, s19;
	s19 =	spop (v2sf);
	s22 =	simm.s32 $0x1D00  }
0x172: {  	[tilespmem:s22], [sflag:$0x4] =	stream.linear.gather [hbm4b:s15+s1], $0x80, $0x38;
	[tilespmem:$0x2200] =	vst v63  }
0x173: {  	s6 =	sand.u32 $0x1FFFFFF0, s19;
	s19 =	simm.s32 $0x1580;
	s22 =	sadd.s32 s3, s16  }
0x174: {  	[tilespmem:s19], [sflag:$0x3] =	stream.linear.gather [hbm4b:s22+s1], $0x80, $0x38;
	[tilespmem:$0x2200] =	vst v63  }
0x175: {  	s13 =	sadd.s32 s4, s16;
	s16 =	simm.s32 $0x1D80  }
0x176: {  	[tilespmem:s16], [sflag:$0x4] =	stream.linear.gather [hbm4b:s13+s1], $0x80, $0x38;
	[tilespmem:$0x2200] =	vst v63  }
0x177: {  	s19 =	sadd.s32 s3, s10;
	s22 =	simm.s32 $0x1600  }
0x178: {  	[tilespmem:s22], [sflag:$0x3] =	stream.linear.gather [hbm4b:s19+s1], $0x80, $0x38;
	[tilespmem:$0x2200] =	vst v63  }
0x179: {  	s10 =	sadd.s32 s4, s10;
	s16 =	simm.s32 $0x1E00  }
0x17a: {  	[tilespmem:s16], [sflag:$0x4] =	stream.linear.gather [hbm4b:s10+s1], $0x80, $0x38;
	[tilespmem:$0x2200] =	vst v63  }
0x17b: {  	s19 =	sadd.s32 s3, s17;
	s22 =	simm.s32 $0x1680  }
0x17c: {  	[tilespmem:s22], [sflag:$0x3] =	stream.linear.gather [hbm4b:s19+s1], $0x80, $0x38;
	[tilespmem:$0x2200] =	vst v63  }
0x17d: {  	s15 =	simm.s32 $0x1E80;
	s13 =	sadd.s32 s4, s17  }
0x17e: {  	[tilespmem:s15], [sflag:$0x4] =	stream.linear.gather [hbm4b:s13+s1], $0x80, $0x38;
	[tilespmem:$0x2200] =	vst v63  }
0x17f: {  	s17 =	simm.s32 $0x1700;
	s16 =	sadd.s32 s3, s18  }
0x180: {  	[tilespmem:s17], [sflag:$0x3] =	stream.linear.gather [hbm4b:s16+s1], $0x80, $0x38;
	[tilespmem:$0x2200] =	vst v63  }
0x181: {  	s21 =	sand.u32 $0x1FFFFFF0, s21;
	s19 =	sadd.s32 s4, s18;
	s22 =	simm.s32 $0x1F00  }
0x182: {  	[tilespmem:s22], [sflag:$0x4] =	stream.linear.gather [hbm4b:s19+s1], $0x80, $0x38;
	[tilespmem:$0x2200] =	vst v63  }
0x183: {  	s13 =	sadd.s32 s3, s21;
	s15 =	simm.s32 $0x1780  }
0x184: {  	[tilespmem:s15], [sflag:$0x3] =	stream.linear.gather [hbm4b:s13+s1], $0x80, $0x38;
	[tilespmem:$0x2200] =	vst v63  }
0x185: {  	s16 =	sadd.s32 s4, s21;
	s17 =	simm.s32 $0x1F80  }
0x186: {  	[tilespmem:s17], [sflag:$0x4] =	stream.linear.gather [hbm4b:s16+s1], $0x80, $0x38;
	[tilespmem:$0x2200] =	vst v63  }
0x187: {  	s18 =	sadd.s32 s3, s14;
	s19 =	simm.s32 $0x1800  }
0x188: {  	[tilespmem:s19], [sflag:$0x3] =	stream.linear.gather [hbm4b:s18+s1], $0x80, $0x38;
	[tilespmem:$0x2200] =	vst v63  }
0x189: {  	s21 =	sadd.s32 s4, s14;
	s22 =	simm.s32 $0x2000  }
0x18a: {  	[tilespmem:s22], [sflag:$0x4] =	stream.linear.gather [hbm4b:s21+s1], $0x80, $0x38;
	[tilespmem:$0x2200] =	vst v63  }
0x18b: {  	s14 =	sadd.s32 s3, s9;
	s15 =	simm.s32 $0x1880  }
0x18c: {  	[tilespmem:s15], [sflag:$0x3] =	stream.linear.gather [hbm4b:s14+s1], $0x80, $0x38;
	[tilespmem:$0x2200] =	vst v63  }
0x18d: {  	s9 =	sadd.s32 s4, s9;
	s16 =	simm.s32 $0x2080  }
0x18e: {  	[tilespmem:s16], [sflag:$0x4] =	stream.linear.gather [hbm4b:s9+s1], $0x80, $0x38;
	[tilespmem:$0x2200] =	vst v63  }
0x18f: {  	s17 =	sadd.s32 s3, s8;
	s18 =	simm.s32 $0x1900  }
0x190: {  	[tilespmem:s18], [sflag:$0x3] =	stream.linear.gather [hbm4b:s17+s1], $0x80, $0x38;
	[tilespmem:$0x2200] =	vst v63  }
0x191: {  	s8 =	sadd.s32 s4, s8;
	s19 =	simm.s32 $0x2100  }
0x192: {  	[tilespmem:s19], [sflag:$0x4] =	stream.linear.gather [hbm4b:s8+s1], $0x80, $0x38;
	[tilespmem:$0x2200] =	vst v63  }
0x193: {  	s21 =	sadd.s32 s3, s6;
	s22 =	simm.s32 $0x1980  }
0x194: {  	[tilespmem:s22], [sflag:$0x3] =	stream.linear.gather [hbm4b:s21+s1], $0x80, $0x38;
	[tilespmem:$0x2200] =	vst v63  }
0x195: {  	s10 =	simm.s32 $0x2180;
	s6 =	sadd.s32 s4, s6  }
0x196: {  	[tilespmem:s10], [sflag:$0x4] =	stream.linear.gather [hbm4b:s6+s1], $0x80, $0x38;
	[tilespmem:$0x2200] =	vst v63  }
0x197: {  	_ =	swait.ge [sflag:s29], $0x800  }
0x198: {  	s7 =	smov.u32 s5;
	s13 =	rddreg [dreg:$0x4];
	[sflag:s29] =	ssyncset.done $0x0  }
0x199: {  	s14 =	simm.s32 $0x200;
	[sflag:s29] =	ssyncadd.s32 $0xFFFFF800;
	s6 =	sadd.s32 s7, s13  }
0x19a: {  	[hbm4b:s6+s1] =	stream.linear.scatter [tilespmem:s14], [sflag:$0x5], $0x800, $0x38;
	[tilespmem:$0x2200] =	vst v63  }
0x19b: {  	_ =	swait.ge [sflag:s11], $0x800  }
0x19c: {  	[sflag:s11] =	ssyncset.done $0x0  }
0x19d: {  	[sflag:s11] =	ssyncadd.s32 $0xFFFFF800  }
0x19e: {  	_ =	swait.ge [sflag:s30], $0x800  }
0x19f: {  	s16 =	rddreg [dreg:$0x3];
	[sflag:s30] =	ssyncset.done $0x0  }
0x1a0: {  	s17 =	simm.s32 $0xA00;
	[sflag:s30] =	ssyncadd.s32 $0xFFFFF800;
	s7 =	sadd.s32 s7, s16  }
0x1a1: {  	[hbm4b:s7+s1] =	stream.linear.scatter [tilespmem:s17], [sflag:$0x5], $0x800, $0x38;
	[tilespmem:$0x2200] =	vst v63  }
0x1a2: {  	_ =	swait.ge [sflag:s11], $0x800  }
0x1a3: {  	[sflag:s11] =	ssyncset.done $0x0  }
0x1a4: {  	[sflag:s11] =	ssyncadd.s32 $0xFFFFF800  }
0x1a5: {  	v63 =	vld [tilespmem:s2+$0x0];
	_ =	sdelay $0x4  }
0x1a6: {  	v0 =	vshll.u32 v63, $0x4  }
0x1a7: {  	(v2sf) =	vpush v0, $0x0  }
0x1a8: {  	(v2sf) =	vpush v0, $0x1  }
0x1a9: {  	(v2sf) =	vpush v0, $0x2;
	_ =	sdelay $0x1  }
0x1aa: {  	(v2sf) =	vpush v0, $0x3  }
0x1ab: {  	(v2sf) =	vpush v0, $0x4;
	_ =	sdelay $0x1  }
0x1ac: {  	(v2sf) =	vpush v0, $0x5;
	_ =	sdelay $0x1  }
0x1ad: {  	(v2sf) =	vpush v0, $0x6;
	_ =	sdelay $0x3  }
0x1ae: {  	(v2sf) =	vpush v0, $0x7;
	_ =	sdelay $0x1  }
0x1af: {  	s18 =	spop (v2sf)  }
0x1b0: {  	s8 =	sand.u32 $0x1FFFFFF0, s18;
	s19 =	spop (v2sf)  }
0x1b1: {  	(v2sf) =	vpush v0, $0x8;
	s21 =	sadd.s32 s3, s8;
	s9 =	sand.u32 $0x1FFFFFF0, s19;
	s22 =	spop (v2sf)  }
0x1b2: {  	(v2sf) =	vpush v0, $0x9;
	[tilespmem:s14], [sflag:$0x1] =	stream.linear.gather [hbm4b:s21+s1], $0x80, $0x38;
	[tilespmem:$0x2200] =	vst v63  }
0x1b3: {  	s8 =	sadd.s32 s4, s8;
	s10 =	sand.u32 $0x1FFFFFF0, s22;
	s15 =	spop (v2sf)  }
0x1b4: {  	s21 =	sadd.s32 s4, s9;
	s14 =	sand.u32 $0x1FFFFFF0, s15;
	s18 =	spop (v2sf)  }
0x1b5: {  	[tilespmem:s17], [sflag:$0x2] =	stream.linear.gather [hbm4b:s8+s1], $0x80, $0x38;
	[tilespmem:$0x2200] =	vst v63  }
0x1b6: {  	(v2sf) =	vpush v0, $0xA;
	s17 =	sadd.s32 s3, s9;
	s9 =	sand.u32 $0x1FFFFFF0, s18;
	s22 =	spop (v2sf)  }
0x1b7: {  	[tilespmem:s23], [sflag:$0x1] =	stream.linear.gather [hbm4b:s17+s1], $0x80, $0x38;
	[tilespmem:$0x2200] =	vst v63  }
0x1b8: {  	(v2sf) =	vpush v0, $0xB;
	s15 =	sand.u32 $0x1FFFFFF0, s22;
	s18 =	spop (v2sf);
	s23 =	simm.s32 $0xA80  }
0x1b9: {  	[tilespmem:s23], [sflag:$0x2] =	stream.linear.gather [hbm4b:s21+s1], $0x80, $0x38;
	[tilespmem:$0x2200] =	vst v63  }
0x1ba: {  	(v2sf) =	vpush v0, $0xC;
	s22 =	sadd.s32 s4, s10;
	s17 =	sadd.s32 s3, s10;
	s21 =	simm.s32 $0x300  }
0x1bb: {  	(v2sf) =	vpush v0, $0xD;
	[tilespmem:s21], [sflag:$0x1] =	stream.linear.gather [hbm4b:s17+s1], $0x80, $0x38;
	[tilespmem:$0x2200] =	vst v63  }
0x1bc: {  	s16 =	sand.u32 $0x1FFFFFF0, s18;
	s18 =	simm.s32 $0xB00;
	s23 =	spop (v2sf)  }
0x1bd: {  	(v2sf) =	vpush v0, $0xE;
	[tilespmem:s18], [sflag:$0x2] =	stream.linear.gather [hbm4b:s22+s1], $0x80, $0x38;
	[tilespmem:$0x2200] =	vst v63  }
0x1be: {  	s21 =	sadd.s32 s3, s14;
	s17 =	sand.u32 $0x1FFFFFF0, s23;
	s23 =	simm.s32 $0x380  }
0x1bf: {  	(v2sf) =	vpush v0, $0xF;
	[tilespmem:s23], [sflag:$0x1] =	stream.linear.gather [hbm4b:s21+s1], $0x80, $0x38;
	[tilespmem:$0x2200] =	vst v63  }
0x1c0: {  	s10 =	sadd.s32 s3, s15;
	s22 =	spop (v2sf);
	s21 =	sadd.s32 s4, s14  }
0x1c1: {  	s14 =	sand.u32 $0x1FFFFFF0, s22;
	s23 =	simm.s32 $0xB80;
	s22 =	spop (v2sf)  }
0x1c2: {  	[tilespmem:s23], [sflag:$0x2] =	stream.linear.gather [hbm4b:s21+s1], $0x80, $0x38;
	[tilespmem:$0x2200] =	vst v63  }
0x1c3: {  	s21 =	sadd.s32 s3, s9;
	s18 =	sand.u32 $0x1FFFFFF0, s22;
	s23 =	simm.s32 $0x400  }
0x1c4: {  	[tilespmem:s23], [sflag:$0x1] =	stream.linear.gather [hbm4b:s21+s1], $0x80, $0x38;
	[tilespmem:$0x2200] =	vst v63  }
0x1c5: {  	s22 =	spop (v2sf);
	s9 =	sadd.s32 s4, s9;
	s23 =	simm.s32 $0xC00  }
0x1c6: {  	[tilespmem:s23], [sflag:$0x2] =	stream.linear.gather [hbm4b:s9+s1], $0x80, $0x38;
	[tilespmem:$0x2200] =	vst v63  }
0x1c7: {  	s21 =	sand.u32 $0x1FFFFFF0, s22;
	s22 =	spop (v2sf);
	s23 =	simm.s32 $0x480  }
0x1c8: {  	[tilespmem:s23], [sflag:$0x1] =	stream.linear.gather [hbm4b:s10+s1], $0x80, $0x38;
	[tilespmem:$0x2200] =	vst v63  }
0x1c9: {  	s9 =	spop (v2sf);
	s10 =	sadd.s32 s4, s15  }
0x1ca: {  	s15 =	sand.u32 $0x1FFFFFF0, s9;
	s9 =	spop (v2sf);
	s23 =	simm.s32 $0xC80  }
0x1cb: {  	[tilespmem:s23], [sflag:$0x2] =	stream.linear.gather [hbm4b:s10+s1], $0x80, $0x38;
	[tilespmem:$0x2200] =	vst v63  }
0x1cc: {  	s23 =	sadd.s32 s3, s16;
	s10 =	sand.u32 $0x1FFFFFF0, s9;
	s9 =	spop (v2sf)  }
0x1cd: {  	[tilespmem:s28], [sflag:$0x1] =	stream.linear.gather [hbm4b:s23+s1], $0x80, $0x38;
	[tilespmem:$0x2200] =	vst v63  }
0x1ce: {  	s23 =	sadd.s32 s4, s16;
	s16 =	spop (v2sf)  }
0x1cf: {  	[tilespmem:s12], [sflag:$0x2] =	stream.linear.gather [hbm4b:s23+s1], $0x80, $0x38;
	[tilespmem:$0x2200] =	vst v63  }
0x1d0: {  	s8 =	sand.u32 $0x1FFFFFF0, s16;
	s16 =	simm.s32 $0x580;
	s23 =	sadd.s32 s3, s17  }
0x1d1: {  	[tilespmem:s16], [sflag:$0x1] =	stream.linear.gather [hbm4b:s23+s1], $0x80, $0x38;
	[tilespmem:$0x2200] =	vst v63  }
0x1d2: {  	s16 =	sadd.s32 s4, s17;
	s17 =	simm.s32 $0xD80  }
0x1d3: {  	[tilespmem:s17], [sflag:$0x2] =	stream.linear.gather [hbm4b:s16+s1], $0x80, $0x38;
	[tilespmem:$0x2200] =	vst v63  }
0x1d4: {  	s17 =	sadd.s32 s3, s14  }
0x1d5: {  	[tilespmem:s24], [sflag:$0x1] =	stream.linear.gather [hbm4b:s17+s1], $0x80, $0x38;
	[tilespmem:$0x2200] =	vst v63  }
0x1d6: {  	s14 =	sadd.s32 s4, s14  }
0x1d7: {  	[tilespmem:s25], [sflag:$0x2] =	stream.linear.gather [hbm4b:s14+s1], $0x80, $0x38;
	[tilespmem:$0x2200] =	vst v63  }
0x1d8: {  	s16 =	sadd.s32 s3, s18;
	s17 =	simm.s32 $0x680  }
0x1d9: {  	[tilespmem:s17], [sflag:$0x1] =	stream.linear.gather [hbm4b:s16+s1], $0x80, $0x38;
	[tilespmem:$0x2200] =	vst v63  }
0x1da: {  	s17 =	sadd.s32 s4, s18;
	s18 =	simm.s32 $0xE80  }
0x1db: {  	[tilespmem:s18], [sflag:$0x2] =	stream.linear.gather [hbm4b:s17+s1], $0x80, $0x38;
	[tilespmem:$0x2200] =	vst v63  }
0x1dc: {  	s17 =	sadd.s32 s3, s21;
	s18 =	simm.s32 $0x700  }
0x1dd: {  	[tilespmem:s18], [sflag:$0x1] =	stream.linear.gather [hbm4b:s17+s1], $0x80, $0x38;
	[tilespmem:$0x2200] =	vst v63  }
0x1de: {  	s22 =	sand.u32 $0x1FFFFFF0, s22;
	s16 =	sadd.s32 s4, s21;
	s17 =	simm.s32 $0xF00  }
0x1df: {  	[tilespmem:s17], [sflag:$0x2] =	stream.linear.gather [hbm4b:s16+s1], $0x80, $0x38;
	[tilespmem:$0x2200] =	vst v63  }
0x1e0: {  	s21 =	simm.s32 $0x780;
	s18 =	sadd.s32 s3, s22  }
0x1e1: {  	[tilespmem:s21], [sflag:$0x1] =	stream.linear.gather [hbm4b:s18+s1], $0x80, $0x38;
	[tilespmem:$0x2200] =	vst v63  }
0x1e2: {  	s17 =	sadd.s32 s4, s22;
	s18 =	simm.s32 $0xF80  }
0x1e3: {  	[tilespmem:s18], [sflag:$0x2] =	stream.linear.gather [hbm4b:s17+s1], $0x80, $0x38;
	[tilespmem:$0x2200] =	vst v63  }
0x1e4: {  	s22 =	simm.s32 $0x800;
	s21 =	sadd.s32 s3, s15  }
0x1e5: {  	[tilespmem:s22], [sflag:$0x1] =	stream.linear.gather [hbm4b:s21+s1], $0x80, $0x38;
	[tilespmem:$0x2200] =	vst v63  }
0x1e6: {  	s16 =	sadd.s32 s4, s15;
	s17 =	simm.s32 $0x1000  }
0x1e7: {  	[tilespmem:s17], [sflag:$0x2] =	stream.linear.gather [hbm4b:s16+s1], $0x80, $0x38;
	[tilespmem:$0x2200] =	vst v63  }
0x1e8: {  	s18 =	sadd.s32 s3, s10;
	s21 =	simm.s32 $0x880  }
0x1e9: {  	[tilespmem:s21], [sflag:$0x1] =	stream.linear.gather [hbm4b:s18+s1], $0x80, $0x38;
	[tilespmem:$0x2200] =	vst v63  }
0x1ea: {  	s9 =	sand.u32 $0x1FFFFFF0, s9;
	s10 =	sadd.s32 s4, s10;
	s22 =	simm.s32 $0x1080  }
0x1eb: {  	[tilespmem:s22], [sflag:$0x2] =	stream.linear.gather [hbm4b:s10+s1], $0x80, $0x38;
	[tilespmem:$0x2200] =	vst v63  }
0x1ec: {  	s14 =	sadd.s32 s3, s9;
	s15 =	simm.s32 $0x900  }
0x1ed: {  	[tilespmem:s15], [sflag:$0x1] =	stream.linear.gather [hbm4b:s14+s1], $0x80, $0x38;
	[tilespmem:$0x2200] =	vst v63  }
0x1ee: {  	s9 =	sadd.s32 s4, s9;
	s16 =	simm.s32 $0x1100  }
0x1ef: {  	[tilespmem:s16], [sflag:$0x2] =	stream.linear.gather [hbm4b:s9+s1], $0x80, $0x38;
	[tilespmem:$0x2200] =	vst v63  }
0x1f0: {  	s17 =	sadd.s32 s3, s8;
	s18 =	simm.s32 $0x980  }
0x1f1: {  	[tilespmem:s18], [sflag:$0x1] =	stream.linear.gather [hbm4b:s17+s1], $0x80, $0x38;
	[tilespmem:$0x2200] =	vst v63  }
0x1f2: {  	s8 =	sadd.s32 s4, s8;
	s21 =	simm.s32 $0x1180  }
0x1f3: {  	[tilespmem:s21], [sflag:$0x2] =	stream.linear.gather [hbm4b:s8+s1], $0x80, $0x38;
	[tilespmem:$0x2200] =	vst v63  }
0x1f4: {  	_ =	swait.ge [sflag:s31], $0x800  }
0x1f5: {  	[sflag:s31] =	ssyncset.done $0x0  }
0x1f6: {  	s6 =	sadd.s32 $0x100, s6;
	[sflag:s31] =	ssyncadd.s32 $0xFFFFF800  }
0x1f7: {  	[hbm4b:s6+s1] =	stream.linear.scatter [tilespmem:s20], [sflag:$0x5], $0x800, $0x38;
	[tilespmem:$0x2200] =	vst v63  }
0x1f8: {  	_ =	swait.ge [sflag:s11], $0x800  }
0x1f9: {  	[sflag:s11] =	ssyncset.done $0x0  }
0x1fa: {  	[sflag:s11] =	ssyncadd.s32 $0xFFFFF800  }
0x1fb: {  	p0 =	sne.s32 s5, $0x1C00;
	_ =	swait.ge [sflag:s0], $0x800  }
.Ltmp0:
0x1fc: {  	[sflag:s0] =	ssyncset.done $0x0;
	(pc) =	sbr.rel @p0 .LBB2_2-.Ltmp0, $4  }
0x1fd: {  	s22 =	sadd.s32 $0x100, s7;
	[sflag:s0] =	ssyncadd.s32 $0xFFFFF800  }
0x1fe: {  	[hbm4b:s22+s1] =	stream.linear.scatter [tilespmem:s26], [sflag:$0x5], $0x800, $0x38;
	[tilespmem:$0x2200] =	vst v63  }
0x1ff: {  	s5 =	sadd.s32 $0x200, s5;
	s13 =	simm.s32 $0x200;
	_ =	swait.ge [sflag:s11], $0x800  }
0x200: {  	s19 =	simm.s32 $0xA00;
	s23 =	simm.s32 $0x280;
	[sflag:s11] =	ssyncset.done $0x0  }
0x201: {  	[sflag:s11] =	ssyncadd.s32 $0xFFFFF800  }
0x202: {  	v0 =	vld [tilespmem:$0x1F0];
	_ =	sdelay $0x4  }
0x203: {  	v0 =	vshll.u32 v0, $0x4  }
0x204: {  	(v2sf) =	vpush v0, $0x0;
	_ =	sdelay $0x2  }
0x205: {  	(v2sf) =	vpush v0, $0x1;
	_ =	sdelay $0x3  }
0x206: {  	(v2sf) =	vpush v0, $0x2;
	_ =	sdelay $0x7  }
0x207: {  	s2 =	spop (v2sf);
	(v2sf) =	vpush v0, $0x3;
	_ =	sdelay $0x1  }
0x208: {  	s2 =	sand.u32 $0x1FFFFFF0, s2  }
0x209: {  	s6 =	simm.s32 $0x1200;
	s26 =	spop (v2sf);
	(v2sf) =	vpush v0, $0x4;
	s5 =	sadd.s32 s3, s2  }
0x20a: {  	[tilespmem:s6], [sflag:$0x3] =	stream.linear.gather [hbm4b:s5+s1], $0x80, $0x38;
	[tilespmem:$0x2200] =	vst v63  }
0x20b: {  	s7 =	simm.s32 $0x1A00;
	s2 =	sadd.s32 s4, s2  }
0x20c: {  	[tilespmem:s7], [sflag:$0x4] =	stream.linear.gather [hbm4b:s2+s1], $0x80, $0x38;
	[tilespmem:$0x2200] =	vst v63  }
0x20d: {  	s9 =	spop (v2sf);
	(v2sf) =	vpush v0, $0x5;
	s2 =	sand.u32 $0x1FFFFFF0, s26  }
0x20e: {  	s8 =	simm.s32 $0x1280;
	s28 =	sadd.s32 s3, s2  }
0x20f: {  	[tilespmem:s8], [sflag:$0x3] =	stream.linear.gather [hbm4b:s28+s1], $0x80, $0x38;
	[tilespmem:$0x2200] =	vst v63  }
0x210: {  	s2 =	sadd.s32 s4, s2;
	s8 =	simm.s32 $0x1A80  }
0x211: {  	[tilespmem:s8], [sflag:$0x4] =	stream.linear.gather [hbm4b:s2+s1], $0x80, $0x38;
	[tilespmem:$0x2200] =	vst v63  }
0x212: {  	s2 =	sand.u32 $0x1FFFFFF0, s9  }
0x213: {  	s12 =	simm.s32 $0x1300;
	s10 =	sadd.s32 s3, s2  }
0x214: {  	[tilespmem:s12], [sflag:$0x3] =	stream.linear.gather [hbm4b:s10+s1], $0x80, $0x38;
	[tilespmem:$0x2200] =	vst v63  }
0x215: {  	s14 =	simm.s32 $0x1B00;
	s2 =	sadd.s32 s4, s2;
	s15 =	spop (v2sf);
	(v2sf) =	vpush v0, $0x6  }
0x216: {  	[tilespmem:s14], [sflag:$0x4] =	stream.linear.gather [hbm4b:s2+s1], $0x80, $0x38;
	[tilespmem:$0x2200] =	vst v63  }
0x217: {  	s2 =	sand.u32 $0x1FFFFFF0, s15  }
0x218: {  	s17 =	simm.s32 $0x1380;
	s20 =	spop (v2sf);
	(v2sf) =	vpush v0, $0x7;
	s16 =	sadd.s32 s3, s2  }
0x219: {  	[tilespmem:s17], [sflag:$0x3] =	stream.linear.gather [hbm4b:s16+s1], $0x80, $0x38;
	[tilespmem:$0x2200] =	vst v63  }
0x21a: {  	s18 =	simm.s32 $0x1B80;
	s2 =	sadd.s32 s4, s2  }
0x21b: {  	[tilespmem:s18], [sflag:$0x4] =	stream.linear.gather [hbm4b:s2+s1], $0x80, $0x38;
	[tilespmem:$0x2200] =	vst v63  }
0x21c: {  	s25 =	spop (v2sf);
	(v2sf) =	vpush v0, $0x8;
	s2 =	sand.u32 $0x1FFFFFF0, s20  }
0x21d: {  	s22 =	simm.s32 $0x1400;
	s21 =	sadd.s32 s3, s2  }
0x21e: {  	[tilespmem:s22], [sflag:$0x3] =	stream.linear.gather [hbm4b:s21+s1], $0x80, $0x38;
	[tilespmem:$0x2200] =	vst v63  }
0x21f: {  	s24 =	simm.s32 $0x1C00;
	s2 =	sadd.s32 s4, s2  }
0x220: {  	[tilespmem:s24], [sflag:$0x4] =	stream.linear.gather [hbm4b:s2+s1], $0x80, $0x38;
	[tilespmem:$0x2200] =	vst v63  }
0x221: {  	s2 =	sand.u32 $0x1FFFFFF0, s25  }
0x222: {  	s28 =	simm.s32 $0x1480;
	s26 =	sadd.s32 s3, s2  }
0x223: {  	[tilespmem:s28], [sflag:$0x3] =	stream.linear.gather [hbm4b:s26+s1], $0x80, $0x38;
	[tilespmem:$0x2200] =	vst v63  }
0x224: {  	s8 =	simm.s32 $0x1C80;
	s2 =	sadd.s32 s4, s2;
	s9 =	spop (v2sf);
	(v2sf) =	vpush v0, $0x9  }
0x225: {  	[tilespmem:s8], [sflag:$0x4] =	stream.linear.gather [hbm4b:s2+s1], $0x80, $0x38;
	[tilespmem:$0x2200] =	vst v63  }
0x226: {  	s2 =	sand.u32 $0x1FFFFFF0, s9  }
0x227: {  	s12 =	simm.s32 $0x1500;
	s15 =	spop (v2sf);
	(v2sf) =	vpush v0, $0xA;
	s10 =	sadd.s32 s3, s2  }
0x228: {  	[tilespmem:s12], [sflag:$0x3] =	stream.linear.gather [hbm4b:s10+s1], $0x80, $0x38;
	[tilespmem:$0x2200] =	vst v63  }
0x229: {  	s14 =	simm.s32 $0x1D00;
	s2 =	sadd.s32 s4, s2  }
0x22a: {  	[tilespmem:s14], [sflag:$0x4] =	stream.linear.gather [hbm4b:s2+s1], $0x80, $0x38;
	[tilespmem:$0x2200] =	vst v63  }
0x22b: {  	s20 =	spop (v2sf);
	(v2sf) =	vpush v0, $0xB;
	s2 =	sand.u32 $0x1FFFFFF0, s15  }
0x22c: {  	s17 =	simm.s32 $0x1580;
	s16 =	sadd.s32 s3, s2  }
0x22d: {  	[tilespmem:s17], [sflag:$0x3] =	stream.linear.gather [hbm4b:s16+s1], $0x80, $0x38;
	[tilespmem:$0x2200] =	vst v63  }
0x22e: {  	s18 =	simm.s32 $0x1D80;
	s2 =	sadd.s32 s4, s2  }
0x22f: {  	[tilespmem:s18], [sflag:$0x4] =	stream.linear.gather [hbm4b:s2+s1], $0x80, $0x38;
	[tilespmem:$0x2200] =	vst v63  }
0x230: {  	s2 =	sand.u32 $0x1FFFFFF0, s20  }
0x231: {  	s22 =	simm.s32 $0x1600;
	s21 =	sadd.s32 s3, s2  }
0x232: {  	[tilespmem:s22], [sflag:$0x3] =	stream.linear.gather [hbm4b:s21+s1], $0x80, $0x38;
	[tilespmem:$0x2200] =	vst v63  }
0x233: {  	s24 =	simm.s32 $0x1E00;
	s2 =	sadd.s32 s4, s2;
	s25 =	spop (v2sf);
	(v2sf) =	vpush v0, $0xC  }
0x234: {  	[tilespmem:s24], [sflag:$0x4] =	stream.linear.gather [hbm4b:s2+s1], $0x80, $0x38;
	[tilespmem:$0x2200] =	vst v63  }
0x235: {  	s2 =	sand.u32 $0x1FFFFFF0, s25  }
0x236: {  	s28 =	simm.s32 $0x1680;
	s9 =	spop (v2sf);
	(v2sf) =	vpush v0, $0xD;
	s26 =	sadd.s32 s3, s2  }
0x237: {  	[tilespmem:s28], [sflag:$0x3] =	stream.linear.gather [hbm4b:s26+s1], $0x80, $0x38;
	[tilespmem:$0x2200] =	vst v63  }
0x238: {  	s8 =	simm.s32 $0x1E80;
	s2 =	sadd.s32 s4, s2  }
0x239: {  	[tilespmem:s8], [sflag:$0x4] =	stream.linear.gather [hbm4b:s2+s1], $0x80, $0x38;
	[tilespmem:$0x2200] =	vst v63  }
0x23a: {  	s15 =	spop (v2sf);
	(v2sf) =	vpush v0, $0xE;
	s2 =	sand.u32 $0x1FFFFFF0, s9  }
0x23b: {  	s12 =	simm.s32 $0x1700;
	s10 =	sadd.s32 s3, s2  }
0x23c: {  	[tilespmem:s12], [sflag:$0x3] =	stream.linear.gather [hbm4b:s10+s1], $0x80, $0x38;
	[tilespmem:$0x2200] =	vst v63  }
0x23d: {  	s14 =	simm.s32 $0x1F00;
	s2 =	sadd.s32 s4, s2  }
0x23e: {  	[tilespmem:s14], [sflag:$0x4] =	stream.linear.gather [hbm4b:s2+s1], $0x80, $0x38;
	[tilespmem:$0x2200] =	vst v63  }
0x23f: {  	s2 =	sand.u32 $0x1FFFFFF0, s15  }
0x240: {  	s17 =	simm.s32 $0x1780;
	s16 =	sadd.s32 s3, s2  }
0x241: {  	[tilespmem:s17], [sflag:$0x3] =	stream.linear.gather [hbm4b:s16+s1], $0x80, $0x38;
	[tilespmem:$0x2200] =	vst v63  }
0x242: {  	s18 =	simm.s32 $0x1F80;
	s2 =	sadd.s32 s4, s2;
	s20 =	spop (v2sf);
	(v2sf) =	vpush v0, $0xF  }
0x243: {  	[tilespmem:s18], [sflag:$0x4] =	stream.linear.gather [hbm4b:s2+s1], $0x80, $0x38;
	[tilespmem:$0x2200] =	vst v63  }
0x244: {  	s2 =	sand.u32 $0x1FFFFFF0, s20  }
0x245: {  	s22 =	simm.s32 $0x1800;
	s24 =	spop (v2sf);
	s21 =	sadd.s32 s3, s2  }
0x246: {  	[tilespmem:s22], [sflag:$0x3] =	stream.linear.gather [hbm4b:s21+s1], $0x80, $0x38;
	[tilespmem:$0x2200] =	vst v63  }
0x247: {  	s25 =	simm.s32 $0x2000;
	s2 =	sadd.s32 s4, s2;
	s26 =	sand.u32 $0x1FFFFFF0, s24  }
0x248: {  	[tilespmem:s25], [sflag:$0x4] =	stream.linear.gather [hbm4b:s2+s1], $0x80, $0x38;
	[tilespmem:$0x2200] =	vst v63  }
0x249: {  	s28 =	simm.s32 $0x1880;
	s9 =	spop (v2sf);
	s5 =	sadd.s32 s3, s26  }
0x24a: {  	[tilespmem:s28], [sflag:$0x3] =	stream.linear.gather [hbm4b:s5+s1], $0x80, $0x38;
	[tilespmem:$0x2200] =	vst v63  }
0x24b: {  	s10 =	simm.s32 $0x2080;
	s12 =	sand.u32 $0x1FFFFFF0, s9;
	s2 =	sadd.s32 s4, s26  }
0x24c: {  	[tilespmem:s10], [sflag:$0x4] =	stream.linear.gather [hbm4b:s2+s1], $0x80, $0x38;
	[tilespmem:$0x2200] =	vst v63  }
0x24d: {  	s14 =	simm.s32 $0x1900;
	s5 =	sadd.s32 s3, s12  }
0x24e: {  	[tilespmem:s14], [sflag:$0x3] =	stream.linear.gather [hbm4b:s5+s1], $0x80, $0x38;
	[tilespmem:$0x2200] =	vst v63  }
0x24f: {  	s15 =	simm.s32 $0x2100;
	s2 =	sadd.s32 s4, s12  }
0x250: {  	[tilespmem:s15], [sflag:$0x4] =	stream.linear.gather [hbm4b:s2+s1], $0x80, $0x38;
	[tilespmem:$0x2200] =	vst v63  }
0x251: {  	s16 =	spop (v2sf)  }
0x252: {  	s2 =	sand.u32 $0x1FFFFFF0, s16  }
0x253: {  	s18 =	simm.s32 $0x1980;
	s17 =	sadd.s32 s3, s2  }
0x254: {  	[tilespmem:s18], [sflag:$0x3] =	stream.linear.gather [hbm4b:s17+s1], $0x80, $0x38;
	[tilespmem:$0x2200] =	vst v63  }
0x255: {  	s20 =	simm.s32 $0x2180;
	s2 =	sadd.s32 s4, s2  }
0x256: {  	[tilespmem:s20], [sflag:$0x4] =	stream.linear.gather [hbm4b:s2+s1], $0x80, $0x38;
	[tilespmem:$0x2200] =	vst v63  }
0x257: {  	_ =	swait.ge [sflag:s29], $0x800  }
0x258: {  	[sflag:s29] =	ssyncset.done $0x0  }
0x259: {  	s21 =	rddreg [dreg:$0x6];
	[sflag:s29] =	ssyncadd.s32 $0xFFFFF800  }
0x25a: {  	[hbm4b:s21+s1] =	stream.linear.scatter [tilespmem:s13], [sflag:$0x5], $0x800, $0x38;
	[tilespmem:$0x2200] =	vst v63  }
0x25b: {  	_ =	swait.ge [sflag:s11], $0x800  }
0x25c: {  	[sflag:s11] =	ssyncset.done $0x0  }
0x25d: {  	[sflag:s11] =	ssyncadd.s32 $0xFFFFF800  }
0x25e: {  	_ =	swait.ge [sflag:s30], $0x800  }
0x25f: {  	[sflag:s30] =	ssyncset.done $0x0  }
0x260: {  	s22 =	rddreg [dreg:$0x7];
	[sflag:s30] =	ssyncadd.s32 $0xFFFFF800  }
0x261: {  	[hbm4b:s22+s1] =	stream.linear.scatter [tilespmem:s19], [sflag:$0x5], $0x800, $0x38;
	[tilespmem:$0x2200] =	vst v63  }
0x262: {  	_ =	swait.ge [sflag:s11], $0x800  }
0x263: {  	[sflag:s11] =	ssyncset.done $0x0  }
0x264: {  	[sflag:s11] =	ssyncadd.s32 $0xFFFFF800  }
0x265: {  	_ =	swait.ge [sflag:s31], $0x800  }
0x266: {  	[sflag:s31] =	ssyncset.done $0x0  }
0x267: {  	s24 =	rddreg [dreg:$0x8];
	[sflag:s31] =	ssyncadd.s32 $0xFFFFF800  }
0x268: {  	[hbm4b:s24+s1] =	stream.linear.scatter [tilespmem:s6], [sflag:$0x5], $0x800, $0x38;
	[tilespmem:$0x2200] =	vst v63  }
0x269: {  	_ =	swait.ge [sflag:s11], $0x800  }
0x26a: {  	[sflag:s11] =	ssyncset.done $0x0  }
0x26b: {  	[sflag:s11] =	ssyncadd.s32 $0xFFFFF800  }
0x26c: {  	_ =	swait.ge [sflag:s0], $0x800  }
0x26d: {  	[sflag:s0] =	ssyncset.done $0x0  }
0x26e: {  	s25 =	rddreg [dreg:$0x9];
	[sflag:s0] =	ssyncadd.s32 $0xFFFFF800  }
0x26f: {  	[hbm4b:s25+s1] =	stream.linear.scatter [tilespmem:s7], [sflag:$0x5], $0x800, $0x38;
	[tilespmem:$0x2200] =	vst v63  }
0x270: {  	s8 =	simm.s32 $0x700;
	_ =	swait.ge [sflag:s11], $0x800  }
0x271: {  	s9 =	simm.s32 $0xA80;
	s10 =	simm.s32 $0x300;
	s26 =	rddreg [dreg:$0xb]  }
0x272: {  	s12 =	simm.s32 $0xB80;
	s28 =	rddreg [dreg:$0xa];
	s5 =	sadd.s32 $0x1, s26  }
0x273: {  	s14 =	simm.s32 $0xB00;
	s15 =	simm.s32 $0x380;
	p0 =	sne.s32 s5, s28  }
.Ltmp1:
0x274: {  	s16 =	simm.s32 $0xE00;
	s17 =	simm.s32 $0x400;
	(pc) =	sbr.rel @p0 .LBB2_1-.Ltmp1, $4  }
0x275: {  	s18 =	simm.s32 $0xC00;
	s20 =	simm.s32 $0xC80;
	s21 =	simm.s32 $0x500  }
0x276: {  	s19 =	simm.s32 $0x480;
	s22 =	simm.s32 $0xD00;
	s24 =	simm.s32 $0x580  }
0x277: {  	s6 =	simm.s32 $0x680;
	s25 =	simm.s32 $0xD80;
	[sflag:s11] =	ssyncset.done $0x0  }
0x278: {  	s7 =	simm.s32 $0xE80;
	[sflag:s11] =	ssyncadd.s32 $0xFFFFF800;
	s26 =	simm.s32 $0x600  }
0x279: {  	_ =	sfence.sel $0x180000  }
0x27a: {  	[bflag:$0x0] =	sbarrier.arrive $0xFFFF  }
0x27b: {  	_ =	strace $0x90000047  }
0x27c: {  	s0 =	stileid.u32;
	[bflag:$0x2] =	sbarrier.arrive $0xFFFF  }
0x27d: {  	p0 =	sne.s32 s0, $0x0;
	s0 =	rddreg [dreg:$0x2]  }
0x27e: {  	s0 =	sadd.s32 @!p0 $0x100000, s0  }
0x27f: {  	[sflag:s0] =	ssyncadd.tile.s32 @!p0 $0x1;
	_ =	shalt  }
.Lfunc_end2:
_tile_overlayer_lowered:
.L_overlay_start_2:
0x280: {  	(tag) =	ssettag $0x2  }
0x281: {  	s0 =	rddreg [dreg:$0x0];
	s2 =	stileid.u32  }
0x282: {  	s1 =	rddreg [dreg:$0x1];
	p0 =	sne.s32 s2, $0x0  }
0x283: {  	s3 =	rddreg [dreg:$0x2];
	[bflag:$0x3] =	sbarrier.arrive $0xFFFF;
	s2 =	simm.s32 @!p0 $0x1C05  }
0x284: {  	[timem:s3], [sflag:s2] =	dma.local @!p0 [hbm:s0], s1  }
0x285: {  	s0 =	simm.s32 @!p0 $0x5  }
0x286: {  	_ =	swait.ge @!p0 [sflag:s0], s1  }
0x287: {  	s1 =	ssub.s32 @!p0 $0x0, s1;
	[sflag:s0] =	ssyncset.done @!p0 $0x0  }
0x288: {  	[sflag:s0] =	ssyncadd.s32 @!p0 s1  }
0x289: {  	[bflag:$0x3] =	sbarrier.arrive $0xFFFF  }
0x28a: {  	_ =	shalt  }

</sc_bundles>
